<compile_context>
chip_gen: v7x
topology: tpu7x:2x2x1
jax: 0.10.2.dev20260603
libtpu: 0.0.44.dev20260713+nightly
codegen_flags: <defaults>
</compile_context>

<pallas_src>
import functools

import jax
import jax.numpy as jnp
from jax import lax
from jax.experimental import pallas as pl
from jax.experimental.pallas import tpu as pltpu
from jax.experimental.pallas import tpu_sc as plsc

DEPTH = 128
D = 768
TOTAL = 32 * 1024
NW = 32
RPW = TOTAL // NW
C = 8
NCHUNK = RPW // C
NSET = 2
L = 16
MAGIC = 8388608.0


def _round_f32(x):
    return (x + MAGIC) - MAGIC


_mesh = plsc.VectorSubcoreMesh(
    core_axis_name="c", subcore_axis_name="s", num_cores=2, num_subcores=16
)


@functools.partial(
    pl.kernel,
    out_type=jax.ShapeDtypeStruct((TOTAL * D,), jnp.float32),
    mesh=_mesh,
    compiler_params=pltpu.CompilerParams(needs_layout_passes=False),
    scratch_types=[
        pltpu.VMEM((RPW,), jnp.float32),
        pltpu.VMEM((RPW,), jnp.float32),
        pltpu.VMEM((RPW,), jnp.int32),
        pltpu.VMEM((DEPTH * D // 2,), jnp.int32),
        pltpu.VMEM((DEPTH * D // 2,), jnp.int32),
        [pltpu.VMEM((C * D,), jnp.float32)] * NSET,
        [pltpu.VMEM((C * D,), jnp.float32)] * NSET,
        [pltpu.SemaphoreType.DMA] * NSET,
        [pltpu.SemaphoreType.DMA] * NSET,
        pltpu.SemaphoreType.DMA,
    ],
)
def _sc_kernel(in_hbm, rf, rt, cf, ct, row_tab, col_tab, out_hbm,
               pa, pb, pidx_v, row_v, col_v,
               in_buf, out_buf, isem, osem, tsem):
    cid = lax.axis_index("c")
    sid = lax.axis_index("s")
    wid = sid * 2 + cid
    base = wid * RPW

    t0 = pltpu.async_copy(row_tab, row_v, tsem)
    t1 = pltpu.async_copy(col_tab, col_v, tsem)

    def discretized(pfrom_chunk, pto_chunk):
        a = _round_f32(pfrom_chunk * DEPTH)
        b = _round_f32(pto_chunk * DEPTH)
        s = (a + b).astype(jnp.int32)
        m = s >> 1
        return jnp.minimum(m + ((s & 1) & (m & 1)), DEPTH - 1)

    pltpu.sync_copy(rf.at[pl.ds(base, RPW)], pa)
    pltpu.sync_copy(rt.at[pl.ds(base, RPW)], pb)

    @plsc.parallel_loop(0, RPW // L, unroll=4)
    def rbody(i):
        sl = pl.ds(i * L, L)
        pidx_v[sl] = discretized(pa[sl], pb[sl])

    pltpu.sync_copy(cf.at[pl.ds(base, RPW)], pa)
    pltpu.sync_copy(ct.at[pl.ds(base, RPW)], pb)

    @plsc.parallel_loop(0, RPW // L, unroll=4)
    def cbody(i):
        sl = pl.ds(i * L, L)
        pidx_v[sl] = pidx_v[sl] | (discretized(pa[sl], pb[sl]) << 16)

    t0.wait()
    t1.wait()

    def start_in(j, b):
        pltpu.async_copy(in_hbm.at[pl.ds((base + j * C) * D, C * D)],
                         in_buf[b], isem[b])

    def wait_in(b):
        pltpu.make_async_copy(in_hbm.at[pl.ds(base * D, C * D)], in_buf[b],
                              isem[b]).wait()

    start_in(0, 0)
    start_in(1, 1)

    _IOTA = lax.iota(jnp.int32, L)

    def expand(vi):
        lo = lax.bitcast_convert_type(vi << 16, jnp.float32)
        hi = lax.bitcast_convert_type(vi & (-65536), jnp.float32)
        return lo, hi

    def chunk_pair(g, carry):
        for b in range(NSET):
            j = g * NSET + b
            wait_in(b)

            @pl.when(g > 0)
            def _():
                pltpu.make_async_copy(out_buf[b],
                                      out_hbm.at[pl.ds(base * D, C * D)],
                                      osem[b]).wait()

            @plsc.parallel_loop(0, C, unroll=4)
            def row_body(i):
                row = j * C + i
                pvec = pidx_v[pl.ds(row & ~15, L)]
                p = jnp.max(jnp.where(_IOTA == (row & 15), pvec, 0))
                r = (p & 0xFFFF) * (D // 2)
                c = (p >> 16) * (D // 2)
                o = i * D
                for k in range(D // 32):
                    ra, rb2 = expand(row_v[pl.ds(r + k * L, L)])
                    ca, cb2 = expand(col_v[pl.ds(c + k * L, L)])
                    sl0 = pl.ds(o + k * 32, L)
                    sl1 = pl.ds(o + k * 32 + L, L)
                    out_buf[b][sl0] = in_buf[b][sl0] + ra + ca
                    out_buf[b][sl1] = in_buf[b][sl1] + rb2 + cb2

            pltpu.async_copy(out_buf[b],
                             out_hbm.at[pl.ds((base + j * C) * D, C * D)],
                             osem[b])
            jn = jnp.minimum(j + NSET, NCHUNK - 1)
            start_in(jn, b)
        return carry

    lax.fori_loop(0, NCHUNK // NSET, chunk_pair, 0)

    for b in range(NSET):
        wait_in(b)
        pltpu.make_async_copy(out_buf[b], out_hbm.at[pl.ds(base * D, C * D)],
                              osem[b]).wait()


def _permute_table(tab):
    d = tab.shape[-1]
    t = tab.astype(jnp.bfloat16).reshape(DEPTH, d // 32, 2, 16)
    t = t.transpose(0, 1, 3, 2).reshape(DEPTH * d // 2, 2)
    return jax.lax.bitcast_convert_type(t, jnp.int32)


def kernel(input_ids, row_pos_from, row_pos_to, col_pos_from, col_pos_to,
           row_table, col_table):
    b, p, d = input_ids.shape
    out = _sc_kernel(
        input_ids.reshape(-1),
        row_pos_from.reshape(-1),
        row_pos_to.reshape(-1),
        col_pos_from.reshape(-1),
        col_pos_to.reshape(-1),
        _permute_table(row_table),
        _permute_table(col_table),
    )
    return out.reshape(b, p, d)

# --- scband reference (transcript-rebuilt; emitter-appended) ---
"""Pipeline reference for scband-patch-position-encoding-20444044329418 (READ-ONLY COPY).

The authoritative reference and input builder live on the scoring server;
editing this copy changes nothing except your own understanding.
"""

import jax, jax.numpy as jnp
import numpy as np

DISCRETIZE_DEPTH = 128
EMBED_DIM = 768
BATCH = 32
NUM_PATCHES = 1024


def setup_inputs(seed: int = 0) -> dict:
    key = jax.random.key(seed)
    k1, k2, k3, k4, k5, k6, k7 = jax.random.split(key, 7)
    input_ids = jax.random.normal(k1, (BATCH, NUM_PATCHES, EMBED_DIM), dtype=jnp.float32)
    row_pos_from = jax.random.uniform(k2, (BATCH, NUM_PATCHES), dtype=jnp.float32)
    row_pos_to = jax.random.uniform(k3, (BATCH, NUM_PATCHES), dtype=jnp.float32)
    col_pos_from = jax.random.uniform(k4, (BATCH, NUM_PATCHES), dtype=jnp.float32)
    col_pos_to = jax.random.uniform(k5, (BATCH, NUM_PATCHES), dtype=jnp.float32)
    row_table = jax.random.normal(k6, (DISCRETIZE_DEPTH, EMBED_DIM), dtype=jnp.float32) * 0.02
    col_table = jax.random.normal(k7, (DISCRETIZE_DEPTH, EMBED_DIM), dtype=jnp.float32) * 0.02
    return {
        "input_ids": input_ids,
        "row_pos_from": row_pos_from,
        "row_pos_to": row_pos_to,
        "col_pos_from": col_pos_from,
        "col_pos_to": col_pos_to,
        "row_table": row_table,
        "col_table": col_table,
    }


def _discretize(pos):
    return jnp.round(pos * DISCRETIZE_DEPTH)


def _rounded_mean_positions(from_v, to_v):
    return jnp.round((from_v + to_v) / 2)


def reference(input_ids, row_pos_from, row_pos_to, col_pos_from, col_pos_to, row_table, col_table):
    row_pos_from_d = _discretize(row_pos_from)
    row_pos_to_d = _discretize(row_pos_to)
    col_pos_from_d = _discretize(col_pos_from)
    col_pos_to_d = _discretize(col_pos_to)
    row_pos = _rounded_mean_positions(row_pos_from_d, row_pos_to_d).astype(jnp.int32)
    col_pos = _rounded_mean_positions(col_pos_from_d, col_pos_to_d).astype(jnp.int32)
    # embedding lookup: table[idx] (jax clamps out-of-range indices, matching
    # the boundary case round(1.0 * depth) == depth)
    row_emb = jnp.take(row_table, row_pos, axis=0, mode="clip")
    col_emb = jnp.take(col_table, col_pos, axis=0, mode="clip")
    return input_ids + row_emb + col_emb

if __name__ == "__main__":
    import jax
    _d = setup_inputs()
    print(jax.jit(kernel)(*tuple(_d.values())))

</pallas_src>

<mosaic_0001>
#map = affine_map<(d0, d1) -> (0)>
module attributes {stable_mosaic.version = 14 : i64} {
  func.func @_sc_kernel(%arg0: i32, %arg1: i32, %arg2: memref<25165824xf32, #tpu.memory_space<hbm>>, %arg3: memref<32768xf32, #tpu.memory_space<hbm>>, %arg4: memref<32768xf32, #tpu.memory_space<hbm>>, %arg5: memref<32768xf32, #tpu.memory_space<hbm>>, %arg6: memref<32768xf32, #tpu.memory_space<hbm>>, %arg7: memref<49152xi32, #tpu.memory_space<hbm>>, %arg8: memref<49152xi32, #tpu.memory_space<hbm>>, %arg9: memref<25165824xf32, #tpu.memory_space<hbm>>, %arg10: memref<1024xf32, #tpu.memory_space<vmem>>, %arg11: memref<1024xf32, #tpu.memory_space<vmem>>, %arg12: memref<1024xi32, #tpu.memory_space<vmem>>, %arg13: memref<49152xi32, #tpu.memory_space<vmem>>, %arg14: memref<49152xi32, #tpu.memory_space<vmem>>, %arg15: memref<6144xf32, #tpu.memory_space<vmem>>, %arg16: memref<6144xf32, #tpu.memory_space<vmem>>, %arg17: memref<6144xf32, #tpu.memory_space<vmem>>, %arg18: memref<6144xf32, #tpu.memory_space<vmem>>, %arg19: memref<!tpu.dma_semaphore, #tpu.memory_space<semaphore_mem>>, %arg20: memref<!tpu.dma_semaphore, #tpu.memory_space<semaphore_mem>>, %arg21: memref<!tpu.dma_semaphore, #tpu.memory_space<semaphore_mem>>, %arg22: memref<!tpu.dma_semaphore, #tpu.memory_space<semaphore_mem>>, %arg23: memref<!tpu.dma_semaphore, #tpu.memory_space<semaphore_mem>>) attributes {dimension_semantics = [#tpu.dimension_semantics<core_parallel>, #tpu.dimension_semantics<subcore_parallel>], iteration_bounds = array<i64: 2, 16>, scalar_prefetch = 0 : i64, scratch_operands = 14 : i64, tpu.core_type = #tpu.core_type<sc_vector_subcore>, window_params = [{transform_indices = #map}, {transform_indices = #map}, {transform_indices = #map}, {transform_indices = #map}, {transform_indices = #map}, {transform_indices = #map}, {transform_indices = #map}, {transform_indices = #map}]} {
    %mul3A = arith.constant 2 : i32
    %mul3A_0 = arith.muli %arg1, %mul3A : i32
    %add3A = arith.addi %mul3A_0, %arg0 : i32
    %mul3A_1 = arith.constant 1024 : i32
    %mul3A_2 = arith.muli %add3A, %mul3A_1 : i32
    tpu.enqueue_dma source(%arg7 : memref<49152xi32, #tpu.memory_space<hbm>>) target(%arg13 : memref<49152xi32, #tpu.memory_space<vmem>>) target_semaphore(%arg23 : memref<!tpu.dma_semaphore, #tpu.memory_space<semaphore_mem>>)
    tpu.enqueue_dma source(%arg8 : memref<49152xi32, #tpu.memory_space<hbm>>) target(%arg14 : memref<49152xi32, #tpu.memory_space<vmem>>) target_semaphore(%arg23 : memref<!tpu.dma_semaphore, #tpu.memory_space<semaphore_mem>>)
    "tpu.region"() ({
      %run_scoped3A = tpu.sem_alloc : memref<!tpu.dma_semaphore, #tpu.memory_space<semaphore_mem>>
      %dma_start3A_39 = tpu.memref_slice %arg3[%mul3A_2] : memref<32768xf32, #tpu.memory_space<hbm>> -> memref<1024xf32, #tpu.memory_space<hbm>>
      %dma_start3A_40 = tpu.memref_slice %arg3[%mul3A_2] : memref<32768xf32, #tpu.memory_space<hbm>> -> memref<1024xf32, #tpu.memory_space<hbm>>
      tpu.enqueue_dma source(%dma_start3A_40 : memref<1024xf32, #tpu.memory_space<hbm>>) target(%arg10 : memref<1024xf32, #tpu.memory_space<vmem>>) target_semaphore(%run_scoped3A : memref<!tpu.dma_semaphore, #tpu.memory_space<semaphore_mem>>)
      %dma_wait3A_41 = tpu.memref_slice %arg3[%mul3A_2] : memref<32768xf32, #tpu.memory_space<hbm>> -> memref<1024xf32, #tpu.memory_space<hbm>>
      %dma_wait3A_42 = tpu.memref_slice %arg3[%mul3A_2] : memref<32768xf32, #tpu.memory_space<hbm>> -> memref<1024xf32, #tpu.memory_space<hbm>>
      tpu.wait_dma2 semaphore(%run_scoped3A : memref<!tpu.dma_semaphore, #tpu.memory_space<semaphore_mem>>) src(%dma_wait3A_42 : memref<1024xf32, #tpu.memory_space<hbm>>) dst(%arg10 : memref<1024xf32, #tpu.memory_space<vmem>>)
      tpu.yield
    }) : () -> ()
    "tpu.region"() ({
      %run_scoped3A = tpu.sem_alloc : memref<!tpu.dma_semaphore, #tpu.memory_space<semaphore_mem>>
      %dma_start3A_39 = tpu.memref_slice %arg4[%mul3A_2] : memref<32768xf32, #tpu.memory_space<hbm>> -> memref<1024xf32, #tpu.memory_space<hbm>>
      %dma_start3A_40 = tpu.memref_slice %arg4[%mul3A_2] : memref<32768xf32, #tpu.memory_space<hbm>> -> memref<1024xf32, #tpu.memory_space<hbm>>
      tpu.enqueue_dma source(%dma_start3A_40 : memref<1024xf32, #tpu.memory_space<hbm>>) target(%arg11 : memref<1024xf32, #tpu.memory_space<vmem>>) target_semaphore(%run_scoped3A : memref<!tpu.dma_semaphore, #tpu.memory_space<semaphore_mem>>)
      %dma_wait3A_41 = tpu.memref_slice %arg4[%mul3A_2] : memref<32768xf32, #tpu.memory_space<hbm>> -> memref<1024xf32, #tpu.memory_space<hbm>>
      %dma_wait3A_42 = tpu.memref_slice %arg4[%mul3A_2] : memref<32768xf32, #tpu.memory_space<hbm>> -> memref<1024xf32, #tpu.memory_space<hbm>>
      tpu.wait_dma2 semaphore(%run_scoped3A : memref<!tpu.dma_semaphore, #tpu.memory_space<semaphore_mem>>) src(%dma_wait3A_42 : memref<1024xf32, #tpu.memory_space<hbm>>) dst(%arg11 : memref<1024xf32, #tpu.memory_space<vmem>>)
      tpu.yield
    }) : () -> ()
    %parallel_loop3A = arith.constant 0 : i32
    %parallel_loop3A_3 = arith.constant 64 : i32
    %parallel_loop3A_4 = arith.constant 1 : i32
    scf.for %parallel_loop3A_39 = %parallel_loop3A to %parallel_loop3A_3 step %parallel_loop3A_4  : i32 {
      %parallel_loop3A_40 = arith.constant 16 : i32
      %parallel_loop3A_41 = arith.muli %parallel_loop3A_39, %parallel_loop3A_40 : i32
      %parallel_loop3A_42 = arith.index_cast %parallel_loop3A_41 : i32 to index
      %parallel_loop3A_43 = tpu.vector_load %arg10[%parallel_loop3A_42] {strides = array<i32>} : memref<1024xf32, #tpu.memory_space<vmem>>, vector<16xf32>,
      %parallel_loop3A_44 = arith.index_cast %parallel_loop3A_41 : i32 to index
      %parallel_loop3A_45 = tpu.vector_load %arg11[%parallel_loop3A_44] {strides = array<i32>} : memref<1024xf32, #tpu.memory_space<vmem>>, vector<16xf32>,
      %parallel_loop3A_46 = arith.constant 1.280000e+02 : f32
      %parallel_loop3A_47 = vector.broadcast %parallel_loop3A_46 : f32 to vector<16xf32>
      %parallel_loop3A_48 = arith.mulf %parallel_loop3A_43, %parallel_loop3A_47 : vector<16xf32>
      %parallel_loop3A_49 = arith.constant 0x4B000000 : f32
      %parallel_loop3A_50 = vector.broadcast %parallel_loop3A_49 : f32 to vector<16xf32>
      %parallel_loop3A_51 = arith.addf %parallel_loop3A_48, %parallel_loop3A_50 : vector<16xf32>
      %parallel_loop3A_52 = arith.constant 0x4B000000 : f32
      %parallel_loop3A_53 = vector.broadcast %parallel_loop3A_52 : f32 to vector<16xf32>
      %parallel_loop3A_54 = arith.subf %parallel_loop3A_51, %parallel_loop3A_53 : vector<16xf32>
      %parallel_loop3A_55 = arith.constant 1.280000e+02 : f32
      %parallel_loop3A_56 = vector.broadcast %parallel_loop3A_55 : f32 to vector<16xf32>
      %parallel_loop3A_57 = arith.mulf %parallel_loop3A_45, %parallel_loop3A_56 : vector<16xf32>
      %parallel_loop3A_58 = arith.constant 0x4B000000 : f32
      %parallel_loop3A_59 = vector.broadcast %parallel_loop3A_58 : f32 to vector<16xf32>
      %parallel_loop3A_60 = arith.addf %parallel_loop3A_57, %parallel_loop3A_59 : vector<16xf32>
      %parallel_loop3A_61 = arith.constant 0x4B000000 : f32
      %parallel_loop3A_62 = vector.broadcast %parallel_loop3A_61 : f32 to vector<16xf32>
      %parallel_loop3A_63 = arith.subf %parallel_loop3A_60, %parallel_loop3A_62 : vector<16xf32>
      %parallel_loop3A_64 = arith.addf %parallel_loop3A_54, %parallel_loop3A_63 : vector<16xf32>
      %parallel_loop3A_65 = arith.fptosi %parallel_loop3A_64 : vector<16xf32> to vector<16xi32>
      %parallel_loop3A_66 = arith.constant 1 : i32
      %parallel_loop3A_67 = vector.broadcast %parallel_loop3A_66 : i32 to vector<16xi32>
      %parallel_loop3A_68 = arith.shrsi %parallel_loop3A_65, %parallel_loop3A_67 : vector<16xi32>
      %parallel_loop3A_69 = arith.constant 1 : i32
      %parallel_loop3A_70 = vector.broadcast %parallel_loop3A_69 : i32 to vector<16xi32>
      %parallel_loop3A_71 = arith.andi %parallel_loop3A_65, %parallel_loop3A_70 : vector<16xi32>
      %parallel_loop3A_72 = arith.constant 1 : i32
      %parallel_loop3A_73 = vector.broadcast %parallel_loop3A_72 : i32 to vector<16xi32>
      %parallel_loop3A_74 = arith.andi %parallel_loop3A_68, %parallel_loop3A_73 : vector<16xi32>
      %parallel_loop3A_75 = arith.andi %parallel_loop3A_71, %parallel_loop3A_74 : vector<16xi32>
      %parallel_loop3A_76 = arith.addi %parallel_loop3A_68, %parallel_loop3A_75 : vector<16xi32>
      %parallel_loop3A_77 = arith.constant 127 : i32
      %parallel_loop3A_78 = vector.broadcast %parallel_loop3A_77 : i32 to vector<16xi32>
      %parallel_loop3A_79 = arith.minsi %parallel_loop3A_76, %parallel_loop3A_78 : vector<16xi32>
      %parallel_loop3A_80 = arith.index_cast %parallel_loop3A_41 : i32 to index
      %parallel_loop3A_81 = tpu.vector_load %arg12[%parallel_loop3A_80] {strides = array<i32>} : memref<1024xi32, #tpu.memory_space<vmem>>, vector<16xi32>,
      tpu.vector_store %arg12[%parallel_loop3A_80], %parallel_loop3A_79 {strides = array<i32>} : memref<1024xi32, #tpu.memory_space<vmem>>, vector<16xi32>,
    } {sc.loop_unroll_factor = 4 : i64, sc.parallel_access}
    "tpu.region"() ({
      %run_scoped3A = tpu.sem_alloc : memref<!tpu.dma_semaphore, #tpu.memory_space<semaphore_mem>>
      %dma_start3A_39 = tpu.memref_slice %arg5[%mul3A_2] : memref<32768xf32, #tpu.memory_space<hbm>> -> memref<1024xf32, #tpu.memory_space<hbm>>
      %dma_start3A_40 = tpu.memref_slice %arg5[%mul3A_2] : memref<32768xf32, #tpu.memory_space<hbm>> -> memref<1024xf32, #tpu.memory_space<hbm>>
      tpu.enqueue_dma source(%dma_start3A_40 : memref<1024xf32, #tpu.memory_space<hbm>>) target(%arg10 : memref<1024xf32, #tpu.memory_space<vmem>>) target_semaphore(%run_scoped3A : memref<!tpu.dma_semaphore, #tpu.memory_space<semaphore_mem>>)
      %dma_wait3A_41 = tpu.memref_slice %arg5[%mul3A_2] : memref<32768xf32, #tpu.memory_space<hbm>> -> memref<1024xf32, #tpu.memory_space<hbm>>
      %dma_wait3A_42 = tpu.memref_slice %arg5[%mul3A_2] : memref<32768xf32, #tpu.memory_space<hbm>> -> memref<1024xf32, #tpu.memory_space<hbm>>
      tpu.wait_dma2 semaphore(%run_scoped3A : memref<!tpu.dma_semaphore, #tpu.memory_space<semaphore_mem>>) src(%dma_wait3A_42 : memref<1024xf32, #tpu.memory_space<hbm>>) dst(%arg10 : memref<1024xf32, #tpu.memory_space<vmem>>)
      tpu.yield
    }) : () -> ()
    "tpu.region"() ({
      %run_scoped3A = tpu.sem_alloc : memref<!tpu.dma_semaphore, #tpu.memory_space<semaphore_mem>>
      %dma_start3A_39 = tpu.memref_slice %arg6[%mul3A_2] : memref<32768xf32, #tpu.memory_space<hbm>> -> memref<1024xf32, #tpu.memory_space<hbm>>
      %dma_start3A_40 = tpu.memref_slice %arg6[%mul3A_2] : memref<32768xf32, #tpu.memory_space<hbm>> -> memref<1024xf32, #tpu.memory_space<hbm>>
      tpu.enqueue_dma source(%dma_start3A_40 : memref<1024xf32, #tpu.memory_space<hbm>>) target(%arg11 : memref<1024xf32, #tpu.memory_space<vmem>>) target_semaphore(%run_scoped3A : memref<!tpu.dma_semaphore, #tpu.memory_space<semaphore_mem>>)
      %dma_wait3A_41 = tpu.memref_slice %arg6[%mul3A_2] : memref<32768xf32, #tpu.memory_space<hbm>> -> memref<1024xf32, #tpu.memory_space<hbm>>
      %dma_wait3A_42 = tpu.memref_slice %arg6[%mul3A_2] : memref<32768xf32, #tpu.memory_space<hbm>> -> memref<1024xf32, #tpu.memory_space<hbm>>
      tpu.wait_dma2 semaphore(%run_scoped3A : memref<!tpu.dma_semaphore, #tpu.memory_space<semaphore_mem>>) src(%dma_wait3A_42 : memref<1024xf32, #tpu.memory_space<hbm>>) dst(%arg11 : memref<1024xf32, #tpu.memory_space<vmem>>)
      tpu.yield
    }) : () -> ()
    %parallel_loop3A_5 = arith.constant 0 : i32
    %parallel_loop3A_6 = arith.constant 64 : i32
    %parallel_loop3A_7 = arith.constant 1 : i32
    scf.for %parallel_loop3A_39 = %parallel_loop3A_5 to %parallel_loop3A_6 step %parallel_loop3A_7  : i32 {
      %parallel_loop3A_40 = arith.constant 16 : i32
      %parallel_loop3A_41 = arith.muli %parallel_loop3A_39, %parallel_loop3A_40 : i32
      %parallel_loop3A_42 = arith.index_cast %parallel_loop3A_41 : i32 to index
      %parallel_loop3A_43 = tpu.vector_load %arg12[%parallel_loop3A_42] {strides = array<i32>} : memref<1024xi32, #tpu.memory_space<vmem>>, vector<16xi32>,
      %parallel_loop3A_44 = arith.index_cast %parallel_loop3A_41 : i32 to index
      %parallel_loop3A_45 = tpu.vector_load %arg10[%parallel_loop3A_44] {strides = array<i32>} : memref<1024xf32, #tpu.memory_space<vmem>>, vector<16xf32>,
      %parallel_loop3A_46 = arith.index_cast %parallel_loop3A_41 : i32 to index
      %parallel_loop3A_47 = tpu.vector_load %arg11[%parallel_loop3A_46] {strides = array<i32>} : memref<1024xf32, #tpu.memory_space<vmem>>, vector<16xf32>,
      %parallel_loop3A_48 = arith.constant 1.280000e+02 : f32
      %parallel_loop3A_49 = vector.broadcast %parallel_loop3A_48 : f32 to vector<16xf32>
      %parallel_loop3A_50 = arith.mulf %parallel_loop3A_45, %parallel_loop3A_49 : vector<16xf32>
      %parallel_loop3A_51 = arith.constant 0x4B000000 : f32
      %parallel_loop3A_52 = vector.broadcast %parallel_loop3A_51 : f32 to vector<16xf32>
      %parallel_loop3A_53 = arith.addf %parallel_loop3A_50, %parallel_loop3A_52 : vector<16xf32>
      %parallel_loop3A_54 = arith.constant 0x4B000000 : f32
      %parallel_loop3A_55 = vector.broadcast %parallel_loop3A_54 : f32 to vector<16xf32>
      %parallel_loop3A_56 = arith.subf %parallel_loop3A_53, %parallel_loop3A_55 : vector<16xf32>
      %parallel_loop3A_57 = arith.constant 1.280000e+02 : f32
      %parallel_loop3A_58 = vector.broadcast %parallel_loop3A_57 : f32 to vector<16xf32>
      %parallel_loop3A_59 = arith.mulf %parallel_loop3A_47, %parallel_loop3A_58 : vector<16xf32>
      %parallel_loop3A_60 = arith.constant 0x4B000000 : f32
      %parallel_loop3A_61 = vector.broadcast %parallel_loop3A_60 : f32 to vector<16xf32>
      %parallel_loop3A_62 = arith.addf %parallel_loop3A_59, %parallel_loop3A_61 : vector<16xf32>
      %parallel_loop3A_63 = arith.constant 0x4B000000 : f32
      %parallel_loop3A_64 = vector.broadcast %parallel_loop3A_63 : f32 to vector<16xf32>
      %parallel_loop3A_65 = arith.subf %parallel_loop3A_62, %parallel_loop3A_64 : vector<16xf32>
      %parallel_loop3A_66 = arith.addf %parallel_loop3A_56, %parallel_loop3A_65 : vector<16xf32>
      %parallel_loop3A_67 = arith.fptosi %parallel_loop3A_66 : vector<16xf32> to vector<16xi32>
      %parallel_loop3A_68 = arith.constant 1 : i32
      %parallel_loop3A_69 = vector.broadcast %parallel_loop3A_68 : i32 to vector<16xi32>
      %parallel_loop3A_70 = arith.shrsi %parallel_loop3A_67, %parallel_loop3A_69 : vector<16xi32>
      %parallel_loop3A_71 = arith.constant 1 : i32
      %parallel_loop3A_72 = vector.broadcast %parallel_loop3A_71 : i32 to vector<16xi32>
      %parallel_loop3A_73 = arith.andi %parallel_loop3A_67, %parallel_loop3A_72 : vector<16xi32>
      %parallel_loop3A_74 = arith.constant 1 : i32
      %parallel_loop3A_75 = vector.broadcast %parallel_loop3A_74 : i32 to vector<16xi32>
      %parallel_loop3A_76 = arith.andi %parallel_loop3A_70, %parallel_loop3A_75 : vector<16xi32>
      %parallel_loop3A_77 = arith.andi %parallel_loop3A_73, %parallel_loop3A_76 : vector<16xi32>
      %parallel_loop3A_78 = arith.addi %parallel_loop3A_70, %parallel_loop3A_77 : vector<16xi32>
      %parallel_loop3A_79 = arith.constant 127 : i32
      %parallel_loop3A_80 = vector.broadcast %parallel_loop3A_79 : i32 to vector<16xi32>
      %parallel_loop3A_81 = arith.minsi %parallel_loop3A_78, %parallel_loop3A_80 : vector<16xi32>
      %parallel_loop3A_82 = arith.constant 16 : i32
      %parallel_loop3A_83 = vector.broadcast %parallel_loop3A_82 : i32 to vector<16xi32>
      %parallel_loop3A_84 = arith.shli %parallel_loop3A_81, %parallel_loop3A_83 : vector<16xi32>
      %parallel_loop3A_85 = arith.ori %parallel_loop3A_43, %parallel_loop3A_84 : vector<16xi32>
      %parallel_loop3A_86 = arith.index_cast %parallel_loop3A_41 : i32 to index
      %parallel_loop3A_87 = tpu.vector_load %arg12[%parallel_loop3A_86] {strides = array<i32>} : memref<1024xi32, #tpu.memory_space<vmem>>, vector<16xi32>,
      tpu.vector_store %arg12[%parallel_loop3A_86], %parallel_loop3A_85 {strides = array<i32>} : memref<1024xi32, #tpu.memory_space<vmem>>, vector<16xi32>,
    } {sc.loop_unroll_factor = 4 : i64, sc.parallel_access}
    tpu.wait_dma2 semaphore(%arg23 : memref<!tpu.dma_semaphore, #tpu.memory_space<semaphore_mem>>) src(%arg7 : memref<49152xi32, #tpu.memory_space<hbm>>) dst(%arg13 : memref<49152xi32, #tpu.memory_space<vmem>>)
    tpu.wait_dma2 semaphore(%arg23 : memref<!tpu.dma_semaphore, #tpu.memory_space<semaphore_mem>>) src(%arg8 : memref<49152xi32, #tpu.memory_space<hbm>>) dst(%arg14 : memref<49152xi32, #tpu.memory_space<vmem>>)
    %add3A_8 = arith.constant 0 : i32
    %add3A_9 = arith.addi %mul3A_2, %add3A_8 : i32
    %mul3A_10 = arith.constant 768 : i32
    %mul3A_11 = arith.muli %add3A_9, %mul3A_10 : i32
    %dma_start3A = tpu.memref_slice %arg2[%mul3A_11] : memref<25165824xf32, #tpu.memory_space<hbm>> -> memref<6144xf32, #tpu.memory_space<hbm>>
    %dma_start3A_12 = tpu.memref_slice %arg2[%mul3A_11] : memref<25165824xf32, #tpu.memory_space<hbm>> -> memref<6144xf32, #tpu.memory_space<hbm>>
    tpu.enqueue_dma source(%dma_start3A_12 : memref<6144xf32, #tpu.memory_space<hbm>>) target(%arg15 : memref<6144xf32, #tpu.memory_space<vmem>>) target_semaphore(%arg19 : memref<!tpu.dma_semaphore, #tpu.memory_space<semaphore_mem>>)
    %add3A_13 = arith.constant 8 : i32
    %add3A_14 = arith.addi %mul3A_2, %add3A_13 : i32
    %mul3A_15 = arith.constant 768 : i32
    %mul3A_16 = arith.muli %add3A_14, %mul3A_15 : i32
    %dma_start3A_17 = tpu.memref_slice %arg2[%mul3A_16] : memref<25165824xf32, #tpu.memory_space<hbm>> -> memref<6144xf32, #tpu.memory_space<hbm>>
    %dma_start3A_18 = tpu.memref_slice %arg2[%mul3A_16] : memref<25165824xf32, #tpu.memory_space<hbm>> -> memref<6144xf32, #tpu.memory_space<hbm>>
    tpu.enqueue_dma source(%dma_start3A_18 : memref<6144xf32, #tpu.memory_space<hbm>>) target(%arg16 : memref<6144xf32, #tpu.memory_space<vmem>>) target_semaphore(%arg20 : memref<!tpu.dma_semaphore, #tpu.memory_space<semaphore_mem>>)
    %iota3A = tpu.iota {dimensions = array<i32: 0>} : vector<16xi32>
    %scan3A = arith.constant 0 : i32
    %scan3A_19 = arith.constant 0 : i32
    %scan3A_20 = arith.constant 64 : i32
    %scan3A_21 = arith.addi %scan3A_19, %scan3A_20 : i32
    %scan3A_22 = arith.constant 1 : i32
    scf.for %scan3A_39 = %scan3A_19 to %scan3A_21 step %scan3A_22  : i32 {
      %mul3A_40 = arith.constant 2 : i32
      %mul3A_41 = arith.muli %scan3A_39, %mul3A_40 : i32
      %add3A_42 = arith.constant 0 : i32
      %add3A_43 = arith.addi %mul3A_41, %add3A_42 : i32
      %mul3A_44 = arith.constant 768 : i32
      %mul3A_45 = arith.muli %mul3A_2, %mul3A_44 : i32
      %dma_wait3A_46 = tpu.memref_slice %arg2[%mul3A_45] : memref<25165824xf32, #tpu.memory_space<hbm>> -> memref<6144xf32, #tpu.memory_space<hbm>>
      %dma_wait3A_47 = tpu.memref_slice %arg2[%mul3A_45] : memref<25165824xf32, #tpu.memory_space<hbm>> -> memref<6144xf32, #tpu.memory_space<hbm>>
      tpu.wait_dma2 semaphore(%arg19 : memref<!tpu.dma_semaphore, #tpu.memory_space<semaphore_mem>>) src(%dma_wait3A_47 : memref<6144xf32, #tpu.memory_space<hbm>>) dst(%arg15 : memref<6144xf32, #tpu.memory_space<vmem>>)
      %gt3A = arith.constant 0 : i32
      %gt3A_48 = arith.cmpi sgt, %scan3A_39, %gt3A : i32
      %convert_element_type3A = arith.extui %gt3A_48 : i1 to i32
      %cond3A = arith.constant 0 : i32
      %cond3A_49 = arith.cmpi ne, %convert_element_type3A, %cond3A : i32
      scf.if %cond3A_49 {
        %mul3A_104 = arith.constant 768 : i32
        %mul3A_105 = arith.muli %mul3A_2, %mul3A_104 : i32
        %dma_wait3A_106 = tpu.memref_slice %arg9[%mul3A_105] : memref<25165824xf32, #tpu.memory_space<hbm>> -> memref<6144xf32, #tpu.memory_space<hbm>>
        %dma_wait3A_107 = tpu.memref_slice %arg9[%mul3A_105] : memref<25165824xf32, #tpu.memory_space<hbm>> -> memref<6144xf32, #tpu.memory_space<hbm>>
        tpu.wait_dma2 semaphore(%arg21 : memref<!tpu.dma_semaphore, #tpu.memory_space<semaphore_mem>>) src(%arg17 : memref<6144xf32, #tpu.memory_space<vmem>>) dst(%dma_wait3A_107 : memref<6144xf32, #tpu.memory_space<hbm>>)
      } else {
      }
      %parallel_loop3A_50 = arith.constant 0 : i32
      %parallel_loop3A_51 = arith.constant 8 : i32
      %parallel_loop3A_52 = arith.constant 1 : i32
      scf.for %parallel_loop3A_104 = %parallel_loop3A_50 to %parallel_loop3A_51 step %parallel_loop3A_52  : i32 {
        %parallel_loop3A_105 = arith.constant 8 : i32
        %parallel_loop3A_106 = arith.muli %add3A_43, %parallel_loop3A_105 : i32
        %parallel_loop3A_107 = arith.addi %parallel_loop3A_106, %parallel_loop3A_104 : i32
        %parallel_loop3A_108 = arith.constant -16 : i32
        %parallel_loop3A_109 = arith.andi %parallel_loop3A_107, %parallel_loop3A_108 : i32
        %parallel_loop3A_110 = arith.index_cast %parallel_loop3A_109 : i32 to index
        %parallel_loop3A_111 = tpu.vector_load %arg12[%parallel_loop3A_110] {strides = array<i32>} : memref<1024xi32, #tpu.memory_space<vmem>>, vector<16xi32>,
        %parallel_loop3A_112 = arith.constant 15 : i32
        %parallel_loop3A_113 = arith.andi %parallel_loop3A_107, %parallel_loop3A_112 : i32
        %parallel_loop3A_114 = vector.broadcast %parallel_loop3A_113 : i32 to vector<16xi32>
        %parallel_loop3A_115 = arith.cmpi eq, %iota3A, %parallel_loop3A_114 : vector<16xi32>
        %parallel_loop3A_116 = arith.constant 0 : i32
        %parallel_loop3A_117 = vector.broadcast %parallel_loop3A_116 : i32 to vector<16xi32>
        %parallel_loop3A_118 = arith.select %parallel_loop3A_115, %parallel_loop3A_111, %parallel_loop3A_117 : vector<16xi1>, vector<16xi32>
        %parallel_loop3A_119 = arith.constant true
        %parallel_loop3A_120 = vector.broadcast %parallel_loop3A_119 : i1 to vector<16xi1>
        %parallel_loop3A_121 = arith.constant -2147483648 : i32
        %parallel_loop3A_122 = vector.broadcast %parallel_loop3A_121 : i32 to vector<16xi32>
        %parallel_loop3A_123 = arith.xori %parallel_loop3A_118, %parallel_loop3A_122 : vector<16xi32>
        %parallel_loop3A_124 = tpu.scan <max>, %parallel_loop3A_123 masked %parallel_loop3A_120 : vector<16xi32>, vector<16xi1> -> vector<16xi32>
        %parallel_loop3A_125 = arith.xori %parallel_loop3A_124, %parallel_loop3A_122 : vector<16xi32>
        %parallel_loop3A_126 = vector.extract %parallel_loop3A_125[15] : i32 from vector<16xi32>
        %parallel_loop3A_127 = arith.constant 65535 : i32
        %parallel_loop3A_128 = arith.andi %parallel_loop3A_126, %parallel_loop3A_127 : i32
        %parallel_loop3A_129 = arith.constant 384 : i32
        %parallel_loop3A_130 = arith.muli %parallel_loop3A_128, %parallel_loop3A_129 : i32
        %parallel_loop3A_131 = arith.constant 16 : i32
        %parallel_loop3A_132 = arith.shrsi %parallel_loop3A_126, %parallel_loop3A_131 : i32
        %parallel_loop3A_133 = arith.constant 384 : i32
        %parallel_loop3A_134 = arith.muli %parallel_loop3A_132, %parallel_loop3A_133 : i32
        %parallel_loop3A_135 = arith.constant 768 : i32
        %parallel_loop3A_136 = arith.muli %parallel_loop3A_104, %parallel_loop3A_135 : i32
        %parallel_loop3A_137 = arith.constant 0 : i32
        %parallel_loop3A_138 = arith.addi %parallel_loop3A_130, %parallel_loop3A_137 : i32
        %parallel_loop3A_139 = arith.index_cast %parallel_loop3A_138 : i32 to index
        %parallel_loop3A_140 = tpu.vector_load %arg13[%parallel_loop3A_139] {strides = array<i32>} : memref<49152xi32, #tpu.memory_space<vmem>>, vector<16xi32>,
        %parallel_loop3A_141 = arith.constant 16 : i32
        %parallel_loop3A_142 = vector.broadcast %parallel_loop3A_141 : i32 to vector<16xi32>
        %parallel_loop3A_143 = arith.shli %parallel_loop3A_140, %parallel_loop3A_142 : vector<16xi32>
        %parallel_loop3A_144 = tpu.bitcast %parallel_loop3A_143 : vector<16xi32> -> vector<16xf32>
        %parallel_loop3A_145 = arith.constant -65536 : i32
        %parallel_loop3A_146 = vector.broadcast %parallel_loop3A_145 : i32 to vector<16xi32>
        %parallel_loop3A_147 = arith.andi %parallel_loop3A_140, %parallel_loop3A_146 : vector<16xi32>
        %parallel_loop3A_148 = tpu.bitcast %parallel_loop3A_147 : vector<16xi32> -> vector<16xf32>
        %parallel_loop3A_149 = arith.constant 0 : i32
        %parallel_loop3A_150 = arith.addi %parallel_loop3A_134, %parallel_loop3A_149 : i32
        %parallel_loop3A_151 = arith.index_cast %parallel_loop3A_150 : i32 to index
        %parallel_loop3A_152 = tpu.vector_load %arg14[%parallel_loop3A_151] {strides = array<i32>} : memref<49152xi32, #tpu.memory_space<vmem>>, vector<16xi32>,
        %parallel_loop3A_153 = arith.constant 16 : i32
        %parallel_loop3A_154 = vector.broadcast %parallel_loop3A_153 : i32 to vector<16xi32>
        %parallel_loop3A_155 = arith.shli %parallel_loop3A_152, %parallel_loop3A_154 : vector<16xi32>
        %parallel_loop3A_156 = tpu.bitcast %parallel_loop3A_155 : vector<16xi32> -> vector<16xf32>
        %parallel_loop3A_157 = arith.constant -65536 : i32
        %parallel_loop3A_158 = vector.broadcast %parallel_loop3A_157 : i32 to vector<16xi32>
        %parallel_loop3A_159 = arith.andi %parallel_loop3A_152, %parallel_loop3A_158 : vector<16xi32>
        %parallel_loop3A_160 = tpu.bitcast %parallel_loop3A_159 : vector<16xi32> -> vector<16xf32>
        %parallel_loop3A_161 = arith.constant 0 : i32
        %parallel_loop3A_162 = arith.addi %parallel_loop3A_136, %parallel_loop3A_161 : i32
        %parallel_loop3A_163 = arith.constant 0 : i32
        %parallel_loop3A_164 = arith.addi %parallel_loop3A_136, %parallel_loop3A_163 : i32
        %parallel_loop3A_165 = arith.constant 16 : i32
        %parallel_loop3A_166 = arith.addi %parallel_loop3A_164, %parallel_loop3A_165 : i32
        %parallel_loop3A_167 = arith.index_cast %parallel_loop3A_162 : i32 to index
        %parallel_loop3A_168 = tpu.vector_load %arg15[%parallel_loop3A_167] {strides = array<i32>} : memref<6144xf32, #tpu.memory_space<vmem>>, vector<16xf32>,
        %parallel_loop3A_169 = arith.addf %parallel_loop3A_168, %parallel_loop3A_144 : vector<16xf32>
        %parallel_loop3A_170 = arith.addf %parallel_loop3A_169, %parallel_loop3A_156 : vector<16xf32>
        %parallel_loop3A_171 = arith.index_cast %parallel_loop3A_162 : i32 to index
        %parallel_loop3A_172 = tpu.vector_load %arg17[%parallel_loop3A_171] {strides = array<i32>} : memref<6144xf32, #tpu.memory_space<vmem>>, vector<16xf32>,
        tpu.vector_store %arg17[%parallel_loop3A_171], %parallel_loop3A_170 {strides = array<i32>} : memref<6144xf32, #tpu.memory_space<vmem>>, vector<16xf32>,
        %parallel_loop3A_173 = arith.index_cast %parallel_loop3A_166 : i32 to index
        %parallel_loop3A_174 = tpu.vector_load %arg15[%parallel_loop3A_173] {strides = array<i32>} : memref<6144xf32, #tpu.memory_space<vmem>>, vector<16xf32>,
        %parallel_loop3A_175 = arith.addf %parallel_loop3A_174, %parallel_loop3A_148 : vector<16xf32>
        %parallel_loop3A_176 = arith.addf %parallel_loop3A_175, %parallel_loop3A_160 : vector<16xf32>
        %parallel_loop3A_177 = arith.index_cast %parallel_loop3A_166 : i32 to index
        %parallel_loop3A_178 = tpu.vector_load %arg17[%parallel_loop3A_177] {strides = array<i32>} : memref<6144xf32, #tpu.memory_space<vmem>>, vector<16xf32>,
        tpu.vector_store %arg17[%parallel_loop3A_177], %parallel_loop3A_176 {strides = array<i32>} : memref<6144xf32, #tpu.memory_space<vmem>>, vector<16xf32>,
        %parallel_loop3A_179 = arith.constant 16 : i32
        %parallel_loop3A_180 = arith.addi %parallel_loop3A_130, %parallel_loop3A_179 : i32
        %parallel_loop3A_181 = arith.index_cast %parallel_loop3A_180 : i32 to index
        %parallel_loop3A_182 = tpu.vector_load %arg13[%parallel_loop3A_181] {strides = array<i32>} : memref<49152xi32, #tpu.memory_space<vmem>>, vector<16xi32>,
        %parallel_loop3A_183 = arith.constant 16 : i32
        %parallel_loop3A_184 = vector.broadcast %parallel_loop3A_183 : i32 to vector<16xi32>
        %parallel_loop3A_185 = arith.shli %parallel_loop3A_182, %parallel_loop3A_184 : vector<16xi32>
        %parallel_loop3A_186 = tpu.bitcast %parallel_loop3A_185 : vector<16xi32> -> vector<16xf32>
        %parallel_loop3A_187 = arith.constant -65536 : i32
        %parallel_loop3A_188 = vector.broadcast %parallel_loop3A_187 : i32 to vector<16xi32>
        %parallel_loop3A_189 = arith.andi %parallel_loop3A_182, %parallel_loop3A_188 : vector<16xi32>
        %parallel_loop3A_190 = tpu.bitcast %parallel_loop3A_189 : vector<16xi32> -> vector<16xf32>
        %parallel_loop3A_191 = arith.constant 16 : i32
        %parallel_loop3A_192 = arith.addi %parallel_loop3A_134, %parallel_loop3A_191 : i32
        %parallel_loop3A_193 = arith.index_cast %parallel_loop3A_192 : i32 to index
        %parallel_loop3A_194 = tpu.vector_load %arg14[%parallel_loop3A_193] {strides = array<i32>} : memref<49152xi32, #tpu.memory_space<vmem>>, vector<16xi32>,
        %parallel_loop3A_195 = arith.constant 16 : i32
        %parallel_loop3A_196 = vector.broadcast %parallel_loop3A_195 : i32 to vector<16xi32>
        %parallel_loop3A_197 = arith.shli %parallel_loop3A_194, %parallel_loop3A_196 : vector<16xi32>
        %parallel_loop3A_198 = tpu.bitcast %parallel_loop3A_197 : vector<16xi32> -> vector<16xf32>
        %parallel_loop3A_199 = arith.constant -65536 : i32
        %parallel_loop3A_200 = vector.broadcast %parallel_loop3A_199 : i32 to vector<16xi32>
        %parallel_loop3A_201 = arith.andi %parallel_loop3A_194, %parallel_loop3A_200 : vector<16xi32>
        %parallel_loop3A_202 = tpu.bitcast %parallel_loop3A_201 : vector<16xi32> -> vector<16xf32>
        %parallel_loop3A_203 = arith.constant 32 : i32
        %parallel_loop3A_204 = arith.addi %parallel_loop3A_136, %parallel_loop3A_203 : i32
        %parallel_loop3A_205 = arith.constant 32 : i32
        %parallel_loop3A_206 = arith.addi %parallel_loop3A_136, %parallel_loop3A_205 : i32
        %parallel_loop3A_207 = arith.constant 16 : i32
        %parallel_loop3A_208 = arith.addi %parallel_loop3A_206, %parallel_loop3A_207 : i32
        %parallel_loop3A_209 = arith.index_cast %parallel_loop3A_204 : i32 to index
        %parallel_loop3A_210 = tpu.vector_load %arg15[%parallel_loop3A_209] {strides = array<i32>} : memref<6144xf32, #tpu.memory_space<vmem>>, vector<16xf32>,
        %parallel_loop3A_211 = arith.addf %parallel_loop3A_210, %parallel_loop3A_186 : vector<16xf32>
        %parallel_loop3A_212 = arith.addf %parallel_loop3A_211, %parallel_loop3A_198 : vector<16xf32>
        %parallel_loop3A_213 = arith.index_cast %parallel_loop3A_204 : i32 to index
        %parallel_loop3A_214 = tpu.vector_load %arg17[%parallel_loop3A_213] {strides = array<i32>} : memref<6144xf32, #tpu.memory_space<vmem>>, vector<16xf32>,
        tpu.vector_store %arg17[%parallel_loop3A_213], %parallel_loop3A_212 {strides = array<i32>} : memref<6144xf32, #tpu.memory_space<vmem>>, vector<16xf32>,
        %parallel_loop3A_215 = arith.index_cast %parallel_loop3A_208 : i32 to index
        %parallel_loop3A_216 = tpu.vector_load %arg15[%parallel_loop3A_215] {strides = array<i32>} : memref<6144xf32, #tpu.memory_space<vmem>>, vector<16xf32>,
        %parallel_loop3A_217 = arith.addf %parallel_loop3A_216, %parallel_loop3A_190 : vector<16xf32>
        %parallel_loop3A_218 = arith.addf %parallel_loop3A_217, %parallel_loop3A_202 : vector<16xf32>
        %parallel_loop3A_219 = arith.index_cast %parallel_loop3A_208 : i32 to index
        %parallel_loop3A_220 = tpu.vector_load %arg17[%parallel_loop3A_219] {strides = array<i32>} : memref<6144xf32, #tpu.memory_space<vmem>>, vector<16xf32>,
        tpu.vector_store %arg17[%parallel_loop3A_219], %parallel_loop3A_218 {strides = array<i32>} : memref<6144xf32, #tpu.memory_space<vmem>>, vector<16xf32>,
        %parallel_loop3A_221 = arith.constant 32 : i32
        %parallel_loop3A_222 = arith.addi %parallel_loop3A_130, %parallel_loop3A_221 : i32
        %parallel_loop3A_223 = arith.index_cast %parallel_loop3A_222 : i32 to index
        %parallel_loop3A_224 = tpu.vector_load %arg13[%parallel_loop3A_223] {strides = array<i32>} : memref<49152xi32, #tpu.memory_space<vmem>>, vector<16xi32>,
        %parallel_loop3A_225 = arith.constant 16 : i32
        %parallel_loop3A_226 = vector.broadcast %parallel_loop3A_225 : i32 to vector<16xi32>
        %parallel_loop3A_227 = arith.shli %parallel_loop3A_224, %parallel_loop3A_226 : vector<16xi32>
        %parallel_loop3A_228 = tpu.bitcast %parallel_loop3A_227 : vector<16xi32> -> vector<16xf32>
        %parallel_loop3A_229 = arith.constant -65536 : i32
        %parallel_loop3A_230 = vector.broadcast %parallel_loop3A_229 : i32 to vector<16xi32>
        %parallel_loop3A_231 = arith.andi %parallel_loop3A_224, %parallel_loop3A_230 : vector<16xi32>
        %parallel_loop3A_232 = tpu.bitcast %parallel_loop3A_231 : vector<16xi32> -> vector<16xf32>
        %parallel_loop3A_233 = arith.constant 32 : i32
        %parallel_loop3A_234 = arith.addi %parallel_loop3A_134, %parallel_loop3A_233 : i32
        %parallel_loop3A_235 = arith.index_cast %parallel_loop3A_234 : i32 to index
        %parallel_loop3A_236 = tpu.vector_load %arg14[%parallel_loop3A_235] {strides = array<i32>} : memref<49152xi32, #tpu.memory_space<vmem>>, vector<16xi32>,
        %parallel_loop3A_237 = arith.constant 16 : i32
        %parallel_loop3A_238 = vector.broadcast %parallel_loop3A_237 : i32 to vector<16xi32>
        %parallel_loop3A_239 = arith.shli %parallel_loop3A_236, %parallel_loop3A_238 : vector<16xi32>
        %parallel_loop3A_240 = tpu.bitcast %parallel_loop3A_239 : vector<16xi32> -> vector<16xf32>
        %parallel_loop3A_241 = arith.constant -65536 : i32
        %parallel_loop3A_242 = vector.broadcast %parallel_loop3A_241 : i32 to vector<16xi32>
        %parallel_loop3A_243 = arith.andi %parallel_loop3A_236, %parallel_loop3A_242 : vector<16xi32>
        %parallel_loop3A_244 = tpu.bitcast %parallel_loop3A_243 : vector<16xi32> -> vector<16xf32>
        %parallel_loop3A_245 = arith.constant 64 : i32
        %parallel_loop3A_246 = arith.addi %parallel_loop3A_136, %parallel_loop3A_245 : i32
        %parallel_loop3A_247 = arith.constant 64 : i32
        %parallel_loop3A_248 = arith.addi %parallel_loop3A_136, %parallel_loop3A_247 : i32
        %parallel_loop3A_249 = arith.constant 16 : i32
        %parallel_loop3A_250 = arith.addi %parallel_loop3A_248, %parallel_loop3A_249 : i32
        %parallel_loop3A_251 = arith.index_cast %parallel_loop3A_246 : i32 to index
        %parallel_loop3A_252 = tpu.vector_load %arg15[%parallel_loop3A_251] {strides = array<i32>} : memref<6144xf32, #tpu.memory_space<vmem>>, vector<16xf32>,
        %parallel_loop3A_253 = arith.addf %parallel_loop3A_252, %parallel_loop3A_228 : vector<16xf32>
        %parallel_loop3A_254 = arith.addf %parallel_loop3A_253, %parallel_loop3A_240 : vector<16xf32>
        %parallel_loop3A_255 = arith.index_cast %parallel_loop3A_246 : i32 to index
        %parallel_loop3A_256 = tpu.vector_load %arg17[%parallel_loop3A_255] {strides = array<i32>} : memref<6144xf32, #tpu.memory_space<vmem>>, vector<16xf32>,
        tpu.vector_store %arg17[%parallel_loop3A_255], %parallel_loop3A_254 {strides = array<i32>} : memref<6144xf32, #tpu.memory_space<vmem>>, vector<16xf32>,
        %parallel_loop3A_257 = arith.index_cast %parallel_loop3A_250 : i32 to index
        %parallel_loop3A_258 = tpu.vector_load %arg15[%parallel_loop3A_257] {strides = array<i32>} : memref<6144xf32, #tpu.memory_space<vmem>>, vector<16xf32>,
        %parallel_loop3A_259 = arith.addf %parallel_loop3A_258, %parallel_loop3A_232 : vector<16xf32>
        %parallel_loop3A_260 = arith.addf %parallel_loop3A_259, %parallel_loop3A_244 : vector<16xf32>
        %parallel_loop3A_261 = arith.index_cast %parallel_loop3A_250 : i32 to index
        %parallel_loop3A_262 = tpu.vector_load %arg17[%parallel_loop3A_261] {strides = array<i32>} : memref<6144xf32, #tpu.memory_space<vmem>>, vector<16xf32>,
        tpu.vector_store %arg17[%parallel_loop3A_261], %parallel_loop3A_260 {strides = array<i32>} : memref<6144xf32, #tpu.memory_space<vmem>>, vector<16xf32>,
        %parallel_loop3A_263 = arith.constant 48 : i32
        %parallel_loop3A_264 = arith.addi %parallel_loop3A_130, %parallel_loop3A_263 : i32
        %parallel_loop3A_265 = arith.index_cast %parallel_loop3A_264 : i32 to index
        %parallel_loop3A_266 = tpu.vector_load %arg13[%parallel_loop3A_265] {strides = array<i32>} : memref<49152xi32, #tpu.memory_space<vmem>>, vector<16xi32>,
        %parallel_loop3A_267 = arith.constant 16 : i32
        %parallel_loop3A_268 = vector.broadcast %parallel_loop3A_267 : i32 to vector<16xi32>
        %parallel_loop3A_269 = arith.shli %parallel_loop3A_266, %parallel_loop3A_268 : vector<16xi32>
        %parallel_loop3A_270 = tpu.bitcast %parallel_loop3A_269 : vector<16xi32> -> vector<16xf32>
        %parallel_loop3A_271 = arith.constant -65536 : i32
        %parallel_loop3A_272 = vector.broadcast %parallel_loop3A_271 : i32 to vector<16xi32>
        %parallel_loop3A_273 = arith.andi %parallel_loop3A_266, %parallel_loop3A_272 : vector<16xi32>
        %parallel_loop3A_274 = tpu.bitcast %parallel_loop3A_273 : vector<16xi32> -> vector<16xf32>
        %parallel_loop3A_275 = arith.constant 48 : i32
        %parallel_loop3A_276 = arith.addi %parallel_loop3A_134, %parallel_loop3A_275 : i32
        %parallel_loop3A_277 = arith.index_cast %parallel_loop3A_276 : i32 to index
        %parallel_loop3A_278 = tpu.vector_load %arg14[%parallel_loop3A_277] {strides = array<i32>} : memref<49152xi32, #tpu.memory_space<vmem>>, vector<16xi32>,
        %parallel_loop3A_279 = arith.constant 16 : i32
        %parallel_loop3A_280 = vector.broadcast %parallel_loop3A_279 : i32 to vector<16xi32>
        %parallel_loop3A_281 = arith.shli %parallel_loop3A_278, %parallel_loop3A_280 : vector<16xi32>
        %parallel_loop3A_282 = tpu.bitcast %parallel_loop3A_281 : vector<16xi32> -> vector<16xf32>
        %parallel_loop3A_283 = arith.constant -65536 : i32
        %parallel_loop3A_284 = vector.broadcast %parallel_loop3A_283 : i32 to vector<16xi32>
        %parallel_loop3A_285 = arith.andi %parallel_loop3A_278, %parallel_loop3A_284 : vector<16xi32>
        %parallel_loop3A_286 = tpu.bitcast %parallel_loop3A_285 : vector<16xi32> -> vector<16xf32>
        %parallel_loop3A_287 = arith.constant 96 : i32
        %parallel_loop3A_288 = arith.addi %parallel_loop3A_136, %parallel_loop3A_287 : i32
        %parallel_loop3A_289 = arith.constant 96 : i32
        %parallel_loop3A_290 = arith.addi %parallel_loop3A_136, %parallel_loop3A_289 : i32
        %parallel_loop3A_291 = arith.constant 16 : i32
        %parallel_loop3A_292 = arith.addi %parallel_loop3A_290, %parallel_loop3A_291 : i32
        %parallel_loop3A_293 = arith.index_cast %parallel_loop3A_288 : i32 to index
        %parallel_loop3A_294 = tpu.vector_load %arg15[%parallel_loop3A_293] {strides = array<i32>} : memref<6144xf32, #tpu.memory_space<vmem>>, vector<16xf32>,
        %parallel_loop3A_295 = arith.addf %parallel_loop3A_294, %parallel_loop3A_270 : vector<16xf32>
        %parallel_loop3A_296 = arith.addf %parallel_loop3A_295, %parallel_loop3A_282 : vector<16xf32>
        %parallel_loop3A_297 = arith.index_cast %parallel_loop3A_288 : i32 to index
        %parallel_loop3A_298 = tpu.vector_load %arg17[%parallel_loop3A_297] {strides = array<i32>} : memref<6144xf32, #tpu.memory_space<vmem>>, vector<16xf32>,
        tpu.vector_store %arg17[%parallel_loop3A_297], %parallel_loop3A_296 {strides = array<i32>} : memref<6144xf32, #tpu.memory_space<vmem>>, vector<16xf32>,
        %parallel_loop3A_299 = arith.index_cast %parallel_loop3A_292 : i32 to index
        %parallel_loop3A_300 = tpu.vector_load %arg15[%parallel_loop3A_299] {strides = array<i32>} : memref<6144xf32, #tpu.memory_space<vmem>>, vector<16xf32>,
        %parallel_loop3A_301 = arith.addf %parallel_loop3A_300, %parallel_loop3A_274 : vector<16xf32>
        %parallel_loop3A_302 = arith.addf %parallel_loop3A_301, %parallel_loop3A_286 : vector<16xf32>
        %parallel_loop3A_303 = arith.index_cast %parallel_loop3A_292 : i32 to index
        %parallel_loop3A_304 = tpu.vector_load %arg17[%parallel_loop3A_303] {strides = array<i32>} : memref<6144xf32, #tpu.memory_space<vmem>>, vector<16xf32>,
        tpu.vector_store %arg17[%parallel_loop3A_303], %parallel_loop3A_302 {strides = array<i32>} : memref<6144xf32, #tpu.memory_space<vmem>>, vector<16xf32>,
        %parallel_loop3A_305 = arith.constant 64 : i32
        %parallel_loop3A_306 = arith.addi %parallel_loop3A_130, %parallel_loop3A_305 : i32
        %parallel_loop3A_307 = arith.index_cast %parallel_loop3A_306 : i32 to index
        %parallel_loop3A_308 = tpu.vector_load %arg13[%parallel_loop3A_307] {strides = array<i32>} : memref<49152xi32, #tpu.memory_space<vmem>>, vector<16xi32>,
        %parallel_loop3A_309 = arith.constant 16 : i32
        %parallel_loop3A_310 = vector.broadcast %parallel_loop3A_309 : i32 to vector<16xi32>
        %parallel_loop3A_311 = arith.shli %parallel_loop3A_308, %parallel_loop3A_310 : vector<16xi32>
        %parallel_loop3A_312 = tpu.bitcast %parallel_loop3A_311 : vector<16xi32> -> vector<16xf32>
        %parallel_loop3A_313 = arith.constant -65536 : i32
        %parallel_loop3A_314 = vector.broadcast %parallel_loop3A_313 : i32 to vector<16xi32>
        %parallel_loop3A_315 = arith.andi %parallel_loop3A_308, %parallel_loop3A_314 : vector<16xi32>
        %parallel_loop3A_316 = tpu.bitcast %parallel_loop3A_315 : vector<16xi32> -> vector<16xf32>
        %parallel_loop3A_317 = arith.constant 64 : i32
        %parallel_loop3A_318 = arith.addi %parallel_loop3A_134, %parallel_loop3A_317 : i32
        %parallel_loop3A_319 = arith.index_cast %parallel_loop3A_318 : i32 to index
        %parallel_loop3A_320 = tpu.vector_load %arg14[%parallel_loop3A_319] {strides = array<i32>} : memref<49152xi32, #tpu.memory_space<vmem>>, vector<16xi32>,
        %parallel_loop3A_321 = arith.constant 16 : i32
        %parallel_loop3A_322 = vector.broadcast %parallel_loop3A_321 : i32 to vector<16xi32>
        %parallel_loop3A_323 = arith.shli %parallel_loop3A_320, %parallel_loop3A_322 : vector<16xi32>
        %parallel_loop3A_324 = tpu.bitcast %parallel_loop3A_323 : vector<16xi32> -> vector<16xf32>
        %parallel_loop3A_325 = arith.constant -65536 : i32
        %parallel_loop3A_326 = vector.broadcast %parallel_loop3A_325 : i32 to vector<16xi32>
        %parallel_loop3A_327 = arith.andi %parallel_loop3A_320, %parallel_loop3A_326 : vector<16xi32>
        %parallel_loop3A_328 = tpu.bitcast %parallel_loop3A_327 : vector<16xi32> -> vector<16xf32>
        %parallel_loop3A_329 = arith.constant 128 : i32
        %parallel_loop3A_330 = arith.addi %parallel_loop3A_136, %parallel_loop3A_329 : i32
        %parallel_loop3A_331 = arith.constant 128 : i32
        %parallel_loop3A_332 = arith.addi %parallel_loop3A_136, %parallel_loop3A_331 : i32
        %parallel_loop3A_333 = arith.constant 16 : i32
        %parallel_loop3A_334 = arith.addi %parallel_loop3A_332, %parallel_loop3A_333 : i32
        %parallel_loop3A_335 = arith.index_cast %parallel_loop3A_330 : i32 to index
        %parallel_loop3A_336 = tpu.vector_load %arg15[%parallel_loop3A_335] {strides = array<i32>} : memref<6144xf32, #tpu.memory_space<vmem>>, vector<16xf32>,
        %parallel_loop3A_337 = arith.addf %parallel_loop3A_336, %parallel_loop3A_312 : vector<16xf32>
        %parallel_loop3A_338 = arith.addf %parallel_loop3A_337, %parallel_loop3A_324 : vector<16xf32>
        %parallel_loop3A_339 = arith.index_cast %parallel_loop3A_330 : i32 to index
        %parallel_loop3A_340 = tpu.vector_load %arg17[%parallel_loop3A_339] {strides = array<i32>} : memref<6144xf32, #tpu.memory_space<vmem>>, vector<16xf32>,
        tpu.vector_store %arg17[%parallel_loop3A_339], %parallel_loop3A_338 {strides = array<i32>} : memref<6144xf32, #tpu.memory_space<vmem>>, vector<16xf32>,
        %parallel_loop3A_341 = arith.index_cast %parallel_loop3A_334 : i32 to index
        %parallel_loop3A_342 = tpu.vector_load %arg15[%parallel_loop3A_341] {strides = array<i32>} : memref<6144xf32, #tpu.memory_space<vmem>>, vector<16xf32>,
        %parallel_loop3A_343 = arith.addf %parallel_loop3A_342, %parallel_loop3A_316 : vector<16xf32>
        %parallel_loop3A_344 = arith.addf %parallel_loop3A_343, %parallel_loop3A_328 : vector<16xf32>
        %parallel_loop3A_345 = arith.index_cast %parallel_loop3A_334 : i32 to index
        %parallel_loop3A_346 = tpu.vector_load %arg17[%parallel_loop3A_345] {strides = array<i32>} : memref<6144xf32, #tpu.memory_space<vmem>>, vector<16xf32>,
        tpu.vector_store %arg17[%parallel_loop3A_345], %parallel_loop3A_344 {strides = array<i32>} : memref<6144xf32, #tpu.memory_space<vmem>>, vector<16xf32>,
        %parallel_loop3A_347 = arith.constant 80 : i32
        %parallel_loop3A_348 = arith.addi %parallel_loop3A_130, %parallel_loop3A_347 : i32
        %parallel_loop3A_349 = arith.index_cast %parallel_loop3A_348 : i32 to index
        %parallel_loop3A_350 = tpu.vector_load %arg13[%parallel_loop3A_349] {strides = array<i32>} : memref<49152xi32, #tpu.memory_space<vmem>>, vector<16xi32>,
        %parallel_loop3A_351 = arith.constant 16 : i32
        %parallel_loop3A_352 = vector.broadcast %parallel_loop3A_351 : i32 to vector<16xi32>
        %parallel_loop3A_353 = arith.shli %parallel_loop3A_350, %parallel_loop3A_352 : vector<16xi32>
        %parallel_loop3A_354 = tpu.bitcast %parallel_loop3A_353 : vector<16xi32> -> vector<16xf32>
        %parallel_loop3A_355 = arith.constant -65536 : i32
        %parallel_loop3A_356 = vector.broadcast %parallel_loop3A_355 : i32 to vector<16xi32>
        %parallel_loop3A_357 = arith.andi %parallel_loop3A_350, %parallel_loop3A_356 : vector<16xi32>
        %parallel_loop3A_358 = tpu.bitcast %parallel_loop3A_357 : vector<16xi32> -> vector<16xf32>
        %parallel_loop3A_359 = arith.constant 80 : i32
        %parallel_loop3A_360 = arith.addi %parallel_loop3A_134, %parallel_loop3A_359 : i32
        %parallel_loop3A_361 = arith.index_cast %parallel_loop3A_360 : i32 to index
        %parallel_loop3A_362 = tpu.vector_load %arg14[%parallel_loop3A_361] {strides = array<i32>} : memref<49152xi32, #tpu.memory_space<vmem>>, vector<16xi32>,
        %parallel_loop3A_363 = arith.constant 16 : i32
        %parallel_loop3A_364 = vector.broadcast %parallel_loop3A_363 : i32 to vector<16xi32>
        %parallel_loop3A_365 = arith.shli %parallel_loop3A_362, %parallel_loop3A_364 : vector<16xi32>
        %parallel_loop3A_366 = tpu.bitcast %parallel_loop3A_365 : vector<16xi32> -> vector<16xf32>
        %parallel_loop3A_367 = arith.constant -65536 : i32
        %parallel_loop3A_368 = vector.broadcast %parallel_loop3A_367 : i32 to vector<16xi32>
        %parallel_loop3A_369 = arith.andi %parallel_loop3A_362, %parallel_loop3A_368 : vector<16xi32>
        %parallel_loop3A_370 = tpu.bitcast %parallel_loop3A_369 : vector<16xi32> -> vector<16xf32>
        %parallel_loop3A_371 = arith.constant 160 : i32
        %parallel_loop3A_372 = arith.addi %parallel_loop3A_136, %parallel_loop3A_371 : i32
        %parallel_loop3A_373 = arith.constant 160 : i32
        %parallel_loop3A_374 = arith.addi %parallel_loop3A_136, %parallel_loop3A_373 : i32
        %parallel_loop3A_375 = arith.constant 16 : i32
        %parallel_loop3A_376 = arith.addi %parallel_loop3A_374, %parallel_loop3A_375 : i32
        %parallel_loop3A_377 = arith.index_cast %parallel_loop3A_372 : i32 to index
        %parallel_loop3A_378 = tpu.vector_load %arg15[%parallel_loop3A_377] {strides = array<i32>} : memref<6144xf32, #tpu.memory_space<vmem>>, vector<16xf32>,
        %parallel_loop3A_379 = arith.addf %parallel_loop3A_378, %parallel_loop3A_354 : vector<16xf32>
        %parallel_loop3A_380 = arith.addf %parallel_loop3A_379, %parallel_loop3A_366 : vector<16xf32>
        %parallel_loop3A_381 = arith.index_cast %parallel_loop3A_372 : i32 to index
        %parallel_loop3A_382 = tpu.vector_load %arg17[%parallel_loop3A_381] {strides = array<i32>} : memref<6144xf32, #tpu.memory_space<vmem>>, vector<16xf32>,
        tpu.vector_store %arg17[%parallel_loop3A_381], %parallel_loop3A_380 {strides = array<i32>} : memref<6144xf32, #tpu.memory_space<vmem>>, vector<16xf32>,
        %parallel_loop3A_383 = arith.index_cast %parallel_loop3A_376 : i32 to index
        %parallel_loop3A_384 = tpu.vector_load %arg15[%parallel_loop3A_383] {strides = array<i32>} : memref<6144xf32, #tpu.memory_space<vmem>>, vector<16xf32>,
        %parallel_loop3A_385 = arith.addf %parallel_loop3A_384, %parallel_loop3A_358 : vector<16xf32>
        %parallel_loop3A_386 = arith.addf %parallel_loop3A_385, %parallel_loop3A_370 : vector<16xf32>
        %parallel_loop3A_387 = arith.index_cast %parallel_loop3A_376 : i32 to index
        %parallel_loop3A_388 = tpu.vector_load %arg17[%parallel_loop3A_387] {strides = array<i32>} : memref<6144xf32, #tpu.memory_space<vmem>>, vector<16xf32>,
        tpu.vector_store %arg17[%parallel_loop3A_387], %parallel_loop3A_386 {strides = array<i32>} : memref<6144xf32, #tpu.memory_space<vmem>>, vector<16xf32>,
        %parallel_loop3A_389 = arith.constant 96 : i32
        %parallel_loop3A_390 = arith.addi %parallel_loop3A_130, %parallel_loop3A_389 : i32
        %parallel_loop3A_391 = arith.index_cast %parallel_loop3A_390 : i32 to index
        %parallel_loop3A_392 = tpu.vector_load %arg13[%parallel_loop3A_391] {strides = array<i32>} : memref<49152xi32, #tpu.memory_space<vmem>>, vector<16xi32>,
        %parallel_loop3A_393 = arith.constant 16 : i32
        %parallel_loop3A_394 = vector.broadcast %parallel_loop3A_393 : i32 to vector<16xi32>
        %parallel_loop3A_395 = arith.shli %parallel_loop3A_392, %parallel_loop3A_394 : vector<16xi32>
        %parallel_loop3A_396 = tpu.bitcast %parallel_loop3A_395 : vector<16xi32> -> vector<16xf32>
        %parallel_loop3A_397 = arith.constant -65536 : i32
        %parallel_loop3A_398 = vector.broadcast %parallel_loop3A_397 : i32 to vector<16xi32>
        %parallel_loop3A_399 = arith.andi %parallel_loop3A_392, %parallel_loop3A_398 : vector<16xi32>
        %parallel_loop3A_400 = tpu.bitcast %parallel_loop3A_399 : vector<16xi32> -> vector<16xf32>
        %parallel_loop3A_401 = arith.constant 96 : i32
        %parallel_loop3A_402 = arith.addi %parallel_loop3A_134, %parallel_loop3A_401 : i32
        %parallel_loop3A_403 = arith.index_cast %parallel_loop3A_402 : i32 to index
        %parallel_loop3A_404 = tpu.vector_load %arg14[%parallel_loop3A_403] {strides = array<i32>} : memref<49152xi32, #tpu.memory_space<vmem>>, vector<16xi32>,
        %parallel_loop3A_405 = arith.constant 16 : i32
        %parallel_loop3A_406 = vector.broadcast %parallel_loop3A_405 : i32 to vector<16xi32>
        %parallel_loop3A_407 = arith.shli %parallel_loop3A_404, %parallel_loop3A_406 : vector<16xi32>
        %parallel_loop3A_408 = tpu.bitcast %parallel_loop3A_407 : vector<16xi32> -> vector<16xf32>
        %parallel_loop3A_409 = arith.constant -65536 : i32
        %parallel_loop3A_410 = vector.broadcast %parallel_loop3A_409 : i32 to vector<16xi32>
        %parallel_loop3A_411 = arith.andi %parallel_loop3A_404, %parallel_loop3A_410 : vector<16xi32>
        %parallel_loop3A_412 = tpu.bitcast %parallel_loop3A_411 : vector<16xi32> -> vector<16xf32>
        %parallel_loop3A_413 = arith.constant 192 : i32
        %parallel_loop3A_414 = arith.addi %parallel_loop3A_136, %parallel_loop3A_413 : i32
        %parallel_loop3A_415 = arith.constant 192 : i32
        %parallel_loop3A_416 = arith.addi %parallel_loop3A_136, %parallel_loop3A_415 : i32
        %parallel_loop3A_417 = arith.constant 16 : i32
        %parallel_loop3A_418 = arith.addi %parallel_loop3A_416, %parallel_loop3A_417 : i32
        %parallel_loop3A_419 = arith.index_cast %parallel_loop3A_414 : i32 to index
        %parallel_loop3A_420 = tpu.vector_load %arg15[%parallel_loop3A_419] {strides = array<i32>} : memref<6144xf32, #tpu.memory_space<vmem>>, vector<16xf32>,
        %parallel_loop3A_421 = arith.addf %parallel_loop3A_420, %parallel_loop3A_396 : vector<16xf32>
        %parallel_loop3A_422 = arith.addf %parallel_loop3A_421, %parallel_loop3A_408 : vector<16xf32>
        %parallel_loop3A_423 = arith.index_cast %parallel_loop3A_414 : i32 to index
        %parallel_loop3A_424 = tpu.vector_load %arg17[%parallel_loop3A_423] {strides = array<i32>} : memref<6144xf32, #tpu.memory_space<vmem>>, vector<16xf32>,
        tpu.vector_store %arg17[%parallel_loop3A_423], %parallel_loop3A_422 {strides = array<i32>} : memref<6144xf32, #tpu.memory_space<vmem>>, vector<16xf32>,
        %parallel_loop3A_425 = arith.index_cast %parallel_loop3A_418 : i32 to index
        %parallel_loop3A_426 = tpu.vector_load %arg15[%parallel_loop3A_425] {strides = array<i32>} : memref<6144xf32, #tpu.memory_space<vmem>>, vector<16xf32>,
        %parallel_loop3A_427 = arith.addf %parallel_loop3A_426, %parallel_loop3A_400 : vector<16xf32>
        %parallel_loop3A_428 = arith.addf %parallel_loop3A_427, %parallel_loop3A_412 : vector<16xf32>
        %parallel_loop3A_429 = arith.index_cast %parallel_loop3A_418 : i32 to index
        %parallel_loop3A_430 = tpu.vector_load %arg17[%parallel_loop3A_429] {strides = array<i32>} : memref<6144xf32, #tpu.memory_space<vmem>>, vector<16xf32>,
        tpu.vector_store %arg17[%parallel_loop3A_429], %parallel_loop3A_428 {strides = array<i32>} : memref<6144xf32, #tpu.memory_space<vmem>>, vector<16xf32>,
        %parallel_loop3A_431 = arith.constant 112 : i32
        %parallel_loop3A_432 = arith.addi %parallel_loop3A_130, %parallel_loop3A_431 : i32
        %parallel_loop3A_433 = arith.index_cast %parallel_loop3A_432 : i32 to index
        %parallel_loop3A_434 = tpu.vector_load %arg13[%parallel_loop3A_433] {strides = array<i32>} : memref<49152xi32, #tpu.memory_space<vmem>>, vector<16xi32>,
        %parallel_loop3A_435 = arith.constant 16 : i32
        %parallel_loop3A_436 = vector.broadcast %parallel_loop3A_435 : i32 to vector<16xi32>
        %parallel_loop3A_437 = arith.shli %parallel_loop3A_434, %parallel_loop3A_436 : vector<16xi32>
        %parallel_loop3A_438 = tpu.bitcast %parallel_loop3A_437 : vector<16xi32> -> vector<16xf32>
        %parallel_loop3A_439 = arith.constant -65536 : i32
        %parallel_loop3A_440 = vector.broadcast %parallel_loop3A_439 : i32 to vector<16xi32>
        %parallel_loop3A_441 = arith.andi %parallel_loop3A_434, %parallel_loop3A_440 : vector<16xi32>
        %parallel_loop3A_442 = tpu.bitcast %parallel_loop3A_441 : vector<16xi32> -> vector<16xf32>
        %parallel_loop3A_443 = arith.constant 112 : i32
        %parallel_loop3A_444 = arith.addi %parallel_loop3A_134, %parallel_loop3A_443 : i32
        %parallel_loop3A_445 = arith.index_cast %parallel_loop3A_444 : i32 to index
        %parallel_loop3A_446 = tpu.vector_load %arg14[%parallel_loop3A_445] {strides = array<i32>} : memref<49152xi32, #tpu.memory_space<vmem>>, vector<16xi32>,
        %parallel_loop3A_447 = arith.constant 16 : i32
        %parallel_loop3A_448 = vector.broadcast %parallel_loop3A_447 : i32 to vector<16xi32>
        %parallel_loop3A_449 = arith.shli %parallel_loop3A_446, %parallel_loop3A_448 : vector<16xi32>
        %parallel_loop3A_450 = tpu.bitcast %parallel_loop3A_449 : vector<16xi32> -> vector<16xf32>
        %parallel_loop3A_451 = arith.constant -65536 : i32
        %parallel_loop3A_452 = vector.broadcast %parallel_loop3A_451 : i32 to vector<16xi32>
        %parallel_loop3A_453 = arith.andi %parallel_loop3A_446, %parallel_loop3A_452 : vector<16xi32>
        %parallel_loop3A_454 = tpu.bitcast %parallel_loop3A_453 : vector<16xi32> -> vector<16xf32>
        %parallel_loop3A_455 = arith.constant 224 : i32
        %parallel_loop3A_456 = arith.addi %parallel_loop3A_136, %parallel_loop3A_455 : i32
        %parallel_loop3A_457 = arith.constant 224 : i32
        %parallel_loop3A_458 = arith.addi %parallel_loop3A_136, %parallel_loop3A_457 : i32
        %parallel_loop3A_459 = arith.constant 16 : i32
        %parallel_loop3A_460 = arith.addi %parallel_loop3A_458, %parallel_loop3A_459 : i32
        %parallel_loop3A_461 = arith.index_cast %parallel_loop3A_456 : i32 to index
        %parallel_loop3A_462 = tpu.vector_load %arg15[%parallel_loop3A_461] {strides = array<i32>} : memref<6144xf32, #tpu.memory_space<vmem>>, vector<16xf32>,
        %parallel_loop3A_463 = arith.addf %parallel_loop3A_462, %parallel_loop3A_438 : vector<16xf32>
        %parallel_loop3A_464 = arith.addf %parallel_loop3A_463, %parallel_loop3A_450 : vector<16xf32>
        %parallel_loop3A_465 = arith.index_cast %parallel_loop3A_456 : i32 to index
        %parallel_loop3A_466 = tpu.vector_load %arg17[%parallel_loop3A_465] {strides = array<i32>} : memref<6144xf32, #tpu.memory_space<vmem>>, vector<16xf32>,
        tpu.vector_store %arg17[%parallel_loop3A_465], %parallel_loop3A_464 {strides = array<i32>} : memref<6144xf32, #tpu.memory_space<vmem>>, vector<16xf32>,
        %parallel_loop3A_467 = arith.index_cast %parallel_loop3A_460 : i32 to index
        %parallel_loop3A_468 = tpu.vector_load %arg15[%parallel_loop3A_467] {strides = array<i32>} : memref<6144xf32, #tpu.memory_space<vmem>>, vector<16xf32>,
        %parallel_loop3A_469 = arith.addf %parallel_loop3A_468, %parallel_loop3A_442 : vector<16xf32>
        %parallel_loop3A_470 = arith.addf %parallel_loop3A_469, %parallel_loop3A_454 : vector<16xf32>
        %parallel_loop3A_471 = arith.index_cast %parallel_loop3A_460 : i32 to index
        %parallel_loop3A_472 = tpu.vector_load %arg17[%parallel_loop3A_471] {strides = array<i32>} : memref<6144xf32, #tpu.memory_space<vmem>>, vector<16xf32>,
        tpu.vector_store %arg17[%parallel_loop3A_471], %parallel_loop3A_470 {strides = array<i32>} : memref<6144xf32, #tpu.memory_space<vmem>>, vector<16xf32>,
        %parallel_loop3A_473 = arith.constant 128 : i32
        %parallel_loop3A_474 = arith.addi %parallel_loop3A_130, %parallel_loop3A_473 : i32
        %parallel_loop3A_475 = arith.index_cast %parallel_loop3A_474 : i32 to index
        %parallel_loop3A_476 = tpu.vector_load %arg13[%parallel_loop3A_475] {strides = array<i32>} : memref<49152xi32, #tpu.memory_space<vmem>>, vector<16xi32>,
        %parallel_loop3A_477 = arith.constant 16 : i32
        %parallel_loop3A_478 = vector.broadcast %parallel_loop3A_477 : i32 to vector<16xi32>
        %parallel_loop3A_479 = arith.shli %parallel_loop3A_476, %parallel_loop3A_478 : vector<16xi32>
        %parallel_loop3A_480 = tpu.bitcast %parallel_loop3A_479 : vector<16xi32> -> vector<16xf32>
        %parallel_loop3A_481 = arith.constant -65536 : i32
        %parallel_loop3A_482 = vector.broadcast %parallel_loop3A_481 : i32 to vector<16xi32>
        %parallel_loop3A_483 = arith.andi %parallel_loop3A_476, %parallel_loop3A_482 : vector<16xi32>
        %parallel_loop3A_484 = tpu.bitcast %parallel_loop3A_483 : vector<16xi32> -> vector<16xf32>
        %parallel_loop3A_485 = arith.constant 128 : i32
        %parallel_loop3A_486 = arith.addi %parallel_loop3A_134, %parallel_loop3A_485 : i32
        %parallel_loop3A_487 = arith.index_cast %parallel_loop3A_486 : i32 to index
        %parallel_loop3A_488 = tpu.vector_load %arg14[%parallel_loop3A_487] {strides = array<i32>} : memref<49152xi32, #tpu.memory_space<vmem>>, vector<16xi32>,
        %parallel_loop3A_489 = arith.constant 16 : i32
        %parallel_loop3A_490 = vector.broadcast %parallel_loop3A_489 : i32 to vector<16xi32>
        %parallel_loop3A_491 = arith.shli %parallel_loop3A_488, %parallel_loop3A_490 : vector<16xi32>
        %parallel_loop3A_492 = tpu.bitcast %parallel_loop3A_491 : vector<16xi32> -> vector<16xf32>
        %parallel_loop3A_493 = arith.constant -65536 : i32
        %parallel_loop3A_494 = vector.broadcast %parallel_loop3A_493 : i32 to vector<16xi32>
        %parallel_loop3A_495 = arith.andi %parallel_loop3A_488, %parallel_loop3A_494 : vector<16xi32>
        %parallel_loop3A_496 = tpu.bitcast %parallel_loop3A_495 : vector<16xi32> -> vector<16xf32>
        %parallel_loop3A_497 = arith.constant 256 : i32
        %parallel_loop3A_498 = arith.addi %parallel_loop3A_136, %parallel_loop3A_497 : i32
        %parallel_loop3A_499 = arith.constant 256 : i32
        %parallel_loop3A_500 = arith.addi %parallel_loop3A_136, %parallel_loop3A_499 : i32
        %parallel_loop3A_501 = arith.constant 16 : i32
        %parallel_loop3A_502 = arith.addi %parallel_loop3A_500, %parallel_loop3A_501 : i32
        %parallel_loop3A_503 = arith.index_cast %parallel_loop3A_498 : i32 to index
        %parallel_loop3A_504 = tpu.vector_load %arg15[%parallel_loop3A_503] {strides = array<i32>} : memref<6144xf32, #tpu.memory_space<vmem>>, vector<16xf32>,
        %parallel_loop3A_505 = arith.addf %parallel_loop3A_504, %parallel_loop3A_480 : vector<16xf32>
        %parallel_loop3A_506 = arith.addf %parallel_loop3A_505, %parallel_loop3A_492 : vector<16xf32>
        %parallel_loop3A_507 = arith.index_cast %parallel_loop3A_498 : i32 to index
        %parallel_loop3A_508 = tpu.vector_load %arg17[%parallel_loop3A_507] {strides = array<i32>} : memref<6144xf32, #tpu.memory_space<vmem>>, vector<16xf32>,
        tpu.vector_store %arg17[%parallel_loop3A_507], %parallel_loop3A_506 {strides = array<i32>} : memref<6144xf32, #tpu.memory_space<vmem>>, vector<16xf32>,
        %parallel_loop3A_509 = arith.index_cast %parallel_loop3A_502 : i32 to index
        %parallel_loop3A_510 = tpu.vector_load %arg15[%parallel_loop3A_509] {strides = array<i32>} : memref<6144xf32, #tpu.memory_space<vmem>>, vector<16xf32>,
        %parallel_loop3A_511 = arith.addf %parallel_loop3A_510, %parallel_loop3A_484 : vector<16xf32>
        %parallel_loop3A_512 = arith.addf %parallel_loop3A_511, %parallel_loop3A_496 : vector<16xf32>
        %parallel_loop3A_513 = arith.index_cast %parallel_loop3A_502 : i32 to index
        %parallel_loop3A_514 = tpu.vector_load %arg17[%parallel_loop3A_513] {strides = array<i32>} : memref<6144xf32, #tpu.memory_space<vmem>>, vector<16xf32>,
        tpu.vector_store %arg17[%parallel_loop3A_513], %parallel_loop3A_512 {strides = array<i32>} : memref<6144xf32, #tpu.memory_space<vmem>>, vector<16xf32>,
        %parallel_loop3A_515 = arith.constant 144 : i32
        %parallel_loop3A_516 = arith.addi %parallel_loop3A_130, %parallel_loop3A_515 : i32
        %parallel_loop3A_517 = arith.index_cast %parallel_loop3A_516 : i32 to index
        %parallel_loop3A_518 = tpu.vector_load %arg13[%parallel_loop3A_517] {strides = array<i32>} : memref<49152xi32, #tpu.memory_space<vmem>>, vector<16xi32>,
        %parallel_loop3A_519 = arith.constant 16 : i32
        %parallel_loop3A_520 = vector.broadcast %parallel_loop3A_519 : i32 to vector<16xi32>
        %parallel_loop3A_521 = arith.shli %parallel_loop3A_518, %parallel_loop3A_520 : vector<16xi32>
        %parallel_loop3A_522 = tpu.bitcast %parallel_loop3A_521 : vector<16xi32> -> vector<16xf32>
        %parallel_loop3A_523 = arith.constant -65536 : i32
        %parallel_loop3A_524 = vector.broadcast %parallel_loop3A_523 : i32 to vector<16xi32>
        %parallel_loop3A_525 = arith.andi %parallel_loop3A_518, %parallel_loop3A_524 : vector<16xi32>
        %parallel_loop3A_526 = tpu.bitcast %parallel_loop3A_525 : vector<16xi32> -> vector<16xf32>
        %parallel_loop3A_527 = arith.constant 144 : i32
        %parallel_loop3A_528 = arith.addi %parallel_loop3A_134, %parallel_loop3A_527 : i32
        %parallel_loop3A_529 = arith.index_cast %parallel_loop3A_528 : i32 to index
        %parallel_loop3A_530 = tpu.vector_load %arg14[%parallel_loop3A_529] {strides = array<i32>} : memref<49152xi32, #tpu.memory_space<vmem>>, vector<16xi32>,
        %parallel_loop3A_531 = arith.constant 16 : i32
        %parallel_loop3A_532 = vector.broadcast %parallel_loop3A_531 : i32 to vector<16xi32>
        %parallel_loop3A_533 = arith.shli %parallel_loop3A_530, %parallel_loop3A_532 : vector<16xi32>
        %parallel_loop3A_534 = tpu.bitcast %parallel_loop3A_533 : vector<16xi32> -> vector<16xf32>
        %parallel_loop3A_535 = arith.constant -65536 : i32
        %parallel_loop3A_536 = vector.broadcast %parallel_loop3A_535 : i32 to vector<16xi32>
        %parallel_loop3A_537 = arith.andi %parallel_loop3A_530, %parallel_loop3A_536 : vector<16xi32>
        %parallel_loop3A_538 = tpu.bitcast %parallel_loop3A_537 : vector<16xi32> -> vector<16xf32>
        %parallel_loop3A_539 = arith.constant 288 : i32
        %parallel_loop3A_540 = arith.addi %parallel_loop3A_136, %parallel_loop3A_539 : i32
        %parallel_loop3A_541 = arith.constant 288 : i32
        %parallel_loop3A_542 = arith.addi %parallel_loop3A_136, %parallel_loop3A_541 : i32
        %parallel_loop3A_543 = arith.constant 16 : i32
        %parallel_loop3A_544 = arith.addi %parallel_loop3A_542, %parallel_loop3A_543 : i32
        %parallel_loop3A_545 = arith.index_cast %parallel_loop3A_540 : i32 to index
        %parallel_loop3A_546 = tpu.vector_load %arg15[%parallel_loop3A_545] {strides = array<i32>} : memref<6144xf32, #tpu.memory_space<vmem>>, vector<16xf32>,
        %parallel_loop3A_547 = arith.addf %parallel_loop3A_546, %parallel_loop3A_522 : vector<16xf32>
        %parallel_loop3A_548 = arith.addf %parallel_loop3A_547, %parallel_loop3A_534 : vector<16xf32>
        %parallel_loop3A_549 = arith.index_cast %parallel_loop3A_540 : i32 to index
        %parallel_loop3A_550 = tpu.vector_load %arg17[%parallel_loop3A_549] {strides = array<i32>} : memref<6144xf32, #tpu.memory_space<vmem>>, vector<16xf32>,
        tpu.vector_store %arg17[%parallel_loop3A_549], %parallel_loop3A_548 {strides = array<i32>} : memref<6144xf32, #tpu.memory_space<vmem>>, vector<16xf32>,
        %parallel_loop3A_551 = arith.index_cast %parallel_loop3A_544 : i32 to index
        %parallel_loop3A_552 = tpu.vector_load %arg15[%parallel_loop3A_551] {strides = array<i32>} : memref<6144xf32, #tpu.memory_space<vmem>>, vector<16xf32>,
        %parallel_loop3A_553 = arith.addf %parallel_loop3A_552, %parallel_loop3A_526 : vector<16xf32>
        %parallel_loop3A_554 = arith.addf %parallel_loop3A_553, %parallel_loop3A_538 : vector<16xf32>
        %parallel_loop3A_555 = arith.index_cast %parallel_loop3A_544 : i32 to index
        %parallel_loop3A_556 = tpu.vector_load %arg17[%parallel_loop3A_555] {strides = array<i32>} : memref<6144xf32, #tpu.memory_space<vmem>>, vector<16xf32>,
        tpu.vector_store %arg17[%parallel_loop3A_555], %parallel_loop3A_554 {strides = array<i32>} : memref<6144xf32, #tpu.memory_space<vmem>>, vector<16xf32>,
        %parallel_loop3A_557 = arith.constant 160 : i32
        %parallel_loop3A_558 = arith.addi %parallel_loop3A_130, %parallel_loop3A_557 : i32
        %parallel_loop3A_559 = arith.index_cast %parallel_loop3A_558 : i32 to index
        %parallel_loop3A_560 = tpu.vector_load %arg13[%parallel_loop3A_559] {strides = array<i32>} : memref<49152xi32, #tpu.memory_space<vmem>>, vector<16xi32>,
        %parallel_loop3A_561 = arith.constant 16 : i32
        %parallel_loop3A_562 = vector.broadcast %parallel_loop3A_561 : i32 to vector<16xi32>
        %parallel_loop3A_563 = arith.shli %parallel_loop3A_560, %parallel_loop3A_562 : vector<16xi32>
        %parallel_loop3A_564 = tpu.bitcast %parallel_loop3A_563 : vector<16xi32> -> vector<16xf32>
        %parallel_loop3A_565 = arith.constant -65536 : i32
        %parallel_loop3A_566 = vector.broadcast %parallel_loop3A_565 : i32 to vector<16xi32>
        %parallel_loop3A_567 = arith.andi %parallel_loop3A_560, %parallel_loop3A_566 : vector<16xi32>
        %parallel_loop3A_568 = tpu.bitcast %parallel_loop3A_567 : vector<16xi32> -> vector<16xf32>
        %parallel_loop3A_569 = arith.constant 160 : i32
        %parallel_loop3A_570 = arith.addi %parallel_loop3A_134, %parallel_loop3A_569 : i32
        %parallel_loop3A_571 = arith.index_cast %parallel_loop3A_570 : i32 to index
        %parallel_loop3A_572 = tpu.vector_load %arg14[%parallel_loop3A_571] {strides = array<i32>} : memref<49152xi32, #tpu.memory_space<vmem>>, vector<16xi32>,
        %parallel_loop3A_573 = arith.constant 16 : i32
        %parallel_loop3A_574 = vector.broadcast %parallel_loop3A_573 : i32 to vector<16xi32>
        %parallel_loop3A_575 = arith.shli %parallel_loop3A_572, %parallel_loop3A_574 : vector<16xi32>
        %parallel_loop3A_576 = tpu.bitcast %parallel_loop3A_575 : vector<16xi32> -> vector<16xf32>
        %parallel_loop3A_577 = arith.constant -65536 : i32
        %parallel_loop3A_578 = vector.broadcast %parallel_loop3A_577 : i32 to vector<16xi32>
        %parallel_loop3A_579 = arith.andi %parallel_loop3A_572, %parallel_loop3A_578 : vector<16xi32>
        %parallel_loop3A_580 = tpu.bitcast %parallel_loop3A_579 : vector<16xi32> -> vector<16xf32>
        %parallel_loop3A_581 = arith.constant 320 : i32
        %parallel_loop3A_582 = arith.addi %parallel_loop3A_136, %parallel_loop3A_581 : i32
        %parallel_loop3A_583 = arith.constant 320 : i32
        %parallel_loop3A_584 = arith.addi %parallel_loop3A_136, %parallel_loop3A_583 : i32
        %parallel_loop3A_585 = arith.constant 16 : i32
        %parallel_loop3A_586 = arith.addi %parallel_loop3A_584, %parallel_loop3A_585 : i32
        %parallel_loop3A_587 = arith.index_cast %parallel_loop3A_582 : i32 to index
        %parallel_loop3A_588 = tpu.vector_load %arg15[%parallel_loop3A_587] {strides = array<i32>} : memref<6144xf32, #tpu.memory_space<vmem>>, vector<16xf32>,
        %parallel_loop3A_589 = arith.addf %parallel_loop3A_588, %parallel_loop3A_564 : vector<16xf32>
        %parallel_loop3A_590 = arith.addf %parallel_loop3A_589, %parallel_loop3A_576 : vector<16xf32>
        %parallel_loop3A_591 = arith.index_cast %parallel_loop3A_582 : i32 to index
        %parallel_loop3A_592 = tpu.vector_load %arg17[%parallel_loop3A_591] {strides = array<i32>} : memref<6144xf32, #tpu.memory_space<vmem>>, vector<16xf32>,
        tpu.vector_store %arg17[%parallel_loop3A_591], %parallel_loop3A_590 {strides = array<i32>} : memref<6144xf32, #tpu.memory_space<vmem>>, vector<16xf32>,
        %parallel_loop3A_593 = arith.index_cast %parallel_loop3A_586 : i32 to index
        %parallel_loop3A_594 = tpu.vector_load %arg15[%parallel_loop3A_593] {strides = array<i32>} : memref<6144xf32, #tpu.memory_space<vmem>>, vector<16xf32>,
        %parallel_loop3A_595 = arith.addf %parallel_loop3A_594, %parallel_loop3A_568 : vector<16xf32>
        %parallel_loop3A_596 = arith.addf %parallel_loop3A_595, %parallel_loop3A_580 : vector<16xf32>
        %parallel_loop3A_597 = arith.index_cast %parallel_loop3A_586 : i32 to index
        %parallel_loop3A_598 = tpu.vector_load %arg17[%parallel_loop3A_597] {strides = array<i32>} : memref<6144xf32, #tpu.memory_space<vmem>>, vector<16xf32>,
        tpu.vector_store %arg17[%parallel_loop3A_597], %parallel_loop3A_596 {strides = array<i32>} : memref<6144xf32, #tpu.memory_space<vmem>>, vector<16xf32>,
        %parallel_loop3A_599 = arith.constant 176 : i32
        %parallel_loop3A_600 = arith.addi %parallel_loop3A_130, %parallel_loop3A_599 : i32
        %parallel_loop3A_601 = arith.index_cast %parallel_loop3A_600 : i32 to index
        %parallel_loop3A_602 = tpu.vector_load %arg13[%parallel_loop3A_601] {strides = array<i32>} : memref<49152xi32, #tpu.memory_space<vmem>>, vector<16xi32>,
        %parallel_loop3A_603 = arith.constant 16 : i32
        %parallel_loop3A_604 = vector.broadcast %parallel_loop3A_603 : i32 to vector<16xi32>
        %parallel_loop3A_605 = arith.shli %parallel_loop3A_602, %parallel_loop3A_604 : vector<16xi32>
        %parallel_loop3A_606 = tpu.bitcast %parallel_loop3A_605 : vector<16xi32> -> vector<16xf32>
        %parallel_loop3A_607 = arith.constant -65536 : i32
        %parallel_loop3A_608 = vector.broadcast %parallel_loop3A_607 : i32 to vector<16xi32>
        %parallel_loop3A_609 = arith.andi %parallel_loop3A_602, %parallel_loop3A_608 : vector<16xi32>
        %parallel_loop3A_610 = tpu.bitcast %parallel_loop3A_609 : vector<16xi32> -> vector<16xf32>
        %parallel_loop3A_611 = arith.constant 176 : i32
        %parallel_loop3A_612 = arith.addi %parallel_loop3A_134, %parallel_loop3A_611 : i32
        %parallel_loop3A_613 = arith.index_cast %parallel_loop3A_612 : i32 to index
        %parallel_loop3A_614 = tpu.vector_load %arg14[%parallel_loop3A_613] {strides = array<i32>} : memref<49152xi32, #tpu.memory_space<vmem>>, vector<16xi32>,
        %parallel_loop3A_615 = arith.constant 16 : i32
        %parallel_loop3A_616 = vector.broadcast %parallel_loop3A_615 : i32 to vector<16xi32>
        %parallel_loop3A_617 = arith.shli %parallel_loop3A_614, %parallel_loop3A_616 : vector<16xi32>
        %parallel_loop3A_618 = tpu.bitcast %parallel_loop3A_617 : vector<16xi32> -> vector<16xf32>
        %parallel_loop3A_619 = arith.constant -65536 : i32
        %parallel_loop3A_620 = vector.broadcast %parallel_loop3A_619 : i32 to vector<16xi32>
        %parallel_loop3A_621 = arith.andi %parallel_loop3A_614, %parallel_loop3A_620 : vector<16xi32>
        %parallel_loop3A_622 = tpu.bitcast %parallel_loop3A_621 : vector<16xi32> -> vector<16xf32>
        %parallel_loop3A_623 = arith.constant 352 : i32
        %parallel_loop3A_624 = arith.addi %parallel_loop3A_136, %parallel_loop3A_623 : i32
        %parallel_loop3A_625 = arith.constant 352 : i32
        %parallel_loop3A_626 = arith.addi %parallel_loop3A_136, %parallel_loop3A_625 : i32
        %parallel_loop3A_627 = arith.constant 16 : i32
        %parallel_loop3A_628 = arith.addi %parallel_loop3A_626, %parallel_loop3A_627 : i32
        %parallel_loop3A_629 = arith.index_cast %parallel_loop3A_624 : i32 to index
        %parallel_loop3A_630 = tpu.vector_load %arg15[%parallel_loop3A_629] {strides = array<i32>} : memref<6144xf32, #tpu.memory_space<vmem>>, vector<16xf32>,
        %parallel_loop3A_631 = arith.addf %parallel_loop3A_630, %parallel_loop3A_606 : vector<16xf32>
        %parallel_loop3A_632 = arith.addf %parallel_loop3A_631, %parallel_loop3A_618 : vector<16xf32>
        %parallel_loop3A_633 = arith.index_cast %parallel_loop3A_624 : i32 to index
        %parallel_loop3A_634 = tpu.vector_load %arg17[%parallel_loop3A_633] {strides = array<i32>} : memref<6144xf32, #tpu.memory_space<vmem>>, vector<16xf32>,
        tpu.vector_store %arg17[%parallel_loop3A_633], %parallel_loop3A_632 {strides = array<i32>} : memref<6144xf32, #tpu.memory_space<vmem>>, vector<16xf32>,
        %parallel_loop3A_635 = arith.index_cast %parallel_loop3A_628 : i32 to index
        %parallel_loop3A_636 = tpu.vector_load %arg15[%parallel_loop3A_635] {strides = array<i32>} : memref<6144xf32, #tpu.memory_space<vmem>>, vector<16xf32>,
        %parallel_loop3A_637 = arith.addf %parallel_loop3A_636, %parallel_loop3A_610 : vector<16xf32>
        %parallel_loop3A_638 = arith.addf %parallel_loop3A_637, %parallel_loop3A_622 : vector<16xf32>
        %parallel_loop3A_639 = arith.index_cast %parallel_loop3A_628 : i32 to index
        %parallel_loop3A_640 = tpu.vector_load %arg17[%parallel_loop3A_639] {strides = array<i32>} : memref<6144xf32, #tpu.memory_space<vmem>>, vector<16xf32>,
        tpu.vector_store %arg17[%parallel_loop3A_639], %parallel_loop3A_638 {strides = array<i32>} : memref<6144xf32, #tpu.memory_space<vmem>>, vector<16xf32>,
        %parallel_loop3A_641 = arith.constant 192 : i32
        %parallel_loop3A_642 = arith.addi %parallel_loop3A_130, %parallel_loop3A_641 : i32
        %parallel_loop3A_643 = arith.index_cast %parallel_loop3A_642 : i32 to index
        %parallel_loop3A_644 = tpu.vector_load %arg13[%parallel_loop3A_643] {strides = array<i32>} : memref<49152xi32, #tpu.memory_space<vmem>>, vector<16xi32>,
        %parallel_loop3A_645 = arith.constant 16 : i32
        %parallel_loop3A_646 = vector.broadcast %parallel_loop3A_645 : i32 to vector<16xi32>
        %parallel_loop3A_647 = arith.shli %parallel_loop3A_644, %parallel_loop3A_646 : vector<16xi32>
        %parallel_loop3A_648 = tpu.bitcast %parallel_loop3A_647 : vector<16xi32> -> vector<16xf32>
        %parallel_loop3A_649 = arith.constant -65536 : i32
        %parallel_loop3A_650 = vector.broadcast %parallel_loop3A_649 : i32 to vector<16xi32>
        %parallel_loop3A_651 = arith.andi %parallel_loop3A_644, %parallel_loop3A_650 : vector<16xi32>
        %parallel_loop3A_652 = tpu.bitcast %parallel_loop3A_651 : vector<16xi32> -> vector<16xf32>
        %parallel_loop3A_653 = arith.constant 192 : i32
        %parallel_loop3A_654 = arith.addi %parallel_loop3A_134, %parallel_loop3A_653 : i32
        %parallel_loop3A_655 = arith.index_cast %parallel_loop3A_654 : i32 to index
        %parallel_loop3A_656 = tpu.vector_load %arg14[%parallel_loop3A_655] {strides = array<i32>} : memref<49152xi32, #tpu.memory_space<vmem>>, vector<16xi32>,
        %parallel_loop3A_657 = arith.constant 16 : i32
        %parallel_loop3A_658 = vector.broadcast %parallel_loop3A_657 : i32 to vector<16xi32>
        %parallel_loop3A_659 = arith.shli %parallel_loop3A_656, %parallel_loop3A_658 : vector<16xi32>
        %parallel_loop3A_660 = tpu.bitcast %parallel_loop3A_659 : vector<16xi32> -> vector<16xf32>
        %parallel_loop3A_661 = arith.constant -65536 : i32
        %parallel_loop3A_662 = vector.broadcast %parallel_loop3A_661 : i32 to vector<16xi32>
        %parallel_loop3A_663 = arith.andi %parallel_loop3A_656, %parallel_loop3A_662 : vector<16xi32>
        %parallel_loop3A_664 = tpu.bitcast %parallel_loop3A_663 : vector<16xi32> -> vector<16xf32>
        %parallel_loop3A_665 = arith.constant 384 : i32
        %parallel_loop3A_666 = arith.addi %parallel_loop3A_136, %parallel_loop3A_665 : i32
        %parallel_loop3A_667 = arith.constant 384 : i32
        %parallel_loop3A_668 = arith.addi %parallel_loop3A_136, %parallel_loop3A_667 : i32
        %parallel_loop3A_669 = arith.constant 16 : i32
        %parallel_loop3A_670 = arith.addi %parallel_loop3A_668, %parallel_loop3A_669 : i32
        %parallel_loop3A_671 = arith.index_cast %parallel_loop3A_666 : i32 to index
        %parallel_loop3A_672 = tpu.vector_load %arg15[%parallel_loop3A_671] {strides = array<i32>} : memref<6144xf32, #tpu.memory_space<vmem>>, vector<16xf32>,
        %parallel_loop3A_673 = arith.addf %parallel_loop3A_672, %parallel_loop3A_648 : vector<16xf32>
        %parallel_loop3A_674 = arith.addf %parallel_loop3A_673, %parallel_loop3A_660 : vector<16xf32>
        %parallel_loop3A_675 = arith.index_cast %parallel_loop3A_666 : i32 to index
        %parallel_loop3A_676 = tpu.vector_load %arg17[%parallel_loop3A_675] {strides = array<i32>} : memref<6144xf32, #tpu.memory_space<vmem>>, vector<16xf32>,
        tpu.vector_store %arg17[%parallel_loop3A_675], %parallel_loop3A_674 {strides = array<i32>} : memref<6144xf32, #tpu.memory_space<vmem>>, vector<16xf32>,
        %parallel_loop3A_677 = arith.index_cast %parallel_loop3A_670 : i32 to index
        %parallel_loop3A_678 = tpu.vector_load %arg15[%parallel_loop3A_677] {strides = array<i32>} : memref<6144xf32, #tpu.memory_space<vmem>>, vector<16xf32>,
        %parallel_loop3A_679 = arith.addf %parallel_loop3A_678, %parallel_loop3A_652 : vector<16xf32>
        %parallel_loop3A_680 = arith.addf %parallel_loop3A_679, %parallel_loop3A_664 : vector<16xf32>
        %parallel_loop3A_681 = arith.index_cast %parallel_loop3A_670 : i32 to index
        %parallel_loop3A_682 = tpu.vector_load %arg17[%parallel_loop3A_681] {strides = array<i32>} : memref<6144xf32, #tpu.memory_space<vmem>>, vector<16xf32>,
        tpu.vector_store %arg17[%parallel_loop3A_681], %parallel_loop3A_680 {strides = array<i32>} : memref<6144xf32, #tpu.memory_space<vmem>>, vector<16xf32>,
        %parallel_loop3A_683 = arith.constant 208 : i32
        %parallel_loop3A_684 = arith.addi %parallel_loop3A_130, %parallel_loop3A_683 : i32
        %parallel_loop3A_685 = arith.index_cast %parallel_loop3A_684 : i32 to index
        %parallel_loop3A_686 = tpu.vector_load %arg13[%parallel_loop3A_685] {strides = array<i32>} : memref<49152xi32, #tpu.memory_space<vmem>>, vector<16xi32>,
        %parallel_loop3A_687 = arith.constant 16 : i32
        %parallel_loop3A_688 = vector.broadcast %parallel_loop3A_687 : i32 to vector<16xi32>
        %parallel_loop3A_689 = arith.shli %parallel_loop3A_686, %parallel_loop3A_688 : vector<16xi32>
        %parallel_loop3A_690 = tpu.bitcast %parallel_loop3A_689 : vector<16xi32> -> vector<16xf32>
        %parallel_loop3A_691 = arith.constant -65536 : i32
        %parallel_loop3A_692 = vector.broadcast %parallel_loop3A_691 : i32 to vector<16xi32>
        %parallel_loop3A_693 = arith.andi %parallel_loop3A_686, %parallel_loop3A_692 : vector<16xi32>
        %parallel_loop3A_694 = tpu.bitcast %parallel_loop3A_693 : vector<16xi32> -> vector<16xf32>
        %parallel_loop3A_695 = arith.constant 208 : i32
        %parallel_loop3A_696 = arith.addi %parallel_loop3A_134, %parallel_loop3A_695 : i32
        %parallel_loop3A_697 = arith.index_cast %parallel_loop3A_696 : i32 to index
        %parallel_loop3A_698 = tpu.vector_load %arg14[%parallel_loop3A_697] {strides = array<i32>} : memref<49152xi32, #tpu.memory_space<vmem>>, vector<16xi32>,
        %parallel_loop3A_699 = arith.constant 16 : i32
        %parallel_loop3A_700 = vector.broadcast %parallel_loop3A_699 : i32 to vector<16xi32>
        %parallel_loop3A_701 = arith.shli %parallel_loop3A_698, %parallel_loop3A_700 : vector<16xi32>
        %parallel_loop3A_702 = tpu.bitcast %parallel_loop3A_701 : vector<16xi32> -> vector<16xf32>
        %parallel_loop3A_703 = arith.constant -65536 : i32
        %parallel_loop3A_704 = vector.broadcast %parallel_loop3A_703 : i32 to vector<16xi32>
        %parallel_loop3A_705 = arith.andi %parallel_loop3A_698, %parallel_loop3A_704 : vector<16xi32>
        %parallel_loop3A_706 = tpu.bitcast %parallel_loop3A_705 : vector<16xi32> -> vector<16xf32>
        %parallel_loop3A_707 = arith.constant 416 : i32
        %parallel_loop3A_708 = arith.addi %parallel_loop3A_136, %parallel_loop3A_707 : i32
        %parallel_loop3A_709 = arith.constant 416 : i32
        %parallel_loop3A_710 = arith.addi %parallel_loop3A_136, %parallel_loop3A_709 : i32
        %parallel_loop3A_711 = arith.constant 16 : i32
        %parallel_loop3A_712 = arith.addi %parallel_loop3A_710, %parallel_loop3A_711 : i32
        %parallel_loop3A_713 = arith.index_cast %parallel_loop3A_708 : i32 to index
        %parallel_loop3A_714 = tpu.vector_load %arg15[%parallel_loop3A_713] {strides = array<i32>} : memref<6144xf32, #tpu.memory_space<vmem>>, vector<16xf32>,
        %parallel_loop3A_715 = arith.addf %parallel_loop3A_714, %parallel_loop3A_690 : vector<16xf32>
        %parallel_loop3A_716 = arith.addf %parallel_loop3A_715, %parallel_loop3A_702 : vector<16xf32>
        %parallel_loop3A_717 = arith.index_cast %parallel_loop3A_708 : i32 to index
        %parallel_loop3A_718 = tpu.vector_load %arg17[%parallel_loop3A_717] {strides = array<i32>} : memref<6144xf32, #tpu.memory_space<vmem>>, vector<16xf32>,
        tpu.vector_store %arg17[%parallel_loop3A_717], %parallel_loop3A_716 {strides = array<i32>} : memref<6144xf32, #tpu.memory_space<vmem>>, vector<16xf32>,
        %parallel_loop3A_719 = arith.index_cast %parallel_loop3A_712 : i32 to index
        %parallel_loop3A_720 = tpu.vector_load %arg15[%parallel_loop3A_719] {strides = array<i32>} : memref<6144xf32, #tpu.memory_space<vmem>>, vector<16xf32>,
        %parallel_loop3A_721 = arith.addf %parallel_loop3A_720, %parallel_loop3A_694 : vector<16xf32>
        %parallel_loop3A_722 = arith.addf %parallel_loop3A_721, %parallel_loop3A_706 : vector<16xf32>
        %parallel_loop3A_723 = arith.index_cast %parallel_loop3A_712 : i32 to index
        %parallel_loop3A_724 = tpu.vector_load %arg17[%parallel_loop3A_723] {strides = array<i32>} : memref<6144xf32, #tpu.memory_space<vmem>>, vector<16xf32>,
        tpu.vector_store %arg17[%parallel_loop3A_723], %parallel_loop3A_722 {strides = array<i32>} : memref<6144xf32, #tpu.memory_space<vmem>>, vector<16xf32>,
        %parallel_loop3A_725 = arith.constant 224 : i32
        %parallel_loop3A_726 = arith.addi %parallel_loop3A_130, %parallel_loop3A_725 : i32
        %parallel_loop3A_727 = arith.index_cast %parallel_loop3A_726 : i32 to index
        %parallel_loop3A_728 = tpu.vector_load %arg13[%parallel_loop3A_727] {strides = array<i32>} : memref<49152xi32, #tpu.memory_space<vmem>>, vector<16xi32>,
        %parallel_loop3A_729 = arith.constant 16 : i32
        %parallel_loop3A_730 = vector.broadcast %parallel_loop3A_729 : i32 to vector<16xi32>
        %parallel_loop3A_731 = arith.shli %parallel_loop3A_728, %parallel_loop3A_730 : vector<16xi32>
        %parallel_loop3A_732 = tpu.bitcast %parallel_loop3A_731 : vector<16xi32> -> vector<16xf32>
        %parallel_loop3A_733 = arith.constant -65536 : i32
        %parallel_loop3A_734 = vector.broadcast %parallel_loop3A_733 : i32 to vector<16xi32>
        %parallel_loop3A_735 = arith.andi %parallel_loop3A_728, %parallel_loop3A_734 : vector<16xi32>
        %parallel_loop3A_736 = tpu.bitcast %parallel_loop3A_735 : vector<16xi32> -> vector<16xf32>
        %parallel_loop3A_737 = arith.constant 224 : i32
        %parallel_loop3A_738 = arith.addi %parallel_loop3A_134, %parallel_loop3A_737 : i32
        %parallel_loop3A_739 = arith.index_cast %parallel_loop3A_738 : i32 to index
        %parallel_loop3A_740 = tpu.vector_load %arg14[%parallel_loop3A_739] {strides = array<i32>} : memref<49152xi32, #tpu.memory_space<vmem>>, vector<16xi32>,
        %parallel_loop3A_741 = arith.constant 16 : i32
        %parallel_loop3A_742 = vector.broadcast %parallel_loop3A_741 : i32 to vector<16xi32>
        %parallel_loop3A_743 = arith.shli %parallel_loop3A_740, %parallel_loop3A_742 : vector<16xi32>
        %parallel_loop3A_744 = tpu.bitcast %parallel_loop3A_743 : vector<16xi32> -> vector<16xf32>
        %parallel_loop3A_745 = arith.constant -65536 : i32
        %parallel_loop3A_746 = vector.broadcast %parallel_loop3A_745 : i32 to vector<16xi32>
        %parallel_loop3A_747 = arith.andi %parallel_loop3A_740, %parallel_loop3A_746 : vector<16xi32>
        %parallel_loop3A_748 = tpu.bitcast %parallel_loop3A_747 : vector<16xi32> -> vector<16xf32>
        %parallel_loop3A_749 = arith.constant 448 : i32
        %parallel_loop3A_750 = arith.addi %parallel_loop3A_136, %parallel_loop3A_749 : i32
        %parallel_loop3A_751 = arith.constant 448 : i32
        %parallel_loop3A_752 = arith.addi %parallel_loop3A_136, %parallel_loop3A_751 : i32
        %parallel_loop3A_753 = arith.constant 16 : i32
        %parallel_loop3A_754 = arith.addi %parallel_loop3A_752, %parallel_loop3A_753 : i32
        %parallel_loop3A_755 = arith.index_cast %parallel_loop3A_750 : i32 to index
        %parallel_loop3A_756 = tpu.vector_load %arg15[%parallel_loop3A_755] {strides = array<i32>} : memref<6144xf32, #tpu.memory_space<vmem>>, vector<16xf32>,
        %parallel_loop3A_757 = arith.addf %parallel_loop3A_756, %parallel_loop3A_732 : vector<16xf32>
        %parallel_loop3A_758 = arith.addf %parallel_loop3A_757, %parallel_loop3A_744 : vector<16xf32>
        %parallel_loop3A_759 = arith.index_cast %parallel_loop3A_750 : i32 to index
        %parallel_loop3A_760 = tpu.vector_load %arg17[%parallel_loop3A_759] {strides = array<i32>} : memref<6144xf32, #tpu.memory_space<vmem>>, vector<16xf32>,
        tpu.vector_store %arg17[%parallel_loop3A_759], %parallel_loop3A_758 {strides = array<i32>} : memref<6144xf32, #tpu.memory_space<vmem>>, vector<16xf32>,
        %parallel_loop3A_761 = arith.index_cast %parallel_loop3A_754 : i32 to index
        %parallel_loop3A_762 = tpu.vector_load %arg15[%parallel_loop3A_761] {strides = array<i32>} : memref<6144xf32, #tpu.memory_space<vmem>>, vector<16xf32>,
        %parallel_loop3A_763 = arith.addf %parallel_loop3A_762, %parallel_loop3A_736 : vector<16xf32>
        %parallel_loop3A_764 = arith.addf %parallel_loop3A_763, %parallel_loop3A_748 : vector<16xf32>
        %parallel_loop3A_765 = arith.index_cast %parallel_loop3A_754 : i32 to index
        %parallel_loop3A_766 = tpu.vector_load %arg17[%parallel_loop3A_765] {strides = array<i32>} : memref<6144xf32, #tpu.memory_space<vmem>>, vector<16xf32>,
        tpu.vector_store %arg17[%parallel_loop3A_765], %parallel_loop3A_764 {strides = array<i32>} : memref<6144xf32, #tpu.memory_space<vmem>>, vector<16xf32>,
        %parallel_loop3A_767 = arith.constant 240 : i32
        %parallel_loop3A_768 = arith.addi %parallel_loop3A_130, %parallel_loop3A_767 : i32
        %parallel_loop3A_769 = arith.index_cast %parallel_loop3A_768 : i32 to index
        %parallel_loop3A_770 = tpu.vector_load %arg13[%parallel_loop3A_769] {strides = array<i32>} : memref<49152xi32, #tpu.memory_space<vmem>>, vector<16xi32>,
        %parallel_loop3A_771 = arith.constant 16 : i32
        %parallel_loop3A_772 = vector.broadcast %parallel_loop3A_771 : i32 to vector<16xi32>
        %parallel_loop3A_773 = arith.shli %parallel_loop3A_770, %parallel_loop3A_772 : vector<16xi32>
        %parallel_loop3A_774 = tpu.bitcast %parallel_loop3A_773 : vector<16xi32> -> vector<16xf32>
        %parallel_loop3A_775 = arith.constant -65536 : i32
        %parallel_loop3A_776 = vector.broadcast %parallel_loop3A_775 : i32 to vector<16xi32>
        %parallel_loop3A_777 = arith.andi %parallel_loop3A_770, %parallel_loop3A_776 : vector<16xi32>
        %parallel_loop3A_778 = tpu.bitcast %parallel_loop3A_777 : vector<16xi32> -> vector<16xf32>
        %parallel_loop3A_779 = arith.constant 240 : i32
        %parallel_loop3A_780 = arith.addi %parallel_loop3A_134, %parallel_loop3A_779 : i32
        %parallel_loop3A_781 = arith.index_cast %parallel_loop3A_780 : i32 to index
        %parallel_loop3A_782 = tpu.vector_load %arg14[%parallel_loop3A_781] {strides = array<i32>} : memref<49152xi32, #tpu.memory_space<vmem>>, vector<16xi32>,
        %parallel_loop3A_783 = arith.constant 16 : i32
        %parallel_loop3A_784 = vector.broadcast %parallel_loop3A_783 : i32 to vector<16xi32>
        %parallel_loop3A_785 = arith.shli %parallel_loop3A_782, %parallel_loop3A_784 : vector<16xi32>
        %parallel_loop3A_786 = tpu.bitcast %parallel_loop3A_785 : vector<16xi32> -> vector<16xf32>
        %parallel_loop3A_787 = arith.constant -65536 : i32
        %parallel_loop3A_788 = vector.broadcast %parallel_loop3A_787 : i32 to vector<16xi32>
        %parallel_loop3A_789 = arith.andi %parallel_loop3A_782, %parallel_loop3A_788 : vector<16xi32>
        %parallel_loop3A_790 = tpu.bitcast %parallel_loop3A_789 : vector<16xi32> -> vector<16xf32>
        %parallel_loop3A_791 = arith.constant 480 : i32
        %parallel_loop3A_792 = arith.addi %parallel_loop3A_136, %parallel_loop3A_791 : i32
        %parallel_loop3A_793 = arith.constant 480 : i32
        %parallel_loop3A_794 = arith.addi %parallel_loop3A_136, %parallel_loop3A_793 : i32
        %parallel_loop3A_795 = arith.constant 16 : i32
        %parallel_loop3A_796 = arith.addi %parallel_loop3A_794, %parallel_loop3A_795 : i32
        %parallel_loop3A_797 = arith.index_cast %parallel_loop3A_792 : i32 to index
        %parallel_loop3A_798 = tpu.vector_load %arg15[%parallel_loop3A_797] {strides = array<i32>} : memref<6144xf32, #tpu.memory_space<vmem>>, vector<16xf32>,
        %parallel_loop3A_799 = arith.addf %parallel_loop3A_798, %parallel_loop3A_774 : vector<16xf32>
        %parallel_loop3A_800 = arith.addf %parallel_loop3A_799, %parallel_loop3A_786 : vector<16xf32>
        %parallel_loop3A_801 = arith.index_cast %parallel_loop3A_792 : i32 to index
        %parallel_loop3A_802 = tpu.vector_load %arg17[%parallel_loop3A_801] {strides = array<i32>} : memref<6144xf32, #tpu.memory_space<vmem>>, vector<16xf32>,
        tpu.vector_store %arg17[%parallel_loop3A_801], %parallel_loop3A_800 {strides = array<i32>} : memref<6144xf32, #tpu.memory_space<vmem>>, vector<16xf32>,
        %parallel_loop3A_803 = arith.index_cast %parallel_loop3A_796 : i32 to index
        %parallel_loop3A_804 = tpu.vector_load %arg15[%parallel_loop3A_803] {strides = array<i32>} : memref<6144xf32, #tpu.memory_space<vmem>>, vector<16xf32>,
        %parallel_loop3A_805 = arith.addf %parallel_loop3A_804, %parallel_loop3A_778 : vector<16xf32>
        %parallel_loop3A_806 = arith.addf %parallel_loop3A_805, %parallel_loop3A_790 : vector<16xf32>
        %parallel_loop3A_807 = arith.index_cast %parallel_loop3A_796 : i32 to index
        %parallel_loop3A_808 = tpu.vector_load %arg17[%parallel_loop3A_807] {strides = array<i32>} : memref<6144xf32, #tpu.memory_space<vmem>>, vector<16xf32>,
        tpu.vector_store %arg17[%parallel_loop3A_807], %parallel_loop3A_806 {strides = array<i32>} : memref<6144xf32, #tpu.memory_space<vmem>>, vector<16xf32>,
        %parallel_loop3A_809 = arith.constant 256 : i32
        %parallel_loop3A_810 = arith.addi %parallel_loop3A_130, %parallel_loop3A_809 : i32
        %parallel_loop3A_811 = arith.index_cast %parallel_loop3A_810 : i32 to index
        %parallel_loop3A_812 = tpu.vector_load %arg13[%parallel_loop3A_811] {strides = array<i32>} : memref<49152xi32, #tpu.memory_space<vmem>>, vector<16xi32>,
        %parallel_loop3A_813 = arith.constant 16 : i32
        %parallel_loop3A_814 = vector.broadcast %parallel_loop3A_813 : i32 to vector<16xi32>
        %parallel_loop3A_815 = arith.shli %parallel_loop3A_812, %parallel_loop3A_814 : vector<16xi32>
        %parallel_loop3A_816 = tpu.bitcast %parallel_loop3A_815 : vector<16xi32> -> vector<16xf32>
        %parallel_loop3A_817 = arith.constant -65536 : i32
        %parallel_loop3A_818 = vector.broadcast %parallel_loop3A_817 : i32 to vector<16xi32>
        %parallel_loop3A_819 = arith.andi %parallel_loop3A_812, %parallel_loop3A_818 : vector<16xi32>
        %parallel_loop3A_820 = tpu.bitcast %parallel_loop3A_819 : vector<16xi32> -> vector<16xf32>
        %parallel_loop3A_821 = arith.constant 256 : i32
        %parallel_loop3A_822 = arith.addi %parallel_loop3A_134, %parallel_loop3A_821 : i32
        %parallel_loop3A_823 = arith.index_cast %parallel_loop3A_822 : i32 to index
        %parallel_loop3A_824 = tpu.vector_load %arg14[%parallel_loop3A_823] {strides = array<i32>} : memref<49152xi32, #tpu.memory_space<vmem>>, vector<16xi32>,
        %parallel_loop3A_825 = arith.constant 16 : i32
        %parallel_loop3A_826 = vector.broadcast %parallel_loop3A_825 : i32 to vector<16xi32>
        %parallel_loop3A_827 = arith.shli %parallel_loop3A_824, %parallel_loop3A_826 : vector<16xi32>
        %parallel_loop3A_828 = tpu.bitcast %parallel_loop3A_827 : vector<16xi32> -> vector<16xf32>
        %parallel_loop3A_829 = arith.constant -65536 : i32
        %parallel_loop3A_830 = vector.broadcast %parallel_loop3A_829 : i32 to vector<16xi32>
        %parallel_loop3A_831 = arith.andi %parallel_loop3A_824, %parallel_loop3A_830 : vector<16xi32>
        %parallel_loop3A_832 = tpu.bitcast %parallel_loop3A_831 : vector<16xi32> -> vector<16xf32>
        %parallel_loop3A_833 = arith.constant 512 : i32
        %parallel_loop3A_834 = arith.addi %parallel_loop3A_136, %parallel_loop3A_833 : i32
        %parallel_loop3A_835 = arith.constant 512 : i32
        %parallel_loop3A_836 = arith.addi %parallel_loop3A_136, %parallel_loop3A_835 : i32
        %parallel_loop3A_837 = arith.constant 16 : i32
        %parallel_loop3A_838 = arith.addi %parallel_loop3A_836, %parallel_loop3A_837 : i32
        %parallel_loop3A_839 = arith.index_cast %parallel_loop3A_834 : i32 to index
        %parallel_loop3A_840 = tpu.vector_load %arg15[%parallel_loop3A_839] {strides = array<i32>} : memref<6144xf32, #tpu.memory_space<vmem>>, vector<16xf32>,
        %parallel_loop3A_841 = arith.addf %parallel_loop3A_840, %parallel_loop3A_816 : vector<16xf32>
        %parallel_loop3A_842 = arith.addf %parallel_loop3A_841, %parallel_loop3A_828 : vector<16xf32>
        %parallel_loop3A_843 = arith.index_cast %parallel_loop3A_834 : i32 to index
        %parallel_loop3A_844 = tpu.vector_load %arg17[%parallel_loop3A_843] {strides = array<i32>} : memref<6144xf32, #tpu.memory_space<vmem>>, vector<16xf32>,
        tpu.vector_store %arg17[%parallel_loop3A_843], %parallel_loop3A_842 {strides = array<i32>} : memref<6144xf32, #tpu.memory_space<vmem>>, vector<16xf32>,
        %parallel_loop3A_845 = arith.index_cast %parallel_loop3A_838 : i32 to index
        %parallel_loop3A_846 = tpu.vector_load %arg15[%parallel_loop3A_845] {strides = array<i32>} : memref<6144xf32, #tpu.memory_space<vmem>>, vector<16xf32>,
        %parallel_loop3A_847 = arith.addf %parallel_loop3A_846, %parallel_loop3A_820 : vector<16xf32>
        %parallel_loop3A_848 = arith.addf %parallel_loop3A_847, %parallel_loop3A_832 : vector<16xf32>
        %parallel_loop3A_849 = arith.index_cast %parallel_loop3A_838 : i32 to index
        %parallel_loop3A_850 = tpu.vector_load %arg17[%parallel_loop3A_849] {strides = array<i32>} : memref<6144xf32, #tpu.memory_space<vmem>>, vector<16xf32>,
        tpu.vector_store %arg17[%parallel_loop3A_849], %parallel_loop3A_848 {strides = array<i32>} : memref<6144xf32, #tpu.memory_space<vmem>>, vector<16xf32>,
        %parallel_loop3A_851 = arith.constant 272 : i32
        %parallel_loop3A_852 = arith.addi %parallel_loop3A_130, %parallel_loop3A_851 : i32
        %parallel_loop3A_853 = arith.index_cast %parallel_loop3A_852 : i32 to index
        %parallel_loop3A_854 = tpu.vector_load %arg13[%parallel_loop3A_853] {strides = array<i32>} : memref<49152xi32, #tpu.memory_space<vmem>>, vector<16xi32>,
        %parallel_loop3A_855 = arith.constant 16 : i32
        %parallel_loop3A_856 = vector.broadcast %parallel_loop3A_855 : i32 to vector<16xi32>
        %parallel_loop3A_857 = arith.shli %parallel_loop3A_854, %parallel_loop3A_856 : vector<16xi32>
        %parallel_loop3A_858 = tpu.bitcast %parallel_loop3A_857 : vector<16xi32> -> vector<16xf32>
        %parallel_loop3A_859 = arith.constant -65536 : i32
        %parallel_loop3A_860 = vector.broadcast %parallel_loop3A_859 : i32 to vector<16xi32>
        %parallel_loop3A_861 = arith.andi %parallel_loop3A_854, %parallel_loop3A_860 : vector<16xi32>
        %parallel_loop3A_862 = tpu.bitcast %parallel_loop3A_861 : vector<16xi32> -> vector<16xf32>
        %parallel_loop3A_863 = arith.constant 272 : i32
        %parallel_loop3A_864 = arith.addi %parallel_loop3A_134, %parallel_loop3A_863 : i32
        %parallel_loop3A_865 = arith.index_cast %parallel_loop3A_864 : i32 to index
        %parallel_loop3A_866 = tpu.vector_load %arg14[%parallel_loop3A_865] {strides = array<i32>} : memref<49152xi32, #tpu.memory_space<vmem>>, vector<16xi32>,
        %parallel_loop3A_867 = arith.constant 16 : i32
        %parallel_loop3A_868 = vector.broadcast %parallel_loop3A_867 : i32 to vector<16xi32>
        %parallel_loop3A_869 = arith.shli %parallel_loop3A_866, %parallel_loop3A_868 : vector<16xi32>
        %parallel_loop3A_870 = tpu.bitcast %parallel_loop3A_869 : vector<16xi32> -> vector<16xf32>
        %parallel_loop3A_871 = arith.constant -65536 : i32
        %parallel_loop3A_872 = vector.broadcast %parallel_loop3A_871 : i32 to vector<16xi32>
        %parallel_loop3A_873 = arith.andi %parallel_loop3A_866, %parallel_loop3A_872 : vector<16xi32>
        %parallel_loop3A_874 = tpu.bitcast %parallel_loop3A_873 : vector<16xi32> -> vector<16xf32>
        %parallel_loop3A_875 = arith.constant 544 : i32
        %parallel_loop3A_876 = arith.addi %parallel_loop3A_136, %parallel_loop3A_875 : i32
        %parallel_loop3A_877 = arith.constant 544 : i32
        %parallel_loop3A_878 = arith.addi %parallel_loop3A_136, %parallel_loop3A_877 : i32
        %parallel_loop3A_879 = arith.constant 16 : i32
        %parallel_loop3A_880 = arith.addi %parallel_loop3A_878, %parallel_loop3A_879 : i32
        %parallel_loop3A_881 = arith.index_cast %parallel_loop3A_876 : i32 to index
        %parallel_loop3A_882 = tpu.vector_load %arg15[%parallel_loop3A_881] {strides = array<i32>} : memref<6144xf32, #tpu.memory_space<vmem>>, vector<16xf32>,
        %parallel_loop3A_883 = arith.addf %parallel_loop3A_882, %parallel_loop3A_858 : vector<16xf32>
        %parallel_loop3A_884 = arith.addf %parallel_loop3A_883, %parallel_loop3A_870 : vector<16xf32>
        %parallel_loop3A_885 = arith.index_cast %parallel_loop3A_876 : i32 to index
        %parallel_loop3A_886 = tpu.vector_load %arg17[%parallel_loop3A_885] {strides = array<i32>} : memref<6144xf32, #tpu.memory_space<vmem>>, vector<16xf32>,
        tpu.vector_store %arg17[%parallel_loop3A_885], %parallel_loop3A_884 {strides = array<i32>} : memref<6144xf32, #tpu.memory_space<vmem>>, vector<16xf32>,
        %parallel_loop3A_887 = arith.index_cast %parallel_loop3A_880 : i32 to index
        %parallel_loop3A_888 = tpu.vector_load %arg15[%parallel_loop3A_887] {strides = array<i32>} : memref<6144xf32, #tpu.memory_space<vmem>>, vector<16xf32>,
        %parallel_loop3A_889 = arith.addf %parallel_loop3A_888, %parallel_loop3A_862 : vector<16xf32>
        %parallel_loop3A_890 = arith.addf %parallel_loop3A_889, %parallel_loop3A_874 : vector<16xf32>
        %parallel_loop3A_891 = arith.index_cast %parallel_loop3A_880 : i32 to index
        %parallel_loop3A_892 = tpu.vector_load %arg17[%parallel_loop3A_891] {strides = array<i32>} : memref<6144xf32, #tpu.memory_space<vmem>>, vector<16xf32>,
        tpu.vector_store %arg17[%parallel_loop3A_891], %parallel_loop3A_890 {strides = array<i32>} : memref<6144xf32, #tpu.memory_space<vmem>>, vector<16xf32>,
        %parallel_loop3A_893 = arith.constant 288 : i32
        %parallel_loop3A_894 = arith.addi %parallel_loop3A_130, %parallel_loop3A_893 : i32
        %parallel_loop3A_895 = arith.index_cast %parallel_loop3A_894 : i32 to index
        %parallel_loop3A_896 = tpu.vector_load %arg13[%parallel_loop3A_895] {strides = array<i32>} : memref<49152xi32, #tpu.memory_space<vmem>>, vector<16xi32>,
        %parallel_loop3A_897 = arith.constant 16 : i32
        %parallel_loop3A_898 = vector.broadcast %parallel_loop3A_897 : i32 to vector<16xi32>
        %parallel_loop3A_899 = arith.shli %parallel_loop3A_896, %parallel_loop3A_898 : vector<16xi32>
        %parallel_loop3A_900 = tpu.bitcast %parallel_loop3A_899 : vector<16xi32> -> vector<16xf32>
        %parallel_loop3A_901 = arith.constant -65536 : i32
        %parallel_loop3A_902 = vector.broadcast %parallel_loop3A_901 : i32 to vector<16xi32>
        %parallel_loop3A_903 = arith.andi %parallel_loop3A_896, %parallel_loop3A_902 : vector<16xi32>
        %parallel_loop3A_904 = tpu.bitcast %parallel_loop3A_903 : vector<16xi32> -> vector<16xf32>
        %parallel_loop3A_905 = arith.constant 288 : i32
        %parallel_loop3A_906 = arith.addi %parallel_loop3A_134, %parallel_loop3A_905 : i32
        %parallel_loop3A_907 = arith.index_cast %parallel_loop3A_906 : i32 to index
        %parallel_loop3A_908 = tpu.vector_load %arg14[%parallel_loop3A_907] {strides = array<i32>} : memref<49152xi32, #tpu.memory_space<vmem>>, vector<16xi32>,
        %parallel_loop3A_909 = arith.constant 16 : i32
        %parallel_loop3A_910 = vector.broadcast %parallel_loop3A_909 : i32 to vector<16xi32>
        %parallel_loop3A_911 = arith.shli %parallel_loop3A_908, %parallel_loop3A_910 : vector<16xi32>
        %parallel_loop3A_912 = tpu.bitcast %parallel_loop3A_911 : vector<16xi32> -> vector<16xf32>
        %parallel_loop3A_913 = arith.constant -65536 : i32
        %parallel_loop3A_914 = vector.broadcast %parallel_loop3A_913 : i32 to vector<16xi32>
        %parallel_loop3A_915 = arith.andi %parallel_loop3A_908, %parallel_loop3A_914 : vector<16xi32>
        %parallel_loop3A_916 = tpu.bitcast %parallel_loop3A_915 : vector<16xi32> -> vector<16xf32>
        %parallel_loop3A_917 = arith.constant 576 : i32
        %parallel_loop3A_918 = arith.addi %parallel_loop3A_136, %parallel_loop3A_917 : i32
        %parallel_loop3A_919 = arith.constant 576 : i32
        %parallel_loop3A_920 = arith.addi %parallel_loop3A_136, %parallel_loop3A_919 : i32
        %parallel_loop3A_921 = arith.constant 16 : i32
        %parallel_loop3A_922 = arith.addi %parallel_loop3A_920, %parallel_loop3A_921 : i32
        %parallel_loop3A_923 = arith.index_cast %parallel_loop3A_918 : i32 to index
        %parallel_loop3A_924 = tpu.vector_load %arg15[%parallel_loop3A_923] {strides = array<i32>} : memref<6144xf32, #tpu.memory_space<vmem>>, vector<16xf32>,
        %parallel_loop3A_925 = arith.addf %parallel_loop3A_924, %parallel_loop3A_900 : vector<16xf32>
        %parallel_loop3A_926 = arith.addf %parallel_loop3A_925, %parallel_loop3A_912 : vector<16xf32>
        %parallel_loop3A_927 = arith.index_cast %parallel_loop3A_918 : i32 to index
        %parallel_loop3A_928 = tpu.vector_load %arg17[%parallel_loop3A_927] {strides = array<i32>} : memref<6144xf32, #tpu.memory_space<vmem>>, vector<16xf32>,
        tpu.vector_store %arg17[%parallel_loop3A_927], %parallel_loop3A_926 {strides = array<i32>} : memref<6144xf32, #tpu.memory_space<vmem>>, vector<16xf32>,
        %parallel_loop3A_929 = arith.index_cast %parallel_loop3A_922 : i32 to index
        %parallel_loop3A_930 = tpu.vector_load %arg15[%parallel_loop3A_929] {strides = array<i32>} : memref<6144xf32, #tpu.memory_space<vmem>>, vector<16xf32>,
        %parallel_loop3A_931 = arith.addf %parallel_loop3A_930, %parallel_loop3A_904 : vector<16xf32>
        %parallel_loop3A_932 = arith.addf %parallel_loop3A_931, %parallel_loop3A_916 : vector<16xf32>
        %parallel_loop3A_933 = arith.index_cast %parallel_loop3A_922 : i32 to index
        %parallel_loop3A_934 = tpu.vector_load %arg17[%parallel_loop3A_933] {strides = array<i32>} : memref<6144xf32, #tpu.memory_space<vmem>>, vector<16xf32>,
        tpu.vector_store %arg17[%parallel_loop3A_933], %parallel_loop3A_932 {strides = array<i32>} : memref<6144xf32, #tpu.memory_space<vmem>>, vector<16xf32>,
        %parallel_loop3A_935 = arith.constant 304 : i32
        %parallel_loop3A_936 = arith.addi %parallel_loop3A_130, %parallel_loop3A_935 : i32
        %parallel_loop3A_937 = arith.index_cast %parallel_loop3A_936 : i32 to index
        %parallel_loop3A_938 = tpu.vector_load %arg13[%parallel_loop3A_937] {strides = array<i32>} : memref<49152xi32, #tpu.memory_space<vmem>>, vector<16xi32>,
        %parallel_loop3A_939 = arith.constant 16 : i32
        %parallel_loop3A_940 = vector.broadcast %parallel_loop3A_939 : i32 to vector<16xi32>
        %parallel_loop3A_941 = arith.shli %parallel_loop3A_938, %parallel_loop3A_940 : vector<16xi32>
        %parallel_loop3A_942 = tpu.bitcast %parallel_loop3A_941 : vector<16xi32> -> vector<16xf32>
        %parallel_loop3A_943 = arith.constant -65536 : i32
        %parallel_loop3A_944 = vector.broadcast %parallel_loop3A_943 : i32 to vector<16xi32>
        %parallel_loop3A_945 = arith.andi %parallel_loop3A_938, %parallel_loop3A_944 : vector<16xi32>
        %parallel_loop3A_946 = tpu.bitcast %parallel_loop3A_945 : vector<16xi32> -> vector<16xf32>
        %parallel_loop3A_947 = arith.constant 304 : i32
        %parallel_loop3A_948 = arith.addi %parallel_loop3A_134, %parallel_loop3A_947 : i32
        %parallel_loop3A_949 = arith.index_cast %parallel_loop3A_948 : i32 to index
        %parallel_loop3A_950 = tpu.vector_load %arg14[%parallel_loop3A_949] {strides = array<i32>} : memref<49152xi32, #tpu.memory_space<vmem>>, vector<16xi32>,
        %parallel_loop3A_951 = arith.constant 16 : i32
        %parallel_loop3A_952 = vector.broadcast %parallel_loop3A_951 : i32 to vector<16xi32>
        %parallel_loop3A_953 = arith.shli %parallel_loop3A_950, %parallel_loop3A_952 : vector<16xi32>
        %parallel_loop3A_954 = tpu.bitcast %parallel_loop3A_953 : vector<16xi32> -> vector<16xf32>
        %parallel_loop3A_955 = arith.constant -65536 : i32
        %parallel_loop3A_956 = vector.broadcast %parallel_loop3A_955 : i32 to vector<16xi32>
        %parallel_loop3A_957 = arith.andi %parallel_loop3A_950, %parallel_loop3A_956 : vector<16xi32>
        %parallel_loop3A_958 = tpu.bitcast %parallel_loop3A_957 : vector<16xi32> -> vector<16xf32>
        %parallel_loop3A_959 = arith.constant 608 : i32
        %parallel_loop3A_960 = arith.addi %parallel_loop3A_136, %parallel_loop3A_959 : i32
        %parallel_loop3A_961 = arith.constant 608 : i32
        %parallel_loop3A_962 = arith.addi %parallel_loop3A_136, %parallel_loop3A_961 : i32
        %parallel_loop3A_963 = arith.constant 16 : i32
        %parallel_loop3A_964 = arith.addi %parallel_loop3A_962, %parallel_loop3A_963 : i32
        %parallel_loop3A_965 = arith.index_cast %parallel_loop3A_960 : i32 to index
        %parallel_loop3A_966 = tpu.vector_load %arg15[%parallel_loop3A_965] {strides = array<i32>} : memref<6144xf32, #tpu.memory_space<vmem>>, vector<16xf32>,
        %parallel_loop3A_967 = arith.addf %parallel_loop3A_966, %parallel_loop3A_942 : vector<16xf32>
        %parallel_loop3A_968 = arith.addf %parallel_loop3A_967, %parallel_loop3A_954 : vector<16xf32>
        %parallel_loop3A_969 = arith.index_cast %parallel_loop3A_960 : i32 to index
        %parallel_loop3A_970 = tpu.vector_load %arg17[%parallel_loop3A_969] {strides = array<i32>} : memref<6144xf32, #tpu.memory_space<vmem>>, vector<16xf32>,
        tpu.vector_store %arg17[%parallel_loop3A_969], %parallel_loop3A_968 {strides = array<i32>} : memref<6144xf32, #tpu.memory_space<vmem>>, vector<16xf32>,
        %parallel_loop3A_971 = arith.index_cast %parallel_loop3A_964 : i32 to index
        %parallel_loop3A_972 = tpu.vector_load %arg15[%parallel_loop3A_971] {strides = array<i32>} : memref<6144xf32, #tpu.memory_space<vmem>>, vector<16xf32>,
        %parallel_loop3A_973 = arith.addf %parallel_loop3A_972, %parallel_loop3A_946 : vector<16xf32>
        %parallel_loop3A_974 = arith.addf %parallel_loop3A_973, %parallel_loop3A_958 : vector<16xf32>
        %parallel_loop3A_975 = arith.index_cast %parallel_loop3A_964 : i32 to index
        %parallel_loop3A_976 = tpu.vector_load %arg17[%parallel_loop3A_975] {strides = array<i32>} : memref<6144xf32, #tpu.memory_space<vmem>>, vector<16xf32>,
        tpu.vector_store %arg17[%parallel_loop3A_975], %parallel_loop3A_974 {strides = array<i32>} : memref<6144xf32, #tpu.memory_space<vmem>>, vector<16xf32>,
        %parallel_loop3A_977 = arith.constant 320 : i32
        %parallel_loop3A_978 = arith.addi %parallel_loop3A_130, %parallel_loop3A_977 : i32
        %parallel_loop3A_979 = arith.index_cast %parallel_loop3A_978 : i32 to index
        %parallel_loop3A_980 = tpu.vector_load %arg13[%parallel_loop3A_979] {strides = array<i32>} : memref<49152xi32, #tpu.memory_space<vmem>>, vector<16xi32>,
        %parallel_loop3A_981 = arith.constant 16 : i32
        %parallel_loop3A_982 = vector.broadcast %parallel_loop3A_981 : i32 to vector<16xi32>
        %parallel_loop3A_983 = arith.shli %parallel_loop3A_980, %parallel_loop3A_982 : vector<16xi32>
        %parallel_loop3A_984 = tpu.bitcast %parallel_loop3A_983 : vector<16xi32> -> vector<16xf32>
        %parallel_loop3A_985 = arith.constant -65536 : i32
        %parallel_loop3A_986 = vector.broadcast %parallel_loop3A_985 : i32 to vector<16xi32>
        %parallel_loop3A_987 = arith.andi %parallel_loop3A_980, %parallel_loop3A_986 : vector<16xi32>
        %parallel_loop3A_988 = tpu.bitcast %parallel_loop3A_987 : vector<16xi32> -> vector<16xf32>
        %parallel_loop3A_989 = arith.constant 320 : i32
        %parallel_loop3A_990 = arith.addi %parallel_loop3A_134, %parallel_loop3A_989 : i32
        %parallel_loop3A_991 = arith.index_cast %parallel_loop3A_990 : i32 to index
        %parallel_loop3A_992 = tpu.vector_load %arg14[%parallel_loop3A_991] {strides = array<i32>} : memref<49152xi32, #tpu.memory_space<vmem>>, vector<16xi32>,
        %parallel_loop3A_993 = arith.constant 16 : i32
        %parallel_loop3A_994 = vector.broadcast %parallel_loop3A_993 : i32 to vector<16xi32>
        %parallel_loop3A_995 = arith.shli %parallel_loop3A_992, %parallel_loop3A_994 : vector<16xi32>
        %parallel_loop3A_996 = tpu.bitcast %parallel_loop3A_995 : vector<16xi32> -> vector<16xf32>
        %parallel_loop3A_997 = arith.constant -65536 : i32
        %parallel_loop3A_998 = vector.broadcast %parallel_loop3A_997 : i32 to vector<16xi32>
        %parallel_loop3A_999 = arith.andi %parallel_loop3A_992, %parallel_loop3A_998 : vector<16xi32>
        %parallel_loop3A_1000 = tpu.bitcast %parallel_loop3A_999 : vector<16xi32> -> vector<16xf32>
        %parallel_loop3A_1001 = arith.constant 640 : i32
        %parallel_loop3A_1002 = arith.addi %parallel_loop3A_136, %parallel_loop3A_1001 : i32
        %parallel_loop3A_1003 = arith.constant 640 : i32
        %parallel_loop3A_1004 = arith.addi %parallel_loop3A_136, %parallel_loop3A_1003 : i32
        %parallel_loop3A_1005 = arith.constant 16 : i32
        %parallel_loop3A_1006 = arith.addi %parallel_loop3A_1004, %parallel_loop3A_1005 : i32
        %parallel_loop3A_1007 = arith.index_cast %parallel_loop3A_1002 : i32 to index
        %parallel_loop3A_1008 = tpu.vector_load %arg15[%parallel_loop3A_1007] {strides = array<i32>} : memref<6144xf32, #tpu.memory_space<vmem>>, vector<16xf32>,
        %parallel_loop3A_1009 = arith.addf %parallel_loop3A_1008, %parallel_loop3A_984 : vector<16xf32>
        %parallel_loop3A_1010 = arith.addf %parallel_loop3A_1009, %parallel_loop3A_996 : vector<16xf32>
        %parallel_loop3A_1011 = arith.index_cast %parallel_loop3A_1002 : i32 to index
        %parallel_loop3A_1012 = tpu.vector_load %arg17[%parallel_loop3A_1011] {strides = array<i32>} : memref<6144xf32, #tpu.memory_space<vmem>>, vector<16xf32>,
        tpu.vector_store %arg17[%parallel_loop3A_1011], %parallel_loop3A_1010 {strides = array<i32>} : memref<6144xf32, #tpu.memory_space<vmem>>, vector<16xf32>,
        %parallel_loop3A_1013 = arith.index_cast %parallel_loop3A_1006 : i32 to index
        %parallel_loop3A_1014 = tpu.vector_load %arg15[%parallel_loop3A_1013] {strides = array<i32>} : memref<6144xf32, #tpu.memory_space<vmem>>, vector<16xf32>,
        %parallel_loop3A_1015 = arith.addf %parallel_loop3A_1014, %parallel_loop3A_988 : vector<16xf32>
        %parallel_loop3A_1016 = arith.addf %parallel_loop3A_1015, %parallel_loop3A_1000 : vector<16xf32>
        %parallel_loop3A_1017 = arith.index_cast %parallel_loop3A_1006 : i32 to index
        %parallel_loop3A_1018 = tpu.vector_load %arg17[%parallel_loop3A_1017] {strides = array<i32>} : memref<6144xf32, #tpu.memory_space<vmem>>, vector<16xf32>,
        tpu.vector_store %arg17[%parallel_loop3A_1017], %parallel_loop3A_1016 {strides = array<i32>} : memref<6144xf32, #tpu.memory_space<vmem>>, vector<16xf32>,
        %parallel_loop3A_1019 = arith.constant 336 : i32
        %parallel_loop3A_1020 = arith.addi %parallel_loop3A_130, %parallel_loop3A_1019 : i32
        %parallel_loop3A_1021 = arith.index_cast %parallel_loop3A_1020 : i32 to index
        %parallel_loop3A_1022 = tpu.vector_load %arg13[%parallel_loop3A_1021] {strides = array<i32>} : memref<49152xi32, #tpu.memory_space<vmem>>, vector<16xi32>,
        %parallel_loop3A_1023 = arith.constant 16 : i32
        %parallel_loop3A_1024 = vector.broadcast %parallel_loop3A_1023 : i32 to vector<16xi32>
        %parallel_loop3A_1025 = arith.shli %parallel_loop3A_1022, %parallel_loop3A_1024 : vector<16xi32>
        %parallel_loop3A_1026 = tpu.bitcast %parallel_loop3A_1025 : vector<16xi32> -> vector<16xf32>
        %parallel_loop3A_1027 = arith.constant -65536 : i32
        %parallel_loop3A_1028 = vector.broadcast %parallel_loop3A_1027 : i32 to vector<16xi32>
        %parallel_loop3A_1029 = arith.andi %parallel_loop3A_1022, %parallel_loop3A_1028 : vector<16xi32>
        %parallel_loop3A_1030 = tpu.bitcast %parallel_loop3A_1029 : vector<16xi32> -> vector<16xf32>
        %parallel_loop3A_1031 = arith.constant 336 : i32
        %parallel_loop3A_1032 = arith.addi %parallel_loop3A_134, %parallel_loop3A_1031 : i32
        %parallel_loop3A_1033 = arith.index_cast %parallel_loop3A_1032 : i32 to index
        %parallel_loop3A_1034 = tpu.vector_load %arg14[%parallel_loop3A_1033] {strides = array<i32>} : memref<49152xi32, #tpu.memory_space<vmem>>, vector<16xi32>,
        %parallel_loop3A_1035 = arith.constant 16 : i32
        %parallel_loop3A_1036 = vector.broadcast %parallel_loop3A_1035 : i32 to vector<16xi32>
        %parallel_loop3A_1037 = arith.shli %parallel_loop3A_1034, %parallel_loop3A_1036 : vector<16xi32>
        %parallel_loop3A_1038 = tpu.bitcast %parallel_loop3A_1037 : vector<16xi32> -> vector<16xf32>
        %parallel_loop3A_1039 = arith.constant -65536 : i32
        %parallel_loop3A_1040 = vector.broadcast %parallel_loop3A_1039 : i32 to vector<16xi32>
        %parallel_loop3A_1041 = arith.andi %parallel_loop3A_1034, %parallel_loop3A_1040 : vector<16xi32>
        %parallel_loop3A_1042 = tpu.bitcast %parallel_loop3A_1041 : vector<16xi32> -> vector<16xf32>
        %parallel_loop3A_1043 = arith.constant 672 : i32
        %parallel_loop3A_1044 = arith.addi %parallel_loop3A_136, %parallel_loop3A_1043 : i32
        %parallel_loop3A_1045 = arith.constant 672 : i32
        %parallel_loop3A_1046 = arith.addi %parallel_loop3A_136, %parallel_loop3A_1045 : i32
        %parallel_loop3A_1047 = arith.constant 16 : i32
        %parallel_loop3A_1048 = arith.addi %parallel_loop3A_1046, %parallel_loop3A_1047 : i32
        %parallel_loop3A_1049 = arith.index_cast %parallel_loop3A_1044 : i32 to index
        %parallel_loop3A_1050 = tpu.vector_load %arg15[%parallel_loop3A_1049] {strides = array<i32>} : memref<6144xf32, #tpu.memory_space<vmem>>, vector<16xf32>,
        %parallel_loop3A_1051 = arith.addf %parallel_loop3A_1050, %parallel_loop3A_1026 : vector<16xf32>
        %parallel_loop3A_1052 = arith.addf %parallel_loop3A_1051, %parallel_loop3A_1038 : vector<16xf32>
        %parallel_loop3A_1053 = arith.index_cast %parallel_loop3A_1044 : i32 to index
        %parallel_loop3A_1054 = tpu.vector_load %arg17[%parallel_loop3A_1053] {strides = array<i32>} : memref<6144xf32, #tpu.memory_space<vmem>>, vector<16xf32>,
        tpu.vector_store %arg17[%parallel_loop3A_1053], %parallel_loop3A_1052 {strides = array<i32>} : memref<6144xf32, #tpu.memory_space<vmem>>, vector<16xf32>,
        %parallel_loop3A_1055 = arith.index_cast %parallel_loop3A_1048 : i32 to index
        %parallel_loop3A_1056 = tpu.vector_load %arg15[%parallel_loop3A_1055] {strides = array<i32>} : memref<6144xf32, #tpu.memory_space<vmem>>, vector<16xf32>,
        %parallel_loop3A_1057 = arith.addf %parallel_loop3A_1056, %parallel_loop3A_1030 : vector<16xf32>
        %parallel_loop3A_1058 = arith.addf %parallel_loop3A_1057, %parallel_loop3A_1042 : vector<16xf32>
        %parallel_loop3A_1059 = arith.index_cast %parallel_loop3A_1048 : i32 to index
        %parallel_loop3A_1060 = tpu.vector_load %arg17[%parallel_loop3A_1059] {strides = array<i32>} : memref<6144xf32, #tpu.memory_space<vmem>>, vector<16xf32>,
        tpu.vector_store %arg17[%parallel_loop3A_1059], %parallel_loop3A_1058 {strides = array<i32>} : memref<6144xf32, #tpu.memory_space<vmem>>, vector<16xf32>,
        %parallel_loop3A_1061 = arith.constant 352 : i32
        %parallel_loop3A_1062 = arith.addi %parallel_loop3A_130, %parallel_loop3A_1061 : i32
        %parallel_loop3A_1063 = arith.index_cast %parallel_loop3A_1062 : i32 to index
        %parallel_loop3A_1064 = tpu.vector_load %arg13[%parallel_loop3A_1063] {strides = array<i32>} : memref<49152xi32, #tpu.memory_space<vmem>>, vector<16xi32>,
        %parallel_loop3A_1065 = arith.constant 16 : i32
        %parallel_loop3A_1066 = vector.broadcast %parallel_loop3A_1065 : i32 to vector<16xi32>
        %parallel_loop3A_1067 = arith.shli %parallel_loop3A_1064, %parallel_loop3A_1066 : vector<16xi32>
        %parallel_loop3A_1068 = tpu.bitcast %parallel_loop3A_1067 : vector<16xi32> -> vector<16xf32>
        %parallel_loop3A_1069 = arith.constant -65536 : i32
        %parallel_loop3A_1070 = vector.broadcast %parallel_loop3A_1069 : i32 to vector<16xi32>
        %parallel_loop3A_1071 = arith.andi %parallel_loop3A_1064, %parallel_loop3A_1070 : vector<16xi32>
        %parallel_loop3A_1072 = tpu.bitcast %parallel_loop3A_1071 : vector<16xi32> -> vector<16xf32>
        %parallel_loop3A_1073 = arith.constant 352 : i32
        %parallel_loop3A_1074 = arith.addi %parallel_loop3A_134, %parallel_loop3A_1073 : i32
        %parallel_loop3A_1075 = arith.index_cast %parallel_loop3A_1074 : i32 to index
        %parallel_loop3A_1076 = tpu.vector_load %arg14[%parallel_loop3A_1075] {strides = array<i32>} : memref<49152xi32, #tpu.memory_space<vmem>>, vector<16xi32>,
        %parallel_loop3A_1077 = arith.constant 16 : i32
        %parallel_loop3A_1078 = vector.broadcast %parallel_loop3A_1077 : i32 to vector<16xi32>
        %parallel_loop3A_1079 = arith.shli %parallel_loop3A_1076, %parallel_loop3A_1078 : vector<16xi32>
        %parallel_loop3A_1080 = tpu.bitcast %parallel_loop3A_1079 : vector<16xi32> -> vector<16xf32>
        %parallel_loop3A_1081 = arith.constant -65536 : i32
        %parallel_loop3A_1082 = vector.broadcast %parallel_loop3A_1081 : i32 to vector<16xi32>
        %parallel_loop3A_1083 = arith.andi %parallel_loop3A_1076, %parallel_loop3A_1082 : vector<16xi32>
        %parallel_loop3A_1084 = tpu.bitcast %parallel_loop3A_1083 : vector<16xi32> -> vector<16xf32>
        %parallel_loop3A_1085 = arith.constant 704 : i32
        %parallel_loop3A_1086 = arith.addi %parallel_loop3A_136, %parallel_loop3A_1085 : i32
        %parallel_loop3A_1087 = arith.constant 704 : i32
        %parallel_loop3A_1088 = arith.addi %parallel_loop3A_136, %parallel_loop3A_1087 : i32
        %parallel_loop3A_1089 = arith.constant 16 : i32
        %parallel_loop3A_1090 = arith.addi %parallel_loop3A_1088, %parallel_loop3A_1089 : i32
        %parallel_loop3A_1091 = arith.index_cast %parallel_loop3A_1086 : i32 to index
        %parallel_loop3A_1092 = tpu.vector_load %arg15[%parallel_loop3A_1091] {strides = array<i32>} : memref<6144xf32, #tpu.memory_space<vmem>>, vector<16xf32>,
        %parallel_loop3A_1093 = arith.addf %parallel_loop3A_1092, %parallel_loop3A_1068 : vector<16xf32>
        %parallel_loop3A_1094 = arith.addf %parallel_loop3A_1093, %parallel_loop3A_1080 : vector<16xf32>
        %parallel_loop3A_1095 = arith.index_cast %parallel_loop3A_1086 : i32 to index
        %parallel_loop3A_1096 = tpu.vector_load %arg17[%parallel_loop3A_1095] {strides = array<i32>} : memref<6144xf32, #tpu.memory_space<vmem>>, vector<16xf32>,
        tpu.vector_store %arg17[%parallel_loop3A_1095], %parallel_loop3A_1094 {strides = array<i32>} : memref<6144xf32, #tpu.memory_space<vmem>>, vector<16xf32>,
        %parallel_loop3A_1097 = arith.index_cast %parallel_loop3A_1090 : i32 to index
        %parallel_loop3A_1098 = tpu.vector_load %arg15[%parallel_loop3A_1097] {strides = array<i32>} : memref<6144xf32, #tpu.memory_space<vmem>>, vector<16xf32>,
        %parallel_loop3A_1099 = arith.addf %parallel_loop3A_1098, %parallel_loop3A_1072 : vector<16xf32>
        %parallel_loop3A_1100 = arith.addf %parallel_loop3A_1099, %parallel_loop3A_1084 : vector<16xf32>
        %parallel_loop3A_1101 = arith.index_cast %parallel_loop3A_1090 : i32 to index
        %parallel_loop3A_1102 = tpu.vector_load %arg17[%parallel_loop3A_1101] {strides = array<i32>} : memref<6144xf32, #tpu.memory_space<vmem>>, vector<16xf32>,
        tpu.vector_store %arg17[%parallel_loop3A_1101], %parallel_loop3A_1100 {strides = array<i32>} : memref<6144xf32, #tpu.memory_space<vmem>>, vector<16xf32>,
        %parallel_loop3A_1103 = arith.constant 368 : i32
        %parallel_loop3A_1104 = arith.addi %parallel_loop3A_130, %parallel_loop3A_1103 : i32
        %parallel_loop3A_1105 = arith.index_cast %parallel_loop3A_1104 : i32 to index
        %parallel_loop3A_1106 = tpu.vector_load %arg13[%parallel_loop3A_1105] {strides = array<i32>} : memref<49152xi32, #tpu.memory_space<vmem>>, vector<16xi32>,
        %parallel_loop3A_1107 = arith.constant 16 : i32
        %parallel_loop3A_1108 = vector.broadcast %parallel_loop3A_1107 : i32 to vector<16xi32>
        %parallel_loop3A_1109 = arith.shli %parallel_loop3A_1106, %parallel_loop3A_1108 : vector<16xi32>
        %parallel_loop3A_1110 = tpu.bitcast %parallel_loop3A_1109 : vector<16xi32> -> vector<16xf32>
        %parallel_loop3A_1111 = arith.constant -65536 : i32
        %parallel_loop3A_1112 = vector.broadcast %parallel_loop3A_1111 : i32 to vector<16xi32>
        %parallel_loop3A_1113 = arith.andi %parallel_loop3A_1106, %parallel_loop3A_1112 : vector<16xi32>
        %parallel_loop3A_1114 = tpu.bitcast %parallel_loop3A_1113 : vector<16xi32> -> vector<16xf32>
        %parallel_loop3A_1115 = arith.constant 368 : i32
        %parallel_loop3A_1116 = arith.addi %parallel_loop3A_134, %parallel_loop3A_1115 : i32
        %parallel_loop3A_1117 = arith.index_cast %parallel_loop3A_1116 : i32 to index
        %parallel_loop3A_1118 = tpu.vector_load %arg14[%parallel_loop3A_1117] {strides = array<i32>} : memref<49152xi32, #tpu.memory_space<vmem>>, vector<16xi32>,
        %parallel_loop3A_1119 = arith.constant 16 : i32
        %parallel_loop3A_1120 = vector.broadcast %parallel_loop3A_1119 : i32 to vector<16xi32>
        %parallel_loop3A_1121 = arith.shli %parallel_loop3A_1118, %parallel_loop3A_1120 : vector<16xi32>
        %parallel_loop3A_1122 = tpu.bitcast %parallel_loop3A_1121 : vector<16xi32> -> vector<16xf32>
        %parallel_loop3A_1123 = arith.constant -65536 : i32
        %parallel_loop3A_1124 = vector.broadcast %parallel_loop3A_1123 : i32 to vector<16xi32>
        %parallel_loop3A_1125 = arith.andi %parallel_loop3A_1118, %parallel_loop3A_1124 : vector<16xi32>
        %parallel_loop3A_1126 = tpu.bitcast %parallel_loop3A_1125 : vector<16xi32> -> vector<16xf32>
        %parallel_loop3A_1127 = arith.constant 736 : i32
        %parallel_loop3A_1128 = arith.addi %parallel_loop3A_136, %parallel_loop3A_1127 : i32
        %parallel_loop3A_1129 = arith.constant 736 : i32
        %parallel_loop3A_1130 = arith.addi %parallel_loop3A_136, %parallel_loop3A_1129 : i32
        %parallel_loop3A_1131 = arith.constant 16 : i32
        %parallel_loop3A_1132 = arith.addi %parallel_loop3A_1130, %parallel_loop3A_1131 : i32
        %parallel_loop3A_1133 = arith.index_cast %parallel_loop3A_1128 : i32 to index
        %parallel_loop3A_1134 = tpu.vector_load %arg15[%parallel_loop3A_1133] {strides = array<i32>} : memref<6144xf32, #tpu.memory_space<vmem>>, vector<16xf32>,
        %parallel_loop3A_1135 = arith.addf %parallel_loop3A_1134, %parallel_loop3A_1110 : vector<16xf32>
        %parallel_loop3A_1136 = arith.addf %parallel_loop3A_1135, %parallel_loop3A_1122 : vector<16xf32>
        %parallel_loop3A_1137 = arith.index_cast %parallel_loop3A_1128 : i32 to index
        %parallel_loop3A_1138 = tpu.vector_load %arg17[%parallel_loop3A_1137] {strides = array<i32>} : memref<6144xf32, #tpu.memory_space<vmem>>, vector<16xf32>,
        tpu.vector_store %arg17[%parallel_loop3A_1137], %parallel_loop3A_1136 {strides = array<i32>} : memref<6144xf32, #tpu.memory_space<vmem>>, vector<16xf32>,
        %parallel_loop3A_1139 = arith.index_cast %parallel_loop3A_1132 : i32 to index
        %parallel_loop3A_1140 = tpu.vector_load %arg15[%parallel_loop3A_1139] {strides = array<i32>} : memref<6144xf32, #tpu.memory_space<vmem>>, vector<16xf32>,
        %parallel_loop3A_1141 = arith.addf %parallel_loop3A_1140, %parallel_loop3A_1114 : vector<16xf32>
        %parallel_loop3A_1142 = arith.addf %parallel_loop3A_1141, %parallel_loop3A_1126 : vector<16xf32>
        %parallel_loop3A_1143 = arith.index_cast %parallel_loop3A_1132 : i32 to index
        %parallel_loop3A_1144 = tpu.vector_load %arg17[%parallel_loop3A_1143] {strides = array<i32>} : memref<6144xf32, #tpu.memory_space<vmem>>, vector<16xf32>,
        tpu.vector_store %arg17[%parallel_loop3A_1143], %parallel_loop3A_1142 {strides = array<i32>} : memref<6144xf32, #tpu.memory_space<vmem>>, vector<16xf32>,
      } {sc.loop_unroll_factor = 4 : i64, sc.parallel_access}
      %mul3A_53 = arith.constant 8 : i32
      %mul3A_54 = arith.muli %add3A_43, %mul3A_53 : i32
      %add3A_55 = arith.addi %mul3A_2, %mul3A_54 : i32
      %mul3A_56 = arith.constant 768 : i32
      %mul3A_57 = arith.muli %add3A_55, %mul3A_56 : i32
      %dma_start3A_58 = tpu.memref_slice %arg9[%mul3A_57] : memref<25165824xf32, #tpu.memory_space<hbm>> -> memref<6144xf32, #tpu.memory_space<hbm>>
      %dma_start3A_59 = tpu.memref_slice %arg9[%mul3A_57] : memref<25165824xf32, #tpu.memory_space<hbm>> -> memref<6144xf32, #tpu.memory_space<hbm>>
      tpu.enqueue_dma source(%arg17 : memref<6144xf32, #tpu.memory_space<vmem>>) target(%dma_start3A_59 : memref<6144xf32, #tpu.memory_space<hbm>>) target_semaphore(%arg21 : memref<!tpu.dma_semaphore, #tpu.memory_space<semaphore_mem>>)
      %add3A_60 = arith.constant 2 : i32
      %add3A_61 = arith.addi %add3A_43, %add3A_60 : i32
      %min3A = arith.constant 127 : i32
      %min3A_62 = arith.minsi %add3A_61, %min3A : i32
      %mul3A_63 = arith.constant 8 : i32
      %mul3A_64 = arith.muli %min3A_62, %mul3A_63 : i32
      %add3A_65 = arith.addi %mul3A_2, %mul3A_64 : i32
      %mul3A_66 = arith.constant 768 : i32
      %mul3A_67 = arith.muli %add3A_65, %mul3A_66 : i32
      %dma_start3A_68 = tpu.memref_slice %arg2[%mul3A_67] : memref<25165824xf32, #tpu.memory_space<hbm>> -> memref<6144xf32, #tpu.memory_space<hbm>>
      %dma_start3A_69 = tpu.memref_slice %arg2[%mul3A_67] : memref<25165824xf32, #tpu.memory_space<hbm>> -> memref<6144xf32, #tpu.memory_space<hbm>>
      tpu.enqueue_dma source(%dma_start3A_69 : memref<6144xf32, #tpu.memory_space<hbm>>) target(%arg15 : memref<6144xf32, #tpu.memory_space<vmem>>) target_semaphore(%arg19 : memref<!tpu.dma_semaphore, #tpu.memory_space<semaphore_mem>>)
      %mul3A_70 = arith.constant 2 : i32
      %mul3A_71 = arith.muli %scan3A_39, %mul3A_70 : i32
      %add3A_72 = arith.constant 1 : i32
      %add3A_73 = arith.addi %mul3A_71, %add3A_72 : i32
      %mul3A_74 = arith.constant 768 : i32
      %mul3A_75 = arith.muli %mul3A_2, %mul3A_74 : i32
      %dma_wait3A_76 = tpu.memref_slice %arg2[%mul3A_75] : memref<25165824xf32, #tpu.memory_space<hbm>> -> memref<6144xf32, #tpu.memory_space<hbm>>
      %dma_wait3A_77 = tpu.memref_slice %arg2[%mul3A_75] : memref<25165824xf32, #tpu.memory_space<hbm>> -> memref<6144xf32, #tpu.memory_space<hbm>>
      tpu.wait_dma2 semaphore(%arg20 : memref<!tpu.dma_semaphore, #tpu.memory_space<semaphore_mem>>) src(%dma_wait3A_77 : memref<6144xf32, #tpu.memory_space<hbm>>) dst(%arg16 : memref<6144xf32, #tpu.memory_space<vmem>>)
      %gt3A_78 = arith.constant 0 : i32
      %gt3A_79 = arith.cmpi sgt, %scan3A_39, %gt3A_78 : i32
      %convert_element_type3A_80 = arith.extui %gt3A_79 : i1 to i32
      %cond3A_81 = arith.constant 0 : i32
      %cond3A_82 = arith.cmpi ne, %convert_element_type3A_80, %cond3A_81 : i32
      scf.if %cond3A_82 {
        %mul3A_104 = arith.constant 768 : i32
        %mul3A_105 = arith.muli %mul3A_2, %mul3A_104 : i32
        %dma_wait3A_106 = tpu.memref_slice %arg9[%mul3A_105] : memref<25165824xf32, #tpu.memory_space<hbm>> -> memref<6144xf32, #tpu.memory_space<hbm>>
        %dma_wait3A_107 = tpu.memref_slice %arg9[%mul3A_105] : memref<25165824xf32, #tpu.memory_space<hbm>> -> memref<6144xf32, #tpu.memory_space<hbm>>
        tpu.wait_dma2 semaphore(%arg22 : memref<!tpu.dma_semaphore, #tpu.memory_space<semaphore_mem>>) src(%arg18 : memref<6144xf32, #tpu.memory_space<vmem>>) dst(%dma_wait3A_107 : memref<6144xf32, #tpu.memory_space<hbm>>)
      } else {
      }
      %parallel_loop3A_83 = arith.constant 0 : i32
      %parallel_loop3A_84 = arith.constant 8 : i32
      %parallel_loop3A_85 = arith.constant 1 : i32
      scf.for %parallel_loop3A_104 = %parallel_loop3A_83 to %parallel_loop3A_84 step %parallel_loop3A_85  : i32 {
        %parallel_loop3A_105 = arith.constant 8 : i32
        %parallel_loop3A_106 = arith.muli %add3A_73, %parallel_loop3A_105 : i32
        %parallel_loop3A_107 = arith.addi %parallel_loop3A_106, %parallel_loop3A_104 : i32
        %parallel_loop3A_108 = arith.constant -16 : i32
        %parallel_loop3A_109 = arith.andi %parallel_loop3A_107, %parallel_loop3A_108 : i32
        %parallel_loop3A_110 = arith.index_cast %parallel_loop3A_109 : i32 to index
        %parallel_loop3A_111 = tpu.vector_load %arg12[%parallel_loop3A_110] {strides = array<i32>} : memref<1024xi32, #tpu.memory_space<vmem>>, vector<16xi32>,
        %parallel_loop3A_112 = arith.constant 15 : i32
        %parallel_loop3A_113 = arith.andi %parallel_loop3A_107, %parallel_loop3A_112 : i32
        %parallel_loop3A_114 = vector.broadcast %parallel_loop3A_113 : i32 to vector<16xi32>
        %parallel_loop3A_115 = arith.cmpi eq, %iota3A, %parallel_loop3A_114 : vector<16xi32>
        %parallel_loop3A_116 = arith.constant 0 : i32
        %parallel_loop3A_117 = vector.broadcast %parallel_loop3A_116 : i32 to vector<16xi32>
        %parallel_loop3A_118 = arith.select %parallel_loop3A_115, %parallel_loop3A_111, %parallel_loop3A_117 : vector<16xi1>, vector<16xi32>
        %parallel_loop3A_119 = arith.constant true
        %parallel_loop3A_120 = vector.broadcast %parallel_loop3A_119 : i1 to vector<16xi1>
        %parallel_loop3A_121 = arith.constant -2147483648 : i32
        %parallel_loop3A_122 = vector.broadcast %parallel_loop3A_121 : i32 to vector<16xi32>
        %parallel_loop3A_123 = arith.xori %parallel_loop3A_118, %parallel_loop3A_122 : vector<16xi32>
        %parallel_loop3A_124 = tpu.scan <max>, %parallel_loop3A_123 masked %parallel_loop3A_120 : vector<16xi32>, vector<16xi1> -> vector<16xi32>
        %parallel_loop3A_125 = arith.xori %parallel_loop3A_124, %parallel_loop3A_122 : vector<16xi32>
        %parallel_loop3A_126 = vector.extract %parallel_loop3A_125[15] : i32 from vector<16xi32>
        %parallel_loop3A_127 = arith.constant 65535 : i32
        %parallel_loop3A_128 = arith.andi %parallel_loop3A_126, %parallel_loop3A_127 : i32
        %parallel_loop3A_129 = arith.constant 384 : i32
        %parallel_loop3A_130 = arith.muli %parallel_loop3A_128, %parallel_loop3A_129 : i32
        %parallel_loop3A_131 = arith.constant 16 : i32
        %parallel_loop3A_132 = arith.shrsi %parallel_loop3A_126, %parallel_loop3A_131 : i32
        %parallel_loop3A_133 = arith.constant 384 : i32
        %parallel_loop3A_134 = arith.muli %parallel_loop3A_132, %parallel_loop3A_133 : i32
        %parallel_loop3A_135 = arith.constant 768 : i32
        %parallel_loop3A_136 = arith.muli %parallel_loop3A_104, %parallel_loop3A_135 : i32
        %parallel_loop3A_137 = arith.constant 0 : i32
        %parallel_loop3A_138 = arith.addi %parallel_loop3A_130, %parallel_loop3A_137 : i32
        %parallel_loop3A_139 = arith.index_cast %parallel_loop3A_138 : i32 to index
        %parallel_loop3A_140 = tpu.vector_load %arg13[%parallel_loop3A_139] {strides = array<i32>} : memref<49152xi32, #tpu.memory_space<vmem>>, vector<16xi32>,
        %parallel_loop3A_141 = arith.constant 16 : i32
        %parallel_loop3A_142 = vector.broadcast %parallel_loop3A_141 : i32 to vector<16xi32>
        %parallel_loop3A_143 = arith.shli %parallel_loop3A_140, %parallel_loop3A_142 : vector<16xi32>
        %parallel_loop3A_144 = tpu.bitcast %parallel_loop3A_143 : vector<16xi32> -> vector<16xf32>
        %parallel_loop3A_145 = arith.constant -65536 : i32
        %parallel_loop3A_146 = vector.broadcast %parallel_loop3A_145 : i32 to vector<16xi32>
        %parallel_loop3A_147 = arith.andi %parallel_loop3A_140, %parallel_loop3A_146 : vector<16xi32>
        %parallel_loop3A_148 = tpu.bitcast %parallel_loop3A_147 : vector<16xi32> -> vector<16xf32>
        %parallel_loop3A_149 = arith.constant 0 : i32
        %parallel_loop3A_150 = arith.addi %parallel_loop3A_134, %parallel_loop3A_149 : i32
        %parallel_loop3A_151 = arith.index_cast %parallel_loop3A_150 : i32 to index
        %parallel_loop3A_152 = tpu.vector_load %arg14[%parallel_loop3A_151] {strides = array<i32>} : memref<49152xi32, #tpu.memory_space<vmem>>, vector<16xi32>,
        %parallel_loop3A_153 = arith.constant 16 : i32
        %parallel_loop3A_154 = vector.broadcast %parallel_loop3A_153 : i32 to vector<16xi32>
        %parallel_loop3A_155 = arith.shli %parallel_loop3A_152, %parallel_loop3A_154 : vector<16xi32>
        %parallel_loop3A_156 = tpu.bitcast %parallel_loop3A_155 : vector<16xi32> -> vector<16xf32>
        %parallel_loop3A_157 = arith.constant -65536 : i32
        %parallel_loop3A_158 = vector.broadcast %parallel_loop3A_157 : i32 to vector<16xi32>
        %parallel_loop3A_159 = arith.andi %parallel_loop3A_152, %parallel_loop3A_158 : vector<16xi32>
        %parallel_loop3A_160 = tpu.bitcast %parallel_loop3A_159 : vector<16xi32> -> vector<16xf32>
        %parallel_loop3A_161 = arith.constant 0 : i32
        %parallel_loop3A_162 = arith.addi %parallel_loop3A_136, %parallel_loop3A_161 : i32
        %parallel_loop3A_163 = arith.constant 0 : i32
        %parallel_loop3A_164 = arith.addi %parallel_loop3A_136, %parallel_loop3A_163 : i32
        %parallel_loop3A_165 = arith.constant 16 : i32
        %parallel_loop3A_166 = arith.addi %parallel_loop3A_164, %parallel_loop3A_165 : i32
        %parallel_loop3A_167 = arith.index_cast %parallel_loop3A_162 : i32 to index
        %parallel_loop3A_168 = tpu.vector_load %arg16[%parallel_loop3A_167] {strides = array<i32>} : memref<6144xf32, #tpu.memory_space<vmem>>, vector<16xf32>,
        %parallel_loop3A_169 = arith.addf %parallel_loop3A_168, %parallel_loop3A_144 : vector<16xf32>
        %parallel_loop3A_170 = arith.addf %parallel_loop3A_169, %parallel_loop3A_156 : vector<16xf32>
        %parallel_loop3A_171 = arith.index_cast %parallel_loop3A_162 : i32 to index
        %parallel_loop3A_172 = tpu.vector_load %arg18[%parallel_loop3A_171] {strides = array<i32>} : memref<6144xf32, #tpu.memory_space<vmem>>, vector<16xf32>,
        tpu.vector_store %arg18[%parallel_loop3A_171], %parallel_loop3A_170 {strides = array<i32>} : memref<6144xf32, #tpu.memory_space<vmem>>, vector<16xf32>,
        %parallel_loop3A_173 = arith.index_cast %parallel_loop3A_166 : i32 to index
        %parallel_loop3A_174 = tpu.vector_load %arg16[%parallel_loop3A_173] {strides = array<i32>} : memref<6144xf32, #tpu.memory_space<vmem>>, vector<16xf32>,
        %parallel_loop3A_175 = arith.addf %parallel_loop3A_174, %parallel_loop3A_148 : vector<16xf32>
        %parallel_loop3A_176 = arith.addf %parallel_loop3A_175, %parallel_loop3A_160 : vector<16xf32>
        %parallel_loop3A_177 = arith.index_cast %parallel_loop3A_166 : i32 to index
        %parallel_loop3A_178 = tpu.vector_load %arg18[%parallel_loop3A_177] {strides = array<i32>} : memref<6144xf32, #tpu.memory_space<vmem>>, vector<16xf32>,
        tpu.vector_store %arg18[%parallel_loop3A_177], %parallel_loop3A_176 {strides = array<i32>} : memref<6144xf32, #tpu.memory_space<vmem>>, vector<16xf32>,
        %parallel_loop3A_179 = arith.constant 16 : i32
        %parallel_loop3A_180 = arith.addi %parallel_loop3A_130, %parallel_loop3A_179 : i32
        %parallel_loop3A_181 = arith.index_cast %parallel_loop3A_180 : i32 to index
        %parallel_loop3A_182 = tpu.vector_load %arg13[%parallel_loop3A_181] {strides = array<i32>} : memref<49152xi32, #tpu.memory_space<vmem>>, vector<16xi32>,
        %parallel_loop3A_183 = arith.constant 16 : i32
        %parallel_loop3A_184 = vector.broadcast %parallel_loop3A_183 : i32 to vector<16xi32>
        %parallel_loop3A_185 = arith.shli %parallel_loop3A_182, %parallel_loop3A_184 : vector<16xi32>
        %parallel_loop3A_186 = tpu.bitcast %parallel_loop3A_185 : vector<16xi32> -> vector<16xf32>
        %parallel_loop3A_187 = arith.constant -65536 : i32
        %parallel_loop3A_188 = vector.broadcast %parallel_loop3A_187 : i32 to vector<16xi32>
        %parallel_loop3A_189 = arith.andi %parallel_loop3A_182, %parallel_loop3A_188 : vector<16xi32>
        %parallel_loop3A_190 = tpu.bitcast %parallel_loop3A_189 : vector<16xi32> -> vector<16xf32>
        %parallel_loop3A_191 = arith.constant 16 : i32
        %parallel_loop3A_192 = arith.addi %parallel_loop3A_134, %parallel_loop3A_191 : i32
        %parallel_loop3A_193 = arith.index_cast %parallel_loop3A_192 : i32 to index
        %parallel_loop3A_194 = tpu.vector_load %arg14[%parallel_loop3A_193] {strides = array<i32>} : memref<49152xi32, #tpu.memory_space<vmem>>, vector<16xi32>,
        %parallel_loop3A_195 = arith.constant 16 : i32
        %parallel_loop3A_196 = vector.broadcast %parallel_loop3A_195 : i32 to vector<16xi32>
        %parallel_loop3A_197 = arith.shli %parallel_loop3A_194, %parallel_loop3A_196 : vector<16xi32>
        %parallel_loop3A_198 = tpu.bitcast %parallel_loop3A_197 : vector<16xi32> -> vector<16xf32>
        %parallel_loop3A_199 = arith.constant -65536 : i32
        %parallel_loop3A_200 = vector.broadcast %parallel_loop3A_199 : i32 to vector<16xi32>
        %parallel_loop3A_201 = arith.andi %parallel_loop3A_194, %parallel_loop3A_200 : vector<16xi32>
        %parallel_loop3A_202 = tpu.bitcast %parallel_loop3A_201 : vector<16xi32> -> vector<16xf32>
        %parallel_loop3A_203 = arith.constant 32 : i32
        %parallel_loop3A_204 = arith.addi %parallel_loop3A_136, %parallel_loop3A_203 : i32
        %parallel_loop3A_205 = arith.constant 32 : i32
        %parallel_loop3A_206 = arith.addi %parallel_loop3A_136, %parallel_loop3A_205 : i32
        %parallel_loop3A_207 = arith.constant 16 : i32
        %parallel_loop3A_208 = arith.addi %parallel_loop3A_206, %parallel_loop3A_207 : i32
        %parallel_loop3A_209 = arith.index_cast %parallel_loop3A_204 : i32 to index
        %parallel_loop3A_210 = tpu.vector_load %arg16[%parallel_loop3A_209] {strides = array<i32>} : memref<6144xf32, #tpu.memory_space<vmem>>, vector<16xf32>,
        %parallel_loop3A_211 = arith.addf %parallel_loop3A_210, %parallel_loop3A_186 : vector<16xf32>
        %parallel_loop3A_212 = arith.addf %parallel_loop3A_211, %parallel_loop3A_198 : vector<16xf32>
        %parallel_loop3A_213 = arith.index_cast %parallel_loop3A_204 : i32 to index
        %parallel_loop3A_214 = tpu.vector_load %arg18[%parallel_loop3A_213] {strides = array<i32>} : memref<6144xf32, #tpu.memory_space<vmem>>, vector<16xf32>,
        tpu.vector_store %arg18[%parallel_loop3A_213], %parallel_loop3A_212 {strides = array<i32>} : memref<6144xf32, #tpu.memory_space<vmem>>, vector<16xf32>,
        %parallel_loop3A_215 = arith.index_cast %parallel_loop3A_208 : i32 to index
        %parallel_loop3A_216 = tpu.vector_load %arg16[%parallel_loop3A_215] {strides = array<i32>} : memref<6144xf32, #tpu.memory_space<vmem>>, vector<16xf32>,
        %parallel_loop3A_217 = arith.addf %parallel_loop3A_216, %parallel_loop3A_190 : vector<16xf32>
        %parallel_loop3A_218 = arith.addf %parallel_loop3A_217, %parallel_loop3A_202 : vector<16xf32>
        %parallel_loop3A_219 = arith.index_cast %parallel_loop3A_208 : i32 to index
        %parallel_loop3A_220 = tpu.vector_load %arg18[%parallel_loop3A_219] {strides = array<i32>} : memref<6144xf32, #tpu.memory_space<vmem>>, vector<16xf32>,
        tpu.vector_store %arg18[%parallel_loop3A_219], %parallel_loop3A_218 {strides = array<i32>} : memref<6144xf32, #tpu.memory_space<vmem>>, vector<16xf32>,
        %parallel_loop3A_221 = arith.constant 32 : i32
        %parallel_loop3A_222 = arith.addi %parallel_loop3A_130, %parallel_loop3A_221 : i32
        %parallel_loop3A_223 = arith.index_cast %parallel_loop3A_222 : i32 to index
        %parallel_loop3A_224 = tpu.vector_load %arg13[%parallel_loop3A_223] {strides = array<i32>} : memref<49152xi32, #tpu.memory_space<vmem>>, vector<16xi32>,
        %parallel_loop3A_225 = arith.constant 16 : i32
        %parallel_loop3A_226 = vector.broadcast %parallel_loop3A_225 : i32 to vector<16xi32>
        %parallel_loop3A_227 = arith.shli %parallel_loop3A_224, %parallel_loop3A_226 : vector<16xi32>
        %parallel_loop3A_228 = tpu.bitcast %parallel_loop3A_227 : vector<16xi32> -> vector<16xf32>
        %parallel_loop3A_229 = arith.constant -65536 : i32
        %parallel_loop3A_230 = vector.broadcast %parallel_loop3A_229 : i32 to vector<16xi32>
        %parallel_loop3A_231 = arith.andi %parallel_loop3A_224, %parallel_loop3A_230 : vector<16xi32>
        %parallel_loop3A_232 = tpu.bitcast %parallel_loop3A_231 : vector<16xi32> -> vector<16xf32>
        %parallel_loop3A_233 = arith.constant 32 : i32
        %parallel_loop3A_234 = arith.addi %parallel_loop3A_134, %parallel_loop3A_233 : i32
        %parallel_loop3A_235 = arith.index_cast %parallel_loop3A_234 : i32 to index
        %parallel_loop3A_236 = tpu.vector_load %arg14[%parallel_loop3A_235] {strides = array<i32>} : memref<49152xi32, #tpu.memory_space<vmem>>, vector<16xi32>,
        %parallel_loop3A_237 = arith.constant 16 : i32
        %parallel_loop3A_238 = vector.broadcast %parallel_loop3A_237 : i32 to vector<16xi32>
        %parallel_loop3A_239 = arith.shli %parallel_loop3A_236, %parallel_loop3A_238 : vector<16xi32>
        %parallel_loop3A_240 = tpu.bitcast %parallel_loop3A_239 : vector<16xi32> -> vector<16xf32>
        %parallel_loop3A_241 = arith.constant -65536 : i32
        %parallel_loop3A_242 = vector.broadcast %parallel_loop3A_241 : i32 to vector<16xi32>
        %parallel_loop3A_243 = arith.andi %parallel_loop3A_236, %parallel_loop3A_242 : vector<16xi32>
        %parallel_loop3A_244 = tpu.bitcast %parallel_loop3A_243 : vector<16xi32> -> vector<16xf32>
        %parallel_loop3A_245 = arith.constant 64 : i32
        %parallel_loop3A_246 = arith.addi %parallel_loop3A_136, %parallel_loop3A_245 : i32
        %parallel_loop3A_247 = arith.constant 64 : i32
        %parallel_loop3A_248 = arith.addi %parallel_loop3A_136, %parallel_loop3A_247 : i32
        %parallel_loop3A_249 = arith.constant 16 : i32
        %parallel_loop3A_250 = arith.addi %parallel_loop3A_248, %parallel_loop3A_249 : i32
        %parallel_loop3A_251 = arith.index_cast %parallel_loop3A_246 : i32 to index
        %parallel_loop3A_252 = tpu.vector_load %arg16[%parallel_loop3A_251] {strides = array<i32>} : memref<6144xf32, #tpu.memory_space<vmem>>, vector<16xf32>,
        %parallel_loop3A_253 = arith.addf %parallel_loop3A_252, %parallel_loop3A_228 : vector<16xf32>
        %parallel_loop3A_254 = arith.addf %parallel_loop3A_253, %parallel_loop3A_240 : vector<16xf32>
        %parallel_loop3A_255 = arith.index_cast %parallel_loop3A_246 : i32 to index
        %parallel_loop3A_256 = tpu.vector_load %arg18[%parallel_loop3A_255] {strides = array<i32>} : memref<6144xf32, #tpu.memory_space<vmem>>, vector<16xf32>,
        tpu.vector_store %arg18[%parallel_loop3A_255], %parallel_loop3A_254 {strides = array<i32>} : memref<6144xf32, #tpu.memory_space<vmem>>, vector<16xf32>,
        %parallel_loop3A_257 = arith.index_cast %parallel_loop3A_250 : i32 to index
        %parallel_loop3A_258 = tpu.vector_load %arg16[%parallel_loop3A_257] {strides = array<i32>} : memref<6144xf32, #tpu.memory_space<vmem>>, vector<16xf32>,
        %parallel_loop3A_259 = arith.addf %parallel_loop3A_258, %parallel_loop3A_232 : vector<16xf32>
        %parallel_loop3A_260 = arith.addf %parallel_loop3A_259, %parallel_loop3A_244 : vector<16xf32>
        %parallel_loop3A_261 = arith.index_cast %parallel_loop3A_250 : i32 to index
        %parallel_loop3A_262 = tpu.vector_load %arg18[%parallel_loop3A_261] {strides = array<i32>} : memref<6144xf32, #tpu.memory_space<vmem>>, vector<16xf32>,
        tpu.vector_store %arg18[%parallel_loop3A_261], %parallel_loop3A_260 {strides = array<i32>} : memref<6144xf32, #tpu.memory_space<vmem>>, vector<16xf32>,
        %parallel_loop3A_263 = arith.constant 48 : i32
        %parallel_loop3A_264 = arith.addi %parallel_loop3A_130, %parallel_loop3A_263 : i32
        %parallel_loop3A_265 = arith.index_cast %parallel_loop3A_264 : i32 to index
        %parallel_loop3A_266 = tpu.vector_load %arg13[%parallel_loop3A_265] {strides = array<i32>} : memref<49152xi32, #tpu.memory_space<vmem>>, vector<16xi32>,
        %parallel_loop3A_267 = arith.constant 16 : i32
        %parallel_loop3A_268 = vector.broadcast %parallel_loop3A_267 : i32 to vector<16xi32>
        %parallel_loop3A_269 = arith.shli %parallel_loop3A_266, %parallel_loop3A_268 : vector<16xi32>
        %parallel_loop3A_270 = tpu.bitcast %parallel_loop3A_269 : vector<16xi32> -> vector<16xf32>
        %parallel_loop3A_271 = arith.constant -65536 : i32
        %parallel_loop3A_272 = vector.broadcast %parallel_loop3A_271 : i32 to vector<16xi32>
        %parallel_loop3A_273 = arith.andi %parallel_loop3A_266, %parallel_loop3A_272 : vector<16xi32>
        %parallel_loop3A_274 = tpu.bitcast %parallel_loop3A_273 : vector<16xi32> -> vector<16xf32>
        %parallel_loop3A_275 = arith.constant 48 : i32
        %parallel_loop3A_276 = arith.addi %parallel_loop3A_134, %parallel_loop3A_275 : i32
        %parallel_loop3A_277 = arith.index_cast %parallel_loop3A_276 : i32 to index
        %parallel_loop3A_278 = tpu.vector_load %arg14[%parallel_loop3A_277] {strides = array<i32>} : memref<49152xi32, #tpu.memory_space<vmem>>, vector<16xi32>,
        %parallel_loop3A_279 = arith.constant 16 : i32
        %parallel_loop3A_280 = vector.broadcast %parallel_loop3A_279 : i32 to vector<16xi32>
        %parallel_loop3A_281 = arith.shli %parallel_loop3A_278, %parallel_loop3A_280 : vector<16xi32>
        %parallel_loop3A_282 = tpu.bitcast %parallel_loop3A_281 : vector<16xi32> -> vector<16xf32>
        %parallel_loop3A_283 = arith.constant -65536 : i32
        %parallel_loop3A_284 = vector.broadcast %parallel_loop3A_283 : i32 to vector<16xi32>
        %parallel_loop3A_285 = arith.andi %parallel_loop3A_278, %parallel_loop3A_284 : vector<16xi32>
        %parallel_loop3A_286 = tpu.bitcast %parallel_loop3A_285 : vector<16xi32> -> vector<16xf32>
        %parallel_loop3A_287 = arith.constant 96 : i32
        %parallel_loop3A_288 = arith.addi %parallel_loop3A_136, %parallel_loop3A_287 : i32
        %parallel_loop3A_289 = arith.constant 96 : i32
        %parallel_loop3A_290 = arith.addi %parallel_loop3A_136, %parallel_loop3A_289 : i32
        %parallel_loop3A_291 = arith.constant 16 : i32
        %parallel_loop3A_292 = arith.addi %parallel_loop3A_290, %parallel_loop3A_291 : i32
        %parallel_loop3A_293 = arith.index_cast %parallel_loop3A_288 : i32 to index
        %parallel_loop3A_294 = tpu.vector_load %arg16[%parallel_loop3A_293] {strides = array<i32>} : memref<6144xf32, #tpu.memory_space<vmem>>, vector<16xf32>,
        %parallel_loop3A_295 = arith.addf %parallel_loop3A_294, %parallel_loop3A_270 : vector<16xf32>
        %parallel_loop3A_296 = arith.addf %parallel_loop3A_295, %parallel_loop3A_282 : vector<16xf32>
        %parallel_loop3A_297 = arith.index_cast %parallel_loop3A_288 : i32 to index
        %parallel_loop3A_298 = tpu.vector_load %arg18[%parallel_loop3A_297] {strides = array<i32>} : memref<6144xf32, #tpu.memory_space<vmem>>, vector<16xf32>,
        tpu.vector_store %arg18[%parallel_loop3A_297], %parallel_loop3A_296 {strides = array<i32>} : memref<6144xf32, #tpu.memory_space<vmem>>, vector<16xf32>,
        %parallel_loop3A_299 = arith.index_cast %parallel_loop3A_292 : i32 to index
        %parallel_loop3A_300 = tpu.vector_load %arg16[%parallel_loop3A_299] {strides = array<i32>} : memref<6144xf32, #tpu.memory_space<vmem>>, vector<16xf32>,
        %parallel_loop3A_301 = arith.addf %parallel_loop3A_300, %parallel_loop3A_274 : vector<16xf32>
        %parallel_loop3A_302 = arith.addf %parallel_loop3A_301, %parallel_loop3A_286 : vector<16xf32>
        %parallel_loop3A_303 = arith.index_cast %parallel_loop3A_292 : i32 to index
        %parallel_loop3A_304 = tpu.vector_load %arg18[%parallel_loop3A_303] {strides = array<i32>} : memref<6144xf32, #tpu.memory_space<vmem>>, vector<16xf32>,
        tpu.vector_store %arg18[%parallel_loop3A_303], %parallel_loop3A_302 {strides = array<i32>} : memref<6144xf32, #tpu.memory_space<vmem>>, vector<16xf32>,
        %parallel_loop3A_305 = arith.constant 64 : i32
        %parallel_loop3A_306 = arith.addi %parallel_loop3A_130, %parallel_loop3A_305 : i32
        %parallel_loop3A_307 = arith.index_cast %parallel_loop3A_306 : i32 to index
        %parallel_loop3A_308 = tpu.vector_load %arg13[%parallel_loop3A_307] {strides = array<i32>} : memref<49152xi32, #tpu.memory_space<vmem>>, vector<16xi32>,
        %parallel_loop3A_309 = arith.constant 16 : i32
        %parallel_loop3A_310 = vector.broadcast %parallel_loop3A_309 : i32 to vector<16xi32>
        %parallel_loop3A_311 = arith.shli %parallel_loop3A_308, %parallel_loop3A_310 : vector<16xi32>
        %parallel_loop3A_312 = tpu.bitcast %parallel_loop3A_311 : vector<16xi32> -> vector<16xf32>
        %parallel_loop3A_313 = arith.constant -65536 : i32
        %parallel_loop3A_314 = vector.broadcast %parallel_loop3A_313 : i32 to vector<16xi32>
        %parallel_loop3A_315 = arith.andi %parallel_loop3A_308, %parallel_loop3A_314 : vector<16xi32>
        %parallel_loop3A_316 = tpu.bitcast %parallel_loop3A_315 : vector<16xi32> -> vector<16xf32>
        %parallel_loop3A_317 = arith.constant 64 : i32
        %parallel_loop3A_318 = arith.addi %parallel_loop3A_134, %parallel_loop3A_317 : i32
        %parallel_loop3A_319 = arith.index_cast %parallel_loop3A_318 : i32 to index
        %parallel_loop3A_320 = tpu.vector_load %arg14[%parallel_loop3A_319] {strides = array<i32>} : memref<49152xi32, #tpu.memory_space<vmem>>, vector<16xi32>,
        %parallel_loop3A_321 = arith.constant 16 : i32
        %parallel_loop3A_322 = vector.broadcast %parallel_loop3A_321 : i32 to vector<16xi32>
        %parallel_loop3A_323 = arith.shli %parallel_loop3A_320, %parallel_loop3A_322 : vector<16xi32>
        %parallel_loop3A_324 = tpu.bitcast %parallel_loop3A_323 : vector<16xi32> -> vector<16xf32>
        %parallel_loop3A_325 = arith.constant -65536 : i32
        %parallel_loop3A_326 = vector.broadcast %parallel_loop3A_325 : i32 to vector<16xi32>
        %parallel_loop3A_327 = arith.andi %parallel_loop3A_320, %parallel_loop3A_326 : vector<16xi32>
        %parallel_loop3A_328 = tpu.bitcast %parallel_loop3A_327 : vector<16xi32> -> vector<16xf32>
        %parallel_loop3A_329 = arith.constant 128 : i32
        %parallel_loop3A_330 = arith.addi %parallel_loop3A_136, %parallel_loop3A_329 : i32
        %parallel_loop3A_331 = arith.constant 128 : i32
        %parallel_loop3A_332 = arith.addi %parallel_loop3A_136, %parallel_loop3A_331 : i32
        %parallel_loop3A_333 = arith.constant 16 : i32
        %parallel_loop3A_334 = arith.addi %parallel_loop3A_332, %parallel_loop3A_333 : i32
        %parallel_loop3A_335 = arith.index_cast %parallel_loop3A_330 : i32 to index
        %parallel_loop3A_336 = tpu.vector_load %arg16[%parallel_loop3A_335] {strides = array<i32>} : memref<6144xf32, #tpu.memory_space<vmem>>, vector<16xf32>,
        %parallel_loop3A_337 = arith.addf %parallel_loop3A_336, %parallel_loop3A_312 : vector<16xf32>
        %parallel_loop3A_338 = arith.addf %parallel_loop3A_337, %parallel_loop3A_324 : vector<16xf32>
        %parallel_loop3A_339 = arith.index_cast %parallel_loop3A_330 : i32 to index
        %parallel_loop3A_340 = tpu.vector_load %arg18[%parallel_loop3A_339] {strides = array<i32>} : memref<6144xf32, #tpu.memory_space<vmem>>, vector<16xf32>,
        tpu.vector_store %arg18[%parallel_loop3A_339], %parallel_loop3A_338 {strides = array<i32>} : memref<6144xf32, #tpu.memory_space<vmem>>, vector<16xf32>,
        %parallel_loop3A_341 = arith.index_cast %parallel_loop3A_334 : i32 to index
        %parallel_loop3A_342 = tpu.vector_load %arg16[%parallel_loop3A_341] {strides = array<i32>} : memref<6144xf32, #tpu.memory_space<vmem>>, vector<16xf32>,
        %parallel_loop3A_343 = arith.addf %parallel_loop3A_342, %parallel_loop3A_316 : vector<16xf32>
        %parallel_loop3A_344 = arith.addf %parallel_loop3A_343, %parallel_loop3A_328 : vector<16xf32>
        %parallel_loop3A_345 = arith.index_cast %parallel_loop3A_334 : i32 to index
        %parallel_loop3A_346 = tpu.vector_load %arg18[%parallel_loop3A_345] {strides = array<i32>} : memref<6144xf32, #tpu.memory_space<vmem>>, vector<16xf32>,
        tpu.vector_store %arg18[%parallel_loop3A_345], %parallel_loop3A_344 {strides = array<i32>} : memref<6144xf32, #tpu.memory_space<vmem>>, vector<16xf32>,
        %parallel_loop3A_347 = arith.constant 80 : i32
        %parallel_loop3A_348 = arith.addi %parallel_loop3A_130, %parallel_loop3A_347 : i32
        %parallel_loop3A_349 = arith.index_cast %parallel_loop3A_348 : i32 to index
        %parallel_loop3A_350 = tpu.vector_load %arg13[%parallel_loop3A_349] {strides = array<i32>} : memref<49152xi32, #tpu.memory_space<vmem>>, vector<16xi32>,
        %parallel_loop3A_351 = arith.constant 16 : i32
        %parallel_loop3A_352 = vector.broadcast %parallel_loop3A_351 : i32 to vector<16xi32>
        %parallel_loop3A_353 = arith.shli %parallel_loop3A_350, %parallel_loop3A_352 : vector<16xi32>
        %parallel_loop3A_354 = tpu.bitcast %parallel_loop3A_353 : vector<16xi32> -> vector<16xf32>
        %parallel_loop3A_355 = arith.constant -65536 : i32
        %parallel_loop3A_356 = vector.broadcast %parallel_loop3A_355 : i32 to vector<16xi32>
        %parallel_loop3A_357 = arith.andi %parallel_loop3A_350, %parallel_loop3A_356 : vector<16xi32>
        %parallel_loop3A_358 = tpu.bitcast %parallel_loop3A_357 : vector<16xi32> -> vector<16xf32>
        %parallel_loop3A_359 = arith.constant 80 : i32
        %parallel_loop3A_360 = arith.addi %parallel_loop3A_134, %parallel_loop3A_359 : i32
        %parallel_loop3A_361 = arith.index_cast %parallel_loop3A_360 : i32 to index
        %parallel_loop3A_362 = tpu.vector_load %arg14[%parallel_loop3A_361] {strides = array<i32>} : memref<49152xi32, #tpu.memory_space<vmem>>, vector<16xi32>,
        %parallel_loop3A_363 = arith.constant 16 : i32
        %parallel_loop3A_364 = vector.broadcast %parallel_loop3A_363 : i32 to vector<16xi32>
        %parallel_loop3A_365 = arith.shli %parallel_loop3A_362, %parallel_loop3A_364 : vector<16xi32>
        %parallel_loop3A_366 = tpu.bitcast %parallel_loop3A_365 : vector<16xi32> -> vector<16xf32>
        %parallel_loop3A_367 = arith.constant -65536 : i32
        %parallel_loop3A_368 = vector.broadcast %parallel_loop3A_367 : i32 to vector<16xi32>
        %parallel_loop3A_369 = arith.andi %parallel_loop3A_362, %parallel_loop3A_368 : vector<16xi32>
        %parallel_loop3A_370 = tpu.bitcast %parallel_loop3A_369 : vector<16xi32> -> vector<16xf32>
        %parallel_loop3A_371 = arith.constant 160 : i32
        %parallel_loop3A_372 = arith.addi %parallel_loop3A_136, %parallel_loop3A_371 : i32
        %parallel_loop3A_373 = arith.constant 160 : i32
        %parallel_loop3A_374 = arith.addi %parallel_loop3A_136, %parallel_loop3A_373 : i32
        %parallel_loop3A_375 = arith.constant 16 : i32
        %parallel_loop3A_376 = arith.addi %parallel_loop3A_374, %parallel_loop3A_375 : i32
        %parallel_loop3A_377 = arith.index_cast %parallel_loop3A_372 : i32 to index
        %parallel_loop3A_378 = tpu.vector_load %arg16[%parallel_loop3A_377] {strides = array<i32>} : memref<6144xf32, #tpu.memory_space<vmem>>, vector<16xf32>,
        %parallel_loop3A_379 = arith.addf %parallel_loop3A_378, %parallel_loop3A_354 : vector<16xf32>
        %parallel_loop3A_380 = arith.addf %parallel_loop3A_379, %parallel_loop3A_366 : vector<16xf32>
        %parallel_loop3A_381 = arith.index_cast %parallel_loop3A_372 : i32 to index
        %parallel_loop3A_382 = tpu.vector_load %arg18[%parallel_loop3A_381] {strides = array<i32>} : memref<6144xf32, #tpu.memory_space<vmem>>, vector<16xf32>,
        tpu.vector_store %arg18[%parallel_loop3A_381], %parallel_loop3A_380 {strides = array<i32>} : memref<6144xf32, #tpu.memory_space<vmem>>, vector<16xf32>,
        %parallel_loop3A_383 = arith.index_cast %parallel_loop3A_376 : i32 to index
        %parallel_loop3A_384 = tpu.vector_load %arg16[%parallel_loop3A_383] {strides = array<i32>} : memref<6144xf32, #tpu.memory_space<vmem>>, vector<16xf32>,
        %parallel_loop3A_385 = arith.addf %parallel_loop3A_384, %parallel_loop3A_358 : vector<16xf32>
        %parallel_loop3A_386 = arith.addf %parallel_loop3A_385, %parallel_loop3A_370 : vector<16xf32>
        %parallel_loop3A_387 = arith.index_cast %parallel_loop3A_376 : i32 to index
        %parallel_loop3A_388 = tpu.vector_load %arg18[%parallel_loop3A_387] {strides = array<i32>} : memref<6144xf32, #tpu.memory_space<vmem>>, vector<16xf32>,
        tpu.vector_store %arg18[%parallel_loop3A_387], %parallel_loop3A_386 {strides = array<i32>} : memref<6144xf32, #tpu.memory_space<vmem>>, vector<16xf32>,
        %parallel_loop3A_389 = arith.constant 96 : i32
        %parallel_loop3A_390 = arith.addi %parallel_loop3A_130, %parallel_loop3A_389 : i32
        %parallel_loop3A_391 = arith.index_cast %parallel_loop3A_390 : i32 to index
        %parallel_loop3A_392 = tpu.vector_load %arg13[%parallel_loop3A_391] {strides = array<i32>} : memref<49152xi32, #tpu.memory_space<vmem>>, vector<16xi32>,
        %parallel_loop3A_393 = arith.constant 16 : i32
        %parallel_loop3A_394 = vector.broadcast %parallel_loop3A_393 : i32 to vector<16xi32>
        %parallel_loop3A_395 = arith.shli %parallel_loop3A_392, %parallel_loop3A_394 : vector<16xi32>
        %parallel_loop3A_396 = tpu.bitcast %parallel_loop3A_395 : vector<16xi32> -> vector<16xf32>
        %parallel_loop3A_397 = arith.constant -65536 : i32
        %parallel_loop3A_398 = vector.broadcast %parallel_loop3A_397 : i32 to vector<16xi32>
        %parallel_loop3A_399 = arith.andi %parallel_loop3A_392, %parallel_loop3A_398 : vector<16xi32>
        %parallel_loop3A_400 = tpu.bitcast %parallel_loop3A_399 : vector<16xi32> -> vector<16xf32>
        %parallel_loop3A_401 = arith.constant 96 : i32
        %parallel_loop3A_402 = arith.addi %parallel_loop3A_134, %parallel_loop3A_401 : i32
        %parallel_loop3A_403 = arith.index_cast %parallel_loop3A_402 : i32 to index
        %parallel_loop3A_404 = tpu.vector_load %arg14[%parallel_loop3A_403] {strides = array<i32>} : memref<49152xi32, #tpu.memory_space<vmem>>, vector<16xi32>,
        %parallel_loop3A_405 = arith.constant 16 : i32
        %parallel_loop3A_406 = vector.broadcast %parallel_loop3A_405 : i32 to vector<16xi32>
        %parallel_loop3A_407 = arith.shli %parallel_loop3A_404, %parallel_loop3A_406 : vector<16xi32>
        %parallel_loop3A_408 = tpu.bitcast %parallel_loop3A_407 : vector<16xi32> -> vector<16xf32>
        %parallel_loop3A_409 = arith.constant -65536 : i32
        %parallel_loop3A_410 = vector.broadcast %parallel_loop3A_409 : i32 to vector<16xi32>
        %parallel_loop3A_411 = arith.andi %parallel_loop3A_404, %parallel_loop3A_410 : vector<16xi32>
        %parallel_loop3A_412 = tpu.bitcast %parallel_loop3A_411 : vector<16xi32> -> vector<16xf32>
        %parallel_loop3A_413 = arith.constant 192 : i32
        %parallel_loop3A_414 = arith.addi %parallel_loop3A_136, %parallel_loop3A_413 : i32
        %parallel_loop3A_415 = arith.constant 192 : i32
        %parallel_loop3A_416 = arith.addi %parallel_loop3A_136, %parallel_loop3A_415 : i32
        %parallel_loop3A_417 = arith.constant 16 : i32
        %parallel_loop3A_418 = arith.addi %parallel_loop3A_416, %parallel_loop3A_417 : i32
        %parallel_loop3A_419 = arith.index_cast %parallel_loop3A_414 : i32 to index
        %parallel_loop3A_420 = tpu.vector_load %arg16[%parallel_loop3A_419] {strides = array<i32>} : memref<6144xf32, #tpu.memory_space<vmem>>, vector<16xf32>,
        %parallel_loop3A_421 = arith.addf %parallel_loop3A_420, %parallel_loop3A_396 : vector<16xf32>
        %parallel_loop3A_422 = arith.addf %parallel_loop3A_421, %parallel_loop3A_408 : vector<16xf32>
        %parallel_loop3A_423 = arith.index_cast %parallel_loop3A_414 : i32 to index
        %parallel_loop3A_424 = tpu.vector_load %arg18[%parallel_loop3A_423] {strides = array<i32>} : memref<6144xf32, #tpu.memory_space<vmem>>, vector<16xf32>,
        tpu.vector_store %arg18[%parallel_loop3A_423], %parallel_loop3A_422 {strides = array<i32>} : memref<6144xf32, #tpu.memory_space<vmem>>, vector<16xf32>,
        %parallel_loop3A_425 = arith.index_cast %parallel_loop3A_418 : i32 to index
        %parallel_loop3A_426 = tpu.vector_load %arg16[%parallel_loop3A_425] {strides = array<i32>} : memref<6144xf32, #tpu.memory_space<vmem>>, vector<16xf32>,
        %parallel_loop3A_427 = arith.addf %parallel_loop3A_426, %parallel_loop3A_400 : vector<16xf32>
        %parallel_loop3A_428 = arith.addf %parallel_loop3A_427, %parallel_loop3A_412 : vector<16xf32>
        %parallel_loop3A_429 = arith.index_cast %parallel_loop3A_418 : i32 to index
        %parallel_loop3A_430 = tpu.vector_load %arg18[%parallel_loop3A_429] {strides = array<i32>} : memref<6144xf32, #tpu.memory_space<vmem>>, vector<16xf32>,
        tpu.vector_store %arg18[%parallel_loop3A_429], %parallel_loop3A_428 {strides = array<i32>} : memref<6144xf32, #tpu.memory_space<vmem>>, vector<16xf32>,
        %parallel_loop3A_431 = arith.constant 112 : i32
        %parallel_loop3A_432 = arith.addi %parallel_loop3A_130, %parallel_loop3A_431 : i32
        %parallel_loop3A_433 = arith.index_cast %parallel_loop3A_432 : i32 to index
        %parallel_loop3A_434 = tpu.vector_load %arg13[%parallel_loop3A_433] {strides = array<i32>} : memref<49152xi32, #tpu.memory_space<vmem>>, vector<16xi32>,
        %parallel_loop3A_435 = arith.constant 16 : i32
        %parallel_loop3A_436 = vector.broadcast %parallel_loop3A_435 : i32 to vector<16xi32>
        %parallel_loop3A_437 = arith.shli %parallel_loop3A_434, %parallel_loop3A_436 : vector<16xi32>
        %parallel_loop3A_438 = tpu.bitcast %parallel_loop3A_437 : vector<16xi32> -> vector<16xf32>
        %parallel_loop3A_439 = arith.constant -65536 : i32
        %parallel_loop3A_440 = vector.broadcast %parallel_loop3A_439 : i32 to vector<16xi32>
        %parallel_loop3A_441 = arith.andi %parallel_loop3A_434, %parallel_loop3A_440 : vector<16xi32>
        %parallel_loop3A_442 = tpu.bitcast %parallel_loop3A_441 : vector<16xi32> -> vector<16xf32>
        %parallel_loop3A_443 = arith.constant 112 : i32
        %parallel_loop3A_444 = arith.addi %parallel_loop3A_134, %parallel_loop3A_443 : i32
        %parallel_loop3A_445 = arith.index_cast %parallel_loop3A_444 : i32 to index
        %parallel_loop3A_446 = tpu.vector_load %arg14[%parallel_loop3A_445] {strides = array<i32>} : memref<49152xi32, #tpu.memory_space<vmem>>, vector<16xi32>,
        %parallel_loop3A_447 = arith.constant 16 : i32
        %parallel_loop3A_448 = vector.broadcast %parallel_loop3A_447 : i32 to vector<16xi32>
        %parallel_loop3A_449 = arith.shli %parallel_loop3A_446, %parallel_loop3A_448 : vector<16xi32>
        %parallel_loop3A_450 = tpu.bitcast %parallel_loop3A_449 : vector<16xi32> -> vector<16xf32>
        %parallel_loop3A_451 = arith.constant -65536 : i32
        %parallel_loop3A_452 = vector.broadcast %parallel_loop3A_451 : i32 to vector<16xi32>
        %parallel_loop3A_453 = arith.andi %parallel_loop3A_446, %parallel_loop3A_452 : vector<16xi32>
        %parallel_loop3A_454 = tpu.bitcast %parallel_loop3A_453 : vector<16xi32> -> vector<16xf32>
        %parallel_loop3A_455 = arith.constant 224 : i32
        %parallel_loop3A_456 = arith.addi %parallel_loop3A_136, %parallel_loop3A_455 : i32
        %parallel_loop3A_457 = arith.constant 224 : i32
        %parallel_loop3A_458 = arith.addi %parallel_loop3A_136, %parallel_loop3A_457 : i32
        %parallel_loop3A_459 = arith.constant 16 : i32
        %parallel_loop3A_460 = arith.addi %parallel_loop3A_458, %parallel_loop3A_459 : i32
        %parallel_loop3A_461 = arith.index_cast %parallel_loop3A_456 : i32 to index
        %parallel_loop3A_462 = tpu.vector_load %arg16[%parallel_loop3A_461] {strides = array<i32>} : memref<6144xf32, #tpu.memory_space<vmem>>, vector<16xf32>,
        %parallel_loop3A_463 = arith.addf %parallel_loop3A_462, %parallel_loop3A_438 : vector<16xf32>
        %parallel_loop3A_464 = arith.addf %parallel_loop3A_463, %parallel_loop3A_450 : vector<16xf32>
        %parallel_loop3A_465 = arith.index_cast %parallel_loop3A_456 : i32 to index
        %parallel_loop3A_466 = tpu.vector_load %arg18[%parallel_loop3A_465] {strides = array<i32>} : memref<6144xf32, #tpu.memory_space<vmem>>, vector<16xf32>,
        tpu.vector_store %arg18[%parallel_loop3A_465], %parallel_loop3A_464 {strides = array<i32>} : memref<6144xf32, #tpu.memory_space<vmem>>, vector<16xf32>,
        %parallel_loop3A_467 = arith.index_cast %parallel_loop3A_460 : i32 to index
        %parallel_loop3A_468 = tpu.vector_load %arg16[%parallel_loop3A_467] {strides = array<i32>} : memref<6144xf32, #tpu.memory_space<vmem>>, vector<16xf32>,
        %parallel_loop3A_469 = arith.addf %parallel_loop3A_468, %parallel_loop3A_442 : vector<16xf32>
        %parallel_loop3A_470 = arith.addf %parallel_loop3A_469, %parallel_loop3A_454 : vector<16xf32>
        %parallel_loop3A_471 = arith.index_cast %parallel_loop3A_460 : i32 to index
        %parallel_loop3A_472 = tpu.vector_load %arg18[%parallel_loop3A_471] {strides = array<i32>} : memref<6144xf32, #tpu.memory_space<vmem>>, vector<16xf32>,
        tpu.vector_store %arg18[%parallel_loop3A_471], %parallel_loop3A_470 {strides = array<i32>} : memref<6144xf32, #tpu.memory_space<vmem>>, vector<16xf32>,
        %parallel_loop3A_473 = arith.constant 128 : i32
        %parallel_loop3A_474 = arith.addi %parallel_loop3A_130, %parallel_loop3A_473 : i32
        %parallel_loop3A_475 = arith.index_cast %parallel_loop3A_474 : i32 to index
        %parallel_loop3A_476 = tpu.vector_load %arg13[%parallel_loop3A_475] {strides = array<i32>} : memref<49152xi32, #tpu.memory_space<vmem>>, vector<16xi32>,
        %parallel_loop3A_477 = arith.constant 16 : i32
        %parallel_loop3A_478 = vector.broadcast %parallel_loop3A_477 : i32 to vector<16xi32>
        %parallel_loop3A_479 = arith.shli %parallel_loop3A_476, %parallel_loop3A_478 : vector<16xi32>
        %parallel_loop3A_480 = tpu.bitcast %parallel_loop3A_479 : vector<16xi32> -> vector<16xf32>
        %parallel_loop3A_481 = arith.constant -65536 : i32
        %parallel_loop3A_482 = vector.broadcast %parallel_loop3A_481 : i32 to vector<16xi32>
        %parallel_loop3A_483 = arith.andi %parallel_loop3A_476, %parallel_loop3A_482 : vector<16xi32>
        %parallel_loop3A_484 = tpu.bitcast %parallel_loop3A_483 : vector<16xi32> -> vector<16xf32>
        %parallel_loop3A_485 = arith.constant 128 : i32
        %parallel_loop3A_486 = arith.addi %parallel_loop3A_134, %parallel_loop3A_485 : i32
        %parallel_loop3A_487 = arith.index_cast %parallel_loop3A_486 : i32 to index
        %parallel_loop3A_488 = tpu.vector_load %arg14[%parallel_loop3A_487] {strides = array<i32>} : memref<49152xi32, #tpu.memory_space<vmem>>, vector<16xi32>,
        %parallel_loop3A_489 = arith.constant 16 : i32
        %parallel_loop3A_490 = vector.broadcast %parallel_loop3A_489 : i32 to vector<16xi32>
        %parallel_loop3A_491 = arith.shli %parallel_loop3A_488, %parallel_loop3A_490 : vector<16xi32>
        %parallel_loop3A_492 = tpu.bitcast %parallel_loop3A_491 : vector<16xi32> -> vector<16xf32>
        %parallel_loop3A_493 = arith.constant -65536 : i32
        %parallel_loop3A_494 = vector.broadcast %parallel_loop3A_493 : i32 to vector<16xi32>
        %parallel_loop3A_495 = arith.andi %parallel_loop3A_488, %parallel_loop3A_494 : vector<16xi32>
        %parallel_loop3A_496 = tpu.bitcast %parallel_loop3A_495 : vector<16xi32> -> vector<16xf32>
        %parallel_loop3A_497 = arith.constant 256 : i32
        %parallel_loop3A_498 = arith.addi %parallel_loop3A_136, %parallel_loop3A_497 : i32
        %parallel_loop3A_499 = arith.constant 256 : i32
        %parallel_loop3A_500 = arith.addi %parallel_loop3A_136, %parallel_loop3A_499 : i32
        %parallel_loop3A_501 = arith.constant 16 : i32
        %parallel_loop3A_502 = arith.addi %parallel_loop3A_500, %parallel_loop3A_501 : i32
        %parallel_loop3A_503 = arith.index_cast %parallel_loop3A_498 : i32 to index
        %parallel_loop3A_504 = tpu.vector_load %arg16[%parallel_loop3A_503] {strides = array<i32>} : memref<6144xf32, #tpu.memory_space<vmem>>, vector<16xf32>,
        %parallel_loop3A_505 = arith.addf %parallel_loop3A_504, %parallel_loop3A_480 : vector<16xf32>
        %parallel_loop3A_506 = arith.addf %parallel_loop3A_505, %parallel_loop3A_492 : vector<16xf32>
        %parallel_loop3A_507 = arith.index_cast %parallel_loop3A_498 : i32 to index
        %parallel_loop3A_508 = tpu.vector_load %arg18[%parallel_loop3A_507] {strides = array<i32>} : memref<6144xf32, #tpu.memory_space<vmem>>, vector<16xf32>,
        tpu.vector_store %arg18[%parallel_loop3A_507], %parallel_loop3A_506 {strides = array<i32>} : memref<6144xf32, #tpu.memory_space<vmem>>, vector<16xf32>,
        %parallel_loop3A_509 = arith.index_cast %parallel_loop3A_502 : i32 to index
        %parallel_loop3A_510 = tpu.vector_load %arg16[%parallel_loop3A_509] {strides = array<i32>} : memref<6144xf32, #tpu.memory_space<vmem>>, vector<16xf32>,
        %parallel_loop3A_511 = arith.addf %parallel_loop3A_510, %parallel_loop3A_484 : vector<16xf32>
        %parallel_loop3A_512 = arith.addf %parallel_loop3A_511, %parallel_loop3A_496 : vector<16xf32>
        %parallel_loop3A_513 = arith.index_cast %parallel_loop3A_502 : i32 to index
        %parallel_loop3A_514 = tpu.vector_load %arg18[%parallel_loop3A_513] {strides = array<i32>} : memref<6144xf32, #tpu.memory_space<vmem>>, vector<16xf32>,
        tpu.vector_store %arg18[%parallel_loop3A_513], %parallel_loop3A_512 {strides = array<i32>} : memref<6144xf32, #tpu.memory_space<vmem>>, vector<16xf32>,
        %parallel_loop3A_515 = arith.constant 144 : i32
        %parallel_loop3A_516 = arith.addi %parallel_loop3A_130, %parallel_loop3A_515 : i32
        %parallel_loop3A_517 = arith.index_cast %parallel_loop3A_516 : i32 to index
        %parallel_loop3A_518 = tpu.vector_load %arg13[%parallel_loop3A_517] {strides = array<i32>} : memref<49152xi32, #tpu.memory_space<vmem>>, vector<16xi32>,
        %parallel_loop3A_519 = arith.constant 16 : i32
        %parallel_loop3A_520 = vector.broadcast %parallel_loop3A_519 : i32 to vector<16xi32>
        %parallel_loop3A_521 = arith.shli %parallel_loop3A_518, %parallel_loop3A_520 : vector<16xi32>
        %parallel_loop3A_522 = tpu.bitcast %parallel_loop3A_521 : vector<16xi32> -> vector<16xf32>
        %parallel_loop3A_523 = arith.constant -65536 : i32
        %parallel_loop3A_524 = vector.broadcast %parallel_loop3A_523 : i32 to vector<16xi32>
        %parallel_loop3A_525 = arith.andi %parallel_loop3A_518, %parallel_loop3A_524 : vector<16xi32>
        %parallel_loop3A_526 = tpu.bitcast %parallel_loop3A_525 : vector<16xi32> -> vector<16xf32>
        %parallel_loop3A_527 = arith.constant 144 : i32
        %parallel_loop3A_528 = arith.addi %parallel_loop3A_134, %parallel_loop3A_527 : i32
        %parallel_loop3A_529 = arith.index_cast %parallel_loop3A_528 : i32 to index
        %parallel_loop3A_530 = tpu.vector_load %arg14[%parallel_loop3A_529] {strides = array<i32>} : memref<49152xi32, #tpu.memory_space<vmem>>, vector<16xi32>,
        %parallel_loop3A_531 = arith.constant 16 : i32
        %parallel_loop3A_532 = vector.broadcast %parallel_loop3A_531 : i32 to vector<16xi32>
        %parallel_loop3A_533 = arith.shli %parallel_loop3A_530, %parallel_loop3A_532 : vector<16xi32>
        %parallel_loop3A_534 = tpu.bitcast %parallel_loop3A_533 : vector<16xi32> -> vector<16xf32>
        %parallel_loop3A_535 = arith.constant -65536 : i32
        %parallel_loop3A_536 = vector.broadcast %parallel_loop3A_535 : i32 to vector<16xi32>
        %parallel_loop3A_537 = arith.andi %parallel_loop3A_530, %parallel_loop3A_536 : vector<16xi32>
        %parallel_loop3A_538 = tpu.bitcast %parallel_loop3A_537 : vector<16xi32> -> vector<16xf32>
        %parallel_loop3A_539 = arith.constant 288 : i32
        %parallel_loop3A_540 = arith.addi %parallel_loop3A_136, %parallel_loop3A_539 : i32
        %parallel_loop3A_541 = arith.constant 288 : i32
        %parallel_loop3A_542 = arith.addi %parallel_loop3A_136, %parallel_loop3A_541 : i32
        %parallel_loop3A_543 = arith.constant 16 : i32
        %parallel_loop3A_544 = arith.addi %parallel_loop3A_542, %parallel_loop3A_543 : i32
        %parallel_loop3A_545 = arith.index_cast %parallel_loop3A_540 : i32 to index
        %parallel_loop3A_546 = tpu.vector_load %arg16[%parallel_loop3A_545] {strides = array<i32>} : memref<6144xf32, #tpu.memory_space<vmem>>, vector<16xf32>,
        %parallel_loop3A_547 = arith.addf %parallel_loop3A_546, %parallel_loop3A_522 : vector<16xf32>
        %parallel_loop3A_548 = arith.addf %parallel_loop3A_547, %parallel_loop3A_534 : vector<16xf32>
        %parallel_loop3A_549 = arith.index_cast %parallel_loop3A_540 : i32 to index
        %parallel_loop3A_550 = tpu.vector_load %arg18[%parallel_loop3A_549] {strides = array<i32>} : memref<6144xf32, #tpu.memory_space<vmem>>, vector<16xf32>,
        tpu.vector_store %arg18[%parallel_loop3A_549], %parallel_loop3A_548 {strides = array<i32>} : memref<6144xf32, #tpu.memory_space<vmem>>, vector<16xf32>,
        %parallel_loop3A_551 = arith.index_cast %parallel_loop3A_544 : i32 to index
        %parallel_loop3A_552 = tpu.vector_load %arg16[%parallel_loop3A_551] {strides = array<i32>} : memref<6144xf32, #tpu.memory_space<vmem>>, vector<16xf32>,
        %parallel_loop3A_553 = arith.addf %parallel_loop3A_552, %parallel_loop3A_526 : vector<16xf32>
        %parallel_loop3A_554 = arith.addf %parallel_loop3A_553, %parallel_loop3A_538 : vector<16xf32>
        %parallel_loop3A_555 = arith.index_cast %parallel_loop3A_544 : i32 to index
        %parallel_loop3A_556 = tpu.vector_load %arg18[%parallel_loop3A_555] {strides = array<i32>} : memref<6144xf32, #tpu.memory_space<vmem>>, vector<16xf32>,
        tpu.vector_store %arg18[%parallel_loop3A_555], %parallel_loop3A_554 {strides = array<i32>} : memref<6144xf32, #tpu.memory_space<vmem>>, vector<16xf32>,
        %parallel_loop3A_557 = arith.constant 160 : i32
        %parallel_loop3A_558 = arith.addi %parallel_loop3A_130, %parallel_loop3A_557 : i32
        %parallel_loop3A_559 = arith.index_cast %parallel_loop3A_558 : i32 to index
        %parallel_loop3A_560 = tpu.vector_load %arg13[%parallel_loop3A_559] {strides = array<i32>} : memref<49152xi32, #tpu.memory_space<vmem>>, vector<16xi32>,
        %parallel_loop3A_561 = arith.constant 16 : i32
        %parallel_loop3A_562 = vector.broadcast %parallel_loop3A_561 : i32 to vector<16xi32>
        %parallel_loop3A_563 = arith.shli %parallel_loop3A_560, %parallel_loop3A_562 : vector<16xi32>
        %parallel_loop3A_564 = tpu.bitcast %parallel_loop3A_563 : vector<16xi32> -> vector<16xf32>
        %parallel_loop3A_565 = arith.constant -65536 : i32
        %parallel_loop3A_566 = vector.broadcast %parallel_loop3A_565 : i32 to vector<16xi32>
        %parallel_loop3A_567 = arith.andi %parallel_loop3A_560, %parallel_loop3A_566 : vector<16xi32>
        %parallel_loop3A_568 = tpu.bitcast %parallel_loop3A_567 : vector<16xi32> -> vector<16xf32>
        %parallel_loop3A_569 = arith.constant 160 : i32
        %parallel_loop3A_570 = arith.addi %parallel_loop3A_134, %parallel_loop3A_569 : i32
        %parallel_loop3A_571 = arith.index_cast %parallel_loop3A_570 : i32 to index
        %parallel_loop3A_572 = tpu.vector_load %arg14[%parallel_loop3A_571] {strides = array<i32>} : memref<49152xi32, #tpu.memory_space<vmem>>, vector<16xi32>,
        %parallel_loop3A_573 = arith.constant 16 : i32
        %parallel_loop3A_574 = vector.broadcast %parallel_loop3A_573 : i32 to vector<16xi32>
        %parallel_loop3A_575 = arith.shli %parallel_loop3A_572, %parallel_loop3A_574 : vector<16xi32>
        %parallel_loop3A_576 = tpu.bitcast %parallel_loop3A_575 : vector<16xi32> -> vector<16xf32>
        %parallel_loop3A_577 = arith.constant -65536 : i32
        %parallel_loop3A_578 = vector.broadcast %parallel_loop3A_577 : i32 to vector<16xi32>
        %parallel_loop3A_579 = arith.andi %parallel_loop3A_572, %parallel_loop3A_578 : vector<16xi32>
        %parallel_loop3A_580 = tpu.bitcast %parallel_loop3A_579 : vector<16xi32> -> vector<16xf32>
        %parallel_loop3A_581 = arith.constant 320 : i32
        %parallel_loop3A_582 = arith.addi %parallel_loop3A_136, %parallel_loop3A_581 : i32
        %parallel_loop3A_583 = arith.constant 320 : i32
        %parallel_loop3A_584 = arith.addi %parallel_loop3A_136, %parallel_loop3A_583 : i32
        %parallel_loop3A_585 = arith.constant 16 : i32
        %parallel_loop3A_586 = arith.addi %parallel_loop3A_584, %parallel_loop3A_585 : i32
        %parallel_loop3A_587 = arith.index_cast %parallel_loop3A_582 : i32 to index
        %parallel_loop3A_588 = tpu.vector_load %arg16[%parallel_loop3A_587] {strides = array<i32>} : memref<6144xf32, #tpu.memory_space<vmem>>, vector<16xf32>,
        %parallel_loop3A_589 = arith.addf %parallel_loop3A_588, %parallel_loop3A_564 : vector<16xf32>
        %parallel_loop3A_590 = arith.addf %parallel_loop3A_589, %parallel_loop3A_576 : vector<16xf32>
        %parallel_loop3A_591 = arith.index_cast %parallel_loop3A_582 : i32 to index
        %parallel_loop3A_592 = tpu.vector_load %arg18[%parallel_loop3A_591] {strides = array<i32>} : memref<6144xf32, #tpu.memory_space<vmem>>, vector<16xf32>,
        tpu.vector_store %arg18[%parallel_loop3A_591], %parallel_loop3A_590 {strides = array<i32>} : memref<6144xf32, #tpu.memory_space<vmem>>, vector<16xf32>,
        %parallel_loop3A_593 = arith.index_cast %parallel_loop3A_586 : i32 to index
        %parallel_loop3A_594 = tpu.vector_load %arg16[%parallel_loop3A_593] {strides = array<i32>} : memref<6144xf32, #tpu.memory_space<vmem>>, vector<16xf32>,
        %parallel_loop3A_595 = arith.addf %parallel_loop3A_594, %parallel_loop3A_568 : vector<16xf32>
        %parallel_loop3A_596 = arith.addf %parallel_loop3A_595, %parallel_loop3A_580 : vector<16xf32>
        %parallel_loop3A_597 = arith.index_cast %parallel_loop3A_586 : i32 to index
        %parallel_loop3A_598 = tpu.vector_load %arg18[%parallel_loop3A_597] {strides = array<i32>} : memref<6144xf32, #tpu.memory_space<vmem>>, vector<16xf32>,
        tpu.vector_store %arg18[%parallel_loop3A_597], %parallel_loop3A_596 {strides = array<i32>} : memref<6144xf32, #tpu.memory_space<vmem>>, vector<16xf32>,
        %parallel_loop3A_599 = arith.constant 176 : i32
        %parallel_loop3A_600 = arith.addi %parallel_loop3A_130, %parallel_loop3A_599 : i32
        %parallel_loop3A_601 = arith.index_cast %parallel_loop3A_600 : i32 to index
        %parallel_loop3A_602 = tpu.vector_load %arg13[%parallel_loop3A_601] {strides = array<i32>} : memref<49152xi32, #tpu.memory_space<vmem>>, vector<16xi32>,
        %parallel_loop3A_603 = arith.constant 16 : i32
        %parallel_loop3A_604 = vector.broadcast %parallel_loop3A_603 : i32 to vector<16xi32>
        %parallel_loop3A_605 = arith.shli %parallel_loop3A_602, %parallel_loop3A_604 : vector<16xi32>
        %parallel_loop3A_606 = tpu.bitcast %parallel_loop3A_605 : vector<16xi32> -> vector<16xf32>
        %parallel_loop3A_607 = arith.constant -65536 : i32
        %parallel_loop3A_608 = vector.broadcast %parallel_loop3A_607 : i32 to vector<16xi32>
        %parallel_loop3A_609 = arith.andi %parallel_loop3A_602, %parallel_loop3A_608 : vector<16xi32>
        %parallel_loop3A_610 = tpu.bitcast %parallel_loop3A_609 : vector<16xi32> -> vector<16xf32>
        %parallel_loop3A_611 = arith.constant 176 : i32
        %parallel_loop3A_612 = arith.addi %parallel_loop3A_134, %parallel_loop3A_611 : i32
        %parallel_loop3A_613 = arith.index_cast %parallel_loop3A_612 : i32 to index
        %parallel_loop3A_614 = tpu.vector_load %arg14[%parallel_loop3A_613] {strides = array<i32>} : memref<49152xi32, #tpu.memory_space<vmem>>, vector<16xi32>,
        %parallel_loop3A_615 = arith.constant 16 : i32
        %parallel_loop3A_616 = vector.broadcast %parallel_loop3A_615 : i32 to vector<16xi32>
        %parallel_loop3A_617 = arith.shli %parallel_loop3A_614, %parallel_loop3A_616 : vector<16xi32>
        %parallel_loop3A_618 = tpu.bitcast %parallel_loop3A_617 : vector<16xi32> -> vector<16xf32>
        %parallel_loop3A_619 = arith.constant -65536 : i32
        %parallel_loop3A_620 = vector.broadcast %parallel_loop3A_619 : i32 to vector<16xi32>
        %parallel_loop3A_621 = arith.andi %parallel_loop3A_614, %parallel_loop3A_620 : vector<16xi32>
        %parallel_loop3A_622 = tpu.bitcast %parallel_loop3A_621 : vector<16xi32> -> vector<16xf32>
        %parallel_loop3A_623 = arith.constant 352 : i32
        %parallel_loop3A_624 = arith.addi %parallel_loop3A_136, %parallel_loop3A_623 : i32
        %parallel_loop3A_625 = arith.constant 352 : i32
        %parallel_loop3A_626 = arith.addi %parallel_loop3A_136, %parallel_loop3A_625 : i32
        %parallel_loop3A_627 = arith.constant 16 : i32
        %parallel_loop3A_628 = arith.addi %parallel_loop3A_626, %parallel_loop3A_627 : i32
        %parallel_loop3A_629 = arith.index_cast %parallel_loop3A_624 : i32 to index
        %parallel_loop3A_630 = tpu.vector_load %arg16[%parallel_loop3A_629] {strides = array<i32>} : memref<6144xf32, #tpu.memory_space<vmem>>, vector<16xf32>,
        %parallel_loop3A_631 = arith.addf %parallel_loop3A_630, %parallel_loop3A_606 : vector<16xf32>
        %parallel_loop3A_632 = arith.addf %parallel_loop3A_631, %parallel_loop3A_618 : vector<16xf32>
        %parallel_loop3A_633 = arith.index_cast %parallel_loop3A_624 : i32 to index
        %parallel_loop3A_634 = tpu.vector_load %arg18[%parallel_loop3A_633] {strides = array<i32>} : memref<6144xf32, #tpu.memory_space<vmem>>, vector<16xf32>,
        tpu.vector_store %arg18[%parallel_loop3A_633], %parallel_loop3A_632 {strides = array<i32>} : memref<6144xf32, #tpu.memory_space<vmem>>, vector<16xf32>,
        %parallel_loop3A_635 = arith.index_cast %parallel_loop3A_628 : i32 to index
        %parallel_loop3A_636 = tpu.vector_load %arg16[%parallel_loop3A_635] {strides = array<i32>} : memref<6144xf32, #tpu.memory_space<vmem>>, vector<16xf32>,
        %parallel_loop3A_637 = arith.addf %parallel_loop3A_636, %parallel_loop3A_610 : vector<16xf32>
        %parallel_loop3A_638 = arith.addf %parallel_loop3A_637, %parallel_loop3A_622 : vector<16xf32>
        %parallel_loop3A_639 = arith.index_cast %parallel_loop3A_628 : i32 to index
        %parallel_loop3A_640 = tpu.vector_load %arg18[%parallel_loop3A_639] {strides = array<i32>} : memref<6144xf32, #tpu.memory_space<vmem>>, vector<16xf32>,
        tpu.vector_store %arg18[%parallel_loop3A_639], %parallel_loop3A_638 {strides = array<i32>} : memref<6144xf32, #tpu.memory_space<vmem>>, vector<16xf32>,
        %parallel_loop3A_641 = arith.constant 192 : i32
        %parallel_loop3A_642 = arith.addi %parallel_loop3A_130, %parallel_loop3A_641 : i32
        %parallel_loop3A_643 = arith.index_cast %parallel_loop3A_642 : i32 to index
        %parallel_loop3A_644 = tpu.vector_load %arg13[%parallel_loop3A_643] {strides = array<i32>} : memref<49152xi32, #tpu.memory_space<vmem>>, vector<16xi32>,
        %parallel_loop3A_645 = arith.constant 16 : i32
        %parallel_loop3A_646 = vector.broadcast %parallel_loop3A_645 : i32 to vector<16xi32>
        %parallel_loop3A_647 = arith.shli %parallel_loop3A_644, %parallel_loop3A_646 : vector<16xi32>
        %parallel_loop3A_648 = tpu.bitcast %parallel_loop3A_647 : vector<16xi32> -> vector<16xf32>
        %parallel_loop3A_649 = arith.constant -65536 : i32
        %parallel_loop3A_650 = vector.broadcast %parallel_loop3A_649 : i32 to vector<16xi32>
        %parallel_loop3A_651 = arith.andi %parallel_loop3A_644, %parallel_loop3A_650 : vector<16xi32>
        %parallel_loop3A_652 = tpu.bitcast %parallel_loop3A_651 : vector<16xi32> -> vector<16xf32>
        %parallel_loop3A_653 = arith.constant 192 : i32
        %parallel_loop3A_654 = arith.addi %parallel_loop3A_134, %parallel_loop3A_653 : i32
        %parallel_loop3A_655 = arith.index_cast %parallel_loop3A_654 : i32 to index
        %parallel_loop3A_656 = tpu.vector_load %arg14[%parallel_loop3A_655] {strides = array<i32>} : memref<49152xi32, #tpu.memory_space<vmem>>, vector<16xi32>,
        %parallel_loop3A_657 = arith.constant 16 : i32
        %parallel_loop3A_658 = vector.broadcast %parallel_loop3A_657 : i32 to vector<16xi32>
        %parallel_loop3A_659 = arith.shli %parallel_loop3A_656, %parallel_loop3A_658 : vector<16xi32>
        %parallel_loop3A_660 = tpu.bitcast %parallel_loop3A_659 : vector<16xi32> -> vector<16xf32>
        %parallel_loop3A_661 = arith.constant -65536 : i32
        %parallel_loop3A_662 = vector.broadcast %parallel_loop3A_661 : i32 to vector<16xi32>
        %parallel_loop3A_663 = arith.andi %parallel_loop3A_656, %parallel_loop3A_662 : vector<16xi32>
        %parallel_loop3A_664 = tpu.bitcast %parallel_loop3A_663 : vector<16xi32> -> vector<16xf32>
        %parallel_loop3A_665 = arith.constant 384 : i32
        %parallel_loop3A_666 = arith.addi %parallel_loop3A_136, %parallel_loop3A_665 : i32
        %parallel_loop3A_667 = arith.constant 384 : i32
        %parallel_loop3A_668 = arith.addi %parallel_loop3A_136, %parallel_loop3A_667 : i32
        %parallel_loop3A_669 = arith.constant 16 : i32
        %parallel_loop3A_670 = arith.addi %parallel_loop3A_668, %parallel_loop3A_669 : i32
        %parallel_loop3A_671 = arith.index_cast %parallel_loop3A_666 : i32 to index
        %parallel_loop3A_672 = tpu.vector_load %arg16[%parallel_loop3A_671] {strides = array<i32>} : memref<6144xf32, #tpu.memory_space<vmem>>, vector<16xf32>,
        %parallel_loop3A_673 = arith.addf %parallel_loop3A_672, %parallel_loop3A_648 : vector<16xf32>
        %parallel_loop3A_674 = arith.addf %parallel_loop3A_673, %parallel_loop3A_660 : vector<16xf32>
        %parallel_loop3A_675 = arith.index_cast %parallel_loop3A_666 : i32 to index
        %parallel_loop3A_676 = tpu.vector_load %arg18[%parallel_loop3A_675] {strides = array<i32>} : memref<6144xf32, #tpu.memory_space<vmem>>, vector<16xf32>,
        tpu.vector_store %arg18[%parallel_loop3A_675], %parallel_loop3A_674 {strides = array<i32>} : memref<6144xf32, #tpu.memory_space<vmem>>, vector<16xf32>,
        %parallel_loop3A_677 = arith.index_cast %parallel_loop3A_670 : i32 to index
        %parallel_loop3A_678 = tpu.vector_load %arg16[%parallel_loop3A_677] {strides = array<i32>} : memref<6144xf32, #tpu.memory_space<vmem>>, vector<16xf32>,
        %parallel_loop3A_679 = arith.addf %parallel_loop3A_678, %parallel_loop3A_652 : vector<16xf32>
        %parallel_loop3A_680 = arith.addf %parallel_loop3A_679, %parallel_loop3A_664 : vector<16xf32>
        %parallel_loop3A_681 = arith.index_cast %parallel_loop3A_670 : i32 to index
        %parallel_loop3A_682 = tpu.vector_load %arg18[%parallel_loop3A_681] {strides = array<i32>} : memref<6144xf32, #tpu.memory_space<vmem>>, vector<16xf32>,
        tpu.vector_store %arg18[%parallel_loop3A_681], %parallel_loop3A_680 {strides = array<i32>} : memref<6144xf32, #tpu.memory_space<vmem>>, vector<16xf32>,
        %parallel_loop3A_683 = arith.constant 208 : i32
        %parallel_loop3A_684 = arith.addi %parallel_loop3A_130, %parallel_loop3A_683 : i32
        %parallel_loop3A_685 = arith.index_cast %parallel_loop3A_684 : i32 to index
        %parallel_loop3A_686 = tpu.vector_load %arg13[%parallel_loop3A_685] {strides = array<i32>} : memref<49152xi32, #tpu.memory_space<vmem>>, vector<16xi32>,
        %parallel_loop3A_687 = arith.constant 16 : i32
        %parallel_loop3A_688 = vector.broadcast %parallel_loop3A_687 : i32 to vector<16xi32>
        %parallel_loop3A_689 = arith.shli %parallel_loop3A_686, %parallel_loop3A_688 : vector<16xi32>
        %parallel_loop3A_690 = tpu.bitcast %parallel_loop3A_689 : vector<16xi32> -> vector<16xf32>
        %parallel_loop3A_691 = arith.constant -65536 : i32
        %parallel_loop3A_692 = vector.broadcast %parallel_loop3A_691 : i32 to vector<16xi32>
        %parallel_loop3A_693 = arith.andi %parallel_loop3A_686, %parallel_loop3A_692 : vector<16xi32>
        %parallel_loop3A_694 = tpu.bitcast %parallel_loop3A_693 : vector<16xi32> -> vector<16xf32>
        %parallel_loop3A_695 = arith.constant 208 : i32
        %parallel_loop3A_696 = arith.addi %parallel_loop3A_134, %parallel_loop3A_695 : i32
        %parallel_loop3A_697 = arith.index_cast %parallel_loop3A_696 : i32 to index
        %parallel_loop3A_698 = tpu.vector_load %arg14[%parallel_loop3A_697] {strides = array<i32>} : memref<49152xi32, #tpu.memory_space<vmem>>, vector<16xi32>,
        %parallel_loop3A_699 = arith.constant 16 : i32
        %parallel_loop3A_700 = vector.broadcast %parallel_loop3A_699 : i32 to vector<16xi32>
        %parallel_loop3A_701 = arith.shli %parallel_loop3A_698, %parallel_loop3A_700 : vector<16xi32>
        %parallel_loop3A_702 = tpu.bitcast %parallel_loop3A_701 : vector<16xi32> -> vector<16xf32>
        %parallel_loop3A_703 = arith.constant -65536 : i32
        %parallel_loop3A_704 = vector.broadcast %parallel_loop3A_703 : i32 to vector<16xi32>
        %parallel_loop3A_705 = arith.andi %parallel_loop3A_698, %parallel_loop3A_704 : vector<16xi32>
        %parallel_loop3A_706 = tpu.bitcast %parallel_loop3A_705 : vector<16xi32> -> vector<16xf32>
        %parallel_loop3A_707 = arith.constant 416 : i32
        %parallel_loop3A_708 = arith.addi %parallel_loop3A_136, %parallel_loop3A_707 : i32
        %parallel_loop3A_709 = arith.constant 416 : i32
        %parallel_loop3A_710 = arith.addi %parallel_loop3A_136, %parallel_loop3A_709 : i32
        %parallel_loop3A_711 = arith.constant 16 : i32
        %parallel_loop3A_712 = arith.addi %parallel_loop3A_710, %parallel_loop3A_711 : i32
        %parallel_loop3A_713 = arith.index_cast %parallel_loop3A_708 : i32 to index
        %parallel_loop3A_714 = tpu.vector_load %arg16[%parallel_loop3A_713] {strides = array<i32>} : memref<6144xf32, #tpu.memory_space<vmem>>, vector<16xf32>,
        %parallel_loop3A_715 = arith.addf %parallel_loop3A_714, %parallel_loop3A_690 : vector<16xf32>
        %parallel_loop3A_716 = arith.addf %parallel_loop3A_715, %parallel_loop3A_702 : vector<16xf32>
        %parallel_loop3A_717 = arith.index_cast %parallel_loop3A_708 : i32 to index
        %parallel_loop3A_718 = tpu.vector_load %arg18[%parallel_loop3A_717] {strides = array<i32>} : memref<6144xf32, #tpu.memory_space<vmem>>, vector<16xf32>,
        tpu.vector_store %arg18[%parallel_loop3A_717], %parallel_loop3A_716 {strides = array<i32>} : memref<6144xf32, #tpu.memory_space<vmem>>, vector<16xf32>,
        %parallel_loop3A_719 = arith.index_cast %parallel_loop3A_712 : i32 to index
        %parallel_loop3A_720 = tpu.vector_load %arg16[%parallel_loop3A_719] {strides = array<i32>} : memref<6144xf32, #tpu.memory_space<vmem>>, vector<16xf32>,
        %parallel_loop3A_721 = arith.addf %parallel_loop3A_720, %parallel_loop3A_694 : vector<16xf32>
        %parallel_loop3A_722 = arith.addf %parallel_loop3A_721, %parallel_loop3A_706 : vector<16xf32>
        %parallel_loop3A_723 = arith.index_cast %parallel_loop3A_712 : i32 to index
        %parallel_loop3A_724 = tpu.vector_load %arg18[%parallel_loop3A_723] {strides = array<i32>} : memref<6144xf32, #tpu.memory_space<vmem>>, vector<16xf32>,
        tpu.vector_store %arg18[%parallel_loop3A_723], %parallel_loop3A_722 {strides = array<i32>} : memref<6144xf32, #tpu.memory_space<vmem>>, vector<16xf32>,
        %parallel_loop3A_725 = arith.constant 224 : i32
        %parallel_loop3A_726 = arith.addi %parallel_loop3A_130, %parallel_loop3A_725 : i32
        %parallel_loop3A_727 = arith.index_cast %parallel_loop3A_726 : i32 to index
        %parallel_loop3A_728 = tpu.vector_load %arg13[%parallel_loop3A_727] {strides = array<i32>} : memref<49152xi32, #tpu.memory_space<vmem>>, vector<16xi32>,
        %parallel_loop3A_729 = arith.constant 16 : i32
        %parallel_loop3A_730 = vector.broadcast %parallel_loop3A_729 : i32 to vector<16xi32>
        %parallel_loop3A_731 = arith.shli %parallel_loop3A_728, %parallel_loop3A_730 : vector<16xi32>
        %parallel_loop3A_732 = tpu.bitcast %parallel_loop3A_731 : vector<16xi32> -> vector<16xf32>
        %parallel_loop3A_733 = arith.constant -65536 : i32
        %parallel_loop3A_734 = vector.broadcast %parallel_loop3A_733 : i32 to vector<16xi32>
        %parallel_loop3A_735 = arith.andi %parallel_loop3A_728, %parallel_loop3A_734 : vector<16xi32>
        %parallel_loop3A_736 = tpu.bitcast %parallel_loop3A_735 : vector<16xi32> -> vector<16xf32>
        %parallel_loop3A_737 = arith.constant 224 : i32
        %parallel_loop3A_738 = arith.addi %parallel_loop3A_134, %parallel_loop3A_737 : i32
        %parallel_loop3A_739 = arith.index_cast %parallel_loop3A_738 : i32 to index
        %parallel_loop3A_740 = tpu.vector_load %arg14[%parallel_loop3A_739] {strides = array<i32>} : memref<49152xi32, #tpu.memory_space<vmem>>, vector<16xi32>,
        %parallel_loop3A_741 = arith.constant 16 : i32
        %parallel_loop3A_742 = vector.broadcast %parallel_loop3A_741 : i32 to vector<16xi32>
        %parallel_loop3A_743 = arith.shli %parallel_loop3A_740, %parallel_loop3A_742 : vector<16xi32>
        %parallel_loop3A_744 = tpu.bitcast %parallel_loop3A_743 : vector<16xi32> -> vector<16xf32>
        %parallel_loop3A_745 = arith.constant -65536 : i32
        %parallel_loop3A_746 = vector.broadcast %parallel_loop3A_745 : i32 to vector<16xi32>
        %parallel_loop3A_747 = arith.andi %parallel_loop3A_740, %parallel_loop3A_746 : vector<16xi32>
        %parallel_loop3A_748 = tpu.bitcast %parallel_loop3A_747 : vector<16xi32> -> vector<16xf32>
        %parallel_loop3A_749 = arith.constant 448 : i32
        %parallel_loop3A_750 = arith.addi %parallel_loop3A_136, %parallel_loop3A_749 : i32
        %parallel_loop3A_751 = arith.constant 448 : i32
        %parallel_loop3A_752 = arith.addi %parallel_loop3A_136, %parallel_loop3A_751 : i32
        %parallel_loop3A_753 = arith.constant 16 : i32
        %parallel_loop3A_754 = arith.addi %parallel_loop3A_752, %parallel_loop3A_753 : i32
        %parallel_loop3A_755 = arith.index_cast %parallel_loop3A_750 : i32 to index
        %parallel_loop3A_756 = tpu.vector_load %arg16[%parallel_loop3A_755] {strides = array<i32>} : memref<6144xf32, #tpu.memory_space<vmem>>, vector<16xf32>,
        %parallel_loop3A_757 = arith.addf %parallel_loop3A_756, %parallel_loop3A_732 : vector<16xf32>
        %parallel_loop3A_758 = arith.addf %parallel_loop3A_757, %parallel_loop3A_744 : vector<16xf32>
        %parallel_loop3A_759 = arith.index_cast %parallel_loop3A_750 : i32 to index
        %parallel_loop3A_760 = tpu.vector_load %arg18[%parallel_loop3A_759] {strides = array<i32>} : memref<6144xf32, #tpu.memory_space<vmem>>, vector<16xf32>,
        tpu.vector_store %arg18[%parallel_loop3A_759], %parallel_loop3A_758 {strides = array<i32>} : memref<6144xf32, #tpu.memory_space<vmem>>, vector<16xf32>,
        %parallel_loop3A_761 = arith.index_cast %parallel_loop3A_754 : i32 to index
        %parallel_loop3A_762 = tpu.vector_load %arg16[%parallel_loop3A_761] {strides = array<i32>} : memref<6144xf32, #tpu.memory_space<vmem>>, vector<16xf32>,
        %parallel_loop3A_763 = arith.addf %parallel_loop3A_762, %parallel_loop3A_736 : vector<16xf32>
        %parallel_loop3A_764 = arith.addf %parallel_loop3A_763, %parallel_loop3A_748 : vector<16xf32>
        %parallel_loop3A_765 = arith.index_cast %parallel_loop3A_754 : i32 to index
        %parallel_loop3A_766 = tpu.vector_load %arg18[%parallel_loop3A_765] {strides = array<i32>} : memref<6144xf32, #tpu.memory_space<vmem>>, vector<16xf32>,
        tpu.vector_store %arg18[%parallel_loop3A_765], %parallel_loop3A_764 {strides = array<i32>} : memref<6144xf32, #tpu.memory_space<vmem>>, vector<16xf32>,
        %parallel_loop3A_767 = arith.constant 240 : i32
        %parallel_loop3A_768 = arith.addi %parallel_loop3A_130, %parallel_loop3A_767 : i32
        %parallel_loop3A_769 = arith.index_cast %parallel_loop3A_768 : i32 to index
        %parallel_loop3A_770 = tpu.vector_load %arg13[%parallel_loop3A_769] {strides = array<i32>} : memref<49152xi32, #tpu.memory_space<vmem>>, vector<16xi32>,
        %parallel_loop3A_771 = arith.constant 16 : i32
        %parallel_loop3A_772 = vector.broadcast %parallel_loop3A_771 : i32 to vector<16xi32>
        %parallel_loop3A_773 = arith.shli %parallel_loop3A_770, %parallel_loop3A_772 : vector<16xi32>
        %parallel_loop3A_774 = tpu.bitcast %parallel_loop3A_773 : vector<16xi32> -> vector<16xf32>
        %parallel_loop3A_775 = arith.constant -65536 : i32
        %parallel_loop3A_776 = vector.broadcast %parallel_loop3A_775 : i32 to vector<16xi32>
        %parallel_loop3A_777 = arith.andi %parallel_loop3A_770, %parallel_loop3A_776 : vector<16xi32>
        %parallel_loop3A_778 = tpu.bitcast %parallel_loop3A_777 : vector<16xi32> -> vector<16xf32>
        %parallel_loop3A_779 = arith.constant 240 : i32
        %parallel_loop3A_780 = arith.addi %parallel_loop3A_134, %parallel_loop3A_779 : i32
        %parallel_loop3A_781 = arith.index_cast %parallel_loop3A_780 : i32 to index
        %parallel_loop3A_782 = tpu.vector_load %arg14[%parallel_loop3A_781] {strides = array<i32>} : memref<49152xi32, #tpu.memory_space<vmem>>, vector<16xi32>,
        %parallel_loop3A_783 = arith.constant 16 : i32
        %parallel_loop3A_784 = vector.broadcast %parallel_loop3A_783 : i32 to vector<16xi32>
        %parallel_loop3A_785 = arith.shli %parallel_loop3A_782, %parallel_loop3A_784 : vector<16xi32>
        %parallel_loop3A_786 = tpu.bitcast %parallel_loop3A_785 : vector<16xi32> -> vector<16xf32>
        %parallel_loop3A_787 = arith.constant -65536 : i32
        %parallel_loop3A_788 = vector.broadcast %parallel_loop3A_787 : i32 to vector<16xi32>
        %parallel_loop3A_789 = arith.andi %parallel_loop3A_782, %parallel_loop3A_788 : vector<16xi32>
        %parallel_loop3A_790 = tpu.bitcast %parallel_loop3A_789 : vector<16xi32> -> vector<16xf32>
        %parallel_loop3A_791 = arith.constant 480 : i32
        %parallel_loop3A_792 = arith.addi %parallel_loop3A_136, %parallel_loop3A_791 : i32
        %parallel_loop3A_793 = arith.constant 480 : i32
        %parallel_loop3A_794 = arith.addi %parallel_loop3A_136, %parallel_loop3A_793 : i32
        %parallel_loop3A_795 = arith.constant 16 : i32
        %parallel_loop3A_796 = arith.addi %parallel_loop3A_794, %parallel_loop3A_795 : i32
        %parallel_loop3A_797 = arith.index_cast %parallel_loop3A_792 : i32 to index
        %parallel_loop3A_798 = tpu.vector_load %arg16[%parallel_loop3A_797] {strides = array<i32>} : memref<6144xf32, #tpu.memory_space<vmem>>, vector<16xf32>,
        %parallel_loop3A_799 = arith.addf %parallel_loop3A_798, %parallel_loop3A_774 : vector<16xf32>
        %parallel_loop3A_800 = arith.addf %parallel_loop3A_799, %parallel_loop3A_786 : vector<16xf32>
        %parallel_loop3A_801 = arith.index_cast %parallel_loop3A_792 : i32 to index
        %parallel_loop3A_802 = tpu.vector_load %arg18[%parallel_loop3A_801] {strides = array<i32>} : memref<6144xf32, #tpu.memory_space<vmem>>, vector<16xf32>,
        tpu.vector_store %arg18[%parallel_loop3A_801], %parallel_loop3A_800 {strides = array<i32>} : memref<6144xf32, #tpu.memory_space<vmem>>, vector<16xf32>,
        %parallel_loop3A_803 = arith.index_cast %parallel_loop3A_796 : i32 to index
        %parallel_loop3A_804 = tpu.vector_load %arg16[%parallel_loop3A_803] {strides = array<i32>} : memref<6144xf32, #tpu.memory_space<vmem>>, vector<16xf32>,
        %parallel_loop3A_805 = arith.addf %parallel_loop3A_804, %parallel_loop3A_778 : vector<16xf32>
        %parallel_loop3A_806 = arith.addf %parallel_loop3A_805, %parallel_loop3A_790 : vector<16xf32>
        %parallel_loop3A_807 = arith.index_cast %parallel_loop3A_796 : i32 to index
        %parallel_loop3A_808 = tpu.vector_load %arg18[%parallel_loop3A_807] {strides = array<i32>} : memref<6144xf32, #tpu.memory_space<vmem>>, vector<16xf32>,
        tpu.vector_store %arg18[%parallel_loop3A_807], %parallel_loop3A_806 {strides = array<i32>} : memref<6144xf32, #tpu.memory_space<vmem>>, vector<16xf32>,
        %parallel_loop3A_809 = arith.constant 256 : i32
        %parallel_loop3A_810 = arith.addi %parallel_loop3A_130, %parallel_loop3A_809 : i32
        %parallel_loop3A_811 = arith.index_cast %parallel_loop3A_810 : i32 to index
        %parallel_loop3A_812 = tpu.vector_load %arg13[%parallel_loop3A_811] {strides = array<i32>} : memref<49152xi32, #tpu.memory_space<vmem>>, vector<16xi32>,
        %parallel_loop3A_813 = arith.constant 16 : i32
        %parallel_loop3A_814 = vector.broadcast %parallel_loop3A_813 : i32 to vector<16xi32>
        %parallel_loop3A_815 = arith.shli %parallel_loop3A_812, %parallel_loop3A_814 : vector<16xi32>
        %parallel_loop3A_816 = tpu.bitcast %parallel_loop3A_815 : vector<16xi32> -> vector<16xf32>
        %parallel_loop3A_817 = arith.constant -65536 : i32
        %parallel_loop3A_818 = vector.broadcast %parallel_loop3A_817 : i32 to vector<16xi32>
        %parallel_loop3A_819 = arith.andi %parallel_loop3A_812, %parallel_loop3A_818 : vector<16xi32>
        %parallel_loop3A_820 = tpu.bitcast %parallel_loop3A_819 : vector<16xi32> -> vector<16xf32>
        %parallel_loop3A_821 = arith.constant 256 : i32
        %parallel_loop3A_822 = arith.addi %parallel_loop3A_134, %parallel_loop3A_821 : i32
        %parallel_loop3A_823 = arith.index_cast %parallel_loop3A_822 : i32 to index
        %parallel_loop3A_824 = tpu.vector_load %arg14[%parallel_loop3A_823] {strides = array<i32>} : memref<49152xi32, #tpu.memory_space<vmem>>, vector<16xi32>,
        %parallel_loop3A_825 = arith.constant 16 : i32
        %parallel_loop3A_826 = vector.broadcast %parallel_loop3A_825 : i32 to vector<16xi32>
        %parallel_loop3A_827 = arith.shli %parallel_loop3A_824, %parallel_loop3A_826 : vector<16xi32>
        %parallel_loop3A_828 = tpu.bitcast %parallel_loop3A_827 : vector<16xi32> -> vector<16xf32>
        %parallel_loop3A_829 = arith.constant -65536 : i32
        %parallel_loop3A_830 = vector.broadcast %parallel_loop3A_829 : i32 to vector<16xi32>
        %parallel_loop3A_831 = arith.andi %parallel_loop3A_824, %parallel_loop3A_830 : vector<16xi32>
        %parallel_loop3A_832 = tpu.bitcast %parallel_loop3A_831 : vector<16xi32> -> vector<16xf32>
        %parallel_loop3A_833 = arith.constant 512 : i32
        %parallel_loop3A_834 = arith.addi %parallel_loop3A_136, %parallel_loop3A_833 : i32
        %parallel_loop3A_835 = arith.constant 512 : i32
        %parallel_loop3A_836 = arith.addi %parallel_loop3A_136, %parallel_loop3A_835 : i32
        %parallel_loop3A_837 = arith.constant 16 : i32
        %parallel_loop3A_838 = arith.addi %parallel_loop3A_836, %parallel_loop3A_837 : i32
        %parallel_loop3A_839 = arith.index_cast %parallel_loop3A_834 : i32 to index
        %parallel_loop3A_840 = tpu.vector_load %arg16[%parallel_loop3A_839] {strides = array<i32>} : memref<6144xf32, #tpu.memory_space<vmem>>, vector<16xf32>,
        %parallel_loop3A_841 = arith.addf %parallel_loop3A_840, %parallel_loop3A_816 : vector<16xf32>
        %parallel_loop3A_842 = arith.addf %parallel_loop3A_841, %parallel_loop3A_828 : vector<16xf32>
        %parallel_loop3A_843 = arith.index_cast %parallel_loop3A_834 : i32 to index
        %parallel_loop3A_844 = tpu.vector_load %arg18[%parallel_loop3A_843] {strides = array<i32>} : memref<6144xf32, #tpu.memory_space<vmem>>, vector<16xf32>,
        tpu.vector_store %arg18[%parallel_loop3A_843], %parallel_loop3A_842 {strides = array<i32>} : memref<6144xf32, #tpu.memory_space<vmem>>, vector<16xf32>,
        %parallel_loop3A_845 = arith.index_cast %parallel_loop3A_838 : i32 to index
        %parallel_loop3A_846 = tpu.vector_load %arg16[%parallel_loop3A_845] {strides = array<i32>} : memref<6144xf32, #tpu.memory_space<vmem>>, vector<16xf32>,
        %parallel_loop3A_847 = arith.addf %parallel_loop3A_846, %parallel_loop3A_820 : vector<16xf32>
        %parallel_loop3A_848 = arith.addf %parallel_loop3A_847, %parallel_loop3A_832 : vector<16xf32>
        %parallel_loop3A_849 = arith.index_cast %parallel_loop3A_838 : i32 to index
        %parallel_loop3A_850 = tpu.vector_load %arg18[%parallel_loop3A_849] {strides = array<i32>} : memref<6144xf32, #tpu.memory_space<vmem>>, vector<16xf32>,
        tpu.vector_store %arg18[%parallel_loop3A_849], %parallel_loop3A_848 {strides = array<i32>} : memref<6144xf32, #tpu.memory_space<vmem>>, vector<16xf32>,
        %parallel_loop3A_851 = arith.constant 272 : i32
        %parallel_loop3A_852 = arith.addi %parallel_loop3A_130, %parallel_loop3A_851 : i32
        %parallel_loop3A_853 = arith.index_cast %parallel_loop3A_852 : i32 to index
        %parallel_loop3A_854 = tpu.vector_load %arg13[%parallel_loop3A_853] {strides = array<i32>} : memref<49152xi32, #tpu.memory_space<vmem>>, vector<16xi32>,
        %parallel_loop3A_855 = arith.constant 16 : i32
        %parallel_loop3A_856 = vector.broadcast %parallel_loop3A_855 : i32 to vector<16xi32>
        %parallel_loop3A_857 = arith.shli %parallel_loop3A_854, %parallel_loop3A_856 : vector<16xi32>
        %parallel_loop3A_858 = tpu.bitcast %parallel_loop3A_857 : vector<16xi32> -> vector<16xf32>
        %parallel_loop3A_859 = arith.constant -65536 : i32
        %parallel_loop3A_860 = vector.broadcast %parallel_loop3A_859 : i32 to vector<16xi32>
        %parallel_loop3A_861 = arith.andi %parallel_loop3A_854, %parallel_loop3A_860 : vector<16xi32>
        %parallel_loop3A_862 = tpu.bitcast %parallel_loop3A_861 : vector<16xi32> -> vector<16xf32>
        %parallel_loop3A_863 = arith.constant 272 : i32
        %parallel_loop3A_864 = arith.addi %parallel_loop3A_134, %parallel_loop3A_863 : i32
        %parallel_loop3A_865 = arith.index_cast %parallel_loop3A_864 : i32 to index
        %parallel_loop3A_866 = tpu.vector_load %arg14[%parallel_loop3A_865] {strides = array<i32>} : memref<49152xi32, #tpu.memory_space<vmem>>, vector<16xi32>,
        %parallel_loop3A_867 = arith.constant 16 : i32
        %parallel_loop3A_868 = vector.broadcast %parallel_loop3A_867 : i32 to vector<16xi32>
        %parallel_loop3A_869 = arith.shli %parallel_loop3A_866, %parallel_loop3A_868 : vector<16xi32>
        %parallel_loop3A_870 = tpu.bitcast %parallel_loop3A_869 : vector<16xi32> -> vector<16xf32>
        %parallel_loop3A_871 = arith.constant -65536 : i32
        %parallel_loop3A_872 = vector.broadcast %parallel_loop3A_871 : i32 to vector<16xi32>
        %parallel_loop3A_873 = arith.andi %parallel_loop3A_866, %parallel_loop3A_872 : vector<16xi32>
        %parallel_loop3A_874 = tpu.bitcast %parallel_loop3A_873 : vector<16xi32> -> vector<16xf32>
        %parallel_loop3A_875 = arith.constant 544 : i32
        %parallel_loop3A_876 = arith.addi %parallel_loop3A_136, %parallel_loop3A_875 : i32
        %parallel_loop3A_877 = arith.constant 544 : i32
        %parallel_loop3A_878 = arith.addi %parallel_loop3A_136, %parallel_loop3A_877 : i32
        %parallel_loop3A_879 = arith.constant 16 : i32
        %parallel_loop3A_880 = arith.addi %parallel_loop3A_878, %parallel_loop3A_879 : i32
        %parallel_loop3A_881 = arith.index_cast %parallel_loop3A_876 : i32 to index
        %parallel_loop3A_882 = tpu.vector_load %arg16[%parallel_loop3A_881] {strides = array<i32>} : memref<6144xf32, #tpu.memory_space<vmem>>, vector<16xf32>,
        %parallel_loop3A_883 = arith.addf %parallel_loop3A_882, %parallel_loop3A_858 : vector<16xf32>
        %parallel_loop3A_884 = arith.addf %parallel_loop3A_883, %parallel_loop3A_870 : vector<16xf32>
        %parallel_loop3A_885 = arith.index_cast %parallel_loop3A_876 : i32 to index
        %parallel_loop3A_886 = tpu.vector_load %arg18[%parallel_loop3A_885] {strides = array<i32>} : memref<6144xf32, #tpu.memory_space<vmem>>, vector<16xf32>,
        tpu.vector_store %arg18[%parallel_loop3A_885], %parallel_loop3A_884 {strides = array<i32>} : memref<6144xf32, #tpu.memory_space<vmem>>, vector<16xf32>,
        %parallel_loop3A_887 = arith.index_cast %parallel_loop3A_880 : i32 to index
        %parallel_loop3A_888 = tpu.vector_load %arg16[%parallel_loop3A_887] {strides = array<i32>} : memref<6144xf32, #tpu.memory_space<vmem>>, vector<16xf32>,
        %parallel_loop3A_889 = arith.addf %parallel_loop3A_888, %parallel_loop3A_862 : vector<16xf32>
        %parallel_loop3A_890 = arith.addf %parallel_loop3A_889, %parallel_loop3A_874 : vector<16xf32>
        %parallel_loop3A_891 = arith.index_cast %parallel_loop3A_880 : i32 to index
        %parallel_loop3A_892 = tpu.vector_load %arg18[%parallel_loop3A_891] {strides = array<i32>} : memref<6144xf32, #tpu.memory_space<vmem>>, vector<16xf32>,
        tpu.vector_store %arg18[%parallel_loop3A_891], %parallel_loop3A_890 {strides = array<i32>} : memref<6144xf32, #tpu.memory_space<vmem>>, vector<16xf32>,
        %parallel_loop3A_893 = arith.constant 288 : i32
        %parallel_loop3A_894 = arith.addi %parallel_loop3A_130, %parallel_loop3A_893 : i32
        %parallel_loop3A_895 = arith.index_cast %parallel_loop3A_894 : i32 to index
        %parallel_loop3A_896 = tpu.vector_load %arg13[%parallel_loop3A_895] {strides = array<i32>} : memref<49152xi32, #tpu.memory_space<vmem>>, vector<16xi32>,
        %parallel_loop3A_897 = arith.constant 16 : i32
        %parallel_loop3A_898 = vector.broadcast %parallel_loop3A_897 : i32 to vector<16xi32>
        %parallel_loop3A_899 = arith.shli %parallel_loop3A_896, %parallel_loop3A_898 : vector<16xi32>
        %parallel_loop3A_900 = tpu.bitcast %parallel_loop3A_899 : vector<16xi32> -> vector<16xf32>
        %parallel_loop3A_901 = arith.constant -65536 : i32
        %parallel_loop3A_902 = vector.broadcast %parallel_loop3A_901 : i32 to vector<16xi32>
        %parallel_loop3A_903 = arith.andi %parallel_loop3A_896, %parallel_loop3A_902 : vector<16xi32>
        %parallel_loop3A_904 = tpu.bitcast %parallel_loop3A_903 : vector<16xi32> -> vector<16xf32>
        %parallel_loop3A_905 = arith.constant 288 : i32
        %parallel_loop3A_906 = arith.addi %parallel_loop3A_134, %parallel_loop3A_905 : i32
        %parallel_loop3A_907 = arith.index_cast %parallel_loop3A_906 : i32 to index
        %parallel_loop3A_908 = tpu.vector_load %arg14[%parallel_loop3A_907] {strides = array<i32>} : memref<49152xi32, #tpu.memory_space<vmem>>, vector<16xi32>,
        %parallel_loop3A_909 = arith.constant 16 : i32
        %parallel_loop3A_910 = vector.broadcast %parallel_loop3A_909 : i32 to vector<16xi32>
        %parallel_loop3A_911 = arith.shli %parallel_loop3A_908, %parallel_loop3A_910 : vector<16xi32>
        %parallel_loop3A_912 = tpu.bitcast %parallel_loop3A_911 : vector<16xi32> -> vector<16xf32>
        %parallel_loop3A_913 = arith.constant -65536 : i32
        %parallel_loop3A_914 = vector.broadcast %parallel_loop3A_913 : i32 to vector<16xi32>
        %parallel_loop3A_915 = arith.andi %parallel_loop3A_908, %parallel_loop3A_914 : vector<16xi32>
        %parallel_loop3A_916 = tpu.bitcast %parallel_loop3A_915 : vector<16xi32> -> vector<16xf32>
        %parallel_loop3A_917 = arith.constant 576 : i32
        %parallel_loop3A_918 = arith.addi %parallel_loop3A_136, %parallel_loop3A_917 : i32
        %parallel_loop3A_919 = arith.constant 576 : i32
        %parallel_loop3A_920 = arith.addi %parallel_loop3A_136, %parallel_loop3A_919 : i32
        %parallel_loop3A_921 = arith.constant 16 : i32
        %parallel_loop3A_922 = arith.addi %parallel_loop3A_920, %parallel_loop3A_921 : i32
        %parallel_loop3A_923 = arith.index_cast %parallel_loop3A_918 : i32 to index
        %parallel_loop3A_924 = tpu.vector_load %arg16[%parallel_loop3A_923] {strides = array<i32>} : memref<6144xf32, #tpu.memory_space<vmem>>, vector<16xf32>,
        %parallel_loop3A_925 = arith.addf %parallel_loop3A_924, %parallel_loop3A_900 : vector<16xf32>
        %parallel_loop3A_926 = arith.addf %parallel_loop3A_925, %parallel_loop3A_912 : vector<16xf32>
        %parallel_loop3A_927 = arith.index_cast %parallel_loop3A_918 : i32 to index
        %parallel_loop3A_928 = tpu.vector_load %arg18[%parallel_loop3A_927] {strides = array<i32>} : memref<6144xf32, #tpu.memory_space<vmem>>, vector<16xf32>,
        tpu.vector_store %arg18[%parallel_loop3A_927], %parallel_loop3A_926 {strides = array<i32>} : memref<6144xf32, #tpu.memory_space<vmem>>, vector<16xf32>,
        %parallel_loop3A_929 = arith.index_cast %parallel_loop3A_922 : i32 to index
        %parallel_loop3A_930 = tpu.vector_load %arg16[%parallel_loop3A_929] {strides = array<i32>} : memref<6144xf32, #tpu.memory_space<vmem>>, vector<16xf32>,
        %parallel_loop3A_931 = arith.addf %parallel_loop3A_930, %parallel_loop3A_904 : vector<16xf32>
        %parallel_loop3A_932 = arith.addf %parallel_loop3A_931, %parallel_loop3A_916 : vector<16xf32>
        %parallel_loop3A_933 = arith.index_cast %parallel_loop3A_922 : i32 to index
        %parallel_loop3A_934 = tpu.vector_load %arg18[%parallel_loop3A_933] {strides = array<i32>} : memref<6144xf32, #tpu.memory_space<vmem>>, vector<16xf32>,
        tpu.vector_store %arg18[%parallel_loop3A_933], %parallel_loop3A_932 {strides = array<i32>} : memref<6144xf32, #tpu.memory_space<vmem>>, vector<16xf32>,
        %parallel_loop3A_935 = arith.constant 304 : i32
        %parallel_loop3A_936 = arith.addi %parallel_loop3A_130, %parallel_loop3A_935 : i32
        %parallel_loop3A_937 = arith.index_cast %parallel_loop3A_936 : i32 to index
        %parallel_loop3A_938 = tpu.vector_load %arg13[%parallel_loop3A_937] {strides = array<i32>} : memref<49152xi32, #tpu.memory_space<vmem>>, vector<16xi32>,
        %parallel_loop3A_939 = arith.constant 16 : i32
        %parallel_loop3A_940 = vector.broadcast %parallel_loop3A_939 : i32 to vector<16xi32>
        %parallel_loop3A_941 = arith.shli %parallel_loop3A_938, %parallel_loop3A_940 : vector<16xi32>
        %parallel_loop3A_942 = tpu.bitcast %parallel_loop3A_941 : vector<16xi32> -> vector<16xf32>
        %parallel_loop3A_943 = arith.constant -65536 : i32
        %parallel_loop3A_944 = vector.broadcast %parallel_loop3A_943 : i32 to vector<16xi32>
        %parallel_loop3A_945 = arith.andi %parallel_loop3A_938, %parallel_loop3A_944 : vector<16xi32>
        %parallel_loop3A_946 = tpu.bitcast %parallel_loop3A_945 : vector<16xi32> -> vector<16xf32>
        %parallel_loop3A_947 = arith.constant 304 : i32
        %parallel_loop3A_948 = arith.addi %parallel_loop3A_134, %parallel_loop3A_947 : i32
        %parallel_loop3A_949 = arith.index_cast %parallel_loop3A_948 : i32 to index
        %parallel_loop3A_950 = tpu.vector_load %arg14[%parallel_loop3A_949] {strides = array<i32>} : memref<49152xi32, #tpu.memory_space<vmem>>, vector<16xi32>,
        %parallel_loop3A_951 = arith.constant 16 : i32
        %parallel_loop3A_952 = vector.broadcast %parallel_loop3A_951 : i32 to vector<16xi32>
        %parallel_loop3A_953 = arith.shli %parallel_loop3A_950, %parallel_loop3A_952 : vector<16xi32>
        %parallel_loop3A_954 = tpu.bitcast %parallel_loop3A_953 : vector<16xi32> -> vector<16xf32>
        %parallel_loop3A_955 = arith.constant -65536 : i32
        %parallel_loop3A_956 = vector.broadcast %parallel_loop3A_955 : i32 to vector<16xi32>
        %parallel_loop3A_957 = arith.andi %parallel_loop3A_950, %parallel_loop3A_956 : vector<16xi32>
        %parallel_loop3A_958 = tpu.bitcast %parallel_loop3A_957 : vector<16xi32> -> vector<16xf32>
        %parallel_loop3A_959 = arith.constant 608 : i32
        %parallel_loop3A_960 = arith.addi %parallel_loop3A_136, %parallel_loop3A_959 : i32
        %parallel_loop3A_961 = arith.constant 608 : i32
        %parallel_loop3A_962 = arith.addi %parallel_loop3A_136, %parallel_loop3A_961 : i32
        %parallel_loop3A_963 = arith.constant 16 : i32
        %parallel_loop3A_964 = arith.addi %parallel_loop3A_962, %parallel_loop3A_963 : i32
        %parallel_loop3A_965 = arith.index_cast %parallel_loop3A_960 : i32 to index
        %parallel_loop3A_966 = tpu.vector_load %arg16[%parallel_loop3A_965] {strides = array<i32>} : memref<6144xf32, #tpu.memory_space<vmem>>, vector<16xf32>,
        %parallel_loop3A_967 = arith.addf %parallel_loop3A_966, %parallel_loop3A_942 : vector<16xf32>
        %parallel_loop3A_968 = arith.addf %parallel_loop3A_967, %parallel_loop3A_954 : vector<16xf32>
        %parallel_loop3A_969 = arith.index_cast %parallel_loop3A_960 : i32 to index
        %parallel_loop3A_970 = tpu.vector_load %arg18[%parallel_loop3A_969] {strides = array<i32>} : memref<6144xf32, #tpu.memory_space<vmem>>, vector<16xf32>,
        tpu.vector_store %arg18[%parallel_loop3A_969], %parallel_loop3A_968 {strides = array<i32>} : memref<6144xf32, #tpu.memory_space<vmem>>, vector<16xf32>,
        %parallel_loop3A_971 = arith.index_cast %parallel_loop3A_964 : i32 to index
        %parallel_loop3A_972 = tpu.vector_load %arg16[%parallel_loop3A_971] {strides = array<i32>} : memref<6144xf32, #tpu.memory_space<vmem>>, vector<16xf32>,
        %parallel_loop3A_973 = arith.addf %parallel_loop3A_972, %parallel_loop3A_946 : vector<16xf32>
        %parallel_loop3A_974 = arith.addf %parallel_loop3A_973, %parallel_loop3A_958 : vector<16xf32>
        %parallel_loop3A_975 = arith.index_cast %parallel_loop3A_964 : i32 to index
        %parallel_loop3A_976 = tpu.vector_load %arg18[%parallel_loop3A_975] {strides = array<i32>} : memref<6144xf32, #tpu.memory_space<vmem>>, vector<16xf32>,
        tpu.vector_store %arg18[%parallel_loop3A_975], %parallel_loop3A_974 {strides = array<i32>} : memref<6144xf32, #tpu.memory_space<vmem>>, vector<16xf32>,
        %parallel_loop3A_977 = arith.constant 320 : i32
        %parallel_loop3A_978 = arith.addi %parallel_loop3A_130, %parallel_loop3A_977 : i32
        %parallel_loop3A_979 = arith.index_cast %parallel_loop3A_978 : i32 to index
        %parallel_loop3A_980 = tpu.vector_load %arg13[%parallel_loop3A_979] {strides = array<i32>} : memref<49152xi32, #tpu.memory_space<vmem>>, vector<16xi32>,
        %parallel_loop3A_981 = arith.constant 16 : i32
        %parallel_loop3A_982 = vector.broadcast %parallel_loop3A_981 : i32 to vector<16xi32>
        %parallel_loop3A_983 = arith.shli %parallel_loop3A_980, %parallel_loop3A_982 : vector<16xi32>
        %parallel_loop3A_984 = tpu.bitcast %parallel_loop3A_983 : vector<16xi32> -> vector<16xf32>
        %parallel_loop3A_985 = arith.constant -65536 : i32
        %parallel_loop3A_986 = vector.broadcast %parallel_loop3A_985 : i32 to vector<16xi32>
        %parallel_loop3A_987 = arith.andi %parallel_loop3A_980, %parallel_loop3A_986 : vector<16xi32>
        %parallel_loop3A_988 = tpu.bitcast %parallel_loop3A_987 : vector<16xi32> -> vector<16xf32>
        %parallel_loop3A_989 = arith.constant 320 : i32
        %parallel_loop3A_990 = arith.addi %parallel_loop3A_134, %parallel_loop3A_989 : i32
        %parallel_loop3A_991 = arith.index_cast %parallel_loop3A_990 : i32 to index
        %parallel_loop3A_992 = tpu.vector_load %arg14[%parallel_loop3A_991] {strides = array<i32>} : memref<49152xi32, #tpu.memory_space<vmem>>, vector<16xi32>,
        %parallel_loop3A_993 = arith.constant 16 : i32
        %parallel_loop3A_994 = vector.broadcast %parallel_loop3A_993 : i32 to vector<16xi32>
        %parallel_loop3A_995 = arith.shli %parallel_loop3A_992, %parallel_loop3A_994 : vector<16xi32>
        %parallel_loop3A_996 = tpu.bitcast %parallel_loop3A_995 : vector<16xi32> -> vector<16xf32>
        %parallel_loop3A_997 = arith.constant -65536 : i32
        %parallel_loop3A_998 = vector.broadcast %parallel_loop3A_997 : i32 to vector<16xi32>
        %parallel_loop3A_999 = arith.andi %parallel_loop3A_992, %parallel_loop3A_998 : vector<16xi32>
        %parallel_loop3A_1000 = tpu.bitcast %parallel_loop3A_999 : vector<16xi32> -> vector<16xf32>
        %parallel_loop3A_1001 = arith.constant 640 : i32
        %parallel_loop3A_1002 = arith.addi %parallel_loop3A_136, %parallel_loop3A_1001 : i32
        %parallel_loop3A_1003 = arith.constant 640 : i32
        %parallel_loop3A_1004 = arith.addi %parallel_loop3A_136, %parallel_loop3A_1003 : i32
        %parallel_loop3A_1005 = arith.constant 16 : i32
        %parallel_loop3A_1006 = arith.addi %parallel_loop3A_1004, %parallel_loop3A_1005 : i32
        %parallel_loop3A_1007 = arith.index_cast %parallel_loop3A_1002 : i32 to index
        %parallel_loop3A_1008 = tpu.vector_load %arg16[%parallel_loop3A_1007] {strides = array<i32>} : memref<6144xf32, #tpu.memory_space<vmem>>, vector<16xf32>,
        %parallel_loop3A_1009 = arith.addf %parallel_loop3A_1008, %parallel_loop3A_984 : vector<16xf32>
        %parallel_loop3A_1010 = arith.addf %parallel_loop3A_1009, %parallel_loop3A_996 : vector<16xf32>
        %parallel_loop3A_1011 = arith.index_cast %parallel_loop3A_1002 : i32 to index
        %parallel_loop3A_1012 = tpu.vector_load %arg18[%parallel_loop3A_1011] {strides = array<i32>} : memref<6144xf32, #tpu.memory_space<vmem>>, vector<16xf32>,
        tpu.vector_store %arg18[%parallel_loop3A_1011], %parallel_loop3A_1010 {strides = array<i32>} : memref<6144xf32, #tpu.memory_space<vmem>>, vector<16xf32>,
        %parallel_loop3A_1013 = arith.index_cast %parallel_loop3A_1006 : i32 to index
        %parallel_loop3A_1014 = tpu.vector_load %arg16[%parallel_loop3A_1013] {strides = array<i32>} : memref<6144xf32, #tpu.memory_space<vmem>>, vector<16xf32>,
        %parallel_loop3A_1015 = arith.addf %parallel_loop3A_1014, %parallel_loop3A_988 : vector<16xf32>
        %parallel_loop3A_1016 = arith.addf %parallel_loop3A_1015, %parallel_loop3A_1000 : vector<16xf32>
        %parallel_loop3A_1017 = arith.index_cast %parallel_loop3A_1006 : i32 to index
        %parallel_loop3A_1018 = tpu.vector_load %arg18[%parallel_loop3A_1017] {strides = array<i32>} : memref<6144xf32, #tpu.memory_space<vmem>>, vector<16xf32>,
        tpu.vector_store %arg18[%parallel_loop3A_1017], %parallel_loop3A_1016 {strides = array<i32>} : memref<6144xf32, #tpu.memory_space<vmem>>, vector<16xf32>,
        %parallel_loop3A_1019 = arith.constant 336 : i32
        %parallel_loop3A_1020 = arith.addi %parallel_loop3A_130, %parallel_loop3A_1019 : i32
        %parallel_loop3A_1021 = arith.index_cast %parallel_loop3A_1020 : i32 to index
        %parallel_loop3A_1022 = tpu.vector_load %arg13[%parallel_loop3A_1021] {strides = array<i32>} : memref<49152xi32, #tpu.memory_space<vmem>>, vector<16xi32>,
        %parallel_loop3A_1023 = arith.constant 16 : i32
        %parallel_loop3A_1024 = vector.broadcast %parallel_loop3A_1023 : i32 to vector<16xi32>
        %parallel_loop3A_1025 = arith.shli %parallel_loop3A_1022, %parallel_loop3A_1024 : vector<16xi32>
        %parallel_loop3A_1026 = tpu.bitcast %parallel_loop3A_1025 : vector<16xi32> -> vector<16xf32>
        %parallel_loop3A_1027 = arith.constant -65536 : i32
        %parallel_loop3A_1028 = vector.broadcast %parallel_loop3A_1027 : i32 to vector<16xi32>
        %parallel_loop3A_1029 = arith.andi %parallel_loop3A_1022, %parallel_loop3A_1028 : vector<16xi32>
        %parallel_loop3A_1030 = tpu.bitcast %parallel_loop3A_1029 : vector<16xi32> -> vector<16xf32>
        %parallel_loop3A_1031 = arith.constant 336 : i32
        %parallel_loop3A_1032 = arith.addi %parallel_loop3A_134, %parallel_loop3A_1031 : i32
        %parallel_loop3A_1033 = arith.index_cast %parallel_loop3A_1032 : i32 to index
        %parallel_loop3A_1034 = tpu.vector_load %arg14[%parallel_loop3A_1033] {strides = array<i32>} : memref<49152xi32, #tpu.memory_space<vmem>>, vector<16xi32>,
        %parallel_loop3A_1035 = arith.constant 16 : i32
        %parallel_loop3A_1036 = vector.broadcast %parallel_loop3A_1035 : i32 to vector<16xi32>
        %parallel_loop3A_1037 = arith.shli %parallel_loop3A_1034, %parallel_loop3A_1036 : vector<16xi32>
        %parallel_loop3A_1038 = tpu.bitcast %parallel_loop3A_1037 : vector<16xi32> -> vector<16xf32>
        %parallel_loop3A_1039 = arith.constant -65536 : i32
        %parallel_loop3A_1040 = vector.broadcast %parallel_loop3A_1039 : i32 to vector<16xi32>
        %parallel_loop3A_1041 = arith.andi %parallel_loop3A_1034, %parallel_loop3A_1040 : vector<16xi32>
        %parallel_loop3A_1042 = tpu.bitcast %parallel_loop3A_1041 : vector<16xi32> -> vector<16xf32>
        %parallel_loop3A_1043 = arith.constant 672 : i32
        %parallel_loop3A_1044 = arith.addi %parallel_loop3A_136, %parallel_loop3A_1043 : i32
        %parallel_loop3A_1045 = arith.constant 672 : i32
        %parallel_loop3A_1046 = arith.addi %parallel_loop3A_136, %parallel_loop3A_1045 : i32
        %parallel_loop3A_1047 = arith.constant 16 : i32
        %parallel_loop3A_1048 = arith.addi %parallel_loop3A_1046, %parallel_loop3A_1047 : i32
        %parallel_loop3A_1049 = arith.index_cast %parallel_loop3A_1044 : i32 to index
        %parallel_loop3A_1050 = tpu.vector_load %arg16[%parallel_loop3A_1049] {strides = array<i32>} : memref<6144xf32, #tpu.memory_space<vmem>>, vector<16xf32>,
        %parallel_loop3A_1051 = arith.addf %parallel_loop3A_1050, %parallel_loop3A_1026 : vector<16xf32>
        %parallel_loop3A_1052 = arith.addf %parallel_loop3A_1051, %parallel_loop3A_1038 : vector<16xf32>
        %parallel_loop3A_1053 = arith.index_cast %parallel_loop3A_1044 : i32 to index
        %parallel_loop3A_1054 = tpu.vector_load %arg18[%parallel_loop3A_1053] {strides = array<i32>} : memref<6144xf32, #tpu.memory_space<vmem>>, vector<16xf32>,
        tpu.vector_store %arg18[%parallel_loop3A_1053], %parallel_loop3A_1052 {strides = array<i32>} : memref<6144xf32, #tpu.memory_space<vmem>>, vector<16xf32>,
        %parallel_loop3A_1055 = arith.index_cast %parallel_loop3A_1048 : i32 to index
        %parallel_loop3A_1056 = tpu.vector_load %arg16[%parallel_loop3A_1055] {strides = array<i32>} : memref<6144xf32, #tpu.memory_space<vmem>>, vector<16xf32>,
        %parallel_loop3A_1057 = arith.addf %parallel_loop3A_1056, %parallel_loop3A_1030 : vector<16xf32>
        %parallel_loop3A_1058 = arith.addf %parallel_loop3A_1057, %parallel_loop3A_1042 : vector<16xf32>
        %parallel_loop3A_1059 = arith.index_cast %parallel_loop3A_1048 : i32 to index
        %parallel_loop3A_1060 = tpu.vector_load %arg18[%parallel_loop3A_1059] {strides = array<i32>} : memref<6144xf32, #tpu.memory_space<vmem>>, vector<16xf32>,
        tpu.vector_store %arg18[%parallel_loop3A_1059], %parallel_loop3A_1058 {strides = array<i32>} : memref<6144xf32, #tpu.memory_space<vmem>>, vector<16xf32>,
        %parallel_loop3A_1061 = arith.constant 352 : i32
        %parallel_loop3A_1062 = arith.addi %parallel_loop3A_130, %parallel_loop3A_1061 : i32
        %parallel_loop3A_1063 = arith.index_cast %parallel_loop3A_1062 : i32 to index
        %parallel_loop3A_1064 = tpu.vector_load %arg13[%parallel_loop3A_1063] {strides = array<i32>} : memref<49152xi32, #tpu.memory_space<vmem>>, vector<16xi32>,
        %parallel_loop3A_1065 = arith.constant 16 : i32
        %parallel_loop3A_1066 = vector.broadcast %parallel_loop3A_1065 : i32 to vector<16xi32>
        %parallel_loop3A_1067 = arith.shli %parallel_loop3A_1064, %parallel_loop3A_1066 : vector<16xi32>
        %parallel_loop3A_1068 = tpu.bitcast %parallel_loop3A_1067 : vector<16xi32> -> vector<16xf32>
        %parallel_loop3A_1069 = arith.constant -65536 : i32
        %parallel_loop3A_1070 = vector.broadcast %parallel_loop3A_1069 : i32 to vector<16xi32>
        %parallel_loop3A_1071 = arith.andi %parallel_loop3A_1064, %parallel_loop3A_1070 : vector<16xi32>
        %parallel_loop3A_1072 = tpu.bitcast %parallel_loop3A_1071 : vector<16xi32> -> vector<16xf32>
        %parallel_loop3A_1073 = arith.constant 352 : i32
        %parallel_loop3A_1074 = arith.addi %parallel_loop3A_134, %parallel_loop3A_1073 : i32
        %parallel_loop3A_1075 = arith.index_cast %parallel_loop3A_1074 : i32 to index
        %parallel_loop3A_1076 = tpu.vector_load %arg14[%parallel_loop3A_1075] {strides = array<i32>} : memref<49152xi32, #tpu.memory_space<vmem>>, vector<16xi32>,
        %parallel_loop3A_1077 = arith.constant 16 : i32
        %parallel_loop3A_1078 = vector.broadcast %parallel_loop3A_1077 : i32 to vector<16xi32>
        %parallel_loop3A_1079 = arith.shli %parallel_loop3A_1076, %parallel_loop3A_1078 : vector<16xi32>
        %parallel_loop3A_1080 = tpu.bitcast %parallel_loop3A_1079 : vector<16xi32> -> vector<16xf32>
        %parallel_loop3A_1081 = arith.constant -65536 : i32
        %parallel_loop3A_1082 = vector.broadcast %parallel_loop3A_1081 : i32 to vector<16xi32>
        %parallel_loop3A_1083 = arith.andi %parallel_loop3A_1076, %parallel_loop3A_1082 : vector<16xi32>
        %parallel_loop3A_1084 = tpu.bitcast %parallel_loop3A_1083 : vector<16xi32> -> vector<16xf32>
        %parallel_loop3A_1085 = arith.constant 704 : i32
        %parallel_loop3A_1086 = arith.addi %parallel_loop3A_136, %parallel_loop3A_1085 : i32
        %parallel_loop3A_1087 = arith.constant 704 : i32
        %parallel_loop3A_1088 = arith.addi %parallel_loop3A_136, %parallel_loop3A_1087 : i32
        %parallel_loop3A_1089 = arith.constant 16 : i32
        %parallel_loop3A_1090 = arith.addi %parallel_loop3A_1088, %parallel_loop3A_1089 : i32
        %parallel_loop3A_1091 = arith.index_cast %parallel_loop3A_1086 : i32 to index
        %parallel_loop3A_1092 = tpu.vector_load %arg16[%parallel_loop3A_1091] {strides = array<i32>} : memref<6144xf32, #tpu.memory_space<vmem>>, vector<16xf32>,
        %parallel_loop3A_1093 = arith.addf %parallel_loop3A_1092, %parallel_loop3A_1068 : vector<16xf32>
        %parallel_loop3A_1094 = arith.addf %parallel_loop3A_1093, %parallel_loop3A_1080 : vector<16xf32>
        %parallel_loop3A_1095 = arith.index_cast %parallel_loop3A_1086 : i32 to index
        %parallel_loop3A_1096 = tpu.vector_load %arg18[%parallel_loop3A_1095] {strides = array<i32>} : memref<6144xf32, #tpu.memory_space<vmem>>, vector<16xf32>,
        tpu.vector_store %arg18[%parallel_loop3A_1095], %parallel_loop3A_1094 {strides = array<i32>} : memref<6144xf32, #tpu.memory_space<vmem>>, vector<16xf32>,
        %parallel_loop3A_1097 = arith.index_cast %parallel_loop3A_1090 : i32 to index
        %parallel_loop3A_1098 = tpu.vector_load %arg16[%parallel_loop3A_1097] {strides = array<i32>} : memref<6144xf32, #tpu.memory_space<vmem>>, vector<16xf32>,
        %parallel_loop3A_1099 = arith.addf %parallel_loop3A_1098, %parallel_loop3A_1072 : vector<16xf32>
        %parallel_loop3A_1100 = arith.addf %parallel_loop3A_1099, %parallel_loop3A_1084 : vector<16xf32>
        %parallel_loop3A_1101 = arith.index_cast %parallel_loop3A_1090 : i32 to index
        %parallel_loop3A_1102 = tpu.vector_load %arg18[%parallel_loop3A_1101] {strides = array<i32>} : memref<6144xf32, #tpu.memory_space<vmem>>, vector<16xf32>,
        tpu.vector_store %arg18[%parallel_loop3A_1101], %parallel_loop3A_1100 {strides = array<i32>} : memref<6144xf32, #tpu.memory_space<vmem>>, vector<16xf32>,
        %parallel_loop3A_1103 = arith.constant 368 : i32
        %parallel_loop3A_1104 = arith.addi %parallel_loop3A_130, %parallel_loop3A_1103 : i32
        %parallel_loop3A_1105 = arith.index_cast %parallel_loop3A_1104 : i32 to index
        %parallel_loop3A_1106 = tpu.vector_load %arg13[%parallel_loop3A_1105] {strides = array<i32>} : memref<49152xi32, #tpu.memory_space<vmem>>, vector<16xi32>,
        %parallel_loop3A_1107 = arith.constant 16 : i32
        %parallel_loop3A_1108 = vector.broadcast %parallel_loop3A_1107 : i32 to vector<16xi32>
        %parallel_loop3A_1109 = arith.shli %parallel_loop3A_1106, %parallel_loop3A_1108 : vector<16xi32>
        %parallel_loop3A_1110 = tpu.bitcast %parallel_loop3A_1109 : vector<16xi32> -> vector<16xf32>
        %parallel_loop3A_1111 = arith.constant -65536 : i32
        %parallel_loop3A_1112 = vector.broadcast %parallel_loop3A_1111 : i32 to vector<16xi32>
        %parallel_loop3A_1113 = arith.andi %parallel_loop3A_1106, %parallel_loop3A_1112 : vector<16xi32>
        %parallel_loop3A_1114 = tpu.bitcast %parallel_loop3A_1113 : vector<16xi32> -> vector<16xf32>
        %parallel_loop3A_1115 = arith.constant 368 : i32
        %parallel_loop3A_1116 = arith.addi %parallel_loop3A_134, %parallel_loop3A_1115 : i32
        %parallel_loop3A_1117 = arith.index_cast %parallel_loop3A_1116 : i32 to index
        %parallel_loop3A_1118 = tpu.vector_load %arg14[%parallel_loop3A_1117] {strides = array<i32>} : memref<49152xi32, #tpu.memory_space<vmem>>, vector<16xi32>,
        %parallel_loop3A_1119 = arith.constant 16 : i32
        %parallel_loop3A_1120 = vector.broadcast %parallel_loop3A_1119 : i32 to vector<16xi32>
        %parallel_loop3A_1121 = arith.shli %parallel_loop3A_1118, %parallel_loop3A_1120 : vector<16xi32>
        %parallel_loop3A_1122 = tpu.bitcast %parallel_loop3A_1121 : vector<16xi32> -> vector<16xf32>
        %parallel_loop3A_1123 = arith.constant -65536 : i32
        %parallel_loop3A_1124 = vector.broadcast %parallel_loop3A_1123 : i32 to vector<16xi32>
        %parallel_loop3A_1125 = arith.andi %parallel_loop3A_1118, %parallel_loop3A_1124 : vector<16xi32>
        %parallel_loop3A_1126 = tpu.bitcast %parallel_loop3A_1125 : vector<16xi32> -> vector<16xf32>
        %parallel_loop3A_1127 = arith.constant 736 : i32
        %parallel_loop3A_1128 = arith.addi %parallel_loop3A_136, %parallel_loop3A_1127 : i32
        %parallel_loop3A_1129 = arith.constant 736 : i32
        %parallel_loop3A_1130 = arith.addi %parallel_loop3A_136, %parallel_loop3A_1129 : i32
        %parallel_loop3A_1131 = arith.constant 16 : i32
        %parallel_loop3A_1132 = arith.addi %parallel_loop3A_1130, %parallel_loop3A_1131 : i32
        %parallel_loop3A_1133 = arith.index_cast %parallel_loop3A_1128 : i32 to index
        %parallel_loop3A_1134 = tpu.vector_load %arg16[%parallel_loop3A_1133] {strides = array<i32>} : memref<6144xf32, #tpu.memory_space<vmem>>, vector<16xf32>,
        %parallel_loop3A_1135 = arith.addf %parallel_loop3A_1134, %parallel_loop3A_1110 : vector<16xf32>
        %parallel_loop3A_1136 = arith.addf %parallel_loop3A_1135, %parallel_loop3A_1122 : vector<16xf32>
        %parallel_loop3A_1137 = arith.index_cast %parallel_loop3A_1128 : i32 to index
        %parallel_loop3A_1138 = tpu.vector_load %arg18[%parallel_loop3A_1137] {strides = array<i32>} : memref<6144xf32, #tpu.memory_space<vmem>>, vector<16xf32>,
        tpu.vector_store %arg18[%parallel_loop3A_1137], %parallel_loop3A_1136 {strides = array<i32>} : memref<6144xf32, #tpu.memory_space<vmem>>, vector<16xf32>,
        %parallel_loop3A_1139 = arith.index_cast %parallel_loop3A_1132 : i32 to index
        %parallel_loop3A_1140 = tpu.vector_load %arg16[%parallel_loop3A_1139] {strides = array<i32>} : memref<6144xf32, #tpu.memory_space<vmem>>, vector<16xf32>,
        %parallel_loop3A_1141 = arith.addf %parallel_loop3A_1140, %parallel_loop3A_1114 : vector<16xf32>
        %parallel_loop3A_1142 = arith.addf %parallel_loop3A_1141, %parallel_loop3A_1126 : vector<16xf32>
        %parallel_loop3A_1143 = arith.index_cast %parallel_loop3A_1132 : i32 to index
        %parallel_loop3A_1144 = tpu.vector_load %arg18[%parallel_loop3A_1143] {strides = array<i32>} : memref<6144xf32, #tpu.memory_space<vmem>>, vector<16xf32>,
        tpu.vector_store %arg18[%parallel_loop3A_1143], %parallel_loop3A_1142 {strides = array<i32>} : memref<6144xf32, #tpu.memory_space<vmem>>, vector<16xf32>,
      } {sc.loop_unroll_factor = 4 : i64, sc.parallel_access}
      %mul3A_86 = arith.constant 8 : i32
      %mul3A_87 = arith.muli %add3A_73, %mul3A_86 : i32
      %add3A_88 = arith.addi %mul3A_2, %mul3A_87 : i32
      %mul3A_89 = arith.constant 768 : i32
      %mul3A_90 = arith.muli %add3A_88, %mul3A_89 : i32
      %dma_start3A_91 = tpu.memref_slice %arg9[%mul3A_90] : memref<25165824xf32, #tpu.memory_space<hbm>> -> memref<6144xf32, #tpu.memory_space<hbm>>
      %dma_start3A_92 = tpu.memref_slice %arg9[%mul3A_90] : memref<25165824xf32, #tpu.memory_space<hbm>> -> memref<6144xf32, #tpu.memory_space<hbm>>
      tpu.enqueue_dma source(%arg18 : memref<6144xf32, #tpu.memory_space<vmem>>) target(%dma_start3A_92 : memref<6144xf32, #tpu.memory_space<hbm>>) target_semaphore(%arg22 : memref<!tpu.dma_semaphore, #tpu.memory_space<semaphore_mem>>)
      %add3A_93 = arith.constant 2 : i32
      %add3A_94 = arith.addi %add3A_73, %add3A_93 : i32
      %min3A_95 = arith.constant 127 : i32
      %min3A_96 = arith.minsi %add3A_94, %min3A_95 : i32
      %mul3A_97 = arith.constant 8 : i32
      %mul3A_98 = arith.muli %min3A_96, %mul3A_97 : i32
      %add3A_99 = arith.addi %mul3A_2, %mul3A_98 : i32
      %mul3A_100 = arith.constant 768 : i32
      %mul3A_101 = arith.muli %add3A_99, %mul3A_100 : i32
      %dma_start3A_102 = tpu.memref_slice %arg2[%mul3A_101] : memref<25165824xf32, #tpu.memory_space<hbm>> -> memref<6144xf32, #tpu.memory_space<hbm>>
      %dma_start3A_103 = tpu.memref_slice %arg2[%mul3A_101] : memref<25165824xf32, #tpu.memory_space<hbm>> -> memref<6144xf32, #tpu.memory_space<hbm>>
      tpu.enqueue_dma source(%dma_start3A_103 : memref<6144xf32, #tpu.memory_space<hbm>>) target(%arg16 : memref<6144xf32, #tpu.memory_space<vmem>>) target_semaphore(%arg20 : memref<!tpu.dma_semaphore, #tpu.memory_space<semaphore_mem>>)
    }
    %scan3A_23 = arith.constant 64 : i32
    %mul3A_24 = arith.constant 768 : i32
    %mul3A_25 = arith.muli %mul3A_2, %mul3A_24 : i32
    %dma_wait3A = tpu.memref_slice %arg2[%mul3A_25] : memref<25165824xf32, #tpu.memory_space<hbm>> -> memref<6144xf32, #tpu.memory_space<hbm>>
    %dma_wait3A_26 = tpu.memref_slice %arg2[%mul3A_25] : memref<25165824xf32, #tpu.memory_space<hbm>> -> memref<6144xf32, #tpu.memory_space<hbm>>
    tpu.wait_dma2 semaphore(%arg19 : memref<!tpu.dma_semaphore, #tpu.memory_space<semaphore_mem>>) src(%dma_wait3A_26 : memref<6144xf32, #tpu.memory_space<hbm>>) dst(%arg15 : memref<6144xf32, #tpu.memory_space<vmem>>)
    %mul3A_27 = arith.constant 768 : i32
    %mul3A_28 = arith.muli %mul3A_2, %mul3A_27 : i32
    %dma_wait3A_29 = tpu.memref_slice %arg9[%mul3A_28] : memref<25165824xf32, #tpu.memory_space<hbm>> -> memref<6144xf32, #tpu.memory_space<hbm>>
    %dma_wait3A_30 = tpu.memref_slice %arg9[%mul3A_28] : memref<25165824xf32, #tpu.memory_space<hbm>> -> memref<6144xf32, #tpu.memory_space<hbm>>
    tpu.wait_dma2 semaphore(%arg21 : memref<!tpu.dma_semaphore, #tpu.memory_space<semaphore_mem>>) src(%arg17 : memref<6144xf32, #tpu.memory_space<vmem>>) dst(%dma_wait3A_30 : memref<6144xf32, #tpu.memory_space<hbm>>)
    %mul3A_31 = arith.constant 768 : i32
    %mul3A_32 = arith.muli %mul3A_2, %mul3A_31 : i32
    %dma_wait3A_33 = tpu.memref_slice %arg2[%mul3A_32] : memref<25165824xf32, #tpu.memory_space<hbm>> -> memref<6144xf32, #tpu.memory_space<hbm>>
    %dma_wait3A_34 = tpu.memref_slice %arg2[%mul3A_32] : memref<25165824xf32, #tpu.memory_space<hbm>> -> memref<6144xf32, #tpu.memory_space<hbm>>
    tpu.wait_dma2 semaphore(%arg20 : memref<!tpu.dma_semaphore, #tpu.memory_space<semaphore_mem>>) src(%dma_wait3A_34 : memref<6144xf32, #tpu.memory_space<hbm>>) dst(%arg16 : memref<6144xf32, #tpu.memory_space<vmem>>)
    %mul3A_35 = arith.constant 768 : i32
    %mul3A_36 = arith.muli %mul3A_2, %mul3A_35 : i32
    %dma_wait3A_37 = tpu.memref_slice %arg9[%mul3A_36] : memref<25165824xf32, #tpu.memory_space<hbm>> -> memref<6144xf32, #tpu.memory_space<hbm>>
    %dma_wait3A_38 = tpu.memref_slice %arg9[%mul3A_36] : memref<25165824xf32, #tpu.memory_space<hbm>> -> memref<6144xf32, #tpu.memory_space<hbm>>
    tpu.wait_dma2 semaphore(%arg22 : memref<!tpu.dma_semaphore, #tpu.memory_space<semaphore_mem>>) src(%arg18 : memref<6144xf32, #tpu.memory_space<vmem>>) dst(%dma_wait3A_38 : memref<6144xf32, #tpu.memory_space<hbm>>)
    return
  }
}

</mosaic_0001>

<sc_bundles>
// kernel: kernel.3.cloned.1.call-start
scs
__scs_entry_jumppad:
0x0: {  	(pc) =	sbr.rel $0x88, $3  }
0x1: {  	(tag) =	ssettag $0x0;
	lr =	simm.s32 $0x1  }
0x2: {  	[smem:$0x3F9A] =	sst lr;
	_ =	strace $0xD0000000  }
0x3: {  	_ = 	snop  }
0x4: {  	_ = 	snop  }
0x5: {  	_ = 	snop  }
0x6: {  	_ = 	snop  }
0x7: {  	_ = 	snop  }
__scs_overlays_trampoline_lowered:
0x8: {  	[smem:$0x3FA9] =	sst s0  }
0x9: {  	[smem:$0x3FAA] =	sst s1  }
0xa: {  	[smem:$0x3FAB] =	sst s2  }
0xb: {  	[smem:$0x3FAC] =	sst s3  }
0xc: {  	[smem:$0x3FAD] =	sst s4  }
0xd: {  	[smem:$0x3FAE] =	sst s5  }
0xe: {  	[smem:$0x3FAF] =	sst s6  }
0xf: {  	[smem:$0x3FB0] =	sst s7  }
0x10: {  	[smem:$0x3FB1] =	sst s8  }
0x11: {  	[smem:$0x3FB2] =	sst s9;
	s0 =	simm.s32 @!p0 $0x0  }
0x12: {  	s1 =	sld [smem:$0x3F98];
	s0 =	simm.s32 @p0 $0x1  }
0x13: {  	[smem:$0x3FB3] =	sst s0;
	s0 =	simm.s32 @!p1 $0x0  }
0x14: {  	s2 =	sld [smem:$0x3F97];
	s0 =	simm.s32 @p1 $0x1  }
0x15: {  	[smem:$0x3FB4] =	sst s0;
	s0 =	simm.s32 @!p2 $0x0  }
0x16: {  	s3 =	sld [smem:$0x3FDB];
	s0 =	simm.s32 @p2 $0x1  }
0x17: {  	s4 =	simm.s32 $0x1BF5;
	[smem:$0x3FB6] =	sst s0  }
0x18: {  	s0 =	sld [smem:$0x3F99];
	_ =	swait.ge [sflag:s4], $0x0  }
0x19: {  	s7 =	sld [smem:$0x3F9A]  }
0x1a: {  	s8 =	sadd.s32 $0xFFFFE003, lr  }
0x1b: {  	s9 =	sadd.s32 $0xFFFFFEF7, lr;
	s5 =	simm.s32 $0xFFFFFFFF;
	p2 =	slt.u32 s8, $0xFFFFF086  }
0x1c: {  	p1 =	slt.u32 s9, $0xF7A;
	s5 =	simm.s32 @!p2 $0x0  }
0x1d: {  	s5 =	simm.s32 @p1 $0x1;
	p0 =	seq.s32 s7, s2  }
0x1e: {  	s7 =	smul.u32 @!p0 $0xF7A, s2;
	p2 =	seq.s32 @!p0 s5, $0x0  }
0x1f: {  	s9 =	smul.u32 $0xF7A, s1;
	s8 =	simm.s32 @!p0 $0x1BF5;
	p2 =	por !p2, p0  }
0x20: {  	[sflag:s8] =	ssyncset.s32 @!p0 $0xFFFFF086;
	s6 =	sadd.s32 @!p0 s3, s7;
	s7 =	simm.s32 @!p0 $0x108  }
0x21: {  	s3 =	sadd.s32 s3, s9;
	s6 =	sadd.s32 @!p0 $0x88, s6;
	s7 =	simm.s32 @p2 $0x1082  }
0x22: {  	[simem:s7], [sflag:s8] =	dma.local @!p0 [hbm:s6], $0xF7A  }
0x23: {  	s9 =	sor.u32 $0xD0000000, s2;
	s6 =	simm.s32 $0x108;
	_ =	swait.ge @!p0 [sflag:s8], $0x0  }
0x24: {  	s3 =	sadd.s32 $0x88, s3;
	s6 =	simm.s32 @!p1 $0x1082;
	[sflag:s4] =	ssyncset.s32 $0xFFFFF086  }
0x25: {  	[simem:s6], [sflag:s4] =	dma.local [hbm:s3], $0xF7A  }
0x26: {  	[smem:$0x3F9A] =	sst s1;
	(tag) =	ssettag s2;
	_ =	strace s9  }
0x27: {  	s1 =	sld [smem:$0x3FAA]  }
0x28: {  	s2 =	sld [smem:$0x3FAB]  }
0x29: {  	s4 =	sld [smem:$0x3FAD]  }
0x2a: {  	p0 =	seq.s32 s5, $0x0;
	s5 =	sld [smem:$0x3FAE]  }
0x2b: {  	s6 =	sld [smem:$0x3FAF]  }
0x2c: {  	s7 =	sld [smem:$0x3FB0]  }
0x2d: {  	s3 =	simm.s32 $0x108;
	s8 =	sld [smem:$0x3FB1]  }
0x2e: {  	s3 =	simm.s32 @!p0 $0x1082;
	s9 =	sld [smem:$0x3FB2]  }
0x2f: {  	lr =	sadd.s32 s0, s3;
	s0 =	sld [smem:$0x3FA9]  }
0x30: {  	s3 =	sld [smem:$0x3FAC]  }
0x31: {  	[smem:$0x3FB5] =	sst s10  }
0x32: {  	s10 =	sld [smem:$0x3FB3];
	_ =	sdelay $0x3  }
0x33: {  	p0 =	seq.s32 s10, $0x1;
	s10 =	sld [smem:$0x3FB5];
	_ =	sdelay $0x3  }
0x34: {  	[smem:$0x3FB5] =	sst s10  }
0x35: {  	s10 =	sld [smem:$0x3FB4];
	_ =	sdelay $0x3  }
0x36: {  	p1 =	seq.s32 s10, $0x1;
	s10 =	sld [smem:$0x3FB5];
	_ =	sdelay $0x3  }
0x37: {  	[smem:$0x3FB5] =	sst s10  }
0x38: {  	s10 =	sld [smem:$0x3FB6]  }
0x39: {  	_ = 	snop;
	(pc) =	sbr.ind lr, $3  }
0x3a: {  	_ = 	snop  }
0x3b: {  	_ = 	snop  }
0x3c: {  	p2 =	seq.s32 s10, $0x1;
	s10 =	sld [smem:$0x3FB5]  }
0x3d: {  	_ =	shalt  }
0x3e: {  	_ =	shalt  }
0x3f: {  	_ =	shalt  }
0x40: {  	_ =	shalt  }
0x41: {  	_ =	shalt  }
0x42: {  	_ =	shalt  }
0x43: {  	_ =	shalt  }
0x44: {  	_ =	shalt  }
0x45: {  	_ =	shalt  }
0x46: {  	_ =	shalt  }
0x47: {  	_ =	shalt  }
0x48: {  	_ =	shalt  }
0x49: {  	_ =	shalt  }
0x4a: {  	_ =	shalt  }
0x4b: {  	_ =	shalt  }
0x4c: {  	_ =	shalt  }
0x4d: {  	_ =	shalt  }
0x4e: {  	_ =	shalt  }
0x4f: {  	_ =	shalt  }
0x50: {  	_ =	shalt  }
0x51: {  	_ =	shalt  }
0x52: {  	_ =	shalt  }
0x53: {  	_ =	shalt  }
0x54: {  	_ =	shalt  }
0x55: {  	_ =	shalt  }
0x56: {  	_ =	shalt  }
0x57: {  	_ =	shalt  }
0x58: {  	_ =	shalt  }
0x59: {  	_ =	shalt  }
0x5a: {  	_ =	shalt  }
0x5b: {  	_ =	shalt  }
0x5c: {  	_ =	shalt  }
0x5d: {  	_ =	shalt  }
0x5e: {  	_ =	shalt  }
0x5f: {  	_ =	shalt  }
0x60: {  	_ =	shalt  }
0x61: {  	_ =	shalt  }
0x62: {  	_ =	shalt  }
0x63: {  	_ =	shalt  }
0x64: {  	_ =	shalt  }
0x65: {  	_ =	shalt  }
0x66: {  	_ =	shalt  }
0x67: {  	_ =	shalt  }
0x68: {  	_ =	shalt  }
0x69: {  	_ =	shalt  }
0x6a: {  	_ =	shalt  }
0x6b: {  	_ =	shalt  }
0x6c: {  	_ =	shalt  }
0x6d: {  	_ =	shalt  }
0x6e: {  	_ =	shalt  }
0x6f: {  	_ =	shalt  }
0x70: {  	_ =	shalt  }
0x71: {  	_ =	shalt  }
0x72: {  	_ =	shalt  }
0x73: {  	_ =	shalt  }
0x74: {  	_ =	shalt  }
0x75: {  	_ =	shalt  }
0x76: {  	_ =	shalt  }
0x77: {  	_ =	shalt  }
0x78: {  	_ =	shalt  }
0x79: {  	_ =	shalt  }
0x7a: {  	_ =	shalt  }
0x7b: {  	_ =	shalt  }
0x7c: {  	_ =	shalt  }
0x7d: {  	_ =	shalt  }
0x7e: {  	_ =	shalt  }
0x7f: {  	_ =	shalt  }
0x80: {  	_ =	shalt  }
0x81: {  	_ =	shalt  }
0x82: {  	_ =	shalt  }
0x83: {  	_ =	shalt  }
0x84: {  	_ =	shalt  }
0x85: {  	_ =	shalt  }
0x86: {  	_ =	shalt  }
0x87: {  	_ =	shalt  }
.Lfunc_end0:
.L_simem_size_0:
called_computation_lowered:
.L_overlay_start_0:
0x88: {  	s2 =	sld [smem:$0x3FD9]  }
0x89: {  	s3 =	sld [smem:$0x3FFE];
	_ =	sdelay $0x1  }
0x8a: {  	s1 =	srdreg.scid  }
0x8b: {  	s0 =	sand.u32 $0x1, s1  }
0x8c: {  	s17 =	sshll.u32 s0, $0xA;
	s2 =	sadd.s32 s3, s2  }
0x8d: {  	s2 =	sadd.s32 s2, s17  }
0x8e: {  	[smem:$0x3FC1] =	sst s2  }
0x8f: {  	_ = 	snop  }
0x90: {  	s2 =	sld [smem:$0x3FD0];
	(tm) =	ssettm $0x1  }
0x91: {  	s18 =	sld [smem:$0x3FFB];
	_ =	sdelay $0x3  }
0x92: {  	_ =	strace s18  }
0x93: {  	s3 =	sld [smem:$0x3FFC];
	_ =	sdelay $0x3  }
0x94: {  	_ =	strace s3  }
0x95: {  	s3 =	sld [smem:$0x3FFD];
	_ =	sdelay $0x3  }
0x96: {  	_ =	strace s3  }
0x97: {  	_ =	strace $0x8FFFFFFF  }
0x98: {  	s19 =	sld [smem:$0x3FDB];
	_ =	sdelay $0x1  }
0x99: {  	s4 =	simm.s32 $_scs_section_size  }
0x9a: {  	s5 =	simm.s32 $_size__tile_overlayer_lowered;
	s6 =	simm.s32 $_tile_overlayer_lowered  }
0x9b: {  	s22 =	simm.s32 $0x1BFF;
	s21 =	sshll.u32 s6, $0x1;
	s3 =	sadd.s32 s4, s19  }
0x9c: {  	s7 =	simm.s32 $0x0;
	s20 =	sshll.u32 s5, $0x1;
	s5 =	sadd.s32 s21, s3  }
0x9d: {  	[timem:s7], [sflag:s22] =	dma.local [hbm:s5], s20  }
0x9e: {  	_ =	swait.ge [sflag:s22], s20  }
0x9f: {  	s4 =	ssub.s32 $0x0, s20;
	[sflag:s22] =	ssyncset.done $0x0  }
0xa0: {  	[sflag:s22] =	ssyncadd.s32 s4;
	_ =	sdelay $0x1  }
0xa1: {  	s23 =	simm.s32 $0x1B8B  }
0xa2: {  	_ =	swait.ge [sflag:s23], $0x1  }
0xa3: {  	[sflag:s23] =	ssyncset.done $0x0  }
0xa4: {  	s25 =	simm.s32 $0x1B8E;
	s24 =	sld [smem:$0x3FFE];
	[sflag:s23] =	ssyncadd.s32 $0xFFFFFFFF  }
0xa5: {  	s26 =	simm.s32 $execute0_lowered;
	[smem:$0x3FD2] =	sst s25  }
0xa6: {  	s5 =	sshll.u32 s26, $0x1;
	_ =	strace $0x80000046;
	[dreg:$0x1] =	wrdreg $0xFFFFFFFF  }
0xa7: {  	s28 =	simm.s32 $_size_execute0_lowered;
	s3 =	sadd.s32 s3, s5;
	[dreg:$0x0] =	wrdreg $0x0  }
0xa8: {  	s5 =	sshll.u32 s28, $0x1;
	[dreg:$0x2] =	wrdreg s3  }
0xa9: {  	[dreg:$0x3] =	wrdreg s5  }
0xaa: {  	[dreg:$0x4] =	wrdreg $0xC0  }
0xab: {  	_ =	task [dreg:s7], $0x5FFFF  }
0xac: {  	[dreg:$0x1] =	wrdreg $0xFFFFFFFF  }
0xad: {  	[dreg:$0x0] =	wrdreg $0x60  }
0xae: {  	[dreg:$0x2] =	wrdreg s2  }
0xaf: {  	[dreg:$0x3] =	wrdreg s24  }
0xb0: {  	[dreg:$0x4] =	wrdreg $0x9  }
0xb1: {  	_ =	task.clear_ibuf [dreg:s7], $0x5FFFF;
	_ =	strace $0x90000046  }
0xb2: {  	s29 =	simm.s32 $0x9;
	_ =	strace $0x80000048  }
0xb3: {  	_ =	swait.ge [sflag:s29], $0x1  }
0xb4: {  	[sflag:s29] =	ssyncadd.s32 $0xFFFFFFFF  }
0xb5: {  	_ =	strace $0x90000048  }
0xb6: {  	_ =	sfence  }
0xb7: {  	s30 =	sld [smem:$0x0];
	_ =	sdelay $0x2  }
0xb8: {  	s31 =	sshll.u32 s1, $0xD;
	s1 =	sshrl.u32 s1, $0x2  }
0xb9: {  	s3 =	sand.u32 $0x4000, s31;
	s1 =	sadd.s32 s1, s30  }
0xba: {  	s0 =	sor.u32 s3, s0;
	s1 =	sshll.u32 s1, $0x11  }
0xbb: {  	s0 =	sor.u32 s1, s0  }
0xbc: {  	s0 =	sadd.s32 $0x8F2B, s0  }
0xbd: {  	[sflag:s0] =	ssyncadd.remote.s32 $0x1  }
0xbe: {  	_ =	sfence.sel $0xFFFF  }
0xbf: {  	[dreg:$0x0] =	wrdreg $0xFFFFFFFF;
	(pc) =	sbr.abs _section_cstart, $3  }
0xc0: {  	[dreg:$0x1] =	wrdreg $0xFFFFFFFF  }
0xc1: {  	_ =	task.clear_ibuf [dreg:s7], $0x2FFFF;
	_ =	strace $0x9FFFFFFF  }
0xc2: {  	(tm) =	ssettm $0x7FFFFFFF  }
0xc3: {  	_ =	shalt  }
tec
execute0_lowered:
.L_overlay_start_1:
0x0: {  	(tag) =	ssettag $0x1  }
0x1: {  	s1 =	rddreg [dreg:$0x0]  }
0x2: {  	s0 =	rddreg [dreg:$0x1]  }
0x3: {  	s3 =	simm.s32 $0x0;
	s2 =	srdreg.scid;
	s4 =	stileid.u32  }
0x4: {  	s20 =	simm.s32 $0x6;
	s10 =	simm.s32 $0x400;
	s28 =	simm.s32 $0x2  }
0x5: {  	s29 =	simm.s32 $0x1D400;
	[smem:$0x7FF] =	sst s3;
	s5 =	sadd.s32 $0x5800, s0  }
0x6: {  	s2 =	sand.u32 $0x1, s2;
	s4 =	sshll.u32 s4, $0x1;
	s21 =	sadd.s32 $0x4000, s0  }
0x7: {  	s6 =	sadd.s32 $0x7000, s0;
	_ =	strace $0x80000047;
	[dreg:$0x3] =	wrdreg s5  }
0x8: {  	[dreg:$0x4] =	wrdreg s21;
	s22 =	ssub.s32 $0x2, s2;
	s2 =	sor.u32 s2, s4  }
0x9: {  	s23 =	sshrl.u32 s22, $0x1;
	s7 =	sshll.u32 s2, $0x7;
	s9 =	smul.u32 $0x18000, s2  }
0xa: {  	s8 =	sshll.u32 s2, $0xA;
	s4 =	ssub.s32 s22, s23;
	s0 =	sadd.s32 s0, s7  }
0xb: {  	s14 =	sor.u32 $0x8, s8;
	s24 =	sadd.s32 $0x1000, s0;
	[dreg:$0x5] =	wrdreg s0  }
0xc: {  	s15 =	sor.u32 $0x10, s8;
	s26 =	sadd.s32 $0x2000, s0;
	[dreg:$0x6] =	wrdreg s24  }
0xd: {  	s16 =	sor.u32 $0x18, s8;
	s0 =	sadd.s32 $0x3000, s0;
	[dreg:$0x8] =	wrdreg s26  }
0xe: {  	s23 =	simm.s32 $0x18C00;
	s25 =	sadd.s32 s1, s9;
	[dreg:$0x9] =	wrdreg s0  }
0xf: {  	s31 =	smax.u32 s4, $0x1;
	[dreg:$0x7] =	wrdreg s25;
	s30 =	sadd.s32 $0x300, s25  }
0x10: {  	[dreg:$0xb] =	wrdreg s31;
	s24 =	simm.s32 $0x1A400;
	s25 =	simm.s32 $0x1  }
0x11: {  	v0 =	vlaneseq.u32;
	s26 =	simm.s32 $0x1BC00;
	s0 =	simm.s32 $0x0;
	[dreg:$0xa] =	wrdreg s30  }
.LBB2_1:
0x12: {  	s2 =	rddreg [dreg:$0x3];
	s4 =	simm.s32 $0xC00  }
0x13: {  	[tilespmem:s4], [sflag:$0x5] =	stream.linear.gather [hbm4b:s2+s3], $0xC000, $0x38;
	[tilespmem:$0x1EC00] =	vst v63  }
0x14: {  	s17 =	rddreg [dreg:$0x4];
	s18 =	simm.s32 $0xCC00  }
0x15: {  	[tilespmem:s18], [sflag:$0x5] =	stream.linear.gather [hbm4b:s17+s3], $0xC000, $0x38;
	[tilespmem:$0x1EC00] =	vst v63  }
0x16: {  	s19 =	rddreg [dreg:$0x5]  }
0x17: {  	[tilespmem:s3], [sflag:$0x6] =	stream.linear.gather [hbm4b:s19+s3], $0x400, $0x38;
	[tilespmem:$0x1EC00] =	vst v63  }
0x18: {  	_ =	swait.ge [sflag:s20], $0x400  }
0x19: {  	[sflag:s20] =	ssyncset.done $0x0  }
0x1a: {  	s21 =	rddreg [dreg:$0x6];
	[sflag:s20] =	ssyncadd.s32 $0xFFFFFC00  }
0x1b: {  	[tilespmem:s10], [sflag:$0x6] =	stream.linear.gather [hbm4b:s21+s3], $0x400, $0x38;
	[tilespmem:$0x1EC00] =	vst v63  }
0x1c: {  	_ =	swait.ge [sflag:s20], $0x400  }
0x1d: {  	[sflag:s20] =	ssyncset.done $0x0  }
0x1e: {  	s22 =	simm.s32 $0x20;
	[sflag:s20] =	ssyncadd.s32 $0xFFFFFC00  }
0x1f: {  	s30 =	simm.s32 $0x420;
	v1 =	vld [tilespmem:s22+$0x10]  }
0x20: {  	v2 =	vld [tilespmem:s30+$0x10]  }
0x21: {  	v3 =	vld [tilespmem:s30+$0xFFFFFFE0]  }
0x22: {  	v4 =	vld [tilespmem:s22+$0xFFFFFFF0]  }
0x23: {  	v5 =	vld [tilespmem:s30+$0xFFFFFFF0];
	_ =	sdelay $0x1  }
0x24: {  	v6 =	vld [tilespmem:s22+$0x0]  }
0x25: {  	v1 =	vmul.f32 $1.280000000e+02, v1  }
0x26: {  	v7 =	vld [tilespmem:s30+$0x0];
	v2 =	vmul.f32 $1.280000000e+02, v2;
	v3 =	vmul.f32 $1.280000000e+02, v3  }
0x27: {  	v8 =	vld [tilespmem:s22+$0xFFFFFFE0];
	v4 =	vmul.f32 $1.280000000e+02, v4;
	v5 =	vmul.f32 $1.280000000e+02, v5;
	v1 =	vadd.f32 $8.388608000e+06, v1  }
0x28: {  	v2 =	vadd.f32 $8.388608000e+06, v2;
	v3 =	vadd.f32 $8.388608000e+06, v3  }
0x29: {  	v6 =	vmul.f32 $1.280000000e+02, v6;
	v4 =	vadd.f32 $8.388608000e+06, v4;
	v5 =	vadd.f32 $8.388608000e+06, v5  }
0x2a: {  	v1 =	vadd.f32 $-8.388608000e+06, v1;
	v2 =	vadd.f32 $-8.388608000e+06, v2  }
0x2b: {  	v7 =	vmul.f32 $1.280000000e+02, v7;
	v6 =	vadd.f32 $8.388608000e+06, v6;
	v4 =	vadd.f32 $-8.388608000e+06, v4  }
0x2c: {  	v8 =	vmul.f32 $1.280000000e+02, v8;
	v5 =	vadd.f32 $-8.388608000e+06, v5;
	v1 =	vadd.f32 v2, v1  }
0x2d: {  	v2 =	vadd.f32 $-8.388608000e+06, v3;
	v3 =	vadd.f32 $8.388608000e+06, v7  }
0x2e: {  	v7 =	vadd.f32 $8.388608000e+06, v8;
	v4 =	vadd.f32 v5, v4;
	v1 =	vtrunc.f32 v1  }
0x2f: {  	v6 =	vadd.f32 $-8.388608000e+06, v6;
	v1 =	vcvt.f32.s32 v1  }
0x30: {  	v7 =	vadd.f32 $-8.388608000e+06, v7;
	v3 =	vadd.f32 $-8.388608000e+06, v3;
	v4 =	vtrunc.f32 v4  }
0x31: {  	v4 =	vcvt.f32.s32 v4;
	v5 =	vshra.s32 v1, $0x1  }
0x32: {  	s31 =	simm.s32 $0x60;
	v2 =	vadd.f32 v2, v7;
	v3 =	vadd.f32 v3, v6;
	v1 =	vand.u32 v5, v1  }
0x33: {  	s2 =	simm.s32 $0x460;
	v6 =	vld [tilespmem:s31+$0x10];
	v10 =	vshra.s32 v4, $0x1;
	v1 =	vand.u32 $0x1, v1  }
0x34: {  	v2 =	vtrunc.f32 v2;
	v3 =	vtrunc.f32 v3;
	v1 =	vadd.s32 v5, v1;
	v5 =	vld [tilespmem:s2+$0x10]  }
0x35: {  	v7 =	vld [tilespmem:s2+$0xFFFFFFE0];
	v4 =	vand.u32 v10, v4;
	v2 =	vcvt.f32.s32 v2;
	v3 =	vcvt.f32.s32 v3  }
0x36: {  	v9 =	vld [tilespmem:s31+$0xFFFFFFF0];
	v4 =	vand.u32 $0x1, v4;
	vm0 =	vlt.s32 v1, $0x7F  }
0x37: {  	v11 =	vld [tilespmem:s2+$0xFFFFFFF0];
	v12 =	vshra.s32 v3, $0x1;
	v8 =	vnsel vm0, $0x7F, v1;
	v1 =	vshra.s32 v2, $0x1  }
0x38: {  	v13 =	vld [tilespmem:s31+$0x0];
	v6 =	vmul.f32 $1.280000000e+02, v6;
	v3 =	vand.u32 v12, v3;
	v2 =	vand.u32 v1, v2  }
0x39: {  	v14 =	vld [tilespmem:s2+$0x0];
	v3 =	vand.u32 $0x1, v3;
	v2 =	vand.u32 $0x1, v2;
	v5 =	vmul.f32 $1.280000000e+02, v5  }
0x3a: {  	v16 =	vld [tilespmem:s31+$0xFFFFFFE0];
	v6 =	vadd.f32 $8.388608000e+06, v6;
	v15 =	vadd.s32 v1, v2;
	v2 =	vmul.f32 $1.280000000e+02, v7  }
0x3b: {  	v1 =	vadd.s32 v10, v4;
	v4 =	vmul.f32 $1.280000000e+02, v9;
	v5 =	vadd.f32 $8.388608000e+06, v5  }
0x3c: {  	v9 =	vmul.f32 $1.280000000e+02, v11;
	v6 =	vadd.f32 $-8.388608000e+06, v6;
	v7 =	vadd.f32 $8.388608000e+06, v2  }
0x3d: {  	v2 =	vadd.s32 v12, v3;
	v3 =	vmul.f32 $1.280000000e+02, v13;
	v5 =	vadd.f32 $-8.388608000e+06, v5  }
0x3e: {  	v10 =	vmul.f32 $1.280000000e+02, v14;
	v4 =	vadd.f32 $8.388608000e+06, v4;
	v9 =	vadd.f32 $8.388608000e+06, v9  }
0x3f: {  	v11 =	vmul.f32 $1.280000000e+02, v16;
	v3 =	vadd.f32 $8.388608000e+06, v3;
	v5 =	vadd.f32 v5, v6  }
0x40: {  	vm2 =	vlt.s32 v15, $0x7F;
	v4 =	vadd.f32 $-8.388608000e+06, v4;
	v6 =	vadd.f32 $-8.388608000e+06, v7  }
0x41: {  	v7 =	vadd.f32 $8.388608000e+06, v10;
	v10 =	vadd.f32 $8.388608000e+06, v11;
	v5 =	vtrunc.f32 v5  }
0x42: {  	v9 =	vadd.f32 $-8.388608000e+06, v9;
	v11 =	vadd.f32 $-8.388608000e+06, v3;
	v5 =	vcvt.f32.s32 v5  }
0x43: {  	vm1 =	vlt.s32 v1, $0x7F;
	v10 =	vadd.f32 $-8.388608000e+06, v10;
	v7 =	vadd.f32 $-8.388608000e+06, v7  }
0x44: {  	vm0 =	vlt.s32 v2, $0x7F;
	v4 =	vadd.f32 v9, v4;
	v3 =	vshra.s32 v5, $0x1  }
0x45: {  	s5 =	simm.s32 $0x820;
	v6 =	vadd.f32 v6, v10;
	v7 =	vadd.f32 v7, v11;
	v5 =	vand.u32 v3, v5  }
0x46: {  	s7 =	simm.s32 $0x4;
	s9 =	simm.s32 $0xA0;
	s4 =	simm.s32 $0x820;
	[tilespmem:s5+$0x10] =	vst v8;
	v4 =	vtrunc.f32 v4;
	v8 =	vand.u32 $0x1, v5;
	v5 =	vnsel vm2, $0x7F, v15  }
.LBB2_2:
0x47: {  	v9 =	vld [tilespmem:s9+$0x10];
	v6 =	vtrunc.f32 v6;
	v7 =	vtrunc.f32 v7;
	v3 =	vadd.s32 v3, v8;
	s2 =	sadd.s32 $0x40, s2;
	[tilespmem:s5+$0xFFFFFFE0] =	vst v5  }
0x48: {  	s7 =	sadd.s32 $0x4, s7;
	v4 =	vcvt.f32.s32 v4;
	v5 =	vld [tilespmem:s2+$0x10];
	v6 =	vcvt.f32.s32 v6;
	vm2 =	vlt.s32 v3, $0x7F  }
0x49: {  	v1 =	vnsel vm1, $0x7F, v1;
	s5 =	sadd.s32 $0x40, s5;
	p0 =	slt.u32 s7, $0x3C;
	v7 =	vcvt.f32.s32 v7;
	v8 =	vld [tilespmem:s2+$0xFFFFFFE0];
	v3 =	vnsel vm2, $0x7F, v3  }
0x4a: {  	v2 =	vnsel vm0, $0x7F, v2;
	v12 =	vshra.s32 v4, $0x1;
	v10 =	vld [tilespmem:s9+$0xFFFFFFF0];
	v11 =	vshra.s32 v6, $0x1;
	[tilespmem:s5+$0x10] =	vst v3  }
0x4b: {  	v4 =	vand.u32 v12, v4;
	v13 =	vshra.s32 v7, $0x1;
	v3 =	vld [tilespmem:s2+$0xFFFFFFF0];
	v6 =	vand.u32 v11, v6;
	[tilespmem:s4+$0xFFFFFFF0] =	vst v1  }
0x4c: {  	v4 =	vand.u32 $0x1, v4;
	v14 =	vld [tilespmem:s9+$0x0];
	v1 =	vand.u32 $0x1, v6;
	v6 =	vand.u32 v13, v7;
	[tilespmem:s4+$0x0] =	vst v2;
	s4 =	smov.u32 s5  }
0x4d: {  	v2 =	vmul.f32 $1.280000000e+02, v9;
	v7 =	vld [tilespmem:s2+$0x0];
	v5 =	vmul.f32 $1.280000000e+02, v5;
	v6 =	vand.u32 $0x1, v6  }
0x4e: {  	v11 =	vadd.s32 v11, v1;
	v1 =	vadd.s32 v12, v4;
	v9 =	vld [tilespmem:s9+$0xFFFFFFE0];
	v8 =	vmul.f32 $1.280000000e+02, v8  }
0x4f: {  	v4 =	vmul.f32 $1.280000000e+02, v10;
	v10 =	vadd.f32 $8.388608000e+06, v2;
	v5 =	vadd.f32 $8.388608000e+06, v5  }
0x50: {  	v2 =	vadd.s32 v13, v6;
	v8 =	vadd.f32 $8.388608000e+06, v8;
	v3 =	vmul.f32 $1.280000000e+02, v3  }
0x51: {  	v6 =	vmul.f32 $1.280000000e+02, v14;
	v10 =	vadd.f32 $-8.388608000e+06, v10;
	v5 =	vadd.f32 $-8.388608000e+06, v5  }
0x52: {  	v4 =	vadd.f32 $8.388608000e+06, v4;
	v3 =	vadd.f32 $8.388608000e+06, v3;
	v7 =	vmul.f32 $1.280000000e+02, v7  }
0x53: {  	v9 =	vmul.f32 $1.280000000e+02, v9;
	v6 =	vadd.f32 $8.388608000e+06, v6;
	v5 =	vadd.f32 v5, v10  }
0x54: {  	vm2 =	vlt.s32 v11, $0x7F;
	v8 =	vadd.f32 $-8.388608000e+06, v8;
	v7 =	vadd.f32 $8.388608000e+06, v7  }
0x55: {  	v4 =	vadd.f32 $-8.388608000e+06, v4;
	v9 =	vadd.f32 $8.388608000e+06, v9;
	v5 =	vtrunc.f32 v5  }
.Ltmp0:
0x56: {  	v3 =	vadd.f32 $-8.388608000e+06, v3;
	v10 =	vadd.f32 $-8.388608000e+06, v6;
	v5 =	vcvt.f32.s32 v5;
	(pc) =	sbr.rel @p0 .LBB2_2-.Ltmp0, $4  }
0x57: {  	vm1 =	vlt.s32 v1, $0x7F;
	v7 =	vadd.f32 $-8.388608000e+06, v7;
	v6 =	vadd.f32 $-8.388608000e+06, v9  }
0x58: {  	vm0 =	vlt.s32 v2, $0x7F;
	v4 =	vadd.f32 v3, v4;
	v3 =	vshra.s32 v5, $0x1  }
0x59: {  	v7 =	vadd.f32 v7, v10;
	v6 =	vadd.f32 v8, v6;
	v5 =	vand.u32 v3, v5  }
0x5a: {  	s9 =	sadd.s32 $0x40, s9;
	v4 =	vtrunc.f32 v4;
	v8 =	vand.u32 $0x1, v5;
	v5 =	vnsel vm2, $0x7F, v11  }
0x5b: {  	v6 =	vtrunc.f32 v6;
	v7 =	vtrunc.f32 v7  }
0x5c: {  	v3 =	vadd.s32 v3, v8;
	v4 =	vcvt.f32.s32 v4;
	v6 =	vcvt.f32.s32 v6  }
0x5d: {  	v1 =	vnsel vm1, $0x7F, v1;
	vm2 =	vlt.s32 v3, $0x7F;
	v7 =	vcvt.f32.s32 v7  }
0x5e: {  	v3 =	vnsel vm2, $0x7F, v3;
	v9 =	vshra.s32 v4, $0x1;
	v8 =	vshra.s32 v6, $0x1  }
0x5f: {  	[tilespmem:s5+$0xFFFFFFE0] =	vst v5;
	s2 =	sadd.s32 $0x40, s5;
	v4 =	vand.u32 v9, v4;
	v5 =	vshra.s32 v7, $0x1;
	v6 =	vand.u32 v8, v6  }
0x60: {  	[tilespmem:s2+$0x10] =	vst v3;
	v3 =	vand.u32 $0x1, v4;
	v4 =	vand.u32 v5, v7;
	v6 =	vand.u32 $0x1, v6  }
0x61: {  	[tilespmem:s4+$0xFFFFFFF0] =	vst v1;
	v1 =	vand.u32 $0x1, v4;
	v6 =	vadd.s32 v8, v6  }
0x62: {  	v2 =	vnsel vm0, $0x7F, v2;
	v1 =	vadd.s32 v5, v1;
	vm12 =	vlt.s32 v6, $0x7F  }
0x63: {  	[tilespmem:s4+$0x0] =	vst v2;
	v3 =	vadd.s32 v9, v3;
	vm14 =	vlt.s32 v1, $0x7F;
	v2 =	vnsel vm12, $0x7F, v6  }
0x64: {  	vm13 =	vlt.s32 v3, $0x7F;
	v1 =	vnsel vm14, $0x7F, v1;
	[tilespmem:s2+$0xFFFFFFE0] =	vst v2  }
0x65: {  	v2 =	vnsel vm13, $0x7F, v3;
	[tilespmem:s2+$0x0] =	vst v1  }
0x66: {  	[tilespmem:s2+$0xFFFFFFF0] =	vst v2  }
0x67: {  	s2 =	rddreg [dreg:$0x8]  }
0x68: {  	[tilespmem:s3], [sflag:$0x6] =	stream.linear.gather [hbm4b:s2+s3], $0x400, $0x38;
	[tilespmem:$0x1EC00] =	vst v63  }
0x69: {  	_ =	swait.ge [sflag:s20], $0x400  }
0x6a: {  	[sflag:s20] =	ssyncset.done $0x0  }
0x6b: {  	s30 =	rddreg [dreg:$0x9];
	[sflag:s20] =	ssyncadd.s32 $0xFFFFFC00  }
0x6c: {  	[tilespmem:s10], [sflag:$0x6] =	stream.linear.gather [hbm4b:s30+s3], $0x400, $0x38;
	[tilespmem:$0x1EC00] =	vst v63  }
0x6d: {  	_ =	swait.ge [sflag:s20], $0x400  }
0x6e: {  	[sflag:s20] =	ssyncset.done $0x0  }
0x6f: {  	s31 =	simm.s32 $0x20;
	[sflag:s20] =	ssyncadd.s32 $0xFFFFFC00  }
0x70: {  	s2 =	simm.s32 $0x420;
	v1 =	vld [tilespmem:s31+$0x10]  }
0x71: {  	v2 =	vld [tilespmem:s2+$0x10]  }
0x72: {  	v3 =	vld [tilespmem:s31+$0xFFFFFFE0]  }
0x73: {  	v4 =	vld [tilespmem:s2+$0xFFFFFFE0]  }
0x74: {  	v5 =	vld [tilespmem:s31+$0xFFFFFFF0]  }
0x75: {  	v7 =	vld [tilespmem:s31+$0x0]  }
0x76: {  	v6 =	vld [tilespmem:s2+$0xFFFFFFF0]  }
0x77: {  	v1 =	vmul.f32 $1.280000000e+02, v1;
	v2 =	vmul.f32 $1.280000000e+02, v2  }
0x78: {  	v8 =	vld [tilespmem:s2+$0x0];
	v3 =	vmul.f32 $1.280000000e+02, v3;
	v4 =	vmul.f32 $1.280000000e+02, v4  }
0x79: {  	v5 =	vmul.f32 $1.280000000e+02, v5;
	v1 =	vadd.f32 $8.388608000e+06, v1;
	v2 =	vadd.f32 $8.388608000e+06, v2  }
0x7a: {  	v7 =	vmul.f32 $1.280000000e+02, v7;
	v3 =	vadd.f32 $8.388608000e+06, v3;
	v4 =	vadd.f32 $8.388608000e+06, v4  }
0x7b: {  	v6 =	vmul.f32 $1.280000000e+02, v6;
	v1 =	vadd.f32 $-8.388608000e+06, v1;
	v2 =	vadd.f32 $-8.388608000e+06, v2  }
0x7c: {  	v5 =	vadd.f32 $8.388608000e+06, v5;
	v7 =	vadd.f32 $8.388608000e+06, v7  }
0x7d: {  	v1 =	vadd.f32 v2, v1;
	v2 =	vadd.f32 $8.388608000e+06, v6;
	v6 =	vmul.f32 $1.280000000e+02, v8  }
0x7e: {  	v3 =	vadd.f32 $-8.388608000e+06, v3;
	v4 =	vadd.f32 $-8.388608000e+06, v4  }
0x7f: {  	v5 =	vadd.f32 $-8.388608000e+06, v5;
	v1 =	vtrunc.f32 v1;
	v6 =	vadd.f32 $8.388608000e+06, v6  }
0x80: {  	v7 =	vadd.f32 $-8.388608000e+06, v7;
	v3 =	vadd.f32 v4, v3;
	v1 =	vcvt.f32.s32 v1  }
0x81: {  	v2 =	vadd.f32 $-8.388608000e+06, v2;
	v6 =	vadd.f32 $-8.388608000e+06, v6  }
0x82: {  	v3 =	vtrunc.f32 v3;
	v8 =	vshra.s32 v1, $0x1  }
0x83: {  	s4 =	simm.s32 $0x820;
	v2 =	vadd.f32 v2, v5;
	v1 =	vand.u32 v8, v1;
	v6 =	vadd.f32 v6, v7  }
0x84: {  	v4 =	vld [tilespmem:s4+$0x10];
	v5 =	vcvt.f32.s32 v3;
	v1 =	vand.u32 $0x1, v1  }
0x85: {  	v7 =	vtrunc.f32 v2;
	v2 =	vld [tilespmem:s4+$0xFFFFFFF0];
	v9 =	vadd.s32 v8, v1;
	v3 =	vtrunc.f32 v6  }
0x86: {  	v8 =	vcvt.f32.s32 v7;
	v1 =	vld [tilespmem:s4+$0x0];
	vm15 =	vlt.s32 v9, $0x7F;
	v6 =	vcvt.f32.s32 v3  }
0x87: {  	s7 =	simm.s32 $0x0;
	s9 =	simm.s32 $0x60;
	s5 =	simm.s32 $0x820;
	v7 =	vshra.s32 v5, $0x1;
	v3 =	vld [tilespmem:s4+$0xFFFFFFE0];
	v9 =	vnsel vm15, $0x7F, v9  }
.LBB2_4:
0x88: {  	v10 =	vld [tilespmem:s9+$0x10];
	v11 =	vshra.s32 v8, $0x1;
	v12 =	vshra.s32 v6, $0x1;
	v9 =	vshll.u32 v9, $0x10;
	s2 =	sadd.s32 $0x40, s2  }
0x89: {  	s7 =	sadd.s32 $0x4, s7;
	v5 =	vand.u32 v7, v5;
	v13 =	vld [tilespmem:s2+$0x10];
	v8 =	vand.u32 v11, v8;
	v4 =	vor.u32 v4, v9  }
0x8a: {  	p0 =	slt.u32 s7, $0x3C;
	v5 =	vand.u32 $0x1, v5;
	v6 =	vand.u32 v12, v6;
	v9 =	vld [tilespmem:s9+$0xFFFFFFE0];
	v8 =	vand.u32 $0x1, v8;
	[tilespmem:s4+$0x10] =	vst v4  }
0x8b: {  	v5 =	vadd.s32 v7, v5;
	v6 =	vand.u32 $0x1, v6;
	v4 =	vld [tilespmem:s2+$0xFFFFFFE0];
	v7 =	vadd.s32 v11, v8  }
0x8c: {  	vm0 =	vlt.s32 v5, $0x7F;
	v6 =	vadd.s32 v12, v6;
	v8 =	vld [tilespmem:s9+$0xFFFFFFF0];
	vm1 =	vlt.s32 v7, $0x7F  }
0x8d: {  	v5 =	vnsel vm0, $0x7F, v5;
	vm0 =	vlt.s32 v6, $0x7F;
	v11 =	vld [tilespmem:s2+$0xFFFFFFF0];
	v7 =	vnsel vm1, $0x7F, v7  }
0x8e: {  	v10 =	vmul.f32 $1.280000000e+02, v10;
	v6 =	vnsel vm0, $0x7F, v6;
	v12 =	vld [tilespmem:s9+$0x0];
	v13 =	vmul.f32 $1.280000000e+02, v13  }
0x8f: {  	v5 =	vshll.u32 v5, $0x10;
	v7 =	vshll.u32 v7, $0x10;
	v9 =	vmul.f32 $1.280000000e+02, v9;
	v14 =	vld [tilespmem:s2+$0x0]  }
0x90: {  	v10 =	vadd.f32 $8.388608000e+06, v10;
	v4 =	vmul.f32 $1.280000000e+02, v4;
	v13 =	vadd.f32 $8.388608000e+06, v13  }
0x91: {  	v6 =	vshll.u32 v6, $0x10;
	v9 =	vadd.f32 $8.388608000e+06, v9;
	v8 =	vmul.f32 $1.280000000e+02, v8  }
0x92: {  	v10 =	vadd.f32 $-8.388608000e+06, v10;
	v11 =	vmul.f32 $1.280000000e+02, v11;
	v13 =	vadd.f32 $-8.388608000e+06, v13  }
0x93: {  	v4 =	vadd.f32 $8.388608000e+06, v4;
	v8 =	vadd.f32 $8.388608000e+06, v8;
	v12 =	vmul.f32 $1.280000000e+02, v12  }
0x94: {  	v11 =	vadd.f32 $8.388608000e+06, v11;
	v14 =	vmul.f32 $1.280000000e+02, v14;
	v10 =	vadd.f32 v13, v10  }
0x95: {  	v3 =	vor.u32 v3, v5;
	v9 =	vadd.f32 $-8.388608000e+06, v9;
	v12 =	vadd.f32 $8.388608000e+06, v12  }
0x96: {  	v4 =	vadd.f32 $-8.388608000e+06, v4;
	v5 =	vadd.f32 $8.388608000e+06, v14;
	v10 =	vtrunc.f32 v10;
	[tilespmem:s4+$0xFFFFFFE0] =	vst v3  }
0x97: {  	v3 =	vadd.f32 $-8.388608000e+06, v8;
	v8 =	vadd.f32 $-8.388608000e+06, v11;
	v10 =	vcvt.f32.s32 v10  }
0x98: {  	v2 =	vor.u32 v2, v7;
	v11 =	vadd.f32 $-8.388608000e+06, v12;
	v5 =	vadd.f32 $-8.388608000e+06, v5  }
0x99: {  	v4 =	vadd.f32 v4, v9;
	v3 =	vadd.f32 v8, v3;
	v7 =	vshra.s32 v10, $0x1;
	[tilespmem:s4+$0xFFFFFFF0] =	vst v2  }
.Ltmp1:
0x9a: {  	v1 =	vor.u32 v1, v6;
	s4 =	sadd.s32 $0x40, s4;
	v8 =	vadd.f32 v5, v11;
	v2 =	vand.u32 v7, v10;
	(pc) =	sbr.rel @p0 .LBB2_4-.Ltmp1, $4  }
0x9b: {  	v5 =	vtrunc.f32 v4;
	v3 =	vtrunc.f32 v3;
	v4 =	vld [tilespmem:s4+$0x10];
	v6 =	vand.u32 $0x1, v2;
	[tilespmem:s5+$0x0] =	vst v1;
	s5 =	smov.u32 s4  }
0x9c: {  	v5 =	vcvt.f32.s32 v5;
	v2 =	vld [tilespmem:s4+$0xFFFFFFF0];
	v9 =	vtrunc.f32 v8;
	v10 =	vadd.s32 v7, v6  }
0x9d: {  	v8 =	vcvt.f32.s32 v3;
	v1 =	vld [tilespmem:s4+$0x0];
	v6 =	vcvt.f32.s32 v9;
	vm0 =	vlt.s32 v10, $0x7F  }
0x9e: {  	s9 =	sadd.s32 $0x40, s9;
	v7 =	vshra.s32 v5, $0x1;
	v3 =	vld [tilespmem:s4+$0xFFFFFFE0];
	v9 =	vnsel vm0, $0x7F, v10  }
0x9f: {  	v10 =	vshra.s32 v8, $0x1  }
0xa0: {  	v11 =	vshra.s32 v6, $0x1;
	v9 =	vshll.u32 v9, $0x10;
	v5 =	vand.u32 v7, v5  }
0xa1: {  	v8 =	vand.u32 v10, v8;
	v4 =	vor.u32 v4, v9;
	v5 =	vand.u32 $0x1, v5  }
0xa2: {  	v6 =	vand.u32 v11, v6;
	v8 =	vand.u32 $0x1, v8;
	v5 =	vadd.s32 v7, v5  }
0xa3: {  	v6 =	vand.u32 $0x1, v6;
	v61 =	vadd.s32 v10, v8;
	vm0 =	vlt.s32 v5, $0x7F  }
0xa4: {  	v6 =	vadd.s32 v11, v6;
	vm1 =	vlt.s32 v61, $0x7F;
	v5 =	vnsel vm0, $0x7F, v5  }
0xa5: {  	vm15 =	vlt.s32 v6, $0x7F;
	v7 =	vnsel vm1, $0x7F, v61;
	v5 =	vshll.u32 v5, $0x10  }
0xa6: {  	[tilespmem:s4+$0x10] =	vst v4;
	v62 =	vnsel vm15, $0x7F, v6;
	v63 =	vshll.u32 v7, $0x10;
	v3 =	vor.u32 v3, v5  }
0xa7: {  	v4 =	vshll.u32 v62, $0x10;
	[tilespmem:s4+$0xFFFFFFE0] =	vst v3;
	v2 =	vor.u32 v2, v63  }
0xa8: {  	v1 =	vor.u32 v1, v4;
	[tilespmem:s4+$0xFFFFFFF0] =	vst v2  }
0xa9: {  	s2 =	simm.s32 $0x5;
	[tilespmem:s5+$0x0] =	vst v1  }
0xaa: {  	_ =	swait.ge [sflag:s2], $0xC000  }
0xab: {  	[sflag:s2] =	ssyncset.done $0x0  }
0xac: {  	[sflag:s2] =	ssyncadd.s32 $0xFFFF4000  }
0xad: {  	_ =	swait.ge [sflag:s2], $0xC000  }
0xae: {  	[sflag:s2] =	ssyncset.done $0x0  }
0xaf: {  	s30 =	rddreg [dreg:$0x7];
	[sflag:s2] =	ssyncadd.s32 $0xFFFF4000;
	s2 =	simm.s32 $0x0  }
0xb0: {  	[tilespmem:s23], [sflag:$0x1] =	stream.linear.gather [hbm4b:s30+s2], $0x1800, $0x38;
	[tilespmem:$0x1EC00] =	vst v63  }
0xb1: {  	s31 =	rddreg [dreg:$0xa]  }
0xb2: {  	[tilespmem:s24], [sflag:$0x2] =	stream.linear.gather [hbm4b:s31+s2], $0x1800, $0x38;
	[tilespmem:$0x1EC00] =	vst v63  }
.LBB2_6:
0xb3: {  	_ =	swait.ge [sflag:s25], $0x1800  }
0xb4: {  	p0 =	seq.s32 s2, $0x0;
	[sflag:s25] =	ssyncset.done $0x0  }
0xb5: {  	s4 =	simm.s32 @!p0 $0x3;
	[sflag:s25] =	ssyncadd.s32 $0xFFFFE800  }
0xb6: {  	_ =	swait.ge @!p0 [sflag:s4], $0x1800  }
0xb7: {  	s18 =	sshll.u32 s2, $0x1;
	s21 =	sshll.u32 s2, $0x6;
	[sflag:s4] =	ssyncset.done @!p0 $0x0  }
0xb8: {  	p1 =	por $0x1, $0x1;
	s7 =	simm.s32 $0x0;
	[sflag:s4] =	ssyncadd.s32 @!p0 $0xFFFFE800  }
.LBB2_7:
0xb9: {  	s19 =	sshrl.u32 s21, $0x2  }
0xba: {  	v1 =	vld [tilespmem:s19+$0x800];
	_ =	sdelay $0x3  }
0xbb: {  	v2 =	vmov s7  }
0xbc: {  	vm0 =	veq.s32 v2, v0;
	v1 =	vxor.u32 $0x80000000, v1  }
0xbd: {  	v2 =	vnsel vm0, $0x80000000, v1  }
0xbe: {  	(xrf0) =	vmax.scan.msk.u32 $0xffff, v2;
	_ =	sdelay $0x5  }
0xbf: {  	v2, _, _ =	vpop (xrf0)  }
0xc0: {  	(v2sf) =	vpush v2, $0xF;
	_ =	sdelay $0xe  }
0xc1: {  	s4 =	spop (v2sf)  }
0xc2: {  	s5 =	sand.u32 $0xFFFF, s4;
	s4 =	sshra.s32 s4, $0x10  }
0xc3: {  	s4 =	sxor.u32 $0x7F8000, s4;
	s5 =	smul.u32 $0x600, s5  }
0xc4: {  	s10 =	smul.u32 $0x600, s4  }
0xc5: {  	s4 =	smul.u32 $0x300, s7;
	s9 =	sshrl.u32 s5, $0x2  }
0xc6: {  	v2 =	vld [tilespmem:s9+$0xC00]  }
0xc7: {  	v4 =	vld [tilespmem:s4+$0x18C00]  }
0xc8: {  	s5 =	sshra.s32 s10, $0x2;
	v5 =	vld [tilespmem:s4+$0x18C10]  }
0xc9: {  	v3 =	vld [tilespmem:s5+$0xCC00];
	_ =	sdelay $0x2  }
0xca: {  	v6 =	vshll.u32 v2, $0x10  }
0xcb: {  	v2 =	vand.u32 $0xFFFF0000, v2;
	v4 =	vadd.f32 v6, v4  }
0xcc: {  	v24 =	vshll.u32 v3, $0x10;
	v2 =	vadd.f32 v2, v5  }
0xcd: {  	v3 =	vand.u32 $0xFFFF0000, v3;
	v4 =	vadd.f32 v24, v4  }
0xce: {  	v2 =	vadd.f32 v3, v2  }
0xcf: {  	[tilespmem:s4+$0x1BC00] =	vst v4  }
0xd0: {  	v25 =	vld [tilespmem:s4+$0x18C20];
	[tilespmem:s4+$0x1BC10] =	vst v2  }
0xd1: {  	v2 =	vld [tilespmem:s9+$0xC10]  }
0xd2: {  	v26 =	vld [tilespmem:s4+$0x18C30]  }
0xd3: {  	v3 =	vld [tilespmem:s5+$0xCC10];
	_ =	sdelay $0x2  }
0xd4: {  	v27 =	vshll.u32 v2, $0x10  }
0xd5: {  	v2 =	vand.u32 $0xFFFF0000, v2;
	v4 =	vadd.f32 v27, v25  }
0xd6: {  	v28 =	vshll.u32 v3, $0x10;
	v2 =	vadd.f32 v2, v26  }
0xd7: {  	v3 =	vand.u32 $0xFFFF0000, v3;
	v4 =	vadd.f32 v28, v4  }
0xd8: {  	v2 =	vadd.f32 v3, v2  }
0xd9: {  	[tilespmem:s4+$0x1BC20] =	vst v4  }
0xda: {  	v29 =	vld [tilespmem:s4+$0x18C40];
	[tilespmem:s4+$0x1BC30] =	vst v2  }
0xdb: {  	v2 =	vld [tilespmem:s9+$0xC20]  }
0xdc: {  	v30 =	vld [tilespmem:s4+$0x18C50]  }
0xdd: {  	v3 =	vld [tilespmem:s5+$0xCC20];
	_ =	sdelay $0x2  }
0xde: {  	v31 =	vshll.u32 v2, $0x10  }
0xdf: {  	v2 =	vand.u32 $0xFFFF0000, v2;
	v4 =	vadd.f32 v31, v29  }
0xe0: {  	v32 =	vshll.u32 v3, $0x10;
	v2 =	vadd.f32 v2, v30  }
0xe1: {  	v3 =	vand.u32 $0xFFFF0000, v3;
	v4 =	vadd.f32 v32, v4  }
0xe2: {  	v2 =	vadd.f32 v3, v2  }
0xe3: {  	[tilespmem:s4+$0x1BC40] =	vst v4  }
0xe4: {  	v33 =	vld [tilespmem:s4+$0x18C60];
	[tilespmem:s4+$0x1BC50] =	vst v2  }
0xe5: {  	v2 =	vld [tilespmem:s9+$0xC30]  }
0xe6: {  	v34 =	vld [tilespmem:s4+$0x18C70]  }
0xe7: {  	v3 =	vld [tilespmem:s5+$0xCC30];
	_ =	sdelay $0x2  }
0xe8: {  	v35 =	vshll.u32 v2, $0x10  }
0xe9: {  	v2 =	vand.u32 $0xFFFF0000, v2;
	v4 =	vadd.f32 v35, v33  }
0xea: {  	v36 =	vshll.u32 v3, $0x10;
	v2 =	vadd.f32 v2, v34  }
0xeb: {  	v3 =	vand.u32 $0xFFFF0000, v3;
	v4 =	vadd.f32 v36, v4  }
0xec: {  	v2 =	vadd.f32 v3, v2  }
0xed: {  	[tilespmem:s4+$0x1BC60] =	vst v4  }
0xee: {  	v37 =	vld [tilespmem:s4+$0x18C80];
	[tilespmem:s4+$0x1BC70] =	vst v2  }
0xef: {  	v2 =	vld [tilespmem:s9+$0xC40]  }
0xf0: {  	v38 =	vld [tilespmem:s4+$0x18C90]  }
0xf1: {  	v3 =	vld [tilespmem:s5+$0xCC40];
	_ =	sdelay $0x2  }
0xf2: {  	v39 =	vshll.u32 v2, $0x10  }
0xf3: {  	v2 =	vand.u32 $0xFFFF0000, v2;
	v4 =	vadd.f32 v39, v37  }
0xf4: {  	v40 =	vshll.u32 v3, $0x10;
	v2 =	vadd.f32 v2, v38  }
0xf5: {  	v3 =	vand.u32 $0xFFFF0000, v3;
	v4 =	vadd.f32 v40, v4  }
0xf6: {  	v2 =	vadd.f32 v3, v2  }
0xf7: {  	[tilespmem:s4+$0x1BC80] =	vst v4  }
0xf8: {  	v41 =	vld [tilespmem:s4+$0x18CA0];
	[tilespmem:s4+$0x1BC90] =	vst v2  }
0xf9: {  	v2 =	vld [tilespmem:s9+$0xC50]  }
0xfa: {  	v42 =	vld [tilespmem:s4+$0x18CB0]  }
0xfb: {  	v3 =	vld [tilespmem:s5+$0xCC50];
	_ =	sdelay $0x2  }
0xfc: {  	v43 =	vshll.u32 v2, $0x10  }
0xfd: {  	v2 =	vand.u32 $0xFFFF0000, v2;
	v4 =	vadd.f32 v43, v41  }
0xfe: {  	v44 =	vshll.u32 v3, $0x10;
	v2 =	vadd.f32 v2, v42  }
0xff: {  	v3 =	vand.u32 $0xFFFF0000, v3;
	v4 =	vadd.f32 v44, v4  }
0x100: {  	v2 =	vadd.f32 v3, v2  }
0x101: {  	[tilespmem:s4+$0x1BCA0] =	vst v4  }
0x102: {  	v45 =	vld [tilespmem:s4+$0x18CC0];
	[tilespmem:s4+$0x1BCB0] =	vst v2  }
0x103: {  	v2 =	vld [tilespmem:s9+$0xC60]  }
0x104: {  	v46 =	vld [tilespmem:s4+$0x18CD0]  }
0x105: {  	v3 =	vld [tilespmem:s5+$0xCC60];
	_ =	sdelay $0x2  }
0x106: {  	v47 =	vshll.u32 v2, $0x10  }
0x107: {  	v2 =	vand.u32 $0xFFFF0000, v2;
	v4 =	vadd.f32 v47, v45  }
0x108: {  	v48 =	vshll.u32 v3, $0x10;
	v2 =	vadd.f32 v2, v46  }
0x109: {  	v3 =	vand.u32 $0xFFFF0000, v3;
	v4 =	vadd.f32 v48, v4  }
0x10a: {  	v2 =	vadd.f32 v3, v2  }
0x10b: {  	[tilespmem:s4+$0x1BCC0] =	vst v4  }
0x10c: {  	v49 =	vld [tilespmem:s4+$0x18CE0];
	[tilespmem:s4+$0x1BCD0] =	vst v2  }
0x10d: {  	v2 =	vld [tilespmem:s9+$0xC70]  }
0x10e: {  	v50 =	vld [tilespmem:s4+$0x18CF0]  }
0x10f: {  	v3 =	vld [tilespmem:s5+$0xCC70];
	_ =	sdelay $0x2  }
0x110: {  	v51 =	vshll.u32 v2, $0x10  }
0x111: {  	v2 =	vand.u32 $0xFFFF0000, v2;
	v4 =	vadd.f32 v51, v49  }
0x112: {  	v52 =	vshll.u32 v3, $0x10;
	v2 =	vadd.f32 v2, v50  }
0x113: {  	v3 =	vand.u32 $0xFFFF0000, v3;
	v4 =	vadd.f32 v52, v4  }
0x114: {  	v2 =	vadd.f32 v3, v2  }
0x115: {  	[tilespmem:s4+$0x1BCE0] =	vst v4  }
0x116: {  	v53 =	vld [tilespmem:s4+$0x18D00];
	[tilespmem:s4+$0x1BCF0] =	vst v2  }
0x117: {  	v2 =	vld [tilespmem:s9+$0xC80]  }
0x118: {  	v54 =	vld [tilespmem:s4+$0x18D10]  }
0x119: {  	v3 =	vld [tilespmem:s5+$0xCC80];
	_ =	sdelay $0x2  }
0x11a: {  	v55 =	vshll.u32 v2, $0x10  }
0x11b: {  	v2 =	vand.u32 $0xFFFF0000, v2;
	v4 =	vadd.f32 v55, v53  }
0x11c: {  	v56 =	vshll.u32 v3, $0x10;
	v2 =	vadd.f32 v2, v54  }
0x11d: {  	v3 =	vand.u32 $0xFFFF0000, v3;
	v4 =	vadd.f32 v56, v4  }
0x11e: {  	v2 =	vadd.f32 v3, v2  }
0x11f: {  	[tilespmem:s4+$0x1BD00] =	vst v4  }
0x120: {  	v57 =	vld [tilespmem:s4+$0x18D20];
	[tilespmem:s4+$0x1BD10] =	vst v2  }
0x121: {  	v2 =	vld [tilespmem:s9+$0xC90]  }
0x122: {  	v58 =	vld [tilespmem:s4+$0x18D30]  }
0x123: {  	v3 =	vld [tilespmem:s5+$0xCC90];
	_ =	sdelay $0x2  }
0x124: {  	v59 =	vshll.u32 v2, $0x10  }
0x125: {  	v2 =	vand.u32 $0xFFFF0000, v2;
	v4 =	vadd.f32 v59, v57  }
0x126: {  	v60 =	vshll.u32 v3, $0x10;
	v2 =	vadd.f32 v2, v58  }
0x127: {  	v3 =	vand.u32 $0xFFFF0000, v3;
	v4 =	vadd.f32 v60, v4  }
0x128: {  	v2 =	vadd.f32 v3, v2  }
0x129: {  	[tilespmem:s4+$0x1BD20] =	vst v4  }
0x12a: {  	v61 =	vld [tilespmem:s4+$0x18D40];
	[tilespmem:s4+$0x1BD30] =	vst v2  }
0x12b: {  	v2 =	vld [tilespmem:s9+$0xCA0]  }
0x12c: {  	v62 =	vld [tilespmem:s4+$0x18D50]  }
0x12d: {  	v3 =	vld [tilespmem:s5+$0xCCA0];
	_ =	sdelay $0x2  }
0x12e: {  	v63 =	vshll.u32 v2, $0x10  }
0x12f: {  	v2 =	vand.u32 $0xFFFF0000, v2;
	v4 =	vadd.f32 v63, v61  }
0x130: {  	v9 =	vshll.u32 v3, $0x10;
	v2 =	vadd.f32 v2, v62  }
0x131: {  	v3 =	vand.u32 $0xFFFF0000, v3;
	v4 =	vadd.f32 v9, v4  }
0x132: {  	v2 =	vadd.f32 v3, v2  }
0x133: {  	[tilespmem:s4+$0x1BD40] =	vst v4  }
0x134: {  	v10 =	vld [tilespmem:s4+$0x18D60];
	[tilespmem:s4+$0x1BD50] =	vst v2  }
0x135: {  	v2 =	vld [tilespmem:s9+$0xCB0]  }
0x136: {  	v11 =	vld [tilespmem:s4+$0x18D70]  }
0x137: {  	v3 =	vld [tilespmem:s5+$0xCCB0];
	_ =	sdelay $0x2  }
0x138: {  	v12 =	vshll.u32 v2, $0x10  }
0x139: {  	v2 =	vand.u32 $0xFFFF0000, v2;
	v4 =	vadd.f32 v12, v10  }
0x13a: {  	v13 =	vshll.u32 v3, $0x10;
	v2 =	vadd.f32 v2, v11  }
0x13b: {  	v3 =	vand.u32 $0xFFFF0000, v3;
	v4 =	vadd.f32 v13, v4  }
0x13c: {  	v2 =	vadd.f32 v3, v2  }
0x13d: {  	[tilespmem:s4+$0x1BD60] =	vst v4  }
0x13e: {  	v14 =	vld [tilespmem:s4+$0x18D80];
	[tilespmem:s4+$0x1BD70] =	vst v2  }
0x13f: {  	v2 =	vld [tilespmem:s9+$0xCC0]  }
0x140: {  	v15 =	vld [tilespmem:s4+$0x18D90]  }
0x141: {  	v3 =	vld [tilespmem:s5+$0xCCC0];
	_ =	sdelay $0x2  }
0x142: {  	v16 =	vshll.u32 v2, $0x10  }
0x143: {  	v2 =	vand.u32 $0xFFFF0000, v2;
	v4 =	vadd.f32 v16, v14  }
0x144: {  	v17 =	vshll.u32 v3, $0x10;
	v2 =	vadd.f32 v2, v15  }
0x145: {  	v3 =	vand.u32 $0xFFFF0000, v3;
	v4 =	vadd.f32 v17, v4  }
0x146: {  	v2 =	vadd.f32 v3, v2  }
0x147: {  	[tilespmem:s4+$0x1BD80] =	vst v4  }
0x148: {  	v18 =	vld [tilespmem:s4+$0x18DA0];
	[tilespmem:s4+$0x1BD90] =	vst v2  }
0x149: {  	v2 =	vld [tilespmem:s9+$0xCD0]  }
0x14a: {  	v19 =	vld [tilespmem:s4+$0x18DB0]  }
0x14b: {  	v3 =	vld [tilespmem:s5+$0xCCD0];
	_ =	sdelay $0x2  }
0x14c: {  	v20 =	vshll.u32 v2, $0x10  }
0x14d: {  	v2 =	vand.u32 $0xFFFF0000, v2;
	v4 =	vadd.f32 v20, v18  }
0x14e: {  	v21 =	vshll.u32 v3, $0x10;
	v2 =	vadd.f32 v2, v19  }
0x14f: {  	v3 =	vand.u32 $0xFFFF0000, v3;
	v4 =	vadd.f32 v21, v4  }
0x150: {  	v2 =	vadd.f32 v3, v2  }
0x151: {  	[tilespmem:s4+$0x1BDA0] =	vst v4  }
0x152: {  	v22 =	vld [tilespmem:s4+$0x18DC0];
	[tilespmem:s4+$0x1BDB0] =	vst v2  }
0x153: {  	v2 =	vld [tilespmem:s9+$0xCE0]  }
0x154: {  	v23 =	vld [tilespmem:s4+$0x18DD0]  }
0x155: {  	v3 =	vld [tilespmem:s5+$0xCCE0];
	_ =	sdelay $0x2  }
0x156: {  	v24 =	vshll.u32 v2, $0x10  }
0x157: {  	v2 =	vand.u32 $0xFFFF0000, v2;
	v4 =	vadd.f32 v24, v22  }
0x158: {  	v25 =	vshll.u32 v3, $0x10;
	v2 =	vadd.f32 v2, v23  }
0x159: {  	v3 =	vand.u32 $0xFFFF0000, v3;
	v4 =	vadd.f32 v25, v4  }
0x15a: {  	v2 =	vadd.f32 v3, v2  }
0x15b: {  	s31 =	sor.u32 $0x1, s7;
	[tilespmem:s4+$0x1BDC0] =	vst v4  }
0x15c: {  	[tilespmem:s4+$0x1BDD0] =	vst v2;
	v2 =	vmov s31  }
0x15d: {  	vm13 =	veq.s32 v2, v0  }
0x15e: {  	v3 =	vld [tilespmem:s9+$0xCF0];
	v26 =	vnsel vm13, $0x80000000, v1  }
0x15f: {  	v2 =	vld [tilespmem:s5+$0xCCF0];
	(xrf0) =	vmax.scan.msk.u32 $0xffff, v26  }
0x160: {  	s12 =	sor.u32 $0x2, s7;
	v27 =	vld [tilespmem:s4+$0x18DE0]  }
0x161: {  	v28 =	vmov s12;
	v29 =	vld [tilespmem:s19+$0x800]  }
0x162: {  	vm14 =	veq.s32 v28, v0;
	v7 =	vld [tilespmem:s4+$0x18DF0]  }
0x163: {  	s13 =	sor.u32 $0x3, s7;
	v1 =	vnsel vm14, $0x80000000, v1  }
0x164: {  	v8 =	vmov s13;
	(xrf0) =	vmax.scan.msk.u32 $0xffff, v1  }
0x165: {  	vm15 =	veq.s32 v8, v0;
	v30 =	vshll.u32 v3, $0x10;
	v1 =	vand.u32 $0xFFFF0000, v3;
	v31, _, _ =	vpop (xrf0)  }
0x166: {  	v3 =	vshll.u32 v2, $0x10;
	v4 =	vadd.f32 v30, v27;
	(v2sf) =	vpush v31, $0xF  }
0x167: {  	s12 =	smul.u32 $0x300, s12;
	v6 =	vxor.u32 $0x80000000, v29;
	v2 =	vand.u32 $0xFFFF0000, v2;
	v1 =	vadd.f32 v1, v7  }
0x168: {  	v34 =	vld [tilespmem:s4+$0x18E10];
	v32 =	vnsel vm15, $0x80000000, v6;
	v3 =	vadd.f32 v3, v4  }
0x169: {  	s13 =	smul.u32 $0x300, s13;
	v10 =	vld [tilespmem:s12+$0x18C00];
	(xrf0) =	vmax.scan.msk.u32 $0xffff, v32;
	v1 =	vadd.f32 v2, v1  }
0x16a: {  	v42 =	vld [tilespmem:s12+$0x18C10];
	v2, _, _ =	vpop (xrf0);
	[tilespmem:s4+$0x1BDE0] =	vst v3  }
0x16b: {  	v12 =	vld [tilespmem:s13+$0x18C00];
	[tilespmem:s4+$0x1BDF0] =	vst v1;
	(v2sf) =	vpush v2, $0xF  }
0x16c: {  	v1 =	vld [tilespmem:s9+$0xD00]  }
0x16d: {  	v3 =	vld [tilespmem:s4+$0x18E00]  }
0x16e: {  	v2 =	vld [tilespmem:s5+$0xCD00]  }
0x16f: {  	v47 =	vld [tilespmem:s13+$0x18C10];
	v33, _, _ =	vpop (xrf0)  }
0x170: {  	v48 =	vld [tilespmem:s4+$0x18E20];
	(v2sf) =	vpush v33, $0xF  }
0x171: {  	v58 =	vld [tilespmem:s12+$0x18C20];
	v35 =	vshll.u32 v1, $0x10  }
0x172: {  	v61 =	vld [tilespmem:s12+$0x18C30];
	v1 =	vand.u32 $0xFFFF0000, v1;
	v3 =	vadd.f32 v35, v3  }
0x173: {  	v17 =	vld [tilespmem:s13+$0x18C20];
	v36 =	vshll.u32 v2, $0x10;
	v1 =	vadd.f32 v1, v34  }
0x174: {  	v18 =	vld [tilespmem:s13+$0x18C30];
	v2 =	vand.u32 $0xFFFF0000, v2;
	v3 =	vadd.f32 v36, v3  }
0x175: {  	v19 =	vld [tilespmem:s4+$0x18E30];
	v1 =	vadd.f32 v2, v1;
	s30 =	spop (v2sf)  }
0x176: {  	v31 =	vld [tilespmem:s12+$0x18C40];
	[tilespmem:s4+$0x1BE00] =	vst v3;
	s11 =	sand.u32 $0xFFFF, s30  }
0x177: {  	v34 =	vld [tilespmem:s12+$0x18C50];
	[tilespmem:s4+$0x1BE10] =	vst v1;
	s17 =	smul.u32 $0x600, s11  }
0x178: {  	v1 =	vld [tilespmem:s9+$0xD10];
	s11 =	smul.u32 $0x300, s31  }
0x179: {  	v2 =	vld [tilespmem:s5+$0xCD10]  }
0x17a: {  	s7 =	sshra.s32 s30, $0x10;
	s22 =	spop (v2sf);
	v38 =	vld [tilespmem:s11+$0x18C00]  }
0x17b: {  	s7 =	sxor.u32 $0x7F8000, s7;
	s31 =	sand.u32 $0xFFFF, s22;
	s22 =	sshra.s32 s22, $0x10;
	v39 =	vld [tilespmem:s11+$0x18C10]  }
0x17c: {  	s7 =	smul.u32 $0x600, s7;
	s22 =	sxor.u32 $0x7F8000, s22;
	s10 =	sshrl.u32 s17, $0x2;
	v13 =	vld [tilespmem:s11+$0x18C20]  }
0x17d: {  	s22 =	smul.u32 $0x600, s22;
	v3 =	vld [tilespmem:s10+$0xC00]  }
0x17e: {  	v53 =	vld [tilespmem:s11+$0x18C30];
	s17 =	sshra.s32 s7, $0x2;
	s7 =	smul.u32 $0x600, s31  }
0x17f: {  	v37 =	vld [tilespmem:s17+$0xCC00];
	s31 =	spop (v2sf)  }
0x180: {  	v14 =	vld [tilespmem:s11+$0x18C40];
	s30 =	sshra.s32 s22, $0x2;
	s7 =	sshrl.u32 s7, $0x2;
	s22 =	sand.u32 $0xFFFF, s31  }
0x181: {  	s31 =	sshra.s32 s31, $0x10;
	v40 =	vld [tilespmem:s7+$0xC00];
	s22 =	smul.u32 $0x600, s22  }
0x182: {  	v26 =	vld [tilespmem:s11+$0x18C50];
	s31 =	sxor.u32 $0x7F8000, s31;
	v9 =	vshll.u32 v3, $0x10  }
0x183: {  	v41 =	vld [tilespmem:s30+$0xCC00];
	s31 =	smul.u32 $0x600, s31;
	v3 =	vand.u32 $0xFFFF0000, v3;
	s22 =	sshrl.u32 s22, $0x2;
	v5 =	vadd.f32 v9, v38  }
0x184: {  	v11 =	vshll.u32 v37, $0x10;
	v3 =	vadd.f32 v3, v39;
	v43 =	vld [tilespmem:s22+$0xC00]  }
0x185: {  	s31 =	sshra.s32 s31, $0x2;
	v4 =	vand.u32 $0xFFFF0000, v37;
	v38 =	vld [tilespmem:s13+$0x18C40];
	v5 =	vadd.f32 v11, v5  }
0x186: {  	v44 =	vld [tilespmem:s31+$0xCC00];
	v3 =	vadd.f32 v4, v3;
	v45 =	vshll.u32 v40, $0x10  }
0x187: {  	v46 =	vand.u32 $0xFFFF0000, v40;
	v40 =	vld [tilespmem:s13+$0x18C50];
	v4 =	vadd.f32 v45, v10;
	[tilespmem:s11+$0x1BC00] =	vst v5  }
0x188: {  	v45 =	vld [tilespmem:s11+$0x18C70];
	[tilespmem:s11+$0x1BC10] =	vst v3;
	v3 =	vshll.u32 v41, $0x10;
	v5 =	vadd.f32 v46, v42  }
0x189: {  	v8 =	vand.u32 $0xFFFF0000, v41;
	v49 =	vld [tilespmem:s10+$0xC10];
	v3 =	vadd.f32 v3, v4;
	v51 =	vshll.u32 v43, $0x10  }
0x18a: {  	v50 =	vld [tilespmem:s17+$0xCC10];
	v5 =	vadd.f32 v8, v5;
	v52 =	vadd.f32 v51, v12  }
0x18b: {  	v54 =	vshll.u32 v44, $0x10;
	v11 =	vand.u32 $0xFFFF0000, v44;
	v44 =	vld [tilespmem:s11+$0x18C60];
	[tilespmem:s12+$0x1BC00] =	vst v3  }
0x18c: {  	v3 =	vand.u32 $0xFFFF0000, v43;
	[tilespmem:s12+$0x1BC10] =	vst v5;
	v5 =	vadd.f32 v54, v52;
	v54 =	vld [tilespmem:s13+$0x18C60]  }
0x18d: {  	v3 =	vadd.f32 v3, v47;
	v55 =	vld [tilespmem:s7+$0xC10]  }
0x18e: {  	v56 =	vld [tilespmem:s30+$0xCC10]  }
0x18f: {  	v3 =	vadd.f32 v11, v3;
	v57 =	vshll.u32 v49, $0x10;
	v59 =	vand.u32 $0xFFFF0000, v49;
	v49 =	vld [tilespmem:s12+$0x18C60]  }
0x190: {  	[tilespmem:s13+$0x1BC00] =	vst v5;
	v60 =	vadd.f32 v57, v13;
	v13 =	vld [tilespmem:s11+$0x18CE0]  }
0x191: {  	v4 =	vand.u32 $0xFFFF0000, v50;
	v5 =	vadd.f32 v59, v53;
	[tilespmem:s13+$0x1BC10] =	vst v3;
	v3 =	vshll.u32 v50, $0x10;
	v50 =	vld [tilespmem:s12+$0x18C70]  }
0x192: {  	v62 =	vld [tilespmem:s22+$0xC10];
	v3 =	vadd.f32 v3, v60  }
0x193: {  	v63 =	vld [tilespmem:s31+$0xCC10];
	v4 =	vadd.f32 v4, v5  }
0x194: {  	v60 =	vld [tilespmem:s11+$0x18C80];
	[tilespmem:s11+$0x1BC20] =	vst v3  }
0x195: {  	v16 =	vshll.u32 v55, $0x10;
	v3 =	vand.u32 $0xFFFF0000, v55;
	[tilespmem:s11+$0x1BC30] =	vst v4;
	v55 =	vld [tilespmem:s13+$0x18C70]  }
0x196: {  	v5 =	vadd.f32 v16, v58;
	v21 =	vld [tilespmem:s10+$0xC20]  }
0x197: {  	v20 =	vshll.u32 v56, $0x10;
	v3 =	vadd.f32 v3, v61;
	v22 =	vld [tilespmem:s17+$0xCC20]  }
0x198: {  	v6 =	vand.u32 $0xFFFF0000, v56;
	v61 =	vld [tilespmem:s11+$0x18C90];
	v4 =	vadd.f32 v20, v5;
	v23 =	vshll.u32 v62, $0x10  }
0x199: {  	v3 =	vadd.f32 v6, v3;
	v24 =	vand.u32 $0xFFFF0000, v62;
	v6 =	vadd.f32 v23, v17;
	v17 =	vld [tilespmem:s12+$0x18C80]  }
0x19a: {  	[tilespmem:s12+$0x1BC20] =	vst v4;
	v4 =	vadd.f32 v24, v18;
	v18 =	vld [tilespmem:s12+$0x18C90]  }
0x19b: {  	v23 =	vld [tilespmem:s13+$0x18C90]  }
0x19c: {  	v25 =	vshll.u32 v1, $0x10;
	v24 =	vld [tilespmem:s4+$0x18E40];
	[tilespmem:s12+$0x1BC30] =	vst v3;
	v3 =	vshll.u32 v63, $0x10  }
0x19d: {  	v1 =	vand.u32 $0xFFFF0000, v1;
	v9 =	vand.u32 $0xFFFF0000, v63;
	v27 =	vld [tilespmem:s7+$0xC20];
	v3 =	vadd.f32 v3, v6  }
0x19e: {  	v8 =	vadd.f32 v25, v48;
	v29 =	vld [tilespmem:s30+$0xCC20];
	v4 =	vadd.f32 v9, v4;
	v30 =	vshll.u32 v21, $0x10  }
0x19f: {  	v28 =	vshll.u32 v2, $0x10;
	v1 =	vadd.f32 v1, v19;
	v33 =	vadd.f32 v30, v14;
	v14 =	vld [tilespmem:s11+$0x18CF0];
	[tilespmem:s13+$0x1BC20] =	vst v3  }
0x1a0: {  	v2 =	vand.u32 $0xFFFF0000, v2;
	v3 =	vadd.f32 v28, v8;
	[tilespmem:s13+$0x1BC30] =	vst v4;
	v28 =	vld [tilespmem:s11+$0x18CA0]  }
0x1a1: {  	v1 =	vadd.f32 v2, v1;
	v36 =	vld [tilespmem:s22+$0xC20]  }
0x1a2: {  	v2 =	vshll.u32 v22, $0x10;
	v37 =	vld [tilespmem:s31+$0xCC20]  }
0x1a3: {  	[tilespmem:s4+$0x1BE30] =	vst v1;
	v32 =	vand.u32 $0xFFFF0000, v21;
	v2 =	vadd.f32 v2, v33;
	v33 =	vld [tilespmem:s12+$0x18CA0]  }
0x1a4: {  	v35 =	vadd.f32 v32, v26;
	[tilespmem:s4+$0x1BE20] =	vst v3;
	v3 =	vand.u32 $0xFFFF0000, v22;
	v22 =	vld [tilespmem:s13+$0x18C80]  }
0x1a5: {  	v1 =	vshll.u32 v27, $0x10;
	v56 =	vld [tilespmem:s5+$0xCD20]  }
0x1a6: {  	v3 =	vadd.f32 v3, v35;
	[tilespmem:s11+$0x1BC40] =	vst v2;
	v2 =	vand.u32 $0xFFFF0000, v27;
	v39 =	vadd.f32 v1, v31;
	v1 =	vld [tilespmem:s9+$0xD20]  }
0x1a7: {  	v2 =	vadd.f32 v2, v34;
	v34 =	vld [tilespmem:s12+$0x18CB0]  }
0x1a8: {  	v10 =	vand.u32 $0xFFFF0000, v29;
	[tilespmem:s11+$0x1BC50] =	vst v3;
	v3 =	vshll.u32 v29, $0x10;
	v29 =	vld [tilespmem:s11+$0x18CB0]  }
0x1a9: {  	v41 =	vld [tilespmem:s10+$0xC30];
	v3 =	vadd.f32 v3, v39  }
0x1aa: {  	v42 =	vld [tilespmem:s17+$0xCC30];
	v2 =	vadd.f32 v10, v2;
	v43 =	vshll.u32 v36, $0x10  }
0x1ab: {  	v39 =	vld [tilespmem:s13+$0x18CB0];
	v4 =	vadd.f32 v43, v38;
	[tilespmem:s12+$0x1BC40] =	vst v3;
	v3 =	vand.u32 $0xFFFF0000, v36  }
0x1ac: {  	v38 =	vld [tilespmem:s13+$0x18CA0];
	[tilespmem:s12+$0x1BC50] =	vst v2;
	v2 =	vshll.u32 v37, $0x10;
	v3 =	vadd.f32 v3, v40  }
0x1ad: {  	v5 =	vand.u32 $0xFFFF0000, v37;
	v46 =	vld [tilespmem:s7+$0xC30];
	v2 =	vadd.f32 v2, v4  }
0x1ae: {  	v47 =	vld [tilespmem:s30+$0xCC30];
	v3 =	vadd.f32 v5, v3;
	v48 =	vshll.u32 v41, $0x10  }
0x1af: {  	v40 =	vld [tilespmem:s4+$0x18E50];
	[tilespmem:s13+$0x1BC40] =	vst v2;
	v2 =	vand.u32 $0xFFFF0000, v41;
	v5 =	vadd.f32 v48, v44  }
0x1b0: {  	v2 =	vadd.f32 v2, v45;
	v44 =	vld [tilespmem:s11+$0x18CC0];
	[tilespmem:s13+$0x1BC50] =	vst v3;
	v3 =	vshll.u32 v42, $0x10  }
0x1b1: {  	v7 =	vand.u32 $0xFFFF0000, v42;
	v45 =	vshll.u32 v1, $0x10;
	v51 =	vld [tilespmem:s22+$0xC30];
	v3 =	vadd.f32 v3, v5  }
0x1b2: {  	v6 =	vadd.f32 v45, v24;
	v24 =	vld [tilespmem:s13+$0x18CF0];
	v2 =	vadd.f32 v7, v2;
	v53 =	vshll.u32 v46, $0x10  }
0x1b3: {  	v52 =	vld [tilespmem:s31+$0xCC30];
	v7 =	vadd.f32 v53, v49;
	[tilespmem:s11+$0x1BC60] =	vst v3;
	v3 =	vand.u32 $0xFFFF0000, v46  }
0x1b4: {  	v45 =	vld [tilespmem:s11+$0x18D20];
	[tilespmem:s11+$0x1BC70] =	vst v2;
	v2 =	vshll.u32 v47, $0x10;
	v3 =	vadd.f32 v3, v50  }
0x1b5: {  	v1 =	vand.u32 $0xFFFF0000, v1;
	v4 =	vand.u32 $0xFFFF0000, v47;
	v57 =	vld [tilespmem:s10+$0xC40];
	v2 =	vadd.f32 v2, v7  }
0x1b6: {  	v1 =	vadd.f32 v1, v40;
	v40 =	vld [tilespmem:s13+$0x18D10];
	v3 =	vadd.f32 v4, v3;
	v59 =	vshll.u32 v51, $0x10  }
0x1b7: {  	v58 =	vld [tilespmem:s17+$0xCC40];
	[tilespmem:s12+$0x1BC60] =	vst v2;
	v2 =	vand.u32 $0xFFFF0000, v51;
	v4 =	vadd.f32 v59, v54  }
0x1b8: {  	v46 =	vld [tilespmem:s11+$0x18CD0];
	v2 =	vadd.f32 v2, v55;
	[tilespmem:s12+$0x1BC70] =	vst v3;
	v3 =	vshll.u32 v52, $0x10  }
0x1b9: {  	v50 =	vand.u32 $0xFFFF0000, v56;
	v5 =	vand.u32 $0xFFFF0000, v52;
	v62 =	vld [tilespmem:s7+$0xC40];
	v3 =	vadd.f32 v3, v4  }
0x1ba: {  	v1 =	vadd.f32 v50, v1;
	v50 =	vld [tilespmem:s12+$0x18D20];
	v2 =	vadd.f32 v5, v2;
	v16 =	vshll.u32 v57, $0x10  }
0x1bb: {  	v63 =	vld [tilespmem:s30+$0xCC40];
	v5 =	vadd.f32 v16, v60;
	[tilespmem:s13+$0x1BC60] =	vst v3;
	v3 =	vand.u32 $0xFFFF0000, v57  }
0x1bc: {  	v55 =	vld [tilespmem:s12+$0x18CD0];
	[tilespmem:s13+$0x1BC70] =	vst v2;
	v2 =	vshll.u32 v58, $0x10;
	v3 =	vadd.f32 v3, v61  }
0x1bd: {  	v7 =	vand.u32 $0xFFFF0000, v58;
	v19 =	vld [tilespmem:s22+$0xC40];
	v2 =	vadd.f32 v2, v5  }
0x1be: {  	v52 =	vld [tilespmem:s12+$0x18CC0];
	v3 =	vadd.f32 v7, v3;
	v21 =	vshll.u32 v62, $0x10  }
0x1bf: {  	v20 =	vld [tilespmem:s31+$0xCC40];
	[tilespmem:s11+$0x1BC80] =	vst v2;
	v2 =	vand.u32 $0xFFFF0000, v62;
	v7 =	vadd.f32 v21, v17  }
0x1c0: {  	v60 =	vld [tilespmem:s13+$0x18CD0];
	v2 =	vadd.f32 v2, v18;
	[tilespmem:s11+$0x1BC90] =	vst v3;
	v3 =	vshll.u32 v63, $0x10  }
0x1c1: {  	v4 =	vand.u32 $0xFFFF0000, v63;
	v25 =	vld [tilespmem:s10+$0xC50];
	v3 =	vadd.f32 v3, v7  }
0x1c2: {  	v58 =	vld [tilespmem:s13+$0x18CC0];
	v2 =	vadd.f32 v4, v2;
	v27 =	vshll.u32 v19, $0x10  }
0x1c3: {  	v26 =	vld [tilespmem:s17+$0xCC50];
	v4 =	vadd.f32 v27, v22;
	[tilespmem:s12+$0x1BC80] =	vst v3;
	v3 =	vand.u32 $0xFFFF0000, v19  }
0x1c4: {  	v18 =	vld [tilespmem:s12+$0x18CE0];
	[tilespmem:s12+$0x1BC90] =	vst v2;
	v2 =	vshll.u32 v20, $0x10;
	v3 =	vadd.f32 v3, v23  }
0x1c5: {  	v5 =	vand.u32 $0xFFFF0000, v20;
	v19 =	vld [tilespmem:s12+$0x18CF0];
	v2 =	vadd.f32 v2, v4  }
0x1c6: {  	v30 =	vld [tilespmem:s7+$0xC50];
	v3 =	vadd.f32 v5, v3;
	v32 =	vshll.u32 v25, $0x10  }
0x1c7: {  	v31 =	vld [tilespmem:s30+$0xCC50];
	[tilespmem:s13+$0x1BC80] =	vst v2;
	v2 =	vand.u32 $0xFFFF0000, v25;
	v5 =	vadd.f32 v32, v28  }
0x1c8: {  	v23 =	vld [tilespmem:s13+$0x18CE0];
	v2 =	vadd.f32 v2, v29;
	[tilespmem:s13+$0x1BC90] =	vst v3;
	v3 =	vshll.u32 v26, $0x10  }
0x1c9: {  	v7 =	vand.u32 $0xFFFF0000, v26;
	v29 =	vld [tilespmem:s11+$0x18D00];
	v3 =	vadd.f32 v3, v5  }
0x1ca: {  	v35 =	vld [tilespmem:s22+$0xC50];
	v2 =	vadd.f32 v7, v2  }
0x1cb: {  	v36 =	vld [tilespmem:s31+$0xCC50];
	v37 =	vshll.u32 v30, $0x10;
	[tilespmem:s11+$0x1BCA0] =	vst v3  }
0x1cc: {  	v7 =	vadd.f32 v37, v33;
	v3 =	vand.u32 $0xFFFF0000, v30;
	[tilespmem:s11+$0x1BCB0] =	vst v2;
	v30 =	vld [tilespmem:s11+$0x18D10]  }
0x1cd: {  	v2 =	vshll.u32 v31, $0x10;
	v3 =	vadd.f32 v3, v34;
	v41 =	vld [tilespmem:s10+$0xC60]  }
0x1ce: {  	v4 =	vand.u32 $0xFFFF0000, v31;
	v2 =	vadd.f32 v2, v7;
	v42 =	vld [tilespmem:s17+$0xCC60]  }
0x1cf: {  	v34 =	vld [tilespmem:s12+$0x18D00];
	v3 =	vadd.f32 v4, v3  }
0x1d0: {  	v43 =	vshll.u32 v35, $0x10;
	[tilespmem:s12+$0x1BCA0] =	vst v2;
	v2 =	vand.u32 $0xFFFF0000, v35;
	v35 =	vld [tilespmem:s12+$0x18D10]  }
0x1d1: {  	v4 =	vadd.f32 v43, v38;
	v2 =	vadd.f32 v2, v39;
	v39 =	vld [tilespmem:s13+$0x18D00];
	[tilespmem:s12+$0x1BCB0] =	vst v3  }
0x1d2: {  	v48 =	vshll.u32 v56, $0x10;
	v3 =	vshll.u32 v36, $0x10;
	v47 =	vld [tilespmem:s7+$0xC60]  }
0x1d3: {  	v5 =	vand.u32 $0xFFFF0000, v36;
	v3 =	vadd.f32 v3, v4;
	v49 =	vld [tilespmem:s30+$0xCC60];
	v51 =	vshll.u32 v41, $0x10  }
0x1d4: {  	v2 =	vadd.f32 v5, v2;
	v53 =	vand.u32 $0xFFFF0000, v41;
	v41 =	vld [tilespmem:s4+$0x18E60];
	v54 =	vadd.f32 v51, v44  }
0x1d5: {  	v4 =	vadd.f32 v53, v46;
	v46 =	vld [tilespmem:s11+$0x18D30];
	[tilespmem:s13+$0x1BCA0] =	vst v3;
	v3 =	vadd.f32 v48, v6  }
0x1d6: {  	v51 =	vld [tilespmem:s12+$0x18D30];
	[tilespmem:s13+$0x1BCB0] =	vst v2;
	v2 =	vshll.u32 v42, $0x10  }
0x1d7: {  	v56 =	vld [tilespmem:s22+$0xC60];
	v2 =	vadd.f32 v2, v54;
	[tilespmem:s4+$0x1BE40] =	vst v3;
	v3 =	vand.u32 $0xFFFF0000, v42  }
0x1d8: {  	[tilespmem:s4+$0x1BE50] =	vst v1;
	v57 =	vld [tilespmem:s31+$0xCC60];
	v3 =	vadd.f32 v3, v4;
	v1 =	vshll.u32 v47, $0x10  }
0x1d9: {  	[tilespmem:s11+$0x1BCC0] =	vst v2;
	v2 =	vand.u32 $0xFFFF0000, v47;
	v25 =	vld [tilespmem:s5+$0xCD30];
	v59 =	vadd.f32 v1, v52  }
0x1da: {  	v1 =	vld [tilespmem:s9+$0xD30];
	v2 =	vadd.f32 v2, v55;
	[tilespmem:s11+$0x1BCD0] =	vst v3;
	v3 =	vshll.u32 v49, $0x10  }
0x1db: {  	v62 =	vand.u32 $0xFFFF0000, v49;
	v61 =	vld [tilespmem:s10+$0xC70];
	v3 =	vadd.f32 v3, v59  }
0x1dc: {  	v55 =	vld [tilespmem:s13+$0x18D20];
	v2 =	vadd.f32 v62, v2;
	v12 =	vshll.u32 v56, $0x10  }
0x1dd: {  	v63 =	vld [tilespmem:s17+$0xCC70];
	v4 =	vadd.f32 v12, v58;
	[tilespmem:s12+$0x1BCC0] =	vst v3;
	v3 =	vand.u32 $0xFFFF0000, v56  }
0x1de: {  	[tilespmem:s12+$0x1BCD0] =	vst v2;
	v2 =	vshll.u32 v57, $0x10;
	v56 =	vld [tilespmem:s13+$0x18D30];
	v3 =	vadd.f32 v3, v60  }
0x1df: {  	v6 =	vand.u32 $0xFFFF0000, v57;
	v15 =	vld [tilespmem:s7+$0xC70];
	v2 =	vadd.f32 v2, v4  }
0x1e0: {  	v57 =	vld [tilespmem:s4+$0x18E70];
	v3 =	vadd.f32 v6, v3;
	v17 =	vshll.u32 v61, $0x10  }
0x1e1: {  	v16 =	vld [tilespmem:s30+$0xCC70];
	v62 =	vshll.u32 v1, $0x10;
	[tilespmem:s13+$0x1BCC0] =	vst v2;
	v2 =	vand.u32 $0xFFFF0000, v61;
	v6 =	vadd.f32 v17, v13  }
0x1e2: {  	v5 =	vadd.f32 v62, v41;
	v62 =	vld [tilespmem:s4+$0x18E80];
	v2 =	vadd.f32 v2, v14;
	[tilespmem:s13+$0x1BCD0] =	vst v3;
	v3 =	vshll.u32 v63, $0x10  }
0x1e3: {  	v7 =	vand.u32 $0xFFFF0000, v63;
	v20 =	vld [tilespmem:s22+$0xC70];
	v3 =	vadd.f32 v3, v6  }
0x1e4: {  	v61 =	vld [tilespmem:s11+$0x18D40];
	v2 =	vadd.f32 v7, v2;
	v22 =	vshll.u32 v15, $0x10  }
0x1e5: {  	v21 =	vld [tilespmem:s31+$0xCC70];
	v7 =	vadd.f32 v22, v18;
	[tilespmem:s11+$0x1BCE0] =	vst v3;
	v3 =	vand.u32 $0xFFFF0000, v15  }
0x1e6: {  	v1 =	vand.u32 $0xFFFF0000, v1;
	v63 =	vld [tilespmem:s11+$0x18D50];
	[tilespmem:s11+$0x1BCF0] =	vst v2;
	v2 =	vshll.u32 v16, $0x10;
	v3 =	vadd.f32 v3, v19  }
0x1e7: {  	v1 =	vadd.f32 v1, v57;
	v4 =	vand.u32 $0xFFFF0000, v16;
	v26 =	vld [tilespmem:s10+$0xC80];
	v2 =	vadd.f32 v2, v7  }
0x1e8: {  	v27 =	vld [tilespmem:s17+$0xCC80];
	v19 =	vand.u32 $0xFFFF0000, v25;
	v3 =	vadd.f32 v4, v3;
	v28 =	vshll.u32 v20, $0x10  }
0x1e9: {  	v1 =	vadd.f32 v19, v1;
	v19 =	vld [tilespmem:s11+$0x18DB0];
	[tilespmem:s12+$0x1BCE0] =	vst v2;
	v2 =	vand.u32 $0xFFFF0000, v20;
	v4 =	vadd.f32 v28, v23  }
0x1ea: {  	v2 =	vadd.f32 v2, v24;
	v24 =	vld [tilespmem:s12+$0x18D50];
	[tilespmem:s12+$0x1BCF0] =	vst v3;
	v3 =	vshll.u32 v21, $0x10  }
0x1eb: {  	v6 =	vand.u32 $0xFFFF0000, v21;
	v31 =	vld [tilespmem:s7+$0xC80];
	v3 =	vadd.f32 v3, v4  }
0x1ec: {  	v21 =	vld [tilespmem:s12+$0x18D40];
	v2 =	vadd.f32 v6, v2;
	v33 =	vshll.u32 v26, $0x10  }
0x1ed: {  	v32 =	vld [tilespmem:s30+$0xCC80];
	v6 =	vadd.f32 v33, v29;
	[tilespmem:s13+$0x1BCE0] =	vst v3;
	v3 =	vand.u32 $0xFFFF0000, v26  }
0x1ee: {  	v29 =	vld [tilespmem:s13+$0x18D50];
	[tilespmem:s13+$0x1BCF0] =	vst v2;
	v2 =	vshll.u32 v27, $0x10;
	v3 =	vadd.f32 v3, v30  }
0x1ef: {  	v7 =	vand.u32 $0xFFFF0000, v27;
	v36 =	vld [tilespmem:s22+$0xC80];
	v2 =	vadd.f32 v2, v6  }
0x1f0: {  	v27 =	vld [tilespmem:s13+$0x18D40];
	v3 =	vadd.f32 v7, v3;
	v38 =	vshll.u32 v31, $0x10  }
0x1f1: {  	v37 =	vld [tilespmem:s31+$0xCC80];
	[tilespmem:s11+$0x1BD00] =	vst v2;
	v2 =	vand.u32 $0xFFFF0000, v31;
	v7 =	vadd.f32 v38, v34  }
0x1f2: {  	v2 =	vadd.f32 v2, v35;
	v34 =	vld [tilespmem:s11+$0x18D60];
	[tilespmem:s11+$0x1BD10] =	vst v3;
	v3 =	vshll.u32 v32, $0x10  }
0x1f3: {  	v4 =	vand.u32 $0xFFFF0000, v32;
	v42 =	vld [tilespmem:s10+$0xC90];
	v3 =	vadd.f32 v3, v7  }
0x1f4: {  	v35 =	vld [tilespmem:s11+$0x18D70];
	v2 =	vadd.f32 v4, v2;
	v44 =	vshll.u32 v36, $0x10  }
0x1f5: {  	v43 =	vld [tilespmem:s17+$0xCC90];
	v4 =	vadd.f32 v44, v39;
	[tilespmem:s12+$0x1BD00] =	vst v3;
	v3 =	vand.u32 $0xFFFF0000, v36  }
0x1f6: {  	v39 =	vld [tilespmem:s12+$0x18D60];
	[tilespmem:s12+$0x1BD10] =	vst v2;
	v2 =	vshll.u32 v37, $0x10;
	v3 =	vadd.f32 v3, v40  }
0x1f7: {  	v6 =	vand.u32 $0xFFFF0000, v37;
	v44 =	vld [tilespmem:s13+$0x18D60];
	v2 =	vadd.f32 v2, v4  }
0x1f8: {  	v47 =	vld [tilespmem:s7+$0xC90];
	v3 =	vadd.f32 v6, v3;
	v49 =	vshll.u32 v42, $0x10  }
0x1f9: {  	v48 =	vld [tilespmem:s30+$0xCC90];
	[tilespmem:s13+$0x1BD00] =	vst v2;
	v2 =	vand.u32 $0xFFFF0000, v42;
	v6 =	vadd.f32 v49, v45  }
0x1fa: {  	v40 =	vld [tilespmem:s12+$0x18D70];
	v2 =	vadd.f32 v2, v46;
	[tilespmem:s13+$0x1BD10] =	vst v3;
	v3 =	vshll.u32 v43, $0x10  }
0x1fb: {  	v7 =	vand.u32 $0xFFFF0000, v43;
	v45 =	vld [tilespmem:s13+$0x18D70];
	v3 =	vadd.f32 v3, v6  }
0x1fc: {  	v52 =	vld [tilespmem:s22+$0xC90];
	v2 =	vadd.f32 v7, v2  }
0x1fd: {  	v53 =	vld [tilespmem:s31+$0xCC90];
	v54 =	vshll.u32 v47, $0x10;
	[tilespmem:s11+$0x1BD20] =	vst v3  }
0x1fe: {  	v7 =	vadd.f32 v54, v50;
	v50 =	vld [tilespmem:s11+$0x18D80];
	v3 =	vand.u32 $0xFFFF0000, v47;
	[tilespmem:s11+$0x1BD30] =	vst v2  }
0x1ff: {  	v2 =	vshll.u32 v48, $0x10;
	v3 =	vadd.f32 v3, v51;
	v58 =	vld [tilespmem:s10+$0xCA0]  }
0x200: {  	v4 =	vand.u32 $0xFFFF0000, v48;
	v2 =	vadd.f32 v2, v7;
	v59 =	vld [tilespmem:s17+$0xCCA0]  }
0x201: {  	v51 =	vld [tilespmem:s11+$0x18D90];
	v3 =	vadd.f32 v4, v3;
	v60 =	vshll.u32 v52, $0x10  }
0x202: {  	[tilespmem:s12+$0x1BD20] =	vst v2;
	v2 =	vand.u32 $0xFFFF0000, v52;
	v4 =	vadd.f32 v60, v55;
	v55 =	vld [tilespmem:s12+$0x18D80]  }
0x203: {  	v2 =	vadd.f32 v2, v56;
	v56 =	vld [tilespmem:s12+$0x18D90];
	[tilespmem:s12+$0x1BD30] =	vst v3;
	v3 =	vshll.u32 v53, $0x10  }
0x204: {  	v6 =	vand.u32 $0xFFFF0000, v53;
	v16 =	vld [tilespmem:s7+$0xCA0];
	v3 =	vadd.f32 v3, v4  }
0x205: {  	v17 =	vshll.u32 v25, $0x10;
	v60 =	vld [tilespmem:s13+$0x18D80];
	v2 =	vadd.f32 v6, v2;
	v20 =	vshll.u32 v58, $0x10  }
0x206: {  	v18 =	vld [tilespmem:s30+$0xCCA0];
	v22 =	vand.u32 $0xFFFF0000, v58;
	v23 =	vadd.f32 v20, v61;
	[tilespmem:s13+$0x1BD20] =	vst v3;
	v3 =	vadd.f32 v17, v5  }
0x207: {  	v4 =	vadd.f32 v22, v63;
	v61 =	vld [tilespmem:s13+$0x18D90];
	[tilespmem:s13+$0x1BD30] =	vst v2;
	v2 =	vshll.u32 v59, $0x10  }
0x208: {  	v25 =	vld [tilespmem:s22+$0xCA0];
	v2 =	vadd.f32 v2, v23;
	[tilespmem:s4+$0x1BE60] =	vst v3;
	v3 =	vand.u32 $0xFFFF0000, v59  }
0x209: {  	[tilespmem:s4+$0x1BE70] =	vst v1;
	v26 =	vld [tilespmem:s31+$0xCCA0];
	v3 =	vadd.f32 v3, v4;
	v1 =	vshll.u32 v16, $0x10  }
0x20a: {  	v23 =	vld [tilespmem:s12+$0x18DA0];
	[tilespmem:s11+$0x1BD40] =	vst v2;
	v2 =	vand.u32 $0xFFFF0000, v16;
	v28 =	vadd.f32 v1, v21  }
0x20b: {  	v46 =	vld [tilespmem:s5+$0xCD40];
	v2 =	vadd.f32 v2, v24;
	[tilespmem:s11+$0x1BD50] =	vst v3;
	v3 =	vshll.u32 v18, $0x10  }
0x20c: {  	v31 =	vand.u32 $0xFFFF0000, v18;
	v30 =	vld [tilespmem:s10+$0xCB0];
	v3 =	vadd.f32 v3, v28  }
0x20d: {  	v1 =	vld [tilespmem:s9+$0xD40];
	v2 =	vadd.f32 v31, v2;
	v33 =	vshll.u32 v25, $0x10  }
0x20e: {  	v32 =	vld [tilespmem:s17+$0xCCB0];
	v4 =	vadd.f32 v33, v27;
	[tilespmem:s12+$0x1BD40] =	vst v3;
	v3 =	vand.u32 $0xFFFF0000, v25  }
0x20f: {  	v24 =	vld [tilespmem:s12+$0x18DB0];
	[tilespmem:s12+$0x1BD50] =	vst v2;
	v2 =	vshll.u32 v26, $0x10;
	v3 =	vadd.f32 v3, v29  }
0x210: {  	v5 =	vand.u32 $0xFFFF0000, v26;
	v36 =	vld [tilespmem:s7+$0xCB0];
	v2 =	vadd.f32 v2, v4  }
0x211: {  	v18 =	vld [tilespmem:s11+$0x18DA0];
	v3 =	vadd.f32 v5, v3;
	v38 =	vshll.u32 v30, $0x10  }
0x212: {  	v37 =	vld [tilespmem:s30+$0xCCB0];
	[tilespmem:s13+$0x1BD40] =	vst v2;
	v2 =	vand.u32 $0xFFFF0000, v30;
	v5 =	vadd.f32 v38, v34  }
0x213: {  	v28 =	vld [tilespmem:s13+$0x18DA0];
	v2 =	vadd.f32 v2, v35;
	[tilespmem:s13+$0x1BD50] =	vst v3;
	v3 =	vshll.u32 v32, $0x10  }
0x214: {  	v7 =	vand.u32 $0xFFFF0000, v32;
	v41 =	vld [tilespmem:s22+$0xCB0];
	v3 =	vadd.f32 v3, v5  }
0x215: {  	v29 =	vld [tilespmem:s13+$0x18DB0];
	v2 =	vadd.f32 v7, v2;
	v43 =	vshll.u32 v36, $0x10  }
0x216: {  	v42 =	vld [tilespmem:s31+$0xCCB0];
	v7 =	vadd.f32 v43, v39;
	[tilespmem:s11+$0x1BD60] =	vst v3;
	v3 =	vand.u32 $0xFFFF0000, v36  }
0x217: {  	v30 =	vld [tilespmem:s4+$0x18E90];
	[tilespmem:s11+$0x1BD70] =	vst v2;
	v2 =	vshll.u32 v37, $0x10;
	v3 =	vadd.f32 v3, v40  }
0x218: {  	v4 =	vand.u32 $0xFFFF0000, v37;
	v47 =	vld [tilespmem:s10+$0xCC0];
	v2 =	vadd.f32 v2, v7  }
0x219: {  	v34 =	vld [tilespmem:s11+$0x18DC0];
	v3 =	vadd.f32 v4, v3;
	v49 =	vshll.u32 v41, $0x10  }
0x21a: {  	v48 =	vld [tilespmem:s17+$0xCCC0];
	[tilespmem:s12+$0x1BD60] =	vst v2;
	v2 =	vand.u32 $0xFFFF0000, v41;
	v4 =	vadd.f32 v49, v44  }
0x21b: {  	v36 =	vld [tilespmem:s11+$0x18DD0];
	v2 =	vadd.f32 v2, v45;
	[tilespmem:s12+$0x1BD70] =	vst v3;
	v3 =	vshll.u32 v42, $0x10  }
0x21c: {  	v5 =	vand.u32 $0xFFFF0000, v42;
	v52 =	vld [tilespmem:s7+$0xCC0];
	v3 =	vadd.f32 v3, v4  }
0x21d: {  	v45 =	vld [tilespmem:s12+$0x18DD0];
	v2 =	vadd.f32 v5, v2;
	v54 =	vshll.u32 v47, $0x10  }
0x21e: {  	v53 =	vld [tilespmem:s30+$0xCCC0];
	v5 =	vadd.f32 v54, v50;
	[tilespmem:s13+$0x1BD60] =	vst v3;
	v3 =	vand.u32 $0xFFFF0000, v47  }
0x21f: {  	v42 =	vld [tilespmem:s12+$0x18DC0];
	[tilespmem:s13+$0x1BD70] =	vst v2;
	v2 =	vshll.u32 v48, $0x10;
	v3 =	vadd.f32 v3, v51  }
0x220: {  	v7 =	vand.u32 $0xFFFF0000, v48;
	v57 =	vld [tilespmem:s22+$0xCC0];
	v2 =	vadd.f32 v2, v5  }
0x221: {  	v50 =	vld [tilespmem:s13+$0x18DD0];
	v3 =	vadd.f32 v7, v3;
	v59 =	vshll.u32 v52, $0x10  }
0x222: {  	v58 =	vld [tilespmem:s31+$0xCCC0];
	[tilespmem:s11+$0x1BD80] =	vst v2;
	v2 =	vand.u32 $0xFFFF0000, v52;
	v7 =	vadd.f32 v59, v55  }
0x223: {  	v48 =	vld [tilespmem:s13+$0x18DC0];
	v2 =	vadd.f32 v2, v56;
	[tilespmem:s11+$0x1BD90] =	vst v3;
	v3 =	vshll.u32 v53, $0x10  }
0x224: {  	v4 =	vand.u32 $0xFFFF0000, v53;
	v63 =	vld [tilespmem:s10+$0xCD0];
	v3 =	vadd.f32 v3, v7  }
0x225: {  	v55 =	vld [tilespmem:s11+$0x18DE0];
	v2 =	vadd.f32 v4, v2;
	v17 =	vshll.u32 v57, $0x10  }
0x226: {  	v16 =	vld [tilespmem:s17+$0xCCD0];
	v4 =	vadd.f32 v17, v60;
	[tilespmem:s12+$0x1BD80] =	vst v3;
	v3 =	vand.u32 $0xFFFF0000, v57  }
0x227: {  	v56 =	vld [tilespmem:s11+$0x18DF0];
	[tilespmem:s12+$0x1BD90] =	vst v2;
	v2 =	vshll.u32 v58, $0x10;
	v3 =	vadd.f32 v3, v61  }
0x228: {  	v5 =	vand.u32 $0xFFFF0000, v58;
	v20 =	vld [tilespmem:s7+$0xCD0];
	v2 =	vadd.f32 v2, v4  }
0x229: {  	v60 =	vld [tilespmem:s12+$0x18DE0];
	v3 =	vadd.f32 v5, v3;
	v22 =	vshll.u32 v63, $0x10  }
0x22a: {  	v21 =	vld [tilespmem:s30+$0xCCD0];
	[tilespmem:s13+$0x1BD80] =	vst v2;
	v2 =	vand.u32 $0xFFFF0000, v63;
	v5 =	vadd.f32 v22, v18  }
0x22b: {  	v17 =	vld [tilespmem:s13+$0x18DF0];
	v2 =	vadd.f32 v2, v19;
	[tilespmem:s13+$0x1BD90] =	vst v3;
	v3 =	vshll.u32 v16, $0x10  }
0x22c: {  	v7 =	vand.u32 $0xFFFF0000, v16;
	v25 =	vld [tilespmem:s22+$0xCD0];
	v3 =	vadd.f32 v3, v5  }
0x22d: {  	v61 =	vld [tilespmem:s12+$0x18DF0];
	v2 =	vadd.f32 v7, v2;
	v27 =	vshll.u32 v20, $0x10  }
0x22e: {  	v26 =	vld [tilespmem:s31+$0xCCD0];
	v7 =	vadd.f32 v27, v23;
	[tilespmem:s11+$0x1BDA0] =	vst v3;
	v3 =	vand.u32 $0xFFFF0000, v20  }
0x22f: {  	v22 =	vld [tilespmem:s11+$0x18E00];
	[tilespmem:s11+$0x1BDB0] =	vst v2;
	v2 =	vshll.u32 v21, $0x10;
	v3 =	vadd.f32 v3, v24  }
0x230: {  	v35 =	vshll.u32 v1, $0x10;
	v4 =	vand.u32 $0xFFFF0000, v21;
	v31 =	vld [tilespmem:s10+$0xCE0];
	v2 =	vadd.f32 v2, v7  }
0x231: {  	v1 =	vand.u32 $0xFFFF0000, v1;
	v16 =	vld [tilespmem:s13+$0x18DE0];
	v3 =	vadd.f32 v4, v3;
	v33 =	vshll.u32 v25, $0x10  }
0x232: {  	v38 =	vshll.u32 v46, $0x10;
	v32 =	vld [tilespmem:s17+$0xCCE0];
	[tilespmem:s12+$0x1BDA0] =	vst v2;
	v2 =	vand.u32 $0xFFFF0000, v25;
	v4 =	vadd.f32 v33, v28  }
0x233: {  	v6 =	vadd.f32 v35, v62;
	v23 =	vld [tilespmem:s11+$0x18E10];
	v2 =	vadd.f32 v2, v29;
	[tilespmem:s12+$0x1BDB0] =	vst v3;
	v3 =	vshll.u32 v26, $0x10  }
0x234: {  	v1 =	vadd.f32 v1, v30;
	v5 =	vand.u32 $0xFFFF0000, v26;
	v37 =	vld [tilespmem:s7+$0xCE0];
	v3 =	vadd.f32 v3, v4  }
0x235: {  	v40 =	vand.u32 $0xFFFF0000, v46;
	v27 =	vld [tilespmem:s12+$0x18E00];
	v2 =	vadd.f32 v5, v2;
	v41 =	vshll.u32 v31, $0x10  }
0x236: {  	v39 =	vld [tilespmem:s30+$0xCCE0];
	v43 =	vand.u32 $0xFFFF0000, v31;
	v44 =	vadd.f32 v41, v34;
	[tilespmem:s13+$0x1BDA0] =	vst v3;
	v3 =	vadd.f32 v38, v6  }
0x237: {  	v1 =	vadd.f32 v40, v1;
	v28 =	vld [tilespmem:s12+$0x18E10];
	v4 =	vadd.f32 v43, v36;
	[tilespmem:s13+$0x1BDB0] =	vst v2;
	v2 =	vshll.u32 v32, $0x10  }
0x238: {  	v46 =	vld [tilespmem:s22+$0xCE0];
	v2 =	vadd.f32 v2, v44;
	[tilespmem:s4+$0x1BE80] =	vst v3;
	v3 =	vand.u32 $0xFFFF0000, v32  }
0x239: {  	[tilespmem:s4+$0x1BE90] =	vst v1;
	v33 =	vld [tilespmem:s13+$0x18E10];
	v3 =	vadd.f32 v3, v4;
	v1 =	vshll.u32 v37, $0x10  }
0x23a: {  	v47 =	vld [tilespmem:s31+$0xCCE0];
	[tilespmem:s11+$0x1BDC0] =	vst v2;
	v2 =	vand.u32 $0xFFFF0000, v37;
	v49 =	vadd.f32 v1, v42  }
0x23b: {  	v34 =	vld [tilespmem:s4+$0x18EA0];
	v2 =	vadd.f32 v2, v45;
	[tilespmem:s11+$0x1BDD0] =	vst v3;
	v3 =	vshll.u32 v39, $0x10  }
0x23c: {  	v52 =	vand.u32 $0xFFFF0000, v39;
	v51 =	vld [tilespmem:s10+$0xCF0];
	v3 =	vadd.f32 v3, v49  }
0x23d: {  	v43 =	vld [tilespmem:s12+$0x18E20];
	v2 =	vadd.f32 v52, v2;
	v54 =	vshll.u32 v46, $0x10  }
0x23e: {  	v53 =	vld [tilespmem:s17+$0xCCF0];
	v4 =	vadd.f32 v54, v48;
	[tilespmem:s12+$0x1BDC0] =	vst v3;
	v3 =	vand.u32 $0xFFFF0000, v46  }
0x23f: {  	v38 =	vld [tilespmem:s11+$0x18E20];
	[tilespmem:s12+$0x1BDD0] =	vst v2;
	v2 =	vshll.u32 v47, $0x10;
	v3 =	vadd.f32 v3, v50  }
0x240: {  	v6 =	vand.u32 $0xFFFF0000, v47;
	v57 =	vld [tilespmem:s7+$0xCF0];
	v2 =	vadd.f32 v2, v4  }
0x241: {  	v44 =	vld [tilespmem:s12+$0x18E30];
	v3 =	vadd.f32 v6, v3;
	v59 =	vshll.u32 v51, $0x10  }
0x242: {  	v58 =	vld [tilespmem:s30+$0xCCF0];
	[tilespmem:s13+$0x1BDC0] =	vst v2;
	v2 =	vand.u32 $0xFFFF0000, v51;
	v6 =	vadd.f32 v59, v55  }
0x243: {  	v32 =	vld [tilespmem:s13+$0x18E00];
	v2 =	vadd.f32 v2, v56;
	[tilespmem:s13+$0x1BDD0] =	vst v3;
	v3 =	vshll.u32 v53, $0x10  }
0x244: {  	v7 =	vand.u32 $0xFFFF0000, v53;
	v62 =	vld [tilespmem:s22+$0xCF0];
	v3 =	vadd.f32 v3, v6  }
0x245: {  	v18 =	vld [tilespmem:s5+$0xCD50];
	v2 =	vadd.f32 v7, v2;
	v15 =	vshll.u32 v57, $0x10  }
0x246: {  	v63 =	vld [tilespmem:s31+$0xCCF0];
	v7 =	vadd.f32 v15, v60;
	[tilespmem:s11+$0x1BDE0] =	vst v3;
	v3 =	vand.u32 $0xFFFF0000, v57  }
0x247: {  	v1 =	vld [tilespmem:s9+$0xD50];
	[tilespmem:s11+$0x1BDF0] =	vst v2;
	v2 =	vshll.u32 v58, $0x10;
	v3 =	vadd.f32 v3, v61  }
0x248: {  	v4 =	vand.u32 $0xFFFF0000, v58;
	v19 =	vld [tilespmem:s10+$0xD00];
	v2 =	vadd.f32 v2, v7  }
0x249: {  	v39 =	vld [tilespmem:s11+$0x18E30];
	v3 =	vadd.f32 v4, v3;
	v21 =	vshll.u32 v62, $0x10  }
0x24a: {  	v20 =	vld [tilespmem:s17+$0xCD00];
	[tilespmem:s12+$0x1BDE0] =	vst v2;
	v2 =	vand.u32 $0xFFFF0000, v62;
	v4 =	vadd.f32 v21, v16  }
0x24b: {  	v49 =	vld [tilespmem:s13+$0x18E30];
	v2 =	vadd.f32 v2, v17;
	[tilespmem:s12+$0x1BDF0] =	vst v3;
	v3 =	vshll.u32 v63, $0x10  }
0x24c: {  	v6 =	vand.u32 $0xFFFF0000, v63;
	v24 =	vld [tilespmem:s7+$0xD00];
	v3 =	vadd.f32 v3, v4  }
0x24d: {  	v48 =	vld [tilespmem:s13+$0x18E20];
	v2 =	vadd.f32 v6, v2;
	v26 =	vshll.u32 v19, $0x10  }
0x24e: {  	v25 =	vld [tilespmem:s30+$0xCD00];
	v6 =	vadd.f32 v26, v22;
	[tilespmem:s13+$0x1BDE0] =	vst v3;
	v3 =	vand.u32 $0xFFFF0000, v19  }
0x24f: {  	v54 =	vld [tilespmem:s11+$0x18E40];
	[tilespmem:s13+$0x1BDF0] =	vst v2;
	v2 =	vshll.u32 v20, $0x10;
	v3 =	vadd.f32 v3, v23  }
0x250: {  	v7 =	vand.u32 $0xFFFF0000, v20;
	v29 =	vld [tilespmem:s22+$0xD00];
	v2 =	vadd.f32 v2, v6  }
0x251: {  	v50 =	vld [tilespmem:s4+$0x18EB0];
	v3 =	vadd.f32 v7, v3;
	v31 =	vshll.u32 v24, $0x10  }
0x252: {  	v30 =	vld [tilespmem:s31+$0xCD00];
	[tilespmem:s11+$0x1BE00] =	vst v2;
	v2 =	vand.u32 $0xFFFF0000, v24;
	v7 =	vadd.f32 v31, v27  }
0x253: {  	v56 =	vld [tilespmem:s11+$0x18E50];
	v2 =	vadd.f32 v2, v28;
	[tilespmem:s11+$0x1BE10] =	vst v3;
	v3 =	vshll.u32 v25, $0x10  }
0x254: {  	v4 =	vand.u32 $0xFFFF0000, v25;
	v35 =	vld [tilespmem:s10+$0xD10];
	v3 =	vadd.f32 v3, v7  }
0x255: {  	v15 =	vld [tilespmem:s12+$0x18E50];
	v2 =	vadd.f32 v4, v2;
	v37 =	vshll.u32 v29, $0x10  }
0x256: {  	v60 =	vand.u32 $0xFFFF0000, v18;
	v36 =	vld [tilespmem:s17+$0xCD10];
	v4 =	vadd.f32 v37, v32;
	[tilespmem:s12+$0x1BE00] =	vst v3;
	v3 =	vand.u32 $0xFFFF0000, v29  }
0x257: {  	v58 =	vshll.u32 v18, $0x10;
	v18 =	vld [tilespmem:s13+$0x18E40];
	[tilespmem:s12+$0x1BE10] =	vst v2;
	v2 =	vshll.u32 v30, $0x10;
	v3 =	vadd.f32 v3, v33  }
0x258: {  	v6 =	vand.u32 $0xFFFF0000, v30;
	v40 =	vld [tilespmem:s7+$0xD10];
	v2 =	vadd.f32 v2, v4  }
0x259: {  	v62 =	vld [tilespmem:s12+$0x18E40];
	v3 =	vadd.f32 v6, v3;
	v42 =	vshll.u32 v35, $0x10  }
0x25a: {  	v41 =	vld [tilespmem:s30+$0xCD10];
	[tilespmem:s13+$0x1BE00] =	vst v2;
	v2 =	vand.u32 $0xFFFF0000, v35;
	v6 =	vadd.f32 v42, v38  }
0x25b: {  	v26 =	vld [tilespmem:s11+$0x18E70];
	v2 =	vadd.f32 v2, v39;
	[tilespmem:s13+$0x1BE10] =	vst v3;
	v3 =	vshll.u32 v36, $0x10  }
0x25c: {  	v7 =	vand.u32 $0xFFFF0000, v36;
	v45 =	vld [tilespmem:s22+$0xD10];
	v3 =	vadd.f32 v3, v6  }
0x25d: {  	v20 =	vld [tilespmem:s13+$0x18E50];
	v2 =	vadd.f32 v7, v2;
	v47 =	vshll.u32 v40, $0x10  }
0x25e: {  	v46 =	vld [tilespmem:s31+$0xCD10];
	v7 =	vadd.f32 v47, v43;
	[tilespmem:s11+$0x1BE20] =	vst v3;
	v3 =	vand.u32 $0xFFFF0000, v40  }
0x25f: {  	v31 =	vld [tilespmem:s12+$0x18E70];
	[tilespmem:s11+$0x1BE30] =	vst v2;
	v2 =	vshll.u32 v41, $0x10;
	v3 =	vadd.f32 v3, v44  }
0x260: {  	v4 =	vand.u32 $0xFFFF0000, v41;
	v51 =	vld [tilespmem:s10+$0xD20];
	v2 =	vadd.f32 v2, v7  }
0x261: {  	v25 =	vld [tilespmem:s11+$0x18E60];
	v3 =	vadd.f32 v4, v3;
	v53 =	vshll.u32 v45, $0x10  }
0x262: {  	v55 =	vshll.u32 v1, $0x10;
	v52 =	vld [tilespmem:s17+$0xCD20];
	[tilespmem:s12+$0x1BE20] =	vst v2;
	v2 =	vand.u32 $0xFFFF0000, v45;
	v4 =	vadd.f32 v53, v48  }
0x263: {  	v1 =	vand.u32 $0xFFFF0000, v1;
	v30 =	vld [tilespmem:s12+$0x18E60];
	v2 =	vadd.f32 v2, v49;
	[tilespmem:s12+$0x1BE30] =	vst v3;
	v3 =	vshll.u32 v46, $0x10  }
0x264: {  	v5 =	vadd.f32 v55, v34;
	v6 =	vand.u32 $0xFFFF0000, v46;
	v57 =	vld [tilespmem:s7+$0xD20];
	v3 =	vadd.f32 v3, v4  }
0x265: {  	v1 =	vadd.f32 v1, v50;
	v35 =	vld [tilespmem:s13+$0x18E60];
	v2 =	vadd.f32 v6, v2;
	v61 =	vshll.u32 v51, $0x10  }
0x266: {  	v59 =	vld [tilespmem:s30+$0xCD20];
	v63 =	vand.u32 $0xFFFF0000, v51;
	v14 =	vadd.f32 v61, v54;
	[tilespmem:s13+$0x1BE20] =	vst v3;
	v3 =	vadd.f32 v58, v5  }
0x267: {  	v1 =	vadd.f32 v60, v1;
	v42 =	vld [tilespmem:s11+$0x18E90];
	v4 =	vadd.f32 v63, v56;
	[tilespmem:s13+$0x1BE30] =	vst v2;
	v2 =	vshll.u32 v52, $0x10  }
0x268: {  	v16 =	vld [tilespmem:s22+$0xD20];
	v2 =	vadd.f32 v2, v14;
	[tilespmem:s4+$0x1BEA0] =	vst v3;
	v3 =	vand.u32 $0xFFFF0000, v52  }
0x269: {  	[tilespmem:s4+$0x1BEB0] =	vst v1;
	v36 =	vld [tilespmem:s13+$0x18E70];
	v3 =	vadd.f32 v3, v4;
	v1 =	vshll.u32 v57, $0x10  }
0x26a: {  	v17 =	vld [tilespmem:s31+$0xCD20];
	[tilespmem:s11+$0x1BE40] =	vst v2;
	v2 =	vand.u32 $0xFFFF0000, v57;
	v19 =	vadd.f32 v1, v62  }
0x26b: {  	v47 =	vld [tilespmem:s12+$0x18E90];
	v2 =	vadd.f32 v2, v15;
	[tilespmem:s11+$0x1BE50] =	vst v3;
	v3 =	vshll.u32 v59, $0x10  }
0x26c: {  	v22 =	vand.u32 $0xFFFF0000, v59;
	v21 =	vld [tilespmem:s10+$0xD30];
	v3 =	vadd.f32 v3, v19  }
0x26d: {  	v41 =	vld [tilespmem:s11+$0x18E80];
	v2 =	vadd.f32 v22, v2;
	v24 =	vshll.u32 v16, $0x10  }
0x26e: {  	v23 =	vld [tilespmem:s17+$0xCD30];
	v4 =	vadd.f32 v24, v18;
	[tilespmem:s12+$0x1BE40] =	vst v3;
	v3 =	vand.u32 $0xFFFF0000, v16  }
0x26f: {  	v53 =	vld [tilespmem:s4+$0x18EC0];
	[tilespmem:s12+$0x1BE50] =	vst v2;
	v2 =	vshll.u32 v17, $0x10;
	v3 =	vadd.f32 v3, v20  }
0x270: {  	v5 =	vand.u32 $0xFFFF0000, v17;
	v27 =	vld [tilespmem:s7+$0xD30];
	v2 =	vadd.f32 v2, v4  }
0x271: {  	v46 =	vld [tilespmem:s12+$0x18E80];
	v3 =	vadd.f32 v5, v3;
	v29 =	vshll.u32 v21, $0x10  }
0x272: {  	v28 =	vld [tilespmem:s30+$0xCD30];
	[tilespmem:s13+$0x1BE40] =	vst v2;
	v2 =	vand.u32 $0xFFFF0000, v21;
	v5 =	vadd.f32 v29, v25  }
0x273: {  	v51 =	vld [tilespmem:s13+$0x18E80];
	v2 =	vadd.f32 v2, v26;
	[tilespmem:s13+$0x1BE50] =	vst v3;
	v3 =	vshll.u32 v23, $0x10  }
0x274: {  	v7 =	vand.u32 $0xFFFF0000, v23;
	v32 =	vld [tilespmem:s22+$0xD30];
	v3 =	vadd.f32 v3, v5  }
0x275: {  	v63 =	vld [tilespmem:s12+$0x18EB0];
	v2 =	vadd.f32 v7, v2;
	v34 =	vshll.u32 v27, $0x10  }
0x276: {  	v33 =	vld [tilespmem:s31+$0xCD30];
	v7 =	vadd.f32 v34, v30;
	[tilespmem:s11+$0x1BE60] =	vst v3;
	v3 =	vand.u32 $0xFFFF0000, v27  }
0x277: {  	v58 =	vld [tilespmem:s11+$0x18EB0];
	[tilespmem:s11+$0x1BE70] =	vst v2;
	v2 =	vshll.u32 v28, $0x10;
	v3 =	vadd.f32 v3, v31  }
0x278: {  	v4 =	vand.u32 $0xFFFF0000, v28;
	v38 =	vld [tilespmem:s10+$0xD40];
	v2 =	vadd.f32 v2, v7  }
0x279: {  	v52 =	vld [tilespmem:s13+$0x18E90];
	v3 =	vadd.f32 v4, v3;
	v40 =	vshll.u32 v32, $0x10  }
0x27a: {  	v39 =	vld [tilespmem:s17+$0xCD40];
	[tilespmem:s12+$0x1BE60] =	vst v2;
	v2 =	vand.u32 $0xFFFF0000, v32;
	v4 =	vadd.f32 v40, v35  }
0x27b: {  	v37 =	vld [tilespmem:s5+$0xCD60];
	v2 =	vadd.f32 v2, v36;
	[tilespmem:s12+$0x1BE70] =	vst v3;
	v3 =	vshll.u32 v33, $0x10  }
0x27c: {  	v5 =	vand.u32 $0xFFFF0000, v33;
	v43 =	vld [tilespmem:s7+$0xD40];
	v3 =	vadd.f32 v3, v4  }
0x27d: {  	v57 =	vld [tilespmem:s11+$0x18EA0];
	v2 =	vadd.f32 v5, v2;
	v45 =	vshll.u32 v38, $0x10  }
0x27e: {  	v44 =	vld [tilespmem:s30+$0xCD40];
	v5 =	vadd.f32 v45, v41;
	[tilespmem:s13+$0x1BE60] =	vst v3;
	v3 =	vand.u32 $0xFFFF0000, v38  }
0x27f: {  	v1 =	vld [tilespmem:s9+$0xD60];
	[tilespmem:s13+$0x1BE70] =	vst v2;
	v2 =	vshll.u32 v39, $0x10;
	v3 =	vadd.f32 v3, v42  }
0x280: {  	v7 =	vand.u32 $0xFFFF0000, v39;
	v48 =	vld [tilespmem:s22+$0xD40];
	v2 =	vadd.f32 v2, v5  }
0x281: {  	v62 =	vld [tilespmem:s12+$0x18EA0];
	v3 =	vadd.f32 v7, v3;
	v50 =	vshll.u32 v43, $0x10  }
0x282: {  	v49 =	vld [tilespmem:s31+$0xCD40];
	[tilespmem:s11+$0x1BE80] =	vst v2;
	v2 =	vand.u32 $0xFFFF0000, v43;
	v7 =	vadd.f32 v50, v46  }
0x283: {  	v15 =	vld [tilespmem:s13+$0x18EF0];
	v2 =	vadd.f32 v2, v47;
	[tilespmem:s11+$0x1BE90] =	vst v3;
	v3 =	vshll.u32 v44, $0x10  }
0x284: {  	v4 =	vand.u32 $0xFFFF0000, v44;
	v54 =	vld [tilespmem:s10+$0xD50];
	v3 =	vadd.f32 v3, v7  }
0x285: {  	v19 =	vld [tilespmem:s13+$0x18EA0];
	v2 =	vadd.f32 v4, v2;
	v56 =	vshll.u32 v48, $0x10  }
0x286: {  	v55 =	vld [tilespmem:s17+$0xCD50];
	v4 =	vadd.f32 v56, v51;
	[tilespmem:s12+$0x1BE80] =	vst v3;
	v3 =	vand.u32 $0xFFFF0000, v48  }
0x287: {  	v20 =	vld [tilespmem:s13+$0x18EB0];
	[tilespmem:s12+$0x1BE90] =	vst v2;
	v2 =	vshll.u32 v49, $0x10;
	v3 =	vadd.f32 v3, v52  }
0x288: {  	v5 =	vand.u32 $0xFFFF0000, v49;
	v59 =	vld [tilespmem:s7+$0xD50];
	v2 =	vadd.f32 v2, v4  }
0x289: {  	v21 =	vld [tilespmem:s4+$0x18ED0];
	v3 =	vadd.f32 v5, v3;
	v61 =	vshll.u32 v54, $0x10  }
0x28a: {  	v60 =	vld [tilespmem:s30+$0xCD50];
	[tilespmem:s13+$0x1BE80] =	vst v2;
	v2 =	vand.u32 $0xFFFF0000, v54;
	v5 =	vadd.f32 v61, v57  }
0x28b: {  	v25 =	vld [tilespmem:s11+$0x18EC0];
	v2 =	vadd.f32 v2, v58;
	[tilespmem:s13+$0x1BE90] =	vst v3;
	v3 =	vshll.u32 v55, $0x10  }
0x28c: {  	v7 =	vand.u32 $0xFFFF0000, v55;
	v16 =	vld [tilespmem:s22+$0xD50];
	v3 =	vadd.f32 v3, v5  }
0x28d: {  	v26 =	vld [tilespmem:s11+$0x18ED0];
	v2 =	vadd.f32 v7, v2;
	v18 =	vshll.u32 v59, $0x10  }
0x28e: {  	v17 =	vld [tilespmem:s31+$0xCD50];
	v7 =	vadd.f32 v18, v62;
	[tilespmem:s11+$0x1BEA0] =	vst v3;
	v3 =	vand.u32 $0xFFFF0000, v59  }
0x28f: {  	v30 =	vld [tilespmem:s12+$0x18EC0];
	[tilespmem:s11+$0x1BEB0] =	vst v2;
	v2 =	vshll.u32 v60, $0x10;
	v3 =	vadd.f32 v3, v63  }
0x290: {  	v31 =	vld [tilespmem:s12+$0x18ED0];
	v4 =	vand.u32 $0xFFFF0000, v60;
	v2 =	vadd.f32 v2, v7  }
0x291: {  	v36 =	vld [tilespmem:s13+$0x18EC0];
	v3 =	vadd.f32 v4, v3;
	v24 =	vshll.u32 v16, $0x10  }
0x292: {  	v22 =	vld [tilespmem:s10+$0xD60];
	[tilespmem:s12+$0x1BEA0] =	vst v2;
	v2 =	vand.u32 $0xFFFF0000, v16;
	v4 =	vadd.f32 v24, v19  }
0x293: {  	v45 =	vld [tilespmem:s11+$0x18EE0];
	v2 =	vadd.f32 v2, v20;
	[tilespmem:s12+$0x1BEB0] =	vst v3;
	v3 =	vshll.u32 v17, $0x10  }
0x294: {  	v28 =	vshll.u32 v1, $0x10;
	v23 =	vld [tilespmem:s17+$0xCD60];
	v5 =	vand.u32 $0xFFFF0000, v17;
	v3 =	vadd.f32 v3, v4  }
0x295: {  	v27 =	vld [tilespmem:s7+$0xD60];
	v2 =	vadd.f32 v5, v2;
	v4 =	vadd.f32 v28, v53  }
0x296: {  	v1 =	vand.u32 $0xFFFF0000, v1;
	v47 =	vld [tilespmem:s11+$0x18EF0];
	[tilespmem:s13+$0x1BEA0] =	vst v3;
	v3 =	vshll.u32 v37, $0x10  }
0x297: {  	v1 =	vadd.f32 v1, v21;
	v29 =	vld [tilespmem:s30+$0xCD60];
	[tilespmem:s13+$0x1BEB0] =	vst v2;
	v2 =	vadd.f32 v3, v4;
	v3 =	vshll.u32 v22, $0x10  }
0x298: {  	v10 =	vand.u32 $0xFFFF0000, v37;
	v9 =	vand.u32 $0xFFFF0000, v22;
	v32 =	vld [tilespmem:s22+$0xD60];
	v3 =	vadd.f32 v3, v25  }
0x299: {  	v1 =	vadd.f32 v10, v1;
	v44 =	vld [tilespmem:s4+$0x18EE0];
	v33 =	vshll.u32 v23, $0x10;
	v6 =	vadd.f32 v9, v26  }
0x29a: {  	v7 =	vand.u32 $0xFFFF0000, v23;
	v34 =	vld [tilespmem:s31+$0xCD60];
	[tilespmem:s4+$0x1BEC0] =	vst v2;
	v2 =	vadd.f32 v33, v3;
	v3 =	vand.u32 $0xFFFF0000, v27  }
0x29b: {  	[tilespmem:s4+$0x1BED0] =	vst v1;
	v37 =	vld [tilespmem:s13+$0x18ED0];
	v1 =	vadd.f32 v7, v6;
	v35 =	vshll.u32 v27, $0x10;
	v3 =	vadd.f32 v3, v31  }
0x29c: {  	v53 =	vld [tilespmem:s12+$0x18EF0];
	v5 =	vadd.f32 v35, v30;
	[tilespmem:s11+$0x1BEC0] =	vst v2;
	v2 =	vand.u32 $0xFFFF0000, v29  }
0x29d: {  	v38 =	vshll.u32 v29, $0x10;
	[tilespmem:s11+$0x1BED0] =	vst v1;
	v39 =	vld [tilespmem:s9+$0xD70];
	v1 =	vadd.f32 v2, v3;
	v2 =	vshll.u32 v32, $0x10  }
0x29e: {  	v40 =	vld [tilespmem:s5+$0xCD70];
	v5 =	vadd.f32 v38, v5;
	v2 =	vadd.f32 v2, v36  }
0x29f: {  	v4 =	vand.u32 $0xFFFF0000, v32;
	v3 =	vld [tilespmem:s10+$0xD70];
	[tilespmem:s12+$0x1BED0] =	vst v1;
	v1 =	vshll.u32 v34, $0x10  }
0x2a0: {  	v41 =	vld [tilespmem:s17+$0xCD70];
	v4 =	vadd.f32 v4, v37;
	[tilespmem:s12+$0x1BEC0] =	vst v5;
	v1 =	vadd.f32 v1, v2  }
0x2a1: {  	v43 =	vand.u32 $0xFFFF0000, v34;
	v42 =	vld [tilespmem:s7+$0xD70]  }
0x2a2: {  	v4 =	vadd.f32 v43, v4;
	v46 =	vshll.u32 v39, $0x10;
	[tilespmem:s13+$0x1BEC0] =	vst v1;
	v1 =	vld [tilespmem:s4+$0x18EF0]  }
0x2a3: {  	v2 =	vld [tilespmem:s30+$0xCD70];
	v9 =	vadd.f32 v46, v44  }
0x2a4: {  	v48 =	vld [tilespmem:s12+$0x18EE0];
	v7 =	vand.u32 $0xFFFF0000, v39;
	v50 =	vshll.u32 v40, $0x10;
	v6 =	vand.u32 $0xFFFF0000, v40;
	[tilespmem:s13+$0x1BED0] =	vst v4  }
0x2a5: {  	v51 =	vadd.f32 v50, v9;
	v52 =	vshll.u32 v3, $0x10;
	v3 =	vand.u32 $0xFFFF0000, v3;
	v4 =	vld [tilespmem:s22+$0xD70]  }
0x2a6: {  	v55 =	vld [tilespmem:s13+$0x18EE0];
	v56 =	vshll.u32 v41, $0x10;
	v5 =	vand.u32 $0xFFFF0000, v41;
	v3 =	vadd.f32 v3, v47  }
0x2a7: {  	v49 =	vld [tilespmem:s31+$0xCD70];
	v57 =	vshll.u32 v42, $0x10;
	v59 =	vand.u32 $0xFFFF0000, v42;
	v1 =	vadd.f32 v7, v1  }
0x2a8: {  	v3 =	vadd.f32 v5, v3;
	v60 =	vshll.u32 v2, $0x10;
	v5 =	vadd.f32 v59, v53  }
0x2a9: {  	[tilespmem:s4+$0x1BEE0] =	vst v51;
	v2 =	vand.u32 $0xFFFF0000, v2;
	v58 =	vadd.f32 v57, v48;
	v1 =	vadd.f32 v6, v1  }
0x2aa: {  	v54 =	vadd.f32 v52, v45;
	[tilespmem:s11+$0x1BEF0] =	vst v3;
	v61 =	vshll.u32 v4, $0x10;
	v2 =	vadd.f32 v2, v5  }
0x2ab: {  	p2 =	por p1, p1;
	v4 =	vand.u32 $0xFFFF0000, v4;
	v62 =	vadd.f32 v61, v55;
	[tilespmem:s4+$0x1BEF0] =	vst v1;
	v1 =	vadd.f32 v60, v58  }
.Ltmp2:
0x2ac: {  	v63 =	vshll.u32 v49, $0x10;
	v6 =	vadd.f32 v56, v54;
	v3 =	vadd.f32 v4, v15;
	[tilespmem:s12+$0x1BEF0] =	vst v2;
	(pc) =	sbr.rel @p2 .LBB2_7-.Ltmp2, $4  }
0x2ad: {  	v4 =	vadd.f32 v63, v62;
	[tilespmem:s12+$0x1BEE0] =	vst v1;
	v1 =	vand.u32 $0xFFFF0000, v49  }
0x2ae: {  	[tilespmem:s11+$0x1BEE0] =	vst v6;
	v1 =	vadd.f32 v1, v3  }
0x2af: {  	[tilespmem:s13+$0x1BEE0] =	vst v4  }
0x2b0: {  	p1 =	por $0x0, $0x0;
	s7 =	simm.s32 $0x4;
	[tilespmem:s13+$0x1BEF0] =	vst v1  }
0x2b1: {  	s21 =	sshll.u32 s2, $0x4  }
0x2b2: {  	s5 =	smin.u32 s18, $0x7D;
	s4 =	sadd.s32 s8, s21  }
0x2b3: {  	s5 =	sshll.u32 s5, $0x3;
	s4 =	smul.u32 $0x60, s4  }
0x2b4: {  	s5 =	sadd.s32 s5, s15  }
0x2b5: {  	s5 =	smul.u32 $0x60, s5;
	s4 =	sadd.s32 s6, s4  }
0x2b6: {  	[hbm4b:s4+s3] =	stream.linear.scatter [tilespmem:s26], [sflag:$0x3], $0x1800, $0x38;
	[tilespmem:$0x1EC00] =	vst v63  }
0x2b7: {  	s31 =	sadd.s32 s1, s5  }
0x2b8: {  	[tilespmem:s23], [sflag:$0x1] =	stream.linear.gather [hbm4b:s31+s3], $0x1800, $0x38;
	[tilespmem:$0x1EC00] =	vst v63  }
0x2b9: {  	_ =	swait.ge [sflag:s28], $0x1800  }
0x2ba: {  	[sflag:s28] =	ssyncset.done $0x0  }
0x2bb: {  	s4 =	simm.s32 @!p0 $0x4;
	[sflag:s28] =	ssyncadd.s32 $0xFFFFE800  }
0x2bc: {  	_ =	swait.ge @!p0 [sflag:s4], $0x1800  }
0x2bd: {  	[sflag:s4] =	ssyncset.done @!p0 $0x0  }
0x2be: {  	s7 =	simm.s32 $0x0;
	[sflag:s4] =	ssyncadd.s32 @!p0 $0xFFFFE800;
	p0 =	por $0x1, $0x1  }
.LBB2_9:
0x2bf: {  	v1 =	vld [tilespmem:s19+$0x800];
	_ =	sdelay $0x2  }
0x2c0: {  	s4 =	sor.u32 $0x8, s7  }
0x2c1: {  	v2 =	vmov s4  }
0x2c2: {  	vm0 =	veq.s32 v2, v0;
	v1 =	vxor.u32 $0x80000000, v1  }
0x2c3: {  	v2 =	vnsel vm0, $0x80000000, v1  }
0x2c4: {  	(xrf0) =	vmax.scan.msk.u32 $0xffff, v2;
	_ =	sdelay $0x5  }
0x2c5: {  	v2, _, _ =	vpop (xrf0)  }
0x2c6: {  	(v2sf) =	vpush v2, $0xF;
	_ =	sdelay $0xe  }
0x2c7: {  	s10 =	spop (v2sf)  }
0x2c8: {  	s5 =	sand.u32 $0xFFFF, s10;
	s4 =	sshra.s32 s10, $0x10  }
0x2c9: {  	s4 =	sxor.u32 $0x7F8000, s4;
	s5 =	smul.u32 $0x600, s5  }
0x2ca: {  	s9 =	smul.u32 $0x600, s4  }
0x2cb: {  	s4 =	smul.u32 $0x300, s7;
	s5 =	sshrl.u32 s5, $0x2  }
0x2cc: {  	v2 =	vld [tilespmem:s5+$0xC00]  }
0x2cd: {  	v4 =	vld [tilespmem:s4+$0x1A400]  }
0x2ce: {  	s9 =	sshra.s32 s9, $0x2;
	v5 =	vld [tilespmem:s4+$0x1A410]  }
0x2cf: {  	v3 =	vld [tilespmem:s9+$0xCC00];
	_ =	sdelay $0x2  }
0x2d0: {  	v6 =	vshll.u32 v2, $0x10  }
0x2d1: {  	v2 =	vand.u32 $0xFFFF0000, v2;
	v4 =	vadd.f32 v6, v4  }
0x2d2: {  	v29 =	vshll.u32 v3, $0x10;
	v2 =	vadd.f32 v2, v5  }
0x2d3: {  	v3 =	vand.u32 $0xFFFF0000, v3;
	v4 =	vadd.f32 v29, v4  }
0x2d4: {  	v2 =	vadd.f32 v3, v2  }
0x2d5: {  	[tilespmem:s4+$0x1D400] =	vst v4  }
0x2d6: {  	v30 =	vld [tilespmem:s4+$0x1A420];
	[tilespmem:s4+$0x1D410] =	vst v2  }
0x2d7: {  	v2 =	vld [tilespmem:s5+$0xC10]  }
0x2d8: {  	v31 =	vld [tilespmem:s4+$0x1A430]  }
0x2d9: {  	v3 =	vld [tilespmem:s9+$0xCC10];
	_ =	sdelay $0x2  }
0x2da: {  	v32 =	vshll.u32 v2, $0x10  }
0x2db: {  	v2 =	vand.u32 $0xFFFF0000, v2;
	v4 =	vadd.f32 v32, v30  }
0x2dc: {  	v33 =	vshll.u32 v3, $0x10;
	v2 =	vadd.f32 v2, v31  }
0x2dd: {  	v3 =	vand.u32 $0xFFFF0000, v3;
	v4 =	vadd.f32 v33, v4  }
0x2de: {  	v2 =	vadd.f32 v3, v2  }
0x2df: {  	[tilespmem:s4+$0x1D420] =	vst v4  }
0x2e0: {  	v34 =	vld [tilespmem:s4+$0x1A440];
	[tilespmem:s4+$0x1D430] =	vst v2  }
0x2e1: {  	v2 =	vld [tilespmem:s5+$0xC20]  }
0x2e2: {  	v35 =	vld [tilespmem:s4+$0x1A450]  }
0x2e3: {  	v3 =	vld [tilespmem:s9+$0xCC20];
	_ =	sdelay $0x2  }
0x2e4: {  	v36 =	vshll.u32 v2, $0x10  }
0x2e5: {  	v2 =	vand.u32 $0xFFFF0000, v2;
	v4 =	vadd.f32 v36, v34  }
0x2e6: {  	v37 =	vshll.u32 v3, $0x10;
	v2 =	vadd.f32 v2, v35  }
0x2e7: {  	v3 =	vand.u32 $0xFFFF0000, v3;
	v4 =	vadd.f32 v37, v4  }
0x2e8: {  	v2 =	vadd.f32 v3, v2  }
0x2e9: {  	[tilespmem:s4+$0x1D440] =	vst v4  }
0x2ea: {  	v38 =	vld [tilespmem:s4+$0x1A460];
	[tilespmem:s4+$0x1D450] =	vst v2  }
0x2eb: {  	v2 =	vld [tilespmem:s5+$0xC30]  }
0x2ec: {  	v39 =	vld [tilespmem:s4+$0x1A470]  }
0x2ed: {  	v3 =	vld [tilespmem:s9+$0xCC30];
	_ =	sdelay $0x2  }
0x2ee: {  	v40 =	vshll.u32 v2, $0x10  }
0x2ef: {  	v2 =	vand.u32 $0xFFFF0000, v2;
	v4 =	vadd.f32 v40, v38  }
0x2f0: {  	v41 =	vshll.u32 v3, $0x10;
	v2 =	vadd.f32 v2, v39  }
0x2f1: {  	v3 =	vand.u32 $0xFFFF0000, v3;
	v4 =	vadd.f32 v41, v4  }
0x2f2: {  	v2 =	vadd.f32 v3, v2  }
0x2f3: {  	[tilespmem:s4+$0x1D460] =	vst v4  }
0x2f4: {  	v42 =	vld [tilespmem:s4+$0x1A480];
	[tilespmem:s4+$0x1D470] =	vst v2  }
0x2f5: {  	v2 =	vld [tilespmem:s5+$0xC40]  }
0x2f6: {  	v43 =	vld [tilespmem:s4+$0x1A490]  }
0x2f7: {  	v3 =	vld [tilespmem:s9+$0xCC40];
	_ =	sdelay $0x2  }
0x2f8: {  	v44 =	vshll.u32 v2, $0x10  }
0x2f9: {  	v2 =	vand.u32 $0xFFFF0000, v2;
	v4 =	vadd.f32 v44, v42  }
0x2fa: {  	v45 =	vshll.u32 v3, $0x10;
	v2 =	vadd.f32 v2, v43  }
0x2fb: {  	v3 =	vand.u32 $0xFFFF0000, v3;
	v4 =	vadd.f32 v45, v4  }
0x2fc: {  	v2 =	vadd.f32 v3, v2  }
0x2fd: {  	[tilespmem:s4+$0x1D480] =	vst v4  }
0x2fe: {  	v46 =	vld [tilespmem:s4+$0x1A4A0];
	[tilespmem:s4+$0x1D490] =	vst v2  }
0x2ff: {  	v2 =	vld [tilespmem:s5+$0xC50]  }
0x300: {  	v47 =	vld [tilespmem:s4+$0x1A4B0]  }
0x301: {  	v3 =	vld [tilespmem:s9+$0xCC50];
	_ =	sdelay $0x2  }
0x302: {  	v48 =	vshll.u32 v2, $0x10  }
0x303: {  	v2 =	vand.u32 $0xFFFF0000, v2;
	v4 =	vadd.f32 v48, v46  }
0x304: {  	v49 =	vshll.u32 v3, $0x10;
	v2 =	vadd.f32 v2, v47  }
0x305: {  	v3 =	vand.u32 $0xFFFF0000, v3;
	v4 =	vadd.f32 v49, v4  }
0x306: {  	v2 =	vadd.f32 v3, v2  }
0x307: {  	[tilespmem:s4+$0x1D4A0] =	vst v4  }
0x308: {  	v50 =	vld [tilespmem:s4+$0x1A4C0];
	[tilespmem:s4+$0x1D4B0] =	vst v2  }
0x309: {  	v2 =	vld [tilespmem:s5+$0xC60]  }
0x30a: {  	v51 =	vld [tilespmem:s4+$0x1A4D0]  }
0x30b: {  	v3 =	vld [tilespmem:s9+$0xCC60];
	_ =	sdelay $0x2  }
0x30c: {  	v52 =	vshll.u32 v2, $0x10  }
0x30d: {  	v2 =	vand.u32 $0xFFFF0000, v2;
	v4 =	vadd.f32 v52, v50  }
0x30e: {  	v53 =	vshll.u32 v3, $0x10;
	v2 =	vadd.f32 v2, v51  }
0x30f: {  	v3 =	vand.u32 $0xFFFF0000, v3;
	v4 =	vadd.f32 v53, v4  }
0x310: {  	v2 =	vadd.f32 v3, v2  }
0x311: {  	[tilespmem:s4+$0x1D4C0] =	vst v4  }
0x312: {  	v54 =	vld [tilespmem:s4+$0x1A4E0];
	[tilespmem:s4+$0x1D4D0] =	vst v2  }
0x313: {  	v2 =	vld [tilespmem:s5+$0xC70]  }
0x314: {  	v55 =	vld [tilespmem:s4+$0x1A4F0]  }
0x315: {  	v3 =	vld [tilespmem:s9+$0xCC70];
	_ =	sdelay $0x2  }
0x316: {  	v56 =	vshll.u32 v2, $0x10  }
0x317: {  	v2 =	vand.u32 $0xFFFF0000, v2;
	v4 =	vadd.f32 v56, v54  }
0x318: {  	v57 =	vshll.u32 v3, $0x10;
	v2 =	vadd.f32 v2, v55  }
0x319: {  	v3 =	vand.u32 $0xFFFF0000, v3;
	v4 =	vadd.f32 v57, v4  }
0x31a: {  	v2 =	vadd.f32 v3, v2  }
0x31b: {  	[tilespmem:s4+$0x1D4E0] =	vst v4  }
0x31c: {  	v58 =	vld [tilespmem:s4+$0x1A500];
	[tilespmem:s4+$0x1D4F0] =	vst v2  }
0x31d: {  	v2 =	vld [tilespmem:s5+$0xC80]  }
0x31e: {  	v59 =	vld [tilespmem:s4+$0x1A510]  }
0x31f: {  	v3 =	vld [tilespmem:s9+$0xCC80];
	_ =	sdelay $0x2  }
0x320: {  	v60 =	vshll.u32 v2, $0x10  }
0x321: {  	v2 =	vand.u32 $0xFFFF0000, v2;
	v4 =	vadd.f32 v60, v58  }
0x322: {  	v61 =	vshll.u32 v3, $0x10;
	v2 =	vadd.f32 v2, v59  }
0x323: {  	v3 =	vand.u32 $0xFFFF0000, v3;
	v4 =	vadd.f32 v61, v4  }
0x324: {  	v2 =	vadd.f32 v3, v2  }
0x325: {  	[tilespmem:s4+$0x1D500] =	vst v4  }
0x326: {  	v62 =	vld [tilespmem:s4+$0x1A520];
	[tilespmem:s4+$0x1D510] =	vst v2  }
0x327: {  	v2 =	vld [tilespmem:s5+$0xC90]  }
0x328: {  	v63 =	vld [tilespmem:s4+$0x1A530]  }
0x329: {  	v3 =	vld [tilespmem:s9+$0xCC90];
	_ =	sdelay $0x2  }
0x32a: {  	v9 =	vshll.u32 v2, $0x10  }
0x32b: {  	v2 =	vand.u32 $0xFFFF0000, v2;
	v4 =	vadd.f32 v9, v62  }
0x32c: {  	v10 =	vshll.u32 v3, $0x10;
	v2 =	vadd.f32 v2, v63  }
0x32d: {  	v3 =	vand.u32 $0xFFFF0000, v3;
	v4 =	vadd.f32 v10, v4  }
0x32e: {  	v2 =	vadd.f32 v3, v2  }
0x32f: {  	[tilespmem:s4+$0x1D520] =	vst v4  }
0x330: {  	v11 =	vld [tilespmem:s4+$0x1A540];
	[tilespmem:s4+$0x1D530] =	vst v2  }
0x331: {  	v2 =	vld [tilespmem:s5+$0xCA0]  }
0x332: {  	v12 =	vld [tilespmem:s4+$0x1A550]  }
0x333: {  	v3 =	vld [tilespmem:s9+$0xCCA0];
	_ =	sdelay $0x2  }
0x334: {  	v13 =	vshll.u32 v2, $0x10  }
0x335: {  	v2 =	vand.u32 $0xFFFF0000, v2;
	v4 =	vadd.f32 v13, v11  }
0x336: {  	v14 =	vshll.u32 v3, $0x10;
	v2 =	vadd.f32 v2, v12  }
0x337: {  	v3 =	vand.u32 $0xFFFF0000, v3;
	v4 =	vadd.f32 v14, v4  }
0x338: {  	v2 =	vadd.f32 v3, v2  }
0x339: {  	[tilespmem:s4+$0x1D540] =	vst v4  }
0x33a: {  	v15 =	vld [tilespmem:s4+$0x1A560];
	[tilespmem:s4+$0x1D550] =	vst v2  }
0x33b: {  	v2 =	vld [tilespmem:s5+$0xCB0]  }
0x33c: {  	v16 =	vld [tilespmem:s4+$0x1A570]  }
0x33d: {  	v3 =	vld [tilespmem:s9+$0xCCB0];
	_ =	sdelay $0x2  }
0x33e: {  	v17 =	vshll.u32 v2, $0x10  }
0x33f: {  	v2 =	vand.u32 $0xFFFF0000, v2;
	v4 =	vadd.f32 v17, v15  }
0x340: {  	v18 =	vshll.u32 v3, $0x10;
	v2 =	vadd.f32 v2, v16  }
0x341: {  	v3 =	vand.u32 $0xFFFF0000, v3;
	v4 =	vadd.f32 v18, v4  }
0x342: {  	v2 =	vadd.f32 v3, v2  }
0x343: {  	[tilespmem:s4+$0x1D560] =	vst v4  }
0x344: {  	v19 =	vld [tilespmem:s4+$0x1A580];
	[tilespmem:s4+$0x1D570] =	vst v2  }
0x345: {  	v2 =	vld [tilespmem:s5+$0xCC0]  }
0x346: {  	v20 =	vld [tilespmem:s4+$0x1A590]  }
0x347: {  	v3 =	vld [tilespmem:s9+$0xCCC0];
	_ =	sdelay $0x2  }
0x348: {  	v21 =	vshll.u32 v2, $0x10  }
0x349: {  	v2 =	vand.u32 $0xFFFF0000, v2;
	v4 =	vadd.f32 v21, v19  }
0x34a: {  	v22 =	vshll.u32 v3, $0x10;
	v2 =	vadd.f32 v2, v20  }
0x34b: {  	v3 =	vand.u32 $0xFFFF0000, v3;
	v4 =	vadd.f32 v22, v4  }
0x34c: {  	v2 =	vadd.f32 v3, v2  }
0x34d: {  	[tilespmem:s4+$0x1D580] =	vst v4  }
0x34e: {  	v23 =	vld [tilespmem:s4+$0x1A5A0];
	[tilespmem:s4+$0x1D590] =	vst v2  }
0x34f: {  	v2 =	vld [tilespmem:s5+$0xCD0]  }
0x350: {  	v24 =	vld [tilespmem:s4+$0x1A5B0]  }
0x351: {  	v3 =	vld [tilespmem:s9+$0xCCD0];
	_ =	sdelay $0x2  }
0x352: {  	v25 =	vshll.u32 v2, $0x10  }
0x353: {  	v2 =	vand.u32 $0xFFFF0000, v2;
	v4 =	vadd.f32 v25, v23  }
0x354: {  	v26 =	vshll.u32 v3, $0x10;
	v2 =	vadd.f32 v2, v24  }
0x355: {  	v3 =	vand.u32 $0xFFFF0000, v3;
	v4 =	vadd.f32 v26, v4  }
0x356: {  	v2 =	vadd.f32 v3, v2  }
0x357: {  	[tilespmem:s4+$0x1D5A0] =	vst v4  }
0x358: {  	v27 =	vld [tilespmem:s4+$0x1A5C0];
	[tilespmem:s4+$0x1D5B0] =	vst v2  }
0x359: {  	v2 =	vld [tilespmem:s5+$0xCE0]  }
0x35a: {  	v28 =	vld [tilespmem:s4+$0x1A5D0]  }
0x35b: {  	v3 =	vld [tilespmem:s9+$0xCCE0];
	_ =	sdelay $0x2  }
0x35c: {  	v29 =	vshll.u32 v2, $0x10  }
0x35d: {  	v2 =	vand.u32 $0xFFFF0000, v2;
	v4 =	vadd.f32 v29, v27  }
0x35e: {  	v30 =	vshll.u32 v3, $0x10;
	v2 =	vadd.f32 v2, v28  }
0x35f: {  	s10 =	sor.u32 $0x9, s7;
	v3 =	vand.u32 $0xFFFF0000, v3;
	v4 =	vadd.f32 v30, v4  }
0x360: {  	v2 =	vadd.f32 v3, v2;
	v3 =	vmov s10  }
0x361: {  	vm13 =	veq.s32 v3, v0;
	[tilespmem:s4+$0x1D5C0] =	vst v4  }
0x362: {  	[tilespmem:s4+$0x1D5D0] =	vst v2;
	v2 =	vnsel vm13, $0x80000000, v1  }
0x363: {  	(xrf0) =	vmax.scan.msk.u32 $0xffff, v2;
	_ =	sdelay $0x3  }
0x364: {  	s11 =	sor.u32 $0xA, s7  }
0x365: {  	v31 =	vmov s11  }
0x366: {  	vm14 =	veq.s32 v31, v0;
	v2 =	vld [tilespmem:s5+$0xCF0];
	v3, _, _ =	vpop (xrf0)  }
0x367: {  	v1 =	vnsel vm14, $0x80000000, v1;
	v32 =	vld [tilespmem:s9+$0xCCF0];
	(v2sf) =	vpush v3, $0xF  }
0x368: {  	v33 =	vld [tilespmem:s4+$0x1A5F0];
	(xrf0) =	vmax.scan.msk.u32 $0xffff, v1  }
0x369: {  	v3 =	vld [tilespmem:s4+$0x1A5E0]  }
0x36a: {  	v1 =	vld [tilespmem:s19+$0x800]  }
0x36b: {  	s12 =	sor.u32 $0xB, s7  }
0x36c: {  	v35 =	vmov s12;
	v37 =	vld [tilespmem:s4+$0x1A610];
	v34 =	vshll.u32 v2, $0x10;
	v2 =	vand.u32 $0xFFFF0000, v2  }
0x36d: {  	vm15 =	veq.s32 v35, v0;
	v43 =	vld [tilespmem:s4+$0x1A700];
	v2 =	vadd.f32 v2, v33  }
0x36e: {  	v45 =	vld [tilespmem:s4+$0x1A620];
	v7 =	vshll.u32 v32, $0x10;
	v5 =	vand.u32 $0xFFFF0000, v32;
	v3 =	vadd.f32 v34, v3;
	v36, _, _ =	vpop (xrf0)  }
0x36f: {  	v10 =	vld [tilespmem:s4+$0x1A720];
	v2 =	vadd.f32 v5, v2;
	v1 =	vxor.u32 $0x80000000, v1;
	(v2sf) =	vpush v36, $0xF  }
0x370: {  	v12 =	vld [tilespmem:s4+$0x1A730];
	v1 =	vnsel vm15, $0x80000000, v1;
	v3 =	vadd.f32 v7, v3  }
0x371: {  	v52 =	vld [tilespmem:s4+$0x1AD00];
	[tilespmem:s4+$0x1D5F0] =	vst v2;
	(xrf0) =	vmax.scan.msk.u32 $0xffff, v1  }
0x372: {  	v53 =	vld [tilespmem:s4+$0x1A630];
	[tilespmem:s4+$0x1D5E0] =	vst v3  }
0x373: {  	v1 =	vld [tilespmem:s5+$0xD00]  }
0x374: {  	v3 =	vld [tilespmem:s4+$0x1A600]  }
0x375: {  	v2 =	vld [tilespmem:s9+$0xCD00]  }
0x376: {  	v58 =	vld [tilespmem:s4+$0x1AA20];
	s13 =	spop (v2sf)  }
0x377: {  	v16 =	vld [tilespmem:s4+$0x1A740];
	v38, _, _ =	vpop (xrf0);
	s17 =	sand.u32 $0xFFFF, s13  }
0x378: {  	v19 =	vld [tilespmem:s4+$0x1A750];
	(v2sf) =	vpush v38, $0xF;
	v39 =	vshll.u32 v1, $0x10;
	s7 =	sshra.s32 s13, $0x10;
	s10 =	smul.u32 $0x600, s17  }
0x379: {  	v23 =	vld [tilespmem:s4+$0x1AD20];
	v1 =	vand.u32 $0xFFFF0000, v1;
	v3 =	vadd.f32 v39, v3;
	s7 =	sxor.u32 $0x7F8000, s7  }
0x37a: {  	v30 =	vld [tilespmem:s4+$0x1AA40];
	v41 =	vshll.u32 v2, $0x10;
	v1 =	vadd.f32 v1, v37;
	s7 =	smul.u32 $0x600, s7;
	s10 =	sshrl.u32 s10, $0x2  }
0x37b: {  	v2 =	vand.u32 $0xFFFF0000, v2;
	v3 =	vadd.f32 v41, v3;
	v40 =	vld [tilespmem:s10+$0xC00]  }
0x37c: {  	v1 =	vadd.f32 v2, v1;
	v2 =	vld [tilespmem:s4+$0x1A710];
	s11 =	sshra.s32 s7, $0x2  }
0x37d: {  	[tilespmem:s4+$0x1D600] =	vst v3;
	v42 =	vld [tilespmem:s11+$0xCC00]  }
0x37e: {  	v34 =	vld [tilespmem:s4+$0x1A760];
	[tilespmem:s4+$0x1D610] =	vst v1;
	s22 =	spop (v2sf)  }
0x37f: {  	v1 =	vld [tilespmem:s5+$0xD10];
	s12 =	sand.u32 $0xFFFF, s22;
	s7 =	sshra.s32 s22, $0x10  }
0x380: {  	v36 =	vld [tilespmem:s4+$0x1A770];
	s7 =	sxor.u32 $0x7F8000, s7;
	s12 =	smul.u32 $0x600, s12;
	v3 =	vshll.u32 v40, $0x10  }
0x381: {  	v44 =	vld [tilespmem:s9+$0xCD10];
	s7 =	smul.u32 $0x600, s7;
	v5 =	vand.u32 $0xFFFF0000, v40;
	v3 =	vadd.f32 v3, v43  }
0x382: {  	s12 =	sshrl.u32 s12, $0x2;
	v40 =	vld [tilespmem:s4+$0x1AD40];
	v8 =	vshll.u32 v42, $0x10;
	v2 =	vadd.f32 v5, v2  }
0x383: {  	v4 =	vand.u32 $0xFFFF0000, v42;
	v46 =	vld [tilespmem:s12+$0xC00];
	s7 =	sshra.s32 s7, $0x2;
	v3 =	vadd.f32 v8, v3  }
0x384: {  	v59 =	vshll.u32 v1, $0x10;
	v47 =	vld [tilespmem:s7+$0xCC00];
	v2 =	vadd.f32 v4, v2  }
0x385: {  	v1 =	vand.u32 $0xFFFF0000, v1;
	v6 =	vadd.f32 v59, v45;
	[tilespmem:s4+$0x1D700] =	vst v3;
	v3 =	vld [tilespmem:s4+$0x1AA00]  }
0x386: {  	v62 =	vshll.u32 v44, $0x10;
	v1 =	vadd.f32 v1, v53;
	[tilespmem:s4+$0x1D710] =	vst v2;
	v2 =	vld [tilespmem:s4+$0x1AA10]  }
0x387: {  	v7 =	vand.u32 $0xFFFF0000, v44;
	v53 =	vld [tilespmem:s4+$0x1A790];
	v18 =	vadd.f32 v62, v6;
	s13 =	spop (v2sf)  }
0x388: {  	v1 =	vadd.f32 v7, v1;
	v48 =	vld [tilespmem:s10+$0xC10];
	s17 =	sand.u32 $0xFFFF, s13;
	s13 =	sshra.s32 s13, $0x10  }
0x389: {  	v9 =	vld [tilespmem:s11+$0xCC10];
	v11 =	vshll.u32 v46, $0x10;
	[tilespmem:s4+$0x1D620] =	vst v18;
	s13 =	sxor.u32 $0x7F8000, s13;
	s17 =	smul.u32 $0x600, s17  }
0x38a: {  	v5 =	vand.u32 $0xFFFF0000, v46;
	[tilespmem:s4+$0x1D630] =	vst v1;
	v18 =	vld [tilespmem:s4+$0x1A7A0];
	s22 =	smul.u32 $0x600, s13;
	v3 =	vadd.f32 v11, v3  }
0x38b: {  	v49 =	vshll.u32 v47, $0x10;
	v41 =	vld [tilespmem:s9+$0xCD20];
	s30 =	sshrl.u32 s17, $0x2;
	v2 =	vadd.f32 v5, v2  }
0x38c: {  	v4 =	vand.u32 $0xFFFF0000, v47;
	v50 =	vld [tilespmem:s30+$0xC00];
	s31 =	sshra.s32 s22, $0x2;
	v3 =	vadd.f32 v49, v3  }
0x38d: {  	v51 =	vld [tilespmem:s31+$0xCC00];
	v13 =	vshll.u32 v48, $0x10;
	v2 =	vadd.f32 v4, v2  }
0x38e: {  	v8 =	vand.u32 $0xFFFF0000, v48;
	v10 =	vadd.f32 v13, v10;
	[tilespmem:s4+$0x1DA00] =	vst v3;
	v3 =	vld [tilespmem:s4+$0x1AD10]  }
0x38f: {  	v47 =	vld [tilespmem:s4+$0x1AA60];
	v14 =	vshll.u32 v9, $0x10;
	v8 =	vadd.f32 v8, v12;
	[tilespmem:s4+$0x1DA10] =	vst v2  }
0x390: {  	v2 =	vand.u32 $0xFFFF0000, v9;
	v54 =	vadd.f32 v14, v10;
	v55 =	vld [tilespmem:s12+$0xC10]  }
0x391: {  	v2 =	vadd.f32 v2, v8;
	v56 =	vld [tilespmem:s7+$0xCC10];
	v57 =	vshll.u32 v50, $0x10;
	v5 =	vand.u32 $0xFFFF0000, v50  }
0x392: {  	[tilespmem:s4+$0x1D720] =	vst v54;
	v4 =	vadd.f32 v57, v52;
	v60 =	vshll.u32 v51, $0x10;
	v11 =	vand.u32 $0xFFFF0000, v51;
	v51 =	vld [tilespmem:s4+$0x1A780]  }
0x393: {  	[tilespmem:s4+$0x1D730] =	vst v2;
	v2 =	vld [tilespmem:s4+$0x1AA30];
	v3 =	vadd.f32 v5, v3  }
0x394: {  	v61 =	vld [tilespmem:s10+$0xC20];
	v4 =	vadd.f32 v60, v4  }
0x395: {  	v57 =	vld [tilespmem:s4+$0x1AD60];
	v3 =	vadd.f32 v11, v3  }
0x396: {  	v63 =	vld [tilespmem:s11+$0xCC20];
	v17 =	vshll.u32 v55, $0x10;
	[tilespmem:s4+$0x1DD00] =	vst v4  }
0x397: {  	v10 =	vand.u32 $0xFFFF0000, v55;
	v9 =	vadd.f32 v17, v58;
	v58 =	vld [tilespmem:s4+$0x1A640];
	[tilespmem:s4+$0x1DD10] =	vst v3  }
0x398: {  	v2 =	vadd.f32 v10, v2;
	v3 =	vshll.u32 v56, $0x10;
	v20 =	vld [tilespmem:s30+$0xC10]  }
0x399: {  	v21 =	vand.u32 $0xFFFF0000, v56;
	v1 =	vshll.u32 v61, $0x10;
	v3 =	vadd.f32 v3, v9;
	v22 =	vld [tilespmem:s31+$0xCC10]  }
0x39a: {  	v2 =	vadd.f32 v21, v2;
	v24 =	vadd.f32 v1, v16;
	v1 =	vld [tilespmem:s5+$0xD20]  }
0x39b: {  	v5 =	vand.u32 $0xFFFF0000, v61;
	[tilespmem:s4+$0x1DA20] =	vst v3;
	v3 =	vld [tilespmem:s4+$0x1AD30]  }
0x39c: {  	v25 =	vshll.u32 v63, $0x10;
	v5 =	vadd.f32 v5, v19;
	[tilespmem:s4+$0x1DA30] =	vst v2;
	v2 =	vand.u32 $0xFFFF0000, v63;
	v63 =	vld [tilespmem:s4+$0x1AA80]  }
0x39d: {  	v26 =	vadd.f32 v25, v24;
	v24 =	vld [tilespmem:s4+$0x1AD80]  }
0x39e: {  	v27 =	vld [tilespmem:s12+$0xC20];
	v2 =	vadd.f32 v2, v5  }
0x39f: {  	v28 =	vld [tilespmem:s7+$0xCC20];
	v29 =	vshll.u32 v20, $0x10  }
0x3a0: {  	v7 =	vand.u32 $0xFFFF0000, v20;
	[tilespmem:s4+$0x1D750] =	vst v2;
	v2 =	vld [tilespmem:s4+$0x1AA50];
	v4 =	vadd.f32 v29, v23  }
0x3a1: {  	v25 =	vld [tilespmem:s4+$0x1A650];
	[tilespmem:s4+$0x1D740] =	vst v26;
	v31 =	vshll.u32 v22, $0x10;
	v3 =	vadd.f32 v7, v3  }
0x3a2: {  	v8 =	vand.u32 $0xFFFF0000, v22;
	v32 =	vld [tilespmem:s10+$0xC30];
	v4 =	vadd.f32 v31, v4  }
0x3a3: {  	v20 =	vld [tilespmem:s4+$0x1A7B0];
	v35 =	vshll.u32 v27, $0x10;
	v3 =	vadd.f32 v8, v3  }
0x3a4: {  	v33 =	vld [tilespmem:s11+$0xCC30];
	v9 =	vand.u32 $0xFFFF0000, v27;
	v6 =	vadd.f32 v35, v30;
	[tilespmem:s4+$0x1DD20] =	vst v4  }
0x3a5: {  	v30 =	vld [tilespmem:s4+$0x1AAA0];
	v2 =	vadd.f32 v9, v2;
	[tilespmem:s4+$0x1DD30] =	vst v3;
	v3 =	vshll.u32 v28, $0x10  }
0x3a6: {  	v5 =	vand.u32 $0xFFFF0000, v28;
	v31 =	vshll.u32 v1, $0x10;
	v37 =	vld [tilespmem:s30+$0xC20];
	v3 =	vadd.f32 v3, v6  }
0x3a7: {  	v10 =	vadd.f32 v31, v58;
	v39 =	vshll.u32 v32, $0x10;
	v38 =	vld [tilespmem:s31+$0xCC20];
	v2 =	vadd.f32 v5, v2  }
0x3a8: {  	v7 =	vand.u32 $0xFFFF0000, v32;
	v8 =	vadd.f32 v39, v34;
	v34 =	vshll.u32 v41, $0x10;
	[tilespmem:s4+$0x1DA40] =	vst v3;
	v3 =	vld [tilespmem:s4+$0x1AD50]  }
0x3a9: {  	v42 =	vshll.u32 v33, $0x10;
	v4 =	vadd.f32 v7, v36;
	v39 =	vadd.f32 v34, v10;
	v34 =	vld [tilespmem:s4+$0x1AB00];
	[tilespmem:s4+$0x1DA50] =	vst v2  }
0x3aa: {  	v2 =	vand.u32 $0xFFFF0000, v33;
	v43 =	vadd.f32 v42, v8;
	v44 =	vld [tilespmem:s12+$0xC30]  }
0x3ab: {  	v2 =	vadd.f32 v2, v4;
	v45 =	vld [tilespmem:s7+$0xCC30];
	v46 =	vshll.u32 v37, $0x10  }
0x3ac: {  	[tilespmem:s4+$0x1D760] =	vst v43;
	v43 =	vld [tilespmem:s4+$0x1ADA0];
	v9 =	vand.u32 $0xFFFF0000, v37;
	v5 =	vadd.f32 v46, v40  }
0x3ad: {  	[tilespmem:s4+$0x1D770] =	vst v2;
	v2 =	vld [tilespmem:s4+$0x1AA70];
	v48 =	vshll.u32 v38, $0x10;
	v3 =	vadd.f32 v9, v3  }
0x3ae: {  	v6 =	vand.u32 $0xFFFF0000, v38;
	v49 =	vld [tilespmem:s10+$0xC40];
	v5 =	vadd.f32 v48, v5  }
0x3af: {  	v37 =	vld [tilespmem:s4+$0x1A7C0];
	v3 =	vadd.f32 v6, v3  }
0x3b0: {  	v50 =	vld [tilespmem:s11+$0xCC40];
	v52 =	vshll.u32 v44, $0x10;
	[tilespmem:s4+$0x1DD40] =	vst v5  }
0x3b1: {  	v40 =	vld [tilespmem:s4+$0x1A7D0];
	v8 =	vand.u32 $0xFFFF0000, v44;
	v7 =	vadd.f32 v52, v47;
	[tilespmem:s4+$0x1DD50] =	vst v3  }
0x3b2: {  	v2 =	vadd.f32 v8, v2;
	v3 =	vshll.u32 v45, $0x10;
	v54 =	vld [tilespmem:s30+$0xC30]  }
0x3b3: {  	v4 =	vand.u32 $0xFFFF0000, v45;
	v56 =	vshll.u32 v49, $0x10;
	v3 =	vadd.f32 v3, v7;
	v55 =	vld [tilespmem:s31+$0xCC30]  }
0x3b4: {  	v9 =	vand.u32 $0xFFFF0000, v49;
	v2 =	vadd.f32 v4, v2;
	v6 =	vadd.f32 v56, v51;
	v56 =	vld [tilespmem:s4+$0x1A7F0]  }
0x3b5: {  	v5 =	vadd.f32 v9, v53;
	[tilespmem:s4+$0x1DA60] =	vst v3;
	v3 =	vld [tilespmem:s4+$0x1AD70]  }
0x3b6: {  	v59 =	vshll.u32 v50, $0x10;
	[tilespmem:s4+$0x1DA70] =	vst v2;
	v2 =	vand.u32 $0xFFFF0000, v50;
	v50 =	vld [tilespmem:s4+$0x1AAC0]  }
0x3b7: {  	v1 =	vand.u32 $0xFFFF0000, v1;
	v60 =	vld [tilespmem:s12+$0xC40];
	v2 =	vadd.f32 v2, v5  }
0x3b8: {  	v1 =	vadd.f32 v1, v25;
	v6 =	vadd.f32 v59, v6;
	v61 =	vld [tilespmem:s7+$0xCC40];
	v62 =	vshll.u32 v54, $0x10  }
0x3b9: {  	v36 =	vand.u32 $0xFFFF0000, v41;
	v8 =	vand.u32 $0xFFFF0000, v54;
	[tilespmem:s4+$0x1D790] =	vst v2;
	v2 =	vld [tilespmem:s4+$0x1AA90];
	v4 =	vadd.f32 v62, v57  }
0x3ba: {  	v1 =	vadd.f32 v36, v1;
	[tilespmem:s4+$0x1D780] =	vst v6;
	v15 =	vshll.u32 v55, $0x10;
	v54 =	vld [tilespmem:s4+$0x1A7E0];
	v3 =	vadd.f32 v8, v3  }
0x3bb: {  	[tilespmem:s4+$0x1D640] =	vst v39;
	v7 =	vand.u32 $0xFFFF0000, v55;
	v16 =	vld [tilespmem:s10+$0xC50];
	v4 =	vadd.f32 v15, v4  }
0x3bc: {  	[tilespmem:s4+$0x1D650] =	vst v1;
	v17 =	vld [tilespmem:s11+$0xCC50];
	v19 =	vshll.u32 v60, $0x10;
	v3 =	vadd.f32 v7, v3  }
0x3bd: {  	v9 =	vand.u32 $0xFFFF0000, v60;
	v60 =	vld [tilespmem:s4+$0x1ADC0];
	v6 =	vadd.f32 v19, v63;
	[tilespmem:s4+$0x1DD60] =	vst v4  }
0x3be: {  	v5 =	vand.u32 $0xFFFF0000, v61;
	v2 =	vadd.f32 v9, v2;
	[tilespmem:s4+$0x1DD70] =	vst v3;
	v3 =	vshll.u32 v61, $0x10;
	v61 =	vld [tilespmem:s9+$0xCD30]  }
0x3bf: {  	v21 =	vld [tilespmem:s30+$0xC40];
	v3 =	vadd.f32 v3, v6  }
0x3c0: {  	v23 =	vshll.u32 v16, $0x10;
	v8 =	vand.u32 $0xFFFF0000, v16;
	v22 =	vld [tilespmem:s31+$0xCC40];
	v2 =	vadd.f32 v5, v2  }
0x3c1: {  	v7 =	vadd.f32 v23, v18;
	v4 =	vadd.f32 v8, v20;
	v18 =	vld [tilespmem:s4+$0x1AAE0];
	[tilespmem:s4+$0x1DA80] =	vst v3  }
0x3c2: {  	v3 =	vld [tilespmem:s4+$0x1AD90];
	[tilespmem:s4+$0x1DA90] =	vst v2;
	v2 =	vand.u32 $0xFFFF0000, v17  }
0x3c3: {  	v26 =	vshll.u32 v17, $0x10;
	v27 =	vld [tilespmem:s12+$0xC50];
	v2 =	vadd.f32 v2, v4  }
0x3c4: {  	v7 =	vadd.f32 v26, v7;
	v28 =	vld [tilespmem:s7+$0xCC50]  }
0x3c5: {  	[tilespmem:s4+$0x1D7B0] =	vst v2;
	v2 =	vld [tilespmem:s4+$0x1AAB0]  }
0x3c6: {  	[tilespmem:s4+$0x1D7A0] =	vst v7;
	v29 =	vshll.u32 v21, $0x10;
	v32 =	vshll.u32 v22, $0x10;
	v6 =	vand.u32 $0xFFFF0000, v22;
	v22 =	vld [tilespmem:s4+$0x1A800]  }
0x3c7: {  	v9 =	vand.u32 $0xFFFF0000, v21;
	v5 =	vadd.f32 v29, v24;
	v33 =	vld [tilespmem:s10+$0xC60]  }
0x3c8: {  	v35 =	vld [tilespmem:s11+$0xCC60];
	v3 =	vadd.f32 v9, v3  }
0x3c9: {  	v24 =	vld [tilespmem:s4+$0x1A810];
	v5 =	vadd.f32 v32, v5  }
0x3ca: {  	v29 =	vld [tilespmem:s4+$0x1A660];
	v38 =	vshll.u32 v27, $0x10;
	v3 =	vadd.f32 v6, v3  }
0x3cb: {  	v7 =	vadd.f32 v38, v30;
	v38 =	vld [tilespmem:s4+$0x1A820];
	[tilespmem:s4+$0x1DD80] =	vst v5  }
0x3cc: {  	v4 =	vand.u32 $0xFFFF0000, v28;
	[tilespmem:s4+$0x1DD90] =	vst v3;
	v3 =	vshll.u32 v28, $0x10;
	v28 =	vld [tilespmem:s4+$0x1ADE0]  }
0x3cd: {  	v8 =	vand.u32 $0xFFFF0000, v27;
	v41 =	vld [tilespmem:s30+$0xC50]  }
0x3ce: {  	v2 =	vadd.f32 v8, v2;
	v1 =	vshll.u32 v33, $0x10;
	v42 =	vld [tilespmem:s31+$0xCC50]  }
0x3cf: {  	v44 =	vand.u32 $0xFFFF0000, v33;
	v3 =	vadd.f32 v3, v7;
	v45 =	vadd.f32 v1, v37;
	v1 =	vld [tilespmem:s5+$0xD30]  }
0x3d0: {  	v2 =	vadd.f32 v4, v2;
	v7 =	vadd.f32 v44, v40;
	v40 =	vld [tilespmem:s4+$0x1A830]  }
0x3d1: {  	v44 =	vld [tilespmem:s4+$0x1AE00];
	[tilespmem:s4+$0x1DAA0] =	vst v3  }
0x3d2: {  	v46 =	vshll.u32 v35, $0x10;
	v3 =	vld [tilespmem:s4+$0x1ADB0];
	[tilespmem:s4+$0x1DAB0] =	vst v2  }
0x3d3: {  	v2 =	vand.u32 $0xFFFF0000, v35;
	v8 =	vadd.f32 v46, v45;
	v47 =	vld [tilespmem:s12+$0xC60]  }
0x3d4: {  	v45 =	vld [tilespmem:s4+$0x1A670];
	v2 =	vadd.f32 v2, v7  }
0x3d5: {  	v48 =	vld [tilespmem:s7+$0xCC60];
	[tilespmem:s4+$0x1D7C0] =	vst v8;
	v49 =	vshll.u32 v41, $0x10  }
0x3d6: {  	v6 =	vand.u32 $0xFFFF0000, v41;
	[tilespmem:s4+$0x1D7D0] =	vst v2;
	v2 =	vld [tilespmem:s4+$0x1AAD0];
	v4 =	vadd.f32 v49, v43  }
0x3d7: {  	v51 =	vshll.u32 v42, $0x10;
	v52 =	vld [tilespmem:s10+$0xC70];
	v3 =	vadd.f32 v6, v3  }
0x3d8: {  	v5 =	vand.u32 $0xFFFF0000, v42;
	v53 =	vld [tilespmem:s11+$0xCC70];
	v4 =	vadd.f32 v51, v4;
	v55 =	vshll.u32 v47, $0x10  }
0x3d9: {  	v51 =	vshll.u32 v1, $0x10;
	v3 =	vadd.f32 v5, v3;
	v8 =	vadd.f32 v55, v50;
	v50 =	vld [tilespmem:s4+$0x1AB20]  }
0x3da: {  	v9 =	vand.u32 $0xFFFF0000, v47;
	v1 =	vand.u32 $0xFFFF0000, v1;
	v10 =	vadd.f32 v51, v29;
	v29 =	vld [tilespmem:s4+$0x1AE40];
	[tilespmem:s4+$0x1DDA0] =	vst v4  }
0x3db: {  	v1 =	vadd.f32 v1, v45;
	v45 =	vld [tilespmem:s4+$0x1AE60];
	v2 =	vadd.f32 v9, v2;
	[tilespmem:s4+$0x1DDB0] =	vst v3;
	v3 =	vshll.u32 v48, $0x10  }
0x3dc: {  	v7 =	vand.u32 $0xFFFF0000, v48;
	v57 =	vld [tilespmem:s30+$0xC60];
	v3 =	vadd.f32 v3, v8  }
0x3dd: {  	v6 =	vand.u32 $0xFFFF0000, v52;
	v58 =	vld [tilespmem:s31+$0xCC60];
	v2 =	vadd.f32 v7, v2  }
0x3de: {  	v59 =	vshll.u32 v52, $0x10;
	v4 =	vadd.f32 v6, v56;
	[tilespmem:s4+$0x1DAC0] =	vst v3;
	v3 =	vld [tilespmem:s4+$0x1ADD0]  }
0x3df: {  	v51 =	vld [tilespmem:s4+$0x1AB80];
	v5 =	vadd.f32 v59, v54;
	[tilespmem:s4+$0x1DAD0] =	vst v2;
	v2 =	vand.u32 $0xFFFF0000, v53  }
0x3e0: {  	v62 =	vshll.u32 v53, $0x10;
	v63 =	vld [tilespmem:s12+$0xC70];
	v2 =	vadd.f32 v2, v4  }
0x3e1: {  	v5 =	vadd.f32 v62, v5;
	v16 =	vld [tilespmem:s7+$0xCC70];
	v17 =	vshll.u32 v57, $0x10  }
0x3e2: {  	v9 =	vand.u32 $0xFFFF0000, v57;
	[tilespmem:s4+$0x1D7F0] =	vst v2;
	v2 =	vld [tilespmem:s4+$0x1AAF0];
	v7 =	vadd.f32 v17, v60  }
0x3e3: {  	[tilespmem:s4+$0x1D7E0] =	vst v5;
	v19 =	vshll.u32 v58, $0x10;
	v57 =	vld [tilespmem:s4+$0x1A840];
	v3 =	vadd.f32 v9, v3  }
0x3e4: {  	v8 =	vand.u32 $0xFFFF0000, v58;
	v20 =	vld [tilespmem:s10+$0xC80];
	v7 =	vadd.f32 v19, v7  }
0x3e5: {  	v21 =	vld [tilespmem:s11+$0xCC80];
	v23 =	vshll.u32 v63, $0x10;
	v3 =	vadd.f32 v8, v3  }
0x3e6: {  	v60 =	vld [tilespmem:s4+$0x1A850];
	v6 =	vand.u32 $0xFFFF0000, v63;
	v5 =	vadd.f32 v23, v18;
	[tilespmem:s4+$0x1DDC0] =	vst v7  }
0x3e7: {  	v63 =	vld [tilespmem:s4+$0x1AE20];
	v2 =	vadd.f32 v6, v2;
	[tilespmem:s4+$0x1DDD0] =	vst v3;
	v3 =	vshll.u32 v16, $0x10  }
0x3e8: {  	v4 =	vand.u32 $0xFFFF0000, v16;
	v25 =	vld [tilespmem:s30+$0xC70];
	v3 =	vadd.f32 v3, v5  }
0x3e9: {  	v27 =	vshll.u32 v20, $0x10;
	v26 =	vld [tilespmem:s31+$0xCC70];
	v2 =	vadd.f32 v4, v2  }
0x3ea: {  	v54 =	vshll.u32 v61, $0x10;
	v9 =	vand.u32 $0xFFFF0000, v20;
	v8 =	vadd.f32 v27, v22;
	[tilespmem:s4+$0x1DAE0] =	vst v3;
	v3 =	vld [tilespmem:s4+$0x1ADF0]  }
0x3eb: {  	v59 =	vadd.f32 v54, v10;
	v19 =	vld [tilespmem:s4+$0x1AB40];
	v30 =	vshll.u32 v21, $0x10;
	v7 =	vadd.f32 v9, v24;
	[tilespmem:s4+$0x1DAF0] =	vst v2  }
0x3ec: {  	v2 =	vand.u32 $0xFFFF0000, v21;
	v8 =	vadd.f32 v30, v8;
	v31 =	vld [tilespmem:s12+$0xC80]  }
0x3ed: {  	v56 =	vand.u32 $0xFFFF0000, v61;
	[tilespmem:s4+$0x1D660] =	vst v59;
	v23 =	vld [tilespmem:s4+$0x1A860];
	v2 =	vadd.f32 v2, v7;
	v33 =	vshll.u32 v25, $0x10  }
0x3ee: {  	v1 =	vadd.f32 v56, v1;
	v32 =	vld [tilespmem:s7+$0xCC80];
	[tilespmem:s4+$0x1D800] =	vst v8;
	v6 =	vand.u32 $0xFFFF0000, v25;
	v4 =	vadd.f32 v33, v28  }
0x3ef: {  	[tilespmem:s4+$0x1D810] =	vst v2;
	v2 =	vld [tilespmem:s4+$0x1AB10];
	v35 =	vshll.u32 v26, $0x10;
	v3 =	vadd.f32 v6, v3  }
0x3f0: {  	[tilespmem:s4+$0x1D670] =	vst v1;
	v5 =	vand.u32 $0xFFFF0000, v26;
	v36 =	vld [tilespmem:s10+$0xC90];
	v4 =	vadd.f32 v35, v4  }
0x3f1: {  	v30 =	vld [tilespmem:s9+$0xCD40];
	v39 =	vshll.u32 v31, $0x10;
	v3 =	vadd.f32 v5, v3  }
0x3f2: {  	v37 =	vld [tilespmem:s11+$0xCC90];
	v8 =	vadd.f32 v39, v34;
	[tilespmem:s4+$0x1DDE0] =	vst v4  }
0x3f3: {  	v25 =	vld [tilespmem:s4+$0x1A870];
	v9 =	vand.u32 $0xFFFF0000, v31;
	[tilespmem:s4+$0x1DDF0] =	vst v3;
	v3 =	vshll.u32 v32, $0x10  }
0x3f4: {  	v2 =	vadd.f32 v9, v2;
	v41 =	vld [tilespmem:s30+$0xC80];
	v3 =	vadd.f32 v3, v8  }
0x3f5: {  	v7 =	vand.u32 $0xFFFF0000, v32;
	v43 =	vshll.u32 v36, $0x10;
	v42 =	vld [tilespmem:s31+$0xCC80]  }
0x3f6: {  	v6 =	vand.u32 $0xFFFF0000, v36;
	v2 =	vadd.f32 v7, v2;
	v5 =	vadd.f32 v43, v38;
	[tilespmem:s4+$0x1DB00] =	vst v3;
	v3 =	vld [tilespmem:s4+$0x1AE10]  }
0x3f7: {  	v35 =	vld [tilespmem:s4+$0x1AB60];
	v46 =	vshll.u32 v37, $0x10;
	v4 =	vadd.f32 v6, v40  }
0x3f8: {  	v39 =	vld [tilespmem:s4+$0x1A880];
	[tilespmem:s4+$0x1DB10] =	vst v2;
	v2 =	vand.u32 $0xFFFF0000, v37;
	v5 =	vadd.f32 v46, v5  }
0x3f9: {  	v47 =	vld [tilespmem:s12+$0xC90];
	v2 =	vadd.f32 v2, v4;
	v49 =	vshll.u32 v41, $0x10  }
0x3fa: {  	v48 =	vld [tilespmem:s7+$0xCC90];
	[tilespmem:s4+$0x1D820] =	vst v5;
	v9 =	vand.u32 $0xFFFF0000, v41;
	v7 =	vadd.f32 v49, v44  }
0x3fb: {  	[tilespmem:s4+$0x1D830] =	vst v2;
	v2 =	vld [tilespmem:s4+$0x1AB30];
	v52 =	vshll.u32 v42, $0x10;
	v3 =	vadd.f32 v9, v3  }
0x3fc: {  	v8 =	vand.u32 $0xFFFF0000, v42;
	v53 =	vld [tilespmem:s10+$0xCA0];
	v7 =	vadd.f32 v52, v7  }
0x3fd: {  	v46 =	vld [tilespmem:s4+$0x1A680];
	v3 =	vadd.f32 v8, v3  }
0x3fe: {  	v41 =	vld [tilespmem:s4+$0x1A890];
	v58 =	vshll.u32 v47, $0x10;
	[tilespmem:s4+$0x1DE00] =	vst v7  }
0x3ff: {  	v55 =	vld [tilespmem:s11+$0xCCA0];
	v6 =	vand.u32 $0xFFFF0000, v47;
	v5 =	vadd.f32 v58, v50;
	[tilespmem:s4+$0x1DE10] =	vst v3  }
0x400: {  	v2 =	vadd.f32 v6, v2;
	v3 =	vshll.u32 v48, $0x10;
	v61 =	vld [tilespmem:s30+$0xC90]  }
0x401: {  	v4 =	vand.u32 $0xFFFF0000, v48;
	v1 =	vshll.u32 v53, $0x10;
	v3 =	vadd.f32 v3, v5;
	v62 =	vld [tilespmem:s31+$0xCC90]  }
0x402: {  	v13 =	vand.u32 $0xFFFF0000, v53;
	v2 =	vadd.f32 v4, v2;
	v14 =	vadd.f32 v1, v57;
	v1 =	vld [tilespmem:s5+$0xD40]  }
0x403: {  	v7 =	vadd.f32 v13, v60;
	[tilespmem:s4+$0x1DB20] =	vst v3;
	v3 =	vld [tilespmem:s4+$0x1AE30]  }
0x404: {  	v57 =	vld [tilespmem:s4+$0x1A8B0];
	[tilespmem:s4+$0x1DB30] =	vst v2;
	v2 =	vand.u32 $0xFFFF0000, v55  }
0x405: {  	v15 =	vshll.u32 v55, $0x10;
	v16 =	vld [tilespmem:s12+$0xCA0];
	v2 =	vadd.f32 v2, v7  }
0x406: {  	v8 =	vadd.f32 v15, v14;
	v17 =	vld [tilespmem:s7+$0xCCA0];
	v18 =	vshll.u32 v61, $0x10  }
0x407: {  	v6 =	vand.u32 $0xFFFF0000, v61;
	[tilespmem:s4+$0x1D850] =	vst v2;
	v2 =	vld [tilespmem:s4+$0x1AB50];
	v4 =	vadd.f32 v18, v63  }
0x408: {  	v55 =	vld [tilespmem:s4+$0x1A8A0];
	[tilespmem:s4+$0x1D840] =	vst v8;
	v20 =	vshll.u32 v62, $0x10;
	v3 =	vadd.f32 v6, v3  }
0x409: {  	v5 =	vand.u32 $0xFFFF0000, v62;
	v21 =	vld [tilespmem:s10+$0xCB0];
	v4 =	vadd.f32 v20, v4  }
0x40a: {  	v61 =	vld [tilespmem:s4+$0x1AE80];
	v24 =	vshll.u32 v16, $0x10;
	v3 =	vadd.f32 v5, v3  }
0x40b: {  	v22 =	vld [tilespmem:s11+$0xCCB0];
	v9 =	vand.u32 $0xFFFF0000, v16;
	v8 =	vadd.f32 v24, v19;
	[tilespmem:s4+$0x1DE20] =	vst v4  }
0x40c: {  	v62 =	vld [tilespmem:s4+$0x1A690];
	v2 =	vadd.f32 v9, v2;
	[tilespmem:s4+$0x1DE30] =	vst v3;
	v3 =	vshll.u32 v17, $0x10  }
0x40d: {  	v7 =	vand.u32 $0xFFFF0000, v17;
	v26 =	vld [tilespmem:s30+$0xCA0];
	v3 =	vadd.f32 v3, v8  }
0x40e: {  	v6 =	vand.u32 $0xFFFF0000, v21;
	v27 =	vld [tilespmem:s31+$0xCCA0];
	v2 =	vadd.f32 v7, v2  }
0x40f: {  	v28 =	vshll.u32 v21, $0x10;
	v4 =	vadd.f32 v6, v25;
	[tilespmem:s4+$0x1DB40] =	vst v3;
	v3 =	vld [tilespmem:s4+$0x1AE50]  }
0x410: {  	v19 =	vld [tilespmem:s4+$0x1ABA0];
	v5 =	vadd.f32 v28, v23;
	[tilespmem:s4+$0x1DB50] =	vst v2;
	v2 =	vand.u32 $0xFFFF0000, v22  }
0x411: {  	v20 =	vshll.u32 v1, $0x10;
	v31 =	vshll.u32 v22, $0x10;
	v32 =	vld [tilespmem:s12+$0xCB0];
	v2 =	vadd.f32 v2, v4  }
0x412: {  	v10 =	vadd.f32 v20, v46;
	v5 =	vadd.f32 v31, v5;
	v33 =	vld [tilespmem:s7+$0xCCB0];
	v34 =	vshll.u32 v26, $0x10  }
0x413: {  	v23 =	vshll.u32 v30, $0x10;
	v9 =	vand.u32 $0xFFFF0000, v26;
	[tilespmem:s4+$0x1D870] =	vst v2;
	v2 =	vld [tilespmem:s4+$0x1AB70];
	v7 =	vadd.f32 v34, v29  }
0x414: {  	v28 =	vadd.f32 v23, v10;
	v23 =	vld [tilespmem:s4+$0x1AC00];
	[tilespmem:s4+$0x1D860] =	vst v5;
	v36 =	vshll.u32 v27, $0x10;
	v3 =	vadd.f32 v9, v3  }
0x415: {  	v8 =	vand.u32 $0xFFFF0000, v27;
	v37 =	vld [tilespmem:s10+$0xCC0];
	v7 =	vadd.f32 v36, v7  }
0x416: {  	v26 =	vld [tilespmem:s4+$0x1A8C0];
	v40 =	vshll.u32 v32, $0x10;
	v3 =	vadd.f32 v8, v3  }
0x417: {  	v38 =	vld [tilespmem:s11+$0xCCC0];
	v6 =	vand.u32 $0xFFFF0000, v32;
	v5 =	vadd.f32 v40, v35;
	[tilespmem:s4+$0x1DE40] =	vst v7  }
0x418: {  	v29 =	vld [tilespmem:s4+$0x1A8D0];
	v2 =	vadd.f32 v6, v2;
	[tilespmem:s4+$0x1DE50] =	vst v3;
	v3 =	vshll.u32 v33, $0x10  }
0x419: {  	v4 =	vand.u32 $0xFFFF0000, v33;
	v42 =	vld [tilespmem:s30+$0xCB0];
	v3 =	vadd.f32 v3, v5  }
0x41a: {  	v9 =	vand.u32 $0xFFFF0000, v37;
	v43 =	vld [tilespmem:s31+$0xCCB0];
	v2 =	vadd.f32 v4, v2  }
0x41b: {  	v44 =	vshll.u32 v37, $0x10;
	v7 =	vadd.f32 v9, v41;
	[tilespmem:s4+$0x1DB60] =	vst v3;
	v3 =	vld [tilespmem:s4+$0x1AE70]  }
0x41c: {  	v32 =	vld [tilespmem:s4+$0x1AEA0];
	v8 =	vadd.f32 v44, v39;
	[tilespmem:s4+$0x1DB70] =	vst v2;
	v2 =	vand.u32 $0xFFFF0000, v38  }
0x41d: {  	v47 =	vshll.u32 v38, $0x10;
	v48 =	vld [tilespmem:s12+$0xCC0];
	v2 =	vadd.f32 v2, v7  }
0x41e: {  	v8 =	vadd.f32 v47, v8;
	v49 =	vld [tilespmem:s7+$0xCCC0];
	v50 =	vshll.u32 v42, $0x10  }
0x41f: {  	v6 =	vand.u32 $0xFFFF0000, v42;
	[tilespmem:s4+$0x1D890] =	vst v2;
	v2 =	vld [tilespmem:s4+$0x1AB90];
	v4 =	vadd.f32 v50, v45  }
0x420: {  	v39 =	vld [tilespmem:s4+$0x1ABC0];
	[tilespmem:s4+$0x1D880] =	vst v8;
	v52 =	vshll.u32 v43, $0x10;
	v3 =	vadd.f32 v6, v3  }
0x421: {  	v1 =	vand.u32 $0xFFFF0000, v1;
	v5 =	vand.u32 $0xFFFF0000, v43;
	v53 =	vld [tilespmem:s10+$0xCD0];
	v4 =	vadd.f32 v52, v4  }
0x422: {  	v1 =	vadd.f32 v1, v62;
	v43 =	vld [tilespmem:s4+$0x1A8E0];
	v56 =	vshll.u32 v48, $0x10;
	v3 =	vadd.f32 v5, v3  }
0x423: {  	v25 =	vand.u32 $0xFFFF0000, v30;
	v54 =	vld [tilespmem:s11+$0xCCD0];
	v9 =	vand.u32 $0xFFFF0000, v48;
	v8 =	vadd.f32 v56, v51;
	[tilespmem:s4+$0x1DE60] =	vst v4  }
0x424: {  	v1 =	vadd.f32 v25, v1;
	v45 =	vld [tilespmem:s4+$0x1A8F0];
	v2 =	vadd.f32 v9, v2;
	[tilespmem:s4+$0x1DE70] =	vst v3;
	v3 =	vshll.u32 v49, $0x10  }
0x425: {  	[tilespmem:s4+$0x1D680] =	vst v28;
	v7 =	vand.u32 $0xFFFF0000, v49;
	v58 =	vld [tilespmem:s30+$0xCC0];
	v3 =	vadd.f32 v3, v8  }
0x426: {  	[tilespmem:s4+$0x1D690] =	vst v1;
	v6 =	vand.u32 $0xFFFF0000, v53;
	v59 =	vld [tilespmem:s31+$0xCCC0];
	v2 =	vadd.f32 v7, v2  }
0x427: {  	v60 =	vshll.u32 v53, $0x10;
	v4 =	vadd.f32 v6, v57;
	[tilespmem:s4+$0x1DB80] =	vst v3;
	v3 =	vld [tilespmem:s4+$0x1AE90]  }
0x428: {  	v50 =	vld [tilespmem:s9+$0xCD50];
	v5 =	vadd.f32 v60, v55;
	[tilespmem:s4+$0x1DB90] =	vst v2;
	v2 =	vand.u32 $0xFFFF0000, v54  }
0x429: {  	v63 =	vshll.u32 v54, $0x10;
	v16 =	vld [tilespmem:s12+$0xCD0];
	v2 =	vadd.f32 v2, v4  }
0x42a: {  	v5 =	vadd.f32 v63, v5;
	v17 =	vld [tilespmem:s7+$0xCCD0];
	v18 =	vshll.u32 v58, $0x10  }
0x42b: {  	v9 =	vand.u32 $0xFFFF0000, v58;
	[tilespmem:s4+$0x1D8B0] =	vst v2;
	v2 =	vld [tilespmem:s4+$0x1ABB0];
	v7 =	vadd.f32 v18, v61  }
0x42c: {  	v49 =	vld [tilespmem:s4+$0x1AEC0];
	[tilespmem:s4+$0x1D8A0] =	vst v5;
	v21 =	vshll.u32 v59, $0x10;
	v3 =	vadd.f32 v9, v3  }
0x42d: {  	v8 =	vand.u32 $0xFFFF0000, v59;
	v22 =	vld [tilespmem:s10+$0xCE0];
	v7 =	vadd.f32 v21, v7  }
0x42e: {  	v55 =	vld [tilespmem:s4+$0x1ABE0];
	v27 =	vshll.u32 v16, $0x10;
	v3 =	vadd.f32 v8, v3  }
0x42f: {  	v24 =	vld [tilespmem:s11+$0xCCE0];
	v6 =	vand.u32 $0xFFFF0000, v16;
	v5 =	vadd.f32 v27, v19;
	[tilespmem:s4+$0x1DE80] =	vst v7  }
0x430: {  	v59 =	vld [tilespmem:s4+$0x1A900];
	v2 =	vadd.f32 v6, v2;
	[tilespmem:s4+$0x1DE90] =	vst v3;
	v3 =	vshll.u32 v17, $0x10  }
0x431: {  	v4 =	vand.u32 $0xFFFF0000, v17;
	v30 =	vld [tilespmem:s30+$0xCD0];
	v3 =	vadd.f32 v3, v5  }
0x432: {  	v33 =	vand.u32 $0xFFFF0000, v22;
	v31 =	vld [tilespmem:s31+$0xCCD0];
	v2 =	vadd.f32 v4, v2  }
0x433: {  	v1 =	vshll.u32 v22, $0x10;
	v7 =	vadd.f32 v33, v29;
	[tilespmem:s4+$0x1DBA0] =	vst v3;
	v3 =	vld [tilespmem:s4+$0x1AEB0]  }
0x434: {  	v61 =	vld [tilespmem:s4+$0x1A910];
	v34 =	vadd.f32 v1, v26;
	[tilespmem:s4+$0x1DBB0] =	vst v2;
	v2 =	vand.u32 $0xFFFF0000, v24  }
0x435: {  	v35 =	vshll.u32 v24, $0x10;
	v36 =	vld [tilespmem:s12+$0xCE0];
	v2 =	vadd.f32 v2, v7  }
0x436: {  	v8 =	vadd.f32 v35, v34;
	v37 =	vld [tilespmem:s7+$0xCCE0];
	v38 =	vshll.u32 v30, $0x10  }
0x437: {  	v6 =	vand.u32 $0xFFFF0000, v30;
	[tilespmem:s4+$0x1D8D0] =	vst v2;
	v2 =	vld [tilespmem:s4+$0x1ABD0];
	v4 =	vadd.f32 v38, v32  }
0x438: {  	v18 =	vld [tilespmem:s4+$0x1A6A0];
	[tilespmem:s4+$0x1D8C0] =	vst v8;
	v40 =	vshll.u32 v31, $0x10;
	v3 =	vadd.f32 v6, v3  }
0x439: {  	v5 =	vand.u32 $0xFFFF0000, v31;
	v41 =	vld [tilespmem:s10+$0xCF0];
	v4 =	vadd.f32 v40, v4  }
0x43a: {  	v27 =	vld [tilespmem:s4+$0x1A920];
	v44 =	vshll.u32 v36, $0x10;
	v3 =	vadd.f32 v5, v3  }
0x43b: {  	v42 =	vld [tilespmem:s11+$0xCCF0];
	v9 =	vand.u32 $0xFFFF0000, v36;
	v8 =	vadd.f32 v44, v39;
	[tilespmem:s4+$0x1DEA0] =	vst v4  }
0x43c: {  	v17 =	vld [tilespmem:s4+$0x1AEE0];
	v2 =	vadd.f32 v9, v2;
	[tilespmem:s4+$0x1DEB0] =	vst v3;
	v3 =	vshll.u32 v37, $0x10  }
0x43d: {  	v7 =	vand.u32 $0xFFFF0000, v37;
	v46 =	vld [tilespmem:s30+$0xCE0];
	v3 =	vadd.f32 v3, v8  }
0x43e: {  	v6 =	vand.u32 $0xFFFF0000, v41;
	v47 =	vld [tilespmem:s31+$0xCCE0];
	v2 =	vadd.f32 v7, v2  }
0x43f: {  	v48 =	vshll.u32 v41, $0x10;
	v4 =	vadd.f32 v6, v45;
	[tilespmem:s4+$0x1DBC0] =	vst v3;
	v3 =	vld [tilespmem:s4+$0x1AED0]  }
0x440: {  	v1 =	vld [tilespmem:s5+$0xD50];
	v5 =	vadd.f32 v48, v43;
	[tilespmem:s4+$0x1DBD0] =	vst v2;
	v2 =	vand.u32 $0xFFFF0000, v42  }
0x441: {  	v51 =	vshll.u32 v42, $0x10;
	v52 =	vld [tilespmem:s12+$0xCF0];
	v2 =	vadd.f32 v2, v4  }
0x442: {  	v5 =	vadd.f32 v51, v5;
	v53 =	vld [tilespmem:s7+$0xCCF0];
	v54 =	vshll.u32 v46, $0x10  }
0x443: {  	v9 =	vand.u32 $0xFFFF0000, v46;
	[tilespmem:s4+$0x1D8F0] =	vst v2;
	v2 =	vld [tilespmem:s4+$0x1ABF0];
	v7 =	vadd.f32 v54, v49  }
0x444: {  	v29 =	vld [tilespmem:s4+$0x1A930];
	[tilespmem:s4+$0x1D8E0] =	vst v5;
	v56 =	vshll.u32 v47, $0x10;
	v3 =	vadd.f32 v9, v3  }
0x445: {  	v8 =	vand.u32 $0xFFFF0000, v47;
	v57 =	vld [tilespmem:s10+$0xD00];
	v7 =	vadd.f32 v56, v7  }
0x446: {  	v33 =	vld [tilespmem:s4+$0x1AF00];
	v60 =	vshll.u32 v52, $0x10;
	v3 =	vadd.f32 v8, v3  }
0x447: {  	v58 =	vld [tilespmem:s11+$0xCD00];
	v6 =	vand.u32 $0xFFFF0000, v52;
	v5 =	vadd.f32 v60, v55;
	[tilespmem:s4+$0x1DEC0] =	vst v7  }
0x448: {  	v34 =	vld [tilespmem:s4+$0x1A6B0];
	v2 =	vadd.f32 v6, v2;
	[tilespmem:s4+$0x1DED0] =	vst v3;
	v3 =	vshll.u32 v53, $0x10  }
0x449: {  	v4 =	vand.u32 $0xFFFF0000, v53;
	v62 =	vld [tilespmem:s30+$0xCF0];
	v3 =	vadd.f32 v3, v5  }
0x44a: {  	v9 =	vand.u32 $0xFFFF0000, v57;
	v63 =	vld [tilespmem:s31+$0xCCF0];
	v2 =	vadd.f32 v4, v2  }
0x44b: {  	v16 =	vshll.u32 v57, $0x10;
	v7 =	vadd.f32 v9, v61;
	[tilespmem:s4+$0x1DBE0] =	vst v3;
	v3 =	vld [tilespmem:s4+$0x1AEF0]  }
0x44c: {  	v40 =	vshll.u32 v1, $0x10;
	v39 =	vld [tilespmem:s4+$0x1AC20];
	v8 =	vadd.f32 v16, v59;
	[tilespmem:s4+$0x1DBF0] =	vst v2;
	v2 =	vand.u32 $0xFFFF0000, v58  }
0x44d: {  	v1 =	vand.u32 $0xFFFF0000, v1;
	v19 =	vshll.u32 v58, $0x10;
	v20 =	vld [tilespmem:s12+$0xD00];
	v2 =	vadd.f32 v2, v7  }
0x44e: {  	v1 =	vadd.f32 v1, v34;
	v8 =	vadd.f32 v19, v8;
	v21 =	vld [tilespmem:s7+$0xCD00];
	v22 =	vshll.u32 v62, $0x10  }
0x44f: {  	v45 =	vand.u32 $0xFFFF0000, v50;
	v6 =	vand.u32 $0xFFFF0000, v62;
	[tilespmem:s4+$0x1D910] =	vst v2;
	v2 =	vld [tilespmem:s4+$0x1AC10];
	v4 =	vadd.f32 v22, v17  }
0x450: {  	v1 =	vadd.f32 v45, v1;
	v45 =	vld [tilespmem:s4+$0x1AC90];
	[tilespmem:s4+$0x1D900] =	vst v8;
	v24 =	vshll.u32 v63, $0x10;
	v3 =	vadd.f32 v6, v3  }
0x451: {  	v5 =	vand.u32 $0xFFFF0000, v63;
	v25 =	vld [tilespmem:s10+$0xD10];
	v4 =	vadd.f32 v24, v4  }
0x452: {  	v46 =	vld [tilespmem:s4+$0x1A940];
	v28 =	vshll.u32 v20, $0x10;
	v3 =	vadd.f32 v5, v3  }
0x453: {  	v26 =	vld [tilespmem:s11+$0xCD10];
	v9 =	vand.u32 $0xFFFF0000, v20;
	v8 =	vadd.f32 v28, v23;
	[tilespmem:s4+$0x1DEE0] =	vst v4  }
0x454: {  	v49 =	vld [tilespmem:s4+$0x1A950];
	v2 =	vadd.f32 v9, v2;
	[tilespmem:s4+$0x1DEF0] =	vst v3;
	v3 =	vshll.u32 v21, $0x10  }
0x455: {  	v7 =	vand.u32 $0xFFFF0000, v21;
	v30 =	vld [tilespmem:s30+$0xD00];
	v3 =	vadd.f32 v3, v8  }
0x456: {  	v6 =	vand.u32 $0xFFFF0000, v25;
	v31 =	vld [tilespmem:s31+$0xCD00];
	v2 =	vadd.f32 v7, v2  }
0x457: {  	v32 =	vshll.u32 v25, $0x10;
	v4 =	vadd.f32 v6, v29;
	[tilespmem:s4+$0x1DC00] =	vst v3;
	v3 =	vld [tilespmem:s4+$0x1AF10]  }
0x458: {  	v15 =	vld [tilespmem:s4+$0x1A9D0];
	v5 =	vadd.f32 v32, v27;
	[tilespmem:s4+$0x1DC10] =	vst v2;
	v2 =	vand.u32 $0xFFFF0000, v26  }
0x459: {  	v35 =	vshll.u32 v26, $0x10;
	v36 =	vld [tilespmem:s12+$0xD10];
	v2 =	vadd.f32 v2, v4  }
0x45a: {  	v5 =	vadd.f32 v35, v5;
	v37 =	vld [tilespmem:s7+$0xCD10];
	v38 =	vshll.u32 v30, $0x10  }
0x45b: {  	v9 =	vand.u32 $0xFFFF0000, v30;
	[tilespmem:s4+$0x1D930] =	vst v2;
	v2 =	vld [tilespmem:s4+$0x1AC30];
	v7 =	vadd.f32 v38, v33  }
0x45c: {  	v52 =	vld [tilespmem:s4+$0x1AF20];
	[tilespmem:s4+$0x1D920] =	vst v5;
	v41 =	vshll.u32 v31, $0x10;
	v3 =	vadd.f32 v9, v3  }
0x45d: {  	v8 =	vand.u32 $0xFFFF0000, v31;
	v42 =	vld [tilespmem:s10+$0xD20];
	v7 =	vadd.f32 v41, v7  }
0x45e: {  	v59 =	vld [tilespmem:s4+$0x1AC40];
	v47 =	vshll.u32 v36, $0x10;
	v3 =	vadd.f32 v8, v3  }
0x45f: {  	v44 =	vld [tilespmem:s11+$0xCD20];
	v6 =	vand.u32 $0xFFFF0000, v36;
	v5 =	vadd.f32 v47, v39;
	[tilespmem:s4+$0x1DF00] =	vst v7  }
0x460: {  	v63 =	vld [tilespmem:s4+$0x1A960];
	v2 =	vadd.f32 v6, v2;
	[tilespmem:s4+$0x1DF10] =	vst v3;
	v3 =	vshll.u32 v37, $0x10  }
0x461: {  	v43 =	vshll.u32 v50, $0x10;
	v4 =	vand.u32 $0xFFFF0000, v37;
	v50 =	vld [tilespmem:s30+$0xD10];
	v3 =	vadd.f32 v3, v5  }
0x462: {  	v53 =	vand.u32 $0xFFFF0000, v42;
	v51 =	vld [tilespmem:s31+$0xCD10];
	v2 =	vadd.f32 v4, v2  }
0x463: {  	v7 =	vadd.f32 v53, v49;
	[tilespmem:s4+$0x1DC20] =	vst v3;
	v3 =	vld [tilespmem:s4+$0x1AF30]  }
0x464: {  	v17 =	vld [tilespmem:s4+$0x1A970];
	[tilespmem:s4+$0x1DC30] =	vst v2;
	v2 =	vand.u32 $0xFFFF0000, v44  }
0x465: {  	[tilespmem:s4+$0x1D6B0] =	vst v1;
	v1 =	vshll.u32 v42, $0x10;
	v56 =	vld [tilespmem:s12+$0xD20];
	v2 =	vadd.f32 v2, v7  }
0x466: {  	v54 =	vadd.f32 v1, v46;
	v57 =	vld [tilespmem:s7+$0xCD20];
	v58 =	vshll.u32 v50, $0x10  }
0x467: {  	v55 =	vshll.u32 v44, $0x10;
	v6 =	vand.u32 $0xFFFF0000, v50;
	[tilespmem:s4+$0x1D950] =	vst v2;
	v2 =	vld [tilespmem:s4+$0x1AC50];
	v4 =	vadd.f32 v58, v52  }
0x468: {  	v21 =	vld [tilespmem:s4+$0x1AF40];
	v8 =	vadd.f32 v55, v54;
	v60 =	vshll.u32 v51, $0x10;
	v3 =	vadd.f32 v6, v3  }
0x469: {  	v27 =	vld [tilespmem:s4+$0x1AC70];
	v5 =	vand.u32 $0xFFFF0000, v51;
	v4 =	vadd.f32 v60, v4  }
0x46a: {  	v26 =	vld [tilespmem:s4+$0x1AC60];
	[tilespmem:s4+$0x1D940] =	vst v8;
	v16 =	vshll.u32 v56, $0x10;
	v3 =	vadd.f32 v5, v3  }
0x46b: {  	v61 =	vld [tilespmem:s10+$0xD30];
	v9 =	vand.u32 $0xFFFF0000, v56;
	v8 =	vadd.f32 v16, v59;
	[tilespmem:s4+$0x1DF20] =	vst v4  }
0x46c: {  	v62 =	vld [tilespmem:s11+$0xCD30];
	v2 =	vadd.f32 v9, v2;
	[tilespmem:s4+$0x1DF30] =	vst v3;
	v3 =	vshll.u32 v57, $0x10  }
0x46d: {  	v10 =	vadd.f32 v40, v18;
	v7 =	vand.u32 $0xFFFF0000, v57;
	v18 =	vld [tilespmem:s30+$0xD20];
	v3 =	vadd.f32 v3, v8  }
0x46e: {  	v19 =	vld [tilespmem:s31+$0xCD20];
	v7 =	vadd.f32 v7, v2  }
0x46f: {  	[tilespmem:s4+$0x1DC40] =	vst v3;
	v3 =	vld [tilespmem:s4+$0x1AF50]  }
0x470: {  	v48 =	vadd.f32 v43, v10;
	v31 =	vld [tilespmem:s4+$0x1A980];
	v20 =	vshll.u32 v61, $0x10;
	[tilespmem:s4+$0x1DC50] =	vst v7  }
0x471: {  	v6 =	vand.u32 $0xFFFF0000, v61;
	v22 =	vshll.u32 v62, $0x10;
	v5 =	vadd.f32 v20, v63;
	v7 =	vld [tilespmem:s12+$0xD30]  }
0x472: {  	v33 =	vld [tilespmem:s4+$0x1A990];
	v23 =	vand.u32 $0xFFFF0000, v62;
	v4 =	vadd.f32 v6, v17;
	v25 =	vshll.u32 v18, $0x10  }
0x473: {  	v5 =	vadd.f32 v22, v5;
	v24 =	vld [tilespmem:s7+$0xCD30];
	v9 =	vand.u32 $0xFFFF0000, v18;
	v10 =	vadd.f32 v25, v21  }
0x474: {  	[tilespmem:s4+$0x1D6A0] =	vst v48;
	v38 =	vld [tilespmem:s4+$0x1A6C0];
	v4 =	vadd.f32 v23, v4;
	v28 =	vshll.u32 v19, $0x10;
	v3 =	vadd.f32 v9, v3  }
0x475: {  	v37 =	vld [tilespmem:s4+$0x1AF60];
	[tilespmem:s4+$0x1D960] =	vst v5;
	v8 =	vand.u32 $0xFFFF0000, v19;
	v10 =	vadd.f32 v28, v10  }
0x476: {  	v1 =	vld [tilespmem:s5+$0xD60];
	[tilespmem:s4+$0x1D970] =	vst v4;
	v32 =	vshll.u32 v7, $0x10;
	v3 =	vadd.f32 v8, v3  }
0x477: {  	v29 =	vld [tilespmem:s10+$0xD40];
	v7 =	vand.u32 $0xFFFF0000, v7;
	v5 =	vadd.f32 v32, v26;
	[tilespmem:s4+$0x1DF40] =	vst v10  }
0x478: {  	v30 =	vld [tilespmem:s11+$0xCD40];
	v4 =	vadd.f32 v7, v27;
	[tilespmem:s4+$0x1DF50] =	vst v3;
	v3 =	vshll.u32 v24, $0x10  }
0x479: {  	v6 =	vand.u32 $0xFFFF0000, v24;
	v34 =	vld [tilespmem:s30+$0xD30];
	v3 =	vadd.f32 v3, v5  }
0x47a: {  	v4 =	vadd.f32 v6, v4;
	v35 =	vld [tilespmem:s31+$0xCD30]  }
0x47b: {  	[tilespmem:s4+$0x1DC60] =	vst v3;
	v3 =	vld [tilespmem:s4+$0x1AF70]  }
0x47c: {  	v49 =	vld [tilespmem:s4+$0x1A9A0];
	v36 =	vshll.u32 v29, $0x10;
	[tilespmem:s4+$0x1DC70] =	vst v4  }
0x47d: {  	v9 =	vand.u32 $0xFFFF0000, v29;
	v39 =	vshll.u32 v30, $0x10;
	v8 =	vadd.f32 v36, v31;
	v41 =	vld [tilespmem:s12+$0xD40]  }
0x47e: {  	v44 =	vld [tilespmem:s4+$0x1AC80];
	v40 =	vand.u32 $0xFFFF0000, v30;
	v9 =	vadd.f32 v9, v33;
	v43 =	vshll.u32 v34, $0x10  }
0x47f: {  	v8 =	vadd.f32 v39, v8;
	v42 =	vld [tilespmem:s7+$0xCD40];
	v7 =	vand.u32 $0xFFFF0000, v34;
	v6 =	vadd.f32 v43, v37  }
0x480: {  	v55 =	vld [tilespmem:s4+$0x1AF80];
	v4 =	vadd.f32 v40, v9;
	v46 =	vshll.u32 v35, $0x10;
	v3 =	vadd.f32 v7, v3  }
0x481: {  	v51 =	vld [tilespmem:s4+$0x1A9B0];
	[tilespmem:s4+$0x1D980] =	vst v8;
	v5 =	vand.u32 $0xFFFF0000, v35;
	v6 =	vadd.f32 v46, v6  }
0x482: {  	v56 =	vld [tilespmem:s4+$0x1A6D0];
	[tilespmem:s4+$0x1D990] =	vst v4;
	v50 =	vshll.u32 v41, $0x10;
	v3 =	vadd.f32 v5, v3  }
0x483: {  	v47 =	vld [tilespmem:s10+$0xD50];
	v10 =	vand.u32 $0xFFFF0000, v41;
	v8 =	vadd.f32 v50, v44;
	[tilespmem:s4+$0x1DF60] =	vst v6  }
0x484: {  	v48 =	vld [tilespmem:s11+$0xCD50];
	v4 =	vadd.f32 v10, v45;
	[tilespmem:s4+$0x1DF70] =	vst v3;
	v3 =	vshll.u32 v42, $0x10  }
0x485: {  	v9 =	vand.u32 $0xFFFF0000, v42;
	v52 =	vld [tilespmem:s30+$0xD40];
	v3 =	vadd.f32 v3, v8  }
0x486: {  	v4 =	vadd.f32 v9, v4;
	v53 =	vld [tilespmem:s31+$0xCD40]  }
0x487: {  	[tilespmem:s4+$0x1DC80] =	vst v3;
	v3 =	vld [tilespmem:s4+$0x1AF90]  }
0x488: {  	v62 =	vld [tilespmem:s4+$0x1ACA0];
	v54 =	vshll.u32 v47, $0x10;
	[tilespmem:s4+$0x1DC90] =	vst v4  }
0x489: {  	v7 =	vand.u32 $0xFFFF0000, v47;
	v57 =	vshll.u32 v48, $0x10;
	v5 =	vadd.f32 v54, v49;
	v59 =	vld [tilespmem:s12+$0xD50]  }
0x48a: {  	v63 =	vld [tilespmem:s4+$0x1ACB0];
	v58 =	vand.u32 $0xFFFF0000, v48;
	v6 =	vadd.f32 v7, v51;
	v61 =	vshll.u32 v52, $0x10  }
0x48b: {  	v5 =	vadd.f32 v57, v5;
	v60 =	vld [tilespmem:s7+$0xCD50];
	v10 =	vand.u32 $0xFFFF0000, v52;
	v9 =	vadd.f32 v61, v55  }
0x48c: {  	v2 =	vld [tilespmem:s9+$0xCD60];
	v4 =	vadd.f32 v58, v6;
	v17 =	vshll.u32 v53, $0x10;
	v3 =	vadd.f32 v10, v3  }
0x48d: {  	v20 =	vld [tilespmem:s4+$0x1A9C0];
	[tilespmem:s4+$0x1D9A0] =	vst v5;
	v8 =	vand.u32 $0xFFFF0000, v53;
	v9 =	vadd.f32 v17, v9  }
0x48e: {  	v25 =	vld [tilespmem:s4+$0x1AFA0];
	[tilespmem:s4+$0x1D9B0] =	vst v4;
	v21 =	vshll.u32 v59, $0x10;
	v3 =	vadd.f32 v8, v3  }
0x48f: {  	v18 =	vld [tilespmem:s10+$0xD60];
	v7 =	vand.u32 $0xFFFF0000, v59;
	v5 =	vadd.f32 v21, v62;
	[tilespmem:s4+$0x1DF80] =	vst v9  }
0x490: {  	v22 =	vshll.u32 v1, $0x10;
	v19 =	vld [tilespmem:s11+$0xCD60];
	v4 =	vadd.f32 v7, v63;
	[tilespmem:s4+$0x1DF90] =	vst v3;
	v3 =	vshll.u32 v60, $0x10  }
0x491: {  	v1 =	vand.u32 $0xFFFF0000, v1;
	v6 =	vand.u32 $0xFFFF0000, v60;
	v23 =	vld [tilespmem:s30+$0xD50];
	v3 =	vadd.f32 v3, v5  }
0x492: {  	v1 =	vadd.f32 v1, v56;
	v4 =	vadd.f32 v6, v4;
	v24 =	vld [tilespmem:s31+$0xCD50]  }
0x493: {  	v26 =	vshll.u32 v2, $0x10;
	v2 =	vand.u32 $0xFFFF0000, v2;
	[tilespmem:s4+$0x1DCA0] =	vst v3;
	v3 =	vld [tilespmem:s4+$0x1AFB0]  }
0x494: {  	v32 =	vld [tilespmem:s4+$0x1ACC0];
	v1 =	vadd.f32 v2, v1;
	v2 =	vshll.u32 v18, $0x10;
	[tilespmem:s4+$0x1DCB0] =	vst v4  }
0x495: {  	v27 =	vand.u32 $0xFFFF0000, v18;
	v28 =	vshll.u32 v19, $0x10;
	v2 =	vadd.f32 v2, v20;
	v29 =	vld [tilespmem:s12+$0xD60]  }
0x496: {  	v33 =	vld [tilespmem:s4+$0x1ACD0];
	v11 =	vand.u32 $0xFFFF0000, v19;
	v4 =	vadd.f32 v27, v15;
	v31 =	vshll.u32 v23, $0x10  }
0x497: {  	v2 =	vadd.f32 v28, v2;
	v30 =	vld [tilespmem:s7+$0xCD60];
	v7 =	vand.u32 $0xFFFF0000, v23;
	v6 =	vadd.f32 v31, v25  }
0x498: {  	[tilespmem:s4+$0x1D6D0] =	vst v1;
	v43 =	vld [tilespmem:s4+$0x1A6E0];
	v1 =	vadd.f32 v11, v4;
	v34 =	vshll.u32 v24, $0x10;
	v3 =	vadd.f32 v7, v3  }
0x499: {  	v41 =	vld [tilespmem:s4+$0x1AFC0];
	[tilespmem:s4+$0x1D9C0] =	vst v2;
	v2 =	vand.u32 $0xFFFF0000, v24;
	v35 =	vadd.f32 v34, v6  }
0x49a: {  	v46 =	vld [tilespmem:s4+$0x1A9E0];
	[tilespmem:s4+$0x1D9D0] =	vst v1;
	v1 =	vadd.f32 v2, v3;
	v3 =	vshll.u32 v29, $0x10  }
0x49b: {  	v45 =	vld [tilespmem:s4+$0x1A6F0];
	[tilespmem:s4+$0x1DFA0] =	vst v35;
	v3 =	vadd.f32 v3, v32  }
0x49c: {  	v48 =	vld [tilespmem:s4+$0x1A9F0];
	v9 =	vadd.f32 v22, v38;
	[tilespmem:s4+$0x1DFB0] =	vst v1;
	v1 =	vshll.u32 v30, $0x10  }
0x49d: {  	v39 =	vld [tilespmem:s30+$0xD60];
	v1 =	vadd.f32 v1, v3  }
0x49e: {  	v9 =	vadd.f32 v26, v9;
	v3 =	vld [tilespmem:s31+$0xCD60]  }
0x49f: {  	[tilespmem:s4+$0x1DCC0] =	vst v1;
	v1 =	vld [tilespmem:s4+$0x1AFD0]  }
0x4a0: {  	v50 =	vld [tilespmem:s4+$0x1ACE0];
	[tilespmem:s4+$0x1D6C0] =	vst v9;
	v38 =	vand.u32 $0xFFFF0000, v29  }
0x4a1: {  	v36 =	vld [tilespmem:s5+$0xD70];
	v4 =	vadd.f32 v38, v33  }
0x4a2: {  	v37 =	vld [tilespmem:s10+$0xD70];
	v40 =	vand.u32 $0xFFFF0000, v30;
	v44 =	vshll.u32 v39, $0x10  }
0x4a3: {  	v42 =	vld [tilespmem:s11+$0xCD70];
	v4 =	vadd.f32 v40, v4;
	v7 =	vand.u32 $0xFFFF0000, v39;
	v8 =	vadd.f32 v44, v41  }
0x4a4: {  	v2 =	vld [tilespmem:s9+$0xCD70];
	v47 =	vshll.u32 v3, $0x10;
	v1 =	vadd.f32 v7, v1  }
0x4a5: {  	v51 =	vld [tilespmem:s4+$0x1ACF0];
	[tilespmem:s4+$0x1DCD0] =	vst v4;
	v3 =	vand.u32 $0xFFFF0000, v3;
	v8 =	vadd.f32 v47, v8  }
0x4a6: {  	v4 =	vld [tilespmem:s12+$0xD70];
	v1 =	vadd.f32 v3, v1  }
0x4a7: {  	v6 =	vand.u32 $0xFFFF0000, v36;
	v49 =	vld [tilespmem:s7+$0xCD70];
	v3 =	vshll.u32 v36, $0x10;
	[tilespmem:s4+$0x1DFC0] =	vst v8  }
0x4a8: {  	v54 =	vld [tilespmem:s4+$0x1AFE0];
	v6 =	vadd.f32 v6, v45;
	v5 =	vand.u32 $0xFFFF0000, v37;
	v3 =	vadd.f32 v3, v43;
	[tilespmem:s4+$0x1DFD0] =	vst v1  }
0x4a9: {  	v55 =	vshll.u32 v42, $0x10;
	v9 =	vand.u32 $0xFFFF0000, v42;
	v1 =	vshll.u32 v2, $0x10;
	v52 =	vld [tilespmem:s30+$0xD70]  }
0x4aa: {  	v57 =	vld [tilespmem:s4+$0x1AFF0];
	v5 =	vadd.f32 v5, v48;
	v1 =	vadd.f32 v1, v3;
	v3 =	vshll.u32 v37, $0x10  }
0x4ab: {  	v56 =	vshll.u32 v4, $0x10;
	v2 =	vand.u32 $0xFFFF0000, v2;
	v53 =	vld [tilespmem:s31+$0xCD70];
	v3 =	vadd.f32 v3, v46  }
0x4ac: {  	v4 =	vand.u32 $0xFFFF0000, v4;
	v58 =	vshll.u32 v49, $0x10;
	v2 =	vadd.f32 v2, v6  }
0x4ad: {  	v60 =	vand.u32 $0xFFFF0000, v49;
	v7 =	vadd.f32 v56, v50;
	[tilespmem:s4+$0x1D6E0] =	vst v1;
	v3 =	vadd.f32 v55, v3  }
0x4ae: {  	v4 =	vadd.f32 v4, v51;
	v1 =	vadd.f32 v9, v5;
	[tilespmem:s4+$0x1D6F0] =	vst v2;
	v59 =	vshll.u32 v52, $0x10  }
0x4af: {  	p1 =	por p0, p0;
	v2 =	vadd.f32 v58, v7;
	[tilespmem:s4+$0x1D9E0] =	vst v3;
	v61 =	vand.u32 $0xFFFF0000, v52;
	v3 =	vadd.f32 v59, v54  }
.Ltmp3:
0x4b0: {  	[tilespmem:s4+$0x1D9F0] =	vst v1;
	v1 =	vadd.f32 v60, v4;
	v63 =	vshll.u32 v53, $0x10;
	v62 =	vadd.f32 v61, v57;
	(pc) =	sbr.rel @p1 .LBB2_9-.Ltmp3, $4  }
0x4b1: {  	[tilespmem:s4+$0x1DCE0] =	vst v2;
	v2 =	vand.u32 $0xFFFF0000, v53;
	v3 =	vadd.f32 v63, v3  }
0x4b2: {  	[tilespmem:s4+$0x1DCF0] =	vst v1;
	v1 =	vadd.f32 v2, v62  }
0x4b3: {  	[tilespmem:s4+$0x1DFE0] =	vst v3  }
0x4b4: {  	p0 =	por $0x0, $0x0;
	s7 =	simm.s32 $0x4;
	[tilespmem:s4+$0x1DFF0] =	vst v1  }
0x4b5: {  	s4 =	sadd.s32 s14, s21;
	s5 =	smin.u32 s18, $0x7C;
	s2 =	sadd.s32 $0x1, s2  }
0x4b6: {  	s4 =	smul.u32 $0x60, s4;
	s5 =	sshll.u32 s5, $0x3;
	p0 =	sne.s32 s2, $0x40  }
.Ltmp4:
0x4b7: {  	s5 =	sadd.s32 s5, s16;
	(pc) =	sbr.rel @p0 .LBB2_6-.Ltmp4, $4  }
0x4b8: {  	s4 =	sadd.s32 s6, s4;
	s5 =	smul.u32 $0x60, s5  }
0x4b9: {  	[hbm4b:s4+s3] =	stream.linear.scatter [tilespmem:s29], [sflag:$0x4], $0x1800, $0x38;
	[tilespmem:$0x1EC00] =	vst v63  }
0x4ba: {  	s31 =	sadd.s32 s1, s5  }
0x4bb: {  	[tilespmem:s24], [sflag:$0x2] =	stream.linear.gather [hbm4b:s31+s3], $0x1800, $0x38;
	[tilespmem:$0x1EC00] =	vst v63  }
0x4bc: {  	_ =	swait.ge [sflag:s25], $0x1800  }
0x4bd: {  	[sflag:s25] =	ssyncset.done $0x0  }
0x4be: {  	s2 =	simm.s32 $0x3;
	[sflag:s25] =	ssyncadd.s32 $0xFFFFE800  }
0x4bf: {  	_ =	swait.ge [sflag:s2], $0x1800  }
0x4c0: {  	[sflag:s2] =	ssyncset.done $0x0  }
0x4c1: {  	[sflag:s2] =	ssyncadd.s32 $0xFFFFE800  }
0x4c2: {  	_ =	swait.ge [sflag:s28], $0x1800  }
0x4c3: {  	[sflag:s28] =	ssyncset.done $0x0  }
0x4c4: {  	s4 =	simm.s32 $0x4;
	[sflag:s28] =	ssyncadd.s32 $0xFFFFE800  }
0x4c5: {  	_ =	swait.ge [sflag:s4], $0x1800  }
0x4c6: {  	s0 =	sadd.s32 $0x1, s0;
	s31 =	rddreg [dreg:$0xb]  }
0x4c7: {  	p0 =	sne.s32 s0, s31  }
.Ltmp5:
0x4c8: {  	_ = 	snop;
	(pc) =	sbr.rel @p0 .LBB2_1-.Ltmp5, $3  }
0x4c9: {  	_ =	sdelay $0x1  }
0x4ca: {  	[sflag:s4] =	ssyncset.done $0x0  }
0x4cb: {  	s10 =	simm.s32 $0x400;
	[sflag:s4] =	ssyncadd.s32 $0xFFFFE800  }
0x4cc: {  	_ =	sfence.sel $0x180000  }
0x4cd: {  	[bflag:$0x0] =	sbarrier.arrive $0xFFFF  }
0x4ce: {  	_ =	strace $0x90000047  }
0x4cf: {  	s0 =	stileid.u32;
	[bflag:$0x2] =	sbarrier.arrive $0xFFFF  }
0x4d0: {  	p0 =	sne.s32 s0, $0x0;
	s0 =	rddreg [dreg:$0x2]  }
0x4d1: {  	s0 =	sadd.s32 @!p0 $0x100000, s0  }
0x4d2: {  	[sflag:s0] =	ssyncadd.tile.s32 @!p0 $0x1;
	_ =	shalt  }
.Lfunc_end2:
_tile_overlayer_lowered:
.L_overlay_start_2:
0x4d3: {  	(tag) =	ssettag $0x2  }
0x4d4: {  	s0 =	rddreg [dreg:$0x0];
	s2 =	stileid.u32  }
0x4d5: {  	s1 =	rddreg [dreg:$0x1];
	p0 =	sne.s32 s2, $0x0  }
0x4d6: {  	s3 =	rddreg [dreg:$0x2];
	[bflag:$0x3] =	sbarrier.arrive $0xFFFF;
	s2 =	simm.s32 @!p0 $0x1C06  }
0x4d7: {  	[timem:s3], [sflag:s2] =	dma.local @!p0 [hbm:s0], s1  }
0x4d8: {  	s0 =	simm.s32 @!p0 $0x6  }
0x4d9: {  	_ =	swait.ge @!p0 [sflag:s0], s1  }
0x4da: {  	s1 =	ssub.s32 @!p0 $0x0, s1;
	[sflag:s0] =	ssyncset.done @!p0 $0x0  }
0x4db: {  	[sflag:s0] =	ssyncadd.s32 @!p0 s1  }
0x4dc: {  	[bflag:$0x3] =	sbarrier.arrive $0xFFFF  }
0x4dd: {  	_ =	shalt  }

</sc_bundles>
